<compile_context>
chip_gen: v7x
topology: tpu7x:2x2x1
jax: 0.10.2.dev20260603
libtpu: 0.0.44.dev20260713+nightly
codegen_flags: <defaults>
</compile_context>

<pallas_src>
import functools

import jax
import jax.numpy as jnp
from jax import lax
from jax.experimental import pallas as pl
from jax.experimental.pallas import tpu as pltpu
from jax.experimental.pallas import tpu_sc as plsc

N = 10000
E = 160000
D = 256
H = 128
NC = 2
NS = 16
K = 128
E_PAD = 163840
R_SH = 10112

_EPT_S = E_PAD // NS
_EPT_D = E_PAD // (NC * NS)

_mesh = plsc.VectorSubcoreMesh(
    core_axis_name="c", subcore_axis_name="s", num_cores=NC, num_subcores=NS)

def _memset2d(ref, rows, cols):
    zero16 = jnp.zeros((16,), jnp.float32)

    def body(i, _):
        for j in range(cols // 16):
            ref[i, pl.ds(j * 16, 16)] = zero16
        return 0
    lax.fori_loop(0, rows, body, 0, unroll=False)


def _zero_shared_slice(zbuf, shared, base, rows, bufrows=K):
    full, rem = rows // bufrows, rows % bufrows
    for i in range(full):
        pltpu.sync_copy(zbuf, shared.at[pl.ds(base + i * bufrows, bufrows)])
    if rem:
        pltpu.sync_copy(zbuf.at[pl.ds(0, rem)],
                        shared.at[pl.ds(base + full * bufrows, rem)])


@functools.partial(
    pl.kernel,
    out_type=[jax.ShapeDtypeStruct((N, H), jnp.float32),
              jax.ShapeDtypeStruct((N, H), jnp.float32)],
    mesh=_mesh,
    scratch_types=[
        pltpu.VMEM((K,), jnp.int32),
        pltpu.VMEM((K, H), jnp.float32),
        pltpu.VMEM_SHARED((R_SH, H), jnp.float32),
    ],
)
def _deg_kernel(dst_hbm, da_out, db_out, dst_v, ones_v, deg_sh):
    c = lax.axis_index("c")
    s = lax.axis_index("s")
    wid = s * NC + c

    _memset2d(ones_v, K, H)
    _zero_shared_slice(ones_v, deg_sh, s * (R_SH // NS), R_SH // NS)
    plsc.subcore_barrier()

    e0 = jnp.where(lax.iota(jnp.int32, 16) == 0,
                   jnp.float32(1.0), jnp.float32(0.0))

    def init_body(i, _):
        ones_v[i, pl.ds(0, 16)] = e0
        return 0
    lax.fori_loop(0, K, init_body, 0, unroll=False)

    def chunk(k, _):
        off = wid * _EPT_D + k * K
        pltpu.sync_copy(dst_hbm.at[pl.ds(off, K)], dst_v)
        pltpu.sync_copy(ones_v, deg_sh.at[dst_v], add=True)
        return 0
    lax.fori_loop(0, _EPT_D // K, chunk, 0, unroll=False)

    plsc.subcore_barrier()
    span = R_SH // NS
    last = N - span * (NS - 1)

    def copy_out(out_ref):
        @pl.when(s < NS - 1)
        def _():
            pltpu.sync_copy(deg_sh.at[pl.ds(s * span, span)],
                            out_ref.at[pl.ds(s * span, span)])

        @pl.when(s == NS - 1)
        def _():
            pltpu.sync_copy(deg_sh.at[pl.ds((NS - 1) * span, last)],
                            out_ref.at[pl.ds((NS - 1) * span, last)])

    @pl.when(c == 0)
    def _():
        copy_out(da_out)

    @pl.when(c == 1)
    def _():
        copy_out(db_out)


_CH = _EPT_S // K
_CHH = _CH // 2


@functools.partial(
    pl.kernel,
    out_type=[jax.ShapeDtypeStruct((N, H), jnp.float32),
              jax.ShapeDtypeStruct((N, H), jnp.float32)],
    mesh=_mesh,
    scratch_types=[
        pltpu.VMEM((_CHH, K), jnp.int32),
        pltpu.VMEM((_CHH, K), jnp.int32),
        pltpu.VMEM((K, H), jnp.float32),
        pltpu.VMEM((K, H), jnp.float32),
        pltpu.VMEM_SHARED((R_SH, H), jnp.float32),
        pltpu.SemaphoreType.DMA,
        pltpu.SemaphoreType.DMA,
    ],
)
def _seg_kernel(ya_hbm, yb_hbm, src_hbm, dst_hbm, sa_out, sb_out,
                src_half, dst_half, rows0, rows1, s_sh, sem0, sem1):
    c = lax.axis_index("c")
    s = lax.axis_index("s")

    _memset2d(rows0, K, H)
    _zero_shared_slice(rows0, s_sh, s * (R_SH // NS), R_SH // NS)
    plsc.subcore_barrier()

    def main(y_hbm):
        def gather(k, rows, sem):
            pltpu.async_copy(y_hbm.at[src_half.at[k]], rows, sem)

        def gwait(rows, sem):
            pltpu.make_async_copy(y_hbm.at[src_half.at[0]], rows, sem).wait()

        def scat(k, rows):
            pltpu.sync_copy(rows, s_sh.at[dst_half.at[k]], add=True)

        for phase in range(2):
            pltpu.sync_copy(
                src_hbm.at[pl.ds(s * _CH + phase * _CHH, _CHH)], src_half)
            pltpu.sync_copy(
                dst_hbm.at[pl.ds(s * _CH + phase * _CHH, _CHH)], dst_half)

            gather(0, rows0, sem0)
            gather(1, rows1, sem1)

            def body(i, _):
                k0 = i * 2
                gwait(rows0, sem0)
                scat(k0, rows0)

                @pl.when(k0 + 2 < _CHH)
                def _():
                    gather(k0 + 2, rows0, sem0)

                gwait(rows1, sem1)
                scat(k0 + 1, rows1)

                @pl.when(k0 + 3 < _CHH)
                def _():
                    gather(k0 + 3, rows1, sem1)
                return 0
            lax.fori_loop(0, _CHH // 2, body, 0, unroll=False)

    @pl.when(c == 0)
    def _():
        main(ya_hbm)

    @pl.when(c == 1)
    def _():
        main(yb_hbm)

    plsc.subcore_barrier()

    span = R_SH // NS
    last = N - span * (NS - 1)

    def copy_out(out_ref):
        @pl.when(s < NS - 1)
        def _():
            pltpu.sync_copy(s_sh.at[pl.ds(s * span, span)],
                            out_ref.at[pl.ds(s * span, span)])

        @pl.when(s == NS - 1)
        def _():
            pltpu.sync_copy(s_sh.at[pl.ds((NS - 1) * span, last)],
                            out_ref.at[pl.ds((NS - 1) * span, last)])

    @pl.when(c == 0)
    def _():
        copy_out(sa_out)

    @pl.when(c == 1)
    def _():
        copy_out(sb_out)


_RB = 1000
_GRID = N // _RB


def _dinv_of(da_blk, db_blk):
    deg = jnp.sum(da_blk, axis=1) + jnp.sum(db_blk, axis=1) + 1.0
    return lax.rsqrt(deg)[:, None]


def _p1_body(x_ref, w_ref, b_ref, da_ref, db_ref, ya_ref, yb_ref, r_ref):
    dinv = _dinv_of(da_ref[...], db_ref[...])
    x = x_ref[...]
    y = jnp.dot(x, w_ref[...], preferred_element_type=jnp.float32)
    yp = y * dinv
    ya_ref[...] = yp[:, :H]
    yb_ref[...] = yp[:, H:]
    r_ref[...] = y * (dinv * dinv) + b_ref[...] + x


def _p2_body(sa_ref, sb_ref, r1_ref, x_ref, w_ref, b_ref, da_ref, db_ref,
             ya_ref, yb_ref, r_ref):
    dinv = _dinv_of(da_ref[...], db_ref[...])
    h = jnp.concatenate([sa_ref[...] * dinv, sb_ref[...] * dinv],
                        axis=1) + r1_ref[...]
    y = jnp.dot(h, w_ref[...], preferred_element_type=jnp.float32)
    yp = y * dinv
    ya_ref[...] = yp[:, :H]
    yb_ref[...] = yp[:, H:]
    r_ref[...] = y * (dinv * dinv) + b_ref[...] + x_ref[...]


def _p3_body(sa_ref, sb_ref, r2_ref, da_ref, db_ref, o_ref):
    dinv = _dinv_of(da_ref[...], db_ref[...])
    o_ref[...] = jnp.concatenate([sa_ref[...] * dinv, sb_ref[...] * dinv],
                                 axis=1) + r2_ref[...]


def _row_spec(w):
    return pl.BlockSpec((_RB, w), lambda i: (i, 0))


_FULL_W = pl.BlockSpec((D, D), lambda i: (0, 0))
_FULL_B = pl.BlockSpec((1, D), lambda i: (0, 0))


def _p1(x, W1, b1r, da, db):
    return pl.pallas_call(
        _p1_body, grid=(_GRID,),
        in_specs=[_row_spec(D), _FULL_W, _FULL_B, _row_spec(H), _row_spec(H)],
        out_specs=[_row_spec(H), _row_spec(H), _row_spec(D)],
        out_shape=[jax.ShapeDtypeStruct((N, H), jnp.float32),
                   jax.ShapeDtypeStruct((N, H), jnp.float32),
                   jax.ShapeDtypeStruct((N, D), jnp.float32)],
    )(x, W1, b1r, da, db)


def _p2(sa, sb, r1, x, W2, b2r, da, db):
    return pl.pallas_call(
        _p2_body, grid=(_GRID,),
        in_specs=[_row_spec(H), _row_spec(H), _row_spec(D), _row_spec(D),
                  _FULL_W, _FULL_B, _row_spec(H), _row_spec(H)],
        out_specs=[_row_spec(H), _row_spec(H), _row_spec(D)],
        out_shape=[jax.ShapeDtypeStruct((N, H), jnp.float32),
                   jax.ShapeDtypeStruct((N, H), jnp.float32),
                   jax.ShapeDtypeStruct((N, D), jnp.float32)],
    )(sa, sb, r1, x, W2, b2r, da, db)


def _p3(sa, sb, r2, da, db):
    return pl.pallas_call(
        _p3_body, grid=(_GRID,),
        in_specs=[_row_spec(H), _row_spec(H), _row_spec(D),
                  _row_spec(H), _row_spec(H)],
        out_specs=_row_spec(D),
        out_shape=jax.ShapeDtypeStruct((N, D), jnp.float32),
    )(sa, sb, r2, da, db)


def kernel(x, edges, W1, b1, W2, b2):
    e = edges.astype(jnp.int32)
    pad = E_PAD - E
    src = jnp.concatenate([e[:, 0], jnp.zeros((pad,), jnp.int32)])
    dst = jnp.concatenate([e[:, 1], jnp.full((pad,), N, jnp.int32)])

    src2d = src.reshape(E_PAD // K, K)
    dst2d = dst.reshape(E_PAD // K, K)

    da, db = _deg_kernel(dst)
    ya, yb, r1 = _p1(x, W1, b1.reshape(1, D), da, db)
    sa, sb = _seg_kernel(ya, yb, src2d, dst2d)
    y2a, y2b, r2 = _p2(sa, sb, r1, x, W2, b2.reshape(1, D), da, db)
    s2a, s2b = _seg_kernel(y2a, y2b, src2d, dst2d)
    return _p3(s2a, s2b, r2, da, db)

# --- scband reference (transcript-rebuilt; emitter-appended) ---
"""Pipeline reference for scband-entity-encoder-83777632076136 (READ-ONLY COPY).

The authoritative reference and input builder live on the scoring server;
editing this copy changes nothing except your own understanding.
"""

import jax, jax.numpy as jnp
import numpy as np

N_NODES = 10000
N_EDGES = 160000
DIM = 256
DIM_OUT = 256


def _gcn_conv(x, src, dst, W, b):
    # PyG GCNConv: linear transform, symmetric normalization with self-loops
    # (self-loops already appended to src/dst by caller), scatter-add aggregate, bias.
    xw = x @ W
    n = x.shape[0]
    deg = jnp.zeros((n,), dtype=x.dtype).at[dst].add(1.0)
    dinv = jnp.where(deg > 0, jax.lax.rsqrt(deg), 0.0)
    norm = dinv[src] * dinv[dst]
    msg = xw[src] * norm[:, None]
    out = jnp.zeros((n, W.shape[1]), dtype=x.dtype).at[dst].add(msg)
    return out + b


def setup_inputs(seed: int = 0) -> dict:
    key = jax.random.key(seed)
    k_x, k_e, k_w1, k_w2 = jax.random.split(key, 4)
    x = jax.random.normal(k_x, (N_NODES, DIM), dtype=jnp.float32)
    edges = jax.random.randint(k_e, (N_EDGES, 2), 0, N_NODES, dtype=jnp.int64)
    # Glorot-uniform weights like PyG GCNConv, zero bias.
    lim1 = float(np.sqrt(6.0 / (DIM + DIM)))
    W1 = jax.random.uniform(k_w1, (DIM, DIM), minval=-lim1, maxval=lim1, dtype=jnp.float32)
    b1 = jnp.zeros((DIM,), dtype=jnp.float32)
    lim2 = float(np.sqrt(6.0 / (DIM + DIM_OUT)))
    W2 = jax.random.uniform(k_w2, (DIM, DIM_OUT), minval=-lim2, maxval=lim2, dtype=jnp.float32)
    b2 = jnp.zeros((DIM_OUT,), dtype=jnp.float32)
    return {"x": x, "edges": edges, "W1": W1, "b1": b1, "W2": W2, "b2": b2}


def reference(x, edges, W1, b1, W2, b2):
    ei = edges.T  # edges.t().contiguous() -> [2, E]
    loop = jnp.arange(x.shape[0], dtype=ei.dtype)
    src = jnp.concatenate([ei[0], loop])
    dst = jnp.concatenate([ei[1], loop])
    h = _gcn_conv(x, src, dst, W1, b1)
    h = h + x
    h = _gcn_conv(h, src, dst, W2, b2)
    h = h + x
    return h

if __name__ == "__main__":
    import jax
    _d = setup_inputs()
    print(jax.jit(kernel)(*tuple(_d.values())))

</pallas_src>

<mosaic_0001>
#map = affine_map<(d0, d1) -> (0)>
#map1 = affine_map<(d0, d1) -> (0, 0)>
module attributes {stable_mosaic.version = 14 : i64} {
  func.func @_deg_kernel(%arg0: i32, %arg1: i32, %arg2: memref<163840xi32, #tpu.memory_space<hbm>>, %arg3: memref<10000x128xf32, #tpu.memory_space<hbm>>, %arg4: memref<10000x128xf32, #tpu.memory_space<hbm>>, %arg5: memref<128xi32, #tpu.memory_space<vmem>>, %arg6: memref<128x128xf32, #tpu.memory_space<vmem>>, %arg7: memref<10112x128xf32, #tpu.memory_space<vmem_shared>>) attributes {dimension_semantics = [#tpu.dimension_semantics<core_parallel>, #tpu.dimension_semantics<subcore_parallel>], iteration_bounds = array<i64: 2, 16>, scalar_prefetch = 0 : i64, scratch_operands = 3 : i64, tpu.core_type = #tpu.core_type<sc_vector_subcore>, window_params = [{transform_indices = #map}, {transform_indices = #map1}, {transform_indices = #map1}]} {
    %mul3A = arith.constant 2 : i32
    %mul3A_0 = arith.muli %arg1, %mul3A : i32
    %add3A = arith.addi %mul3A_0, %arg0 : i32
    %broadcast_in_dim3A = arith.constant 0.000000e+00 : f32
    %broadcast_in_dim3A_1 = vector.broadcast %broadcast_in_dim3A : f32 to vector<16xf32>
    %scan3A = arith.constant 0 : i32
    %scan3A_2 = arith.constant 0 : i32
    %scan3A_3 = arith.constant 128 : i32
    %scan3A_4 = arith.addi %scan3A_2, %scan3A_3 : i32
    %scan3A_5 = arith.constant 1 : i32
    %scan3A_6 = scf.for %scan3A_48 = %scan3A_2 to %scan3A_4 step %scan3A_5 iter_args(%scan3A_49 = %scan3A) -> (i32)  : i32 {
      %swap3A = arith.index_cast %scan3A_48 : i32 to index
      %swap3A_50 = arith.constant 0 : index
      %swap3A_51 = tpu.vector_load %arg6[%swap3A, %swap3A_50] {strides = array<i32>} : memref<128x128xf32, #tpu.memory_space<vmem>>, vector<1x16xf32>,
      %swap3A_52 = vector.shape_cast %swap3A_51 : vector<1x16xf32> to vector<16xf32>
      %swap3A_53 = vector.shape_cast %broadcast_in_dim3A_1 : vector<16xf32> to vector<1x16xf32>
      tpu.vector_store %arg6[%swap3A, %swap3A_50], %swap3A_53 {strides = array<i32>} : memref<128x128xf32, #tpu.memory_space<vmem>>, vector<1x16xf32>,
      %swap3A_54 = arith.index_cast %scan3A_48 : i32 to index
      %swap3A_55 = arith.constant 16 : index
      %swap3A_56 = tpu.vector_load %arg6[%swap3A_54, %swap3A_55] {strides = array<i32>} : memref<128x128xf32, #tpu.memory_space<vmem>>, vector<1x16xf32>,
      %swap3A_57 = vector.shape_cast %swap3A_56 : vector<1x16xf32> to vector<16xf32>
      %swap3A_58 = vector.shape_cast %broadcast_in_dim3A_1 : vector<16xf32> to vector<1x16xf32>
      tpu.vector_store %arg6[%swap3A_54, %swap3A_55], %swap3A_58 {strides = array<i32>} : memref<128x128xf32, #tpu.memory_space<vmem>>, vector<1x16xf32>,
      %swap3A_59 = arith.index_cast %scan3A_48 : i32 to index
      %swap3A_60 = arith.constant 32 : index
      %swap3A_61 = tpu.vector_load %arg6[%swap3A_59, %swap3A_60] {strides = array<i32>} : memref<128x128xf32, #tpu.memory_space<vmem>>, vector<1x16xf32>,
      %swap3A_62 = vector.shape_cast %swap3A_61 : vector<1x16xf32> to vector<16xf32>
      %swap3A_63 = vector.shape_cast %broadcast_in_dim3A_1 : vector<16xf32> to vector<1x16xf32>
      tpu.vector_store %arg6[%swap3A_59, %swap3A_60], %swap3A_63 {strides = array<i32>} : memref<128x128xf32, #tpu.memory_space<vmem>>, vector<1x16xf32>,
      %swap3A_64 = arith.index_cast %scan3A_48 : i32 to index
      %swap3A_65 = arith.constant 48 : index
      %swap3A_66 = tpu.vector_load %arg6[%swap3A_64, %swap3A_65] {strides = array<i32>} : memref<128x128xf32, #tpu.memory_space<vmem>>, vector<1x16xf32>,
      %swap3A_67 = vector.shape_cast %swap3A_66 : vector<1x16xf32> to vector<16xf32>
      %swap3A_68 = vector.shape_cast %broadcast_in_dim3A_1 : vector<16xf32> to vector<1x16xf32>
      tpu.vector_store %arg6[%swap3A_64, %swap3A_65], %swap3A_68 {strides = array<i32>} : memref<128x128xf32, #tpu.memory_space<vmem>>, vector<1x16xf32>,
      %swap3A_69 = arith.index_cast %scan3A_48 : i32 to index
      %swap3A_70 = arith.constant 64 : index
      %swap3A_71 = tpu.vector_load %arg6[%swap3A_69, %swap3A_70] {strides = array<i32>} : memref<128x128xf32, #tpu.memory_space<vmem>>, vector<1x16xf32>,
      %swap3A_72 = vector.shape_cast %swap3A_71 : vector<1x16xf32> to vector<16xf32>
      %swap3A_73 = vector.shape_cast %broadcast_in_dim3A_1 : vector<16xf32> to vector<1x16xf32>
      tpu.vector_store %arg6[%swap3A_69, %swap3A_70], %swap3A_73 {strides = array<i32>} : memref<128x128xf32, #tpu.memory_space<vmem>>, vector<1x16xf32>,
      %swap3A_74 = arith.index_cast %scan3A_48 : i32 to index
      %swap3A_75 = arith.constant 80 : index
      %swap3A_76 = tpu.vector_load %arg6[%swap3A_74, %swap3A_75] {strides = array<i32>} : memref<128x128xf32, #tpu.memory_space<vmem>>, vector<1x16xf32>,
      %swap3A_77 = vector.shape_cast %swap3A_76 : vector<1x16xf32> to vector<16xf32>
      %swap3A_78 = vector.shape_cast %broadcast_in_dim3A_1 : vector<16xf32> to vector<1x16xf32>
      tpu.vector_store %arg6[%swap3A_74, %swap3A_75], %swap3A_78 {strides = array<i32>} : memref<128x128xf32, #tpu.memory_space<vmem>>, vector<1x16xf32>,
      %swap3A_79 = arith.index_cast %scan3A_48 : i32 to index
      %swap3A_80 = arith.constant 96 : index
      %swap3A_81 = tpu.vector_load %arg6[%swap3A_79, %swap3A_80] {strides = array<i32>} : memref<128x128xf32, #tpu.memory_space<vmem>>, vector<1x16xf32>,
      %swap3A_82 = vector.shape_cast %swap3A_81 : vector<1x16xf32> to vector<16xf32>
      %swap3A_83 = vector.shape_cast %broadcast_in_dim3A_1 : vector<16xf32> to vector<1x16xf32>
      tpu.vector_store %arg6[%swap3A_79, %swap3A_80], %swap3A_83 {strides = array<i32>} : memref<128x128xf32, #tpu.memory_space<vmem>>, vector<1x16xf32>,
      %swap3A_84 = arith.index_cast %scan3A_48 : i32 to index
      %swap3A_85 = arith.constant 112 : index
      %swap3A_86 = tpu.vector_load %arg6[%swap3A_84, %swap3A_85] {strides = array<i32>} : memref<128x128xf32, #tpu.memory_space<vmem>>, vector<1x16xf32>,
      %swap3A_87 = vector.shape_cast %swap3A_86 : vector<1x16xf32> to vector<16xf32>
      %swap3A_88 = vector.shape_cast %broadcast_in_dim3A_1 : vector<16xf32> to vector<1x16xf32>
      tpu.vector_store %arg6[%swap3A_84, %swap3A_85], %swap3A_88 {strides = array<i32>} : memref<128x128xf32, #tpu.memory_space<vmem>>, vector<1x16xf32>,
      %scan3A_89 = arith.constant 0 : i32
      scf.yield %scan3A_89 : i32
    }
    %scan3A_7 = arith.constant 128 : i32
    %mul3A_8 = arith.constant 632 : i32
    %mul3A_9 = arith.muli %arg1, %mul3A_8 : i32
    %add3A_10 = arith.constant 0 : i32
    %add3A_11 = arith.addi %mul3A_9, %add3A_10 : i32
    "tpu.region"() ({
      %run_scoped3A = tpu.sem_alloc : memref<!tpu.dma_semaphore, #tpu.memory_space<semaphore_mem>>
      %dma_start3A = arith.constant 0 : i32
      %dma_start3A_48 = tpu.memref_slice %arg7[%add3A_11, %dma_start3A] : memref<10112x128xf32, #tpu.memory_space<vmem_shared>> -> memref<128x128xf32, #tpu.memory_space<vmem_shared>>
      %dma_start3A_49 = arith.constant 0 : i32
      %dma_start3A_50 = tpu.memref_slice %arg7[%add3A_11, %dma_start3A_49] : memref<10112x128xf32, #tpu.memory_space<vmem_shared>> -> memref<128x128xf32, #tpu.memory_space<vmem_shared>>
      tpu.enqueue_dma source(%arg6 : memref<128x128xf32, #tpu.memory_space<vmem>>) target(%dma_start3A_50 : memref<128x128xf32, #tpu.memory_space<vmem_shared>>) target_semaphore(%run_scoped3A : memref<!tpu.dma_semaphore, #tpu.memory_space<semaphore_mem>>)
      %dma_wait3A = arith.constant 0 : i32
      %dma_wait3A_51 = tpu.memref_slice %arg7[%add3A_11, %dma_wait3A] : memref<10112x128xf32, #tpu.memory_space<vmem_shared>> -> memref<128x128xf32, #tpu.memory_space<vmem_shared>>
      %dma_wait3A_52 = arith.constant 0 : i32
      %dma_wait3A_53 = tpu.memref_slice %arg7[%add3A_11, %dma_wait3A_52] : memref<10112x128xf32, #tpu.memory_space<vmem_shared>> -> memref<128x128xf32, #tpu.memory_space<vmem_shared>>
      tpu.wait_dma2 semaphore(%run_scoped3A : memref<!tpu.dma_semaphore, #tpu.memory_space<semaphore_mem>>) src(%arg6 : memref<128x128xf32, #tpu.memory_space<vmem>>) dst(%dma_wait3A_53 : memref<128x128xf32, #tpu.memory_space<vmem_shared>>)
      tpu.yield
    }) : () -> ()
    %add3A_12 = arith.constant 128 : i32
    %add3A_13 = arith.addi %mul3A_9, %add3A_12 : i32
    "tpu.region"() ({
      %run_scoped3A = tpu.sem_alloc : memref<!tpu.dma_semaphore, #tpu.memory_space<semaphore_mem>>
      %dma_start3A = arith.constant 0 : i32
      %dma_start3A_48 = tpu.memref_slice %arg7[%add3A_13, %dma_start3A] : memref<10112x128xf32, #tpu.memory_space<vmem_shared>> -> memref<128x128xf32, #tpu.memory_space<vmem_shared>>
      %dma_start3A_49 = arith.constant 0 : i32
      %dma_start3A_50 = tpu.memref_slice %arg7[%add3A_13, %dma_start3A_49] : memref<10112x128xf32, #tpu.memory_space<vmem_shared>> -> memref<128x128xf32, #tpu.memory_space<vmem_shared>>
      tpu.enqueue_dma source(%arg6 : memref<128x128xf32, #tpu.memory_space<vmem>>) target(%dma_start3A_50 : memref<128x128xf32, #tpu.memory_space<vmem_shared>>) target_semaphore(%run_scoped3A : memref<!tpu.dma_semaphore, #tpu.memory_space<semaphore_mem>>)
      %dma_wait3A = arith.constant 0 : i32
      %dma_wait3A_51 = tpu.memref_slice %arg7[%add3A_13, %dma_wait3A] : memref<10112x128xf32, #tpu.memory_space<vmem_shared>> -> memref<128x128xf32, #tpu.memory_space<vmem_shared>>
      %dma_wait3A_52 = arith.constant 0 : i32
      %dma_wait3A_53 = tpu.memref_slice %arg7[%add3A_13, %dma_wait3A_52] : memref<10112x128xf32, #tpu.memory_space<vmem_shared>> -> memref<128x128xf32, #tpu.memory_space<vmem_shared>>
      tpu.wait_dma2 semaphore(%run_scoped3A : memref<!tpu.dma_semaphore, #tpu.memory_space<semaphore_mem>>) src(%arg6 : memref<128x128xf32, #tpu.memory_space<vmem>>) dst(%dma_wait3A_53 : memref<128x128xf32, #tpu.memory_space<vmem_shared>>)
      tpu.yield
    }) : () -> ()
    %add3A_14 = arith.constant 256 : i32
    %add3A_15 = arith.addi %mul3A_9, %add3A_14 : i32
    "tpu.region"() ({
      %run_scoped3A = tpu.sem_alloc : memref<!tpu.dma_semaphore, #tpu.memory_space<semaphore_mem>>
      %dma_start3A = arith.constant 0 : i32
      %dma_start3A_48 = tpu.memref_slice %arg7[%add3A_15, %dma_start3A] : memref<10112x128xf32, #tpu.memory_space<vmem_shared>> -> memref<128x128xf32, #tpu.memory_space<vmem_shared>>
      %dma_start3A_49 = arith.constant 0 : i32
      %dma_start3A_50 = tpu.memref_slice %arg7[%add3A_15, %dma_start3A_49] : memref<10112x128xf32, #tpu.memory_space<vmem_shared>> -> memref<128x128xf32, #tpu.memory_space<vmem_shared>>
      tpu.enqueue_dma source(%arg6 : memref<128x128xf32, #tpu.memory_space<vmem>>) target(%dma_start3A_50 : memref<128x128xf32, #tpu.memory_space<vmem_shared>>) target_semaphore(%run_scoped3A : memref<!tpu.dma_semaphore, #tpu.memory_space<semaphore_mem>>)
      %dma_wait3A = arith.constant 0 : i32
      %dma_wait3A_51 = tpu.memref_slice %arg7[%add3A_15, %dma_wait3A] : memref<10112x128xf32, #tpu.memory_space<vmem_shared>> -> memref<128x128xf32, #tpu.memory_space<vmem_shared>>
      %dma_wait3A_52 = arith.constant 0 : i32
      %dma_wait3A_53 = tpu.memref_slice %arg7[%add3A_15, %dma_wait3A_52] : memref<10112x128xf32, #tpu.memory_space<vmem_shared>> -> memref<128x128xf32, #tpu.memory_space<vmem_shared>>
      tpu.wait_dma2 semaphore(%run_scoped3A : memref<!tpu.dma_semaphore, #tpu.memory_space<semaphore_mem>>) src(%arg6 : memref<128x128xf32, #tpu.memory_space<vmem>>) dst(%dma_wait3A_53 : memref<128x128xf32, #tpu.memory_space<vmem_shared>>)
      tpu.yield
    }) : () -> ()
    %add3A_16 = arith.constant 384 : i32
    %add3A_17 = arith.addi %mul3A_9, %add3A_16 : i32
    "tpu.region"() ({
      %run_scoped3A = tpu.sem_alloc : memref<!tpu.dma_semaphore, #tpu.memory_space<semaphore_mem>>
      %dma_start3A = arith.constant 0 : i32
      %dma_start3A_48 = tpu.memref_slice %arg7[%add3A_17, %dma_start3A] : memref<10112x128xf32, #tpu.memory_space<vmem_shared>> -> memref<128x128xf32, #tpu.memory_space<vmem_shared>>
      %dma_start3A_49 = arith.constant 0 : i32
      %dma_start3A_50 = tpu.memref_slice %arg7[%add3A_17, %dma_start3A_49] : memref<10112x128xf32, #tpu.memory_space<vmem_shared>> -> memref<128x128xf32, #tpu.memory_space<vmem_shared>>
      tpu.enqueue_dma source(%arg6 : memref<128x128xf32, #tpu.memory_space<vmem>>) target(%dma_start3A_50 : memref<128x128xf32, #tpu.memory_space<vmem_shared>>) target_semaphore(%run_scoped3A : memref<!tpu.dma_semaphore, #tpu.memory_space<semaphore_mem>>)
      %dma_wait3A = arith.constant 0 : i32
      %dma_wait3A_51 = tpu.memref_slice %arg7[%add3A_17, %dma_wait3A] : memref<10112x128xf32, #tpu.memory_space<vmem_shared>> -> memref<128x128xf32, #tpu.memory_space<vmem_shared>>
      %dma_wait3A_52 = arith.constant 0 : i32
      %dma_wait3A_53 = tpu.memref_slice %arg7[%add3A_17, %dma_wait3A_52] : memref<10112x128xf32, #tpu.memory_space<vmem_shared>> -> memref<128x128xf32, #tpu.memory_space<vmem_shared>>
      tpu.wait_dma2 semaphore(%run_scoped3A : memref<!tpu.dma_semaphore, #tpu.memory_space<semaphore_mem>>) src(%arg6 : memref<128x128xf32, #tpu.memory_space<vmem>>) dst(%dma_wait3A_53 : memref<128x128xf32, #tpu.memory_space<vmem_shared>>)
      tpu.yield
    }) : () -> ()
    %add3A_18 = arith.constant 512 : i32
    %add3A_19 = arith.addi %mul3A_9, %add3A_18 : i32
    "tpu.region"() ({
      %run_scoped3A = tpu.sem_alloc : memref<!tpu.dma_semaphore, #tpu.memory_space<semaphore_mem>>
      %dma_start3A = arith.constant 0 : i32
      %dma_start3A_48 = arith.constant 0 : i32
      %dma_start3A_49 = tpu.memref_slice %arg6[%dma_start3A, %dma_start3A_48] : memref<128x128xf32, #tpu.memory_space<vmem>> -> memref<120x128xf32, #tpu.memory_space<vmem>>
      %dma_start3A_50 = arith.constant 0 : i32
      %dma_start3A_51 = tpu.memref_slice %arg7[%add3A_19, %dma_start3A_50] : memref<10112x128xf32, #tpu.memory_space<vmem_shared>> -> memref<120x128xf32, #tpu.memory_space<vmem_shared>>
      %dma_start3A_52 = arith.constant 0 : i32
      %dma_start3A_53 = tpu.memref_slice %arg7[%add3A_19, %dma_start3A_52] : memref<10112x128xf32, #tpu.memory_space<vmem_shared>> -> memref<120x128xf32, #tpu.memory_space<vmem_shared>>
      %dma_start3A_54 = arith.constant 0 : i32
      %dma_start3A_55 = arith.constant 0 : i32
      %dma_start3A_56 = tpu.memref_slice %arg6[%dma_start3A_54, %dma_start3A_55] : memref<128x128xf32, #tpu.memory_space<vmem>> -> memref<120x128xf32, #tpu.memory_space<vmem>>
      tpu.enqueue_dma source(%dma_start3A_56 : memref<120x128xf32, #tpu.memory_space<vmem>>) target(%dma_start3A_53 : memref<120x128xf32, #tpu.memory_space<vmem_shared>>) target_semaphore(%run_scoped3A : memref<!tpu.dma_semaphore, #tpu.memory_space<semaphore_mem>>)
      %dma_wait3A = arith.constant 0 : i32
      %dma_wait3A_57 = arith.constant 0 : i32
      %dma_wait3A_58 = tpu.memref_slice %arg6[%dma_wait3A, %dma_wait3A_57] : memref<128x128xf32, #tpu.memory_space<vmem>> -> memref<120x128xf32, #tpu.memory_space<vmem>>
      %dma_wait3A_59 = arith.constant 0 : i32
      %dma_wait3A_60 = tpu.memref_slice %arg7[%add3A_19, %dma_wait3A_59] : memref<10112x128xf32, #tpu.memory_space<vmem_shared>> -> memref<120x128xf32, #tpu.memory_space<vmem_shared>>
      %dma_wait3A_61 = arith.constant 0 : i32
      %dma_wait3A_62 = tpu.memref_slice %arg7[%add3A_19, %dma_wait3A_61] : memref<10112x128xf32, #tpu.memory_space<vmem_shared>> -> memref<120x128xf32, #tpu.memory_space<vmem_shared>>
      %dma_wait3A_63 = arith.constant 0 : i32
      %dma_wait3A_64 = arith.constant 0 : i32
      %dma_wait3A_65 = tpu.memref_slice %arg6[%dma_wait3A_63, %dma_wait3A_64] : memref<128x128xf32, #tpu.memory_space<vmem>> -> memref<120x128xf32, #tpu.memory_space<vmem>>
      tpu.wait_dma2 semaphore(%run_scoped3A : memref<!tpu.dma_semaphore, #tpu.memory_space<semaphore_mem>>) src(%dma_wait3A_65 : memref<120x128xf32, #tpu.memory_space<vmem>>) dst(%dma_wait3A_62 : memref<120x128xf32, #tpu.memory_space<vmem_shared>>)
      tpu.yield
    }) : () -> ()
    %barrier3A = arith.constant 0 : index
    tpu.barrier barrier_id(%barrier3A)
    %iota3A = tpu.iota {dimensions = array<i32: 0>} : vector<16xi32>
    %eq3A = arith.constant 0 : i32
    %eq3A_20 = vector.broadcast %eq3A : i32 to vector<16xi32>
    %eq3A_21 = arith.cmpi eq, %iota3A, %eq3A_20 : vector<16xi32>
    %jit3A = arith.constant 1.000000e+00 : f32
    %jit3A_22 = arith.constant 0.000000e+00 : f32
    %broadcast_in_dim3A_23 = vector.broadcast %jit3A : f32 to vector<16xf32>
    %broadcast_in_dim3A_24 = vector.broadcast %jit3A_22 : f32 to vector<16xf32>
    %select_n3A = arith.select %eq3A_21, %broadcast_in_dim3A_23, %broadcast_in_dim3A_24 : vector<16xi1>, vector<16xf32>
    %scan3A_25 = arith.constant 0 : i32
    %scan3A_26 = arith.constant 0 : i32
    %scan3A_27 = arith.constant 128 : i32
    %scan3A_28 = arith.addi %scan3A_26, %scan3A_27 : i32
    %scan3A_29 = arith.constant 1 : i32
    %scan3A_30 = scf.for %scan3A_48 = %scan3A_26 to %scan3A_28 step %scan3A_29 iter_args(%scan3A_49 = %scan3A_25) -> (i32)  : i32 {
      %swap3A = arith.index_cast %scan3A_48 : i32 to index
      %swap3A_50 = arith.constant 0 : index
      %swap3A_51 = tpu.vector_load %arg6[%swap3A, %swap3A_50] {strides = array<i32>} : memref<128x128xf32, #tpu.memory_space<vmem>>, vector<1x16xf32>,
      %swap3A_52 = vector.shape_cast %swap3A_51 : vector<1x16xf32> to vector<16xf32>
      %swap3A_53 = vector.shape_cast %select_n3A : vector<16xf32> to vector<1x16xf32>
      tpu.vector_store %arg6[%swap3A, %swap3A_50], %swap3A_53 {strides = array<i32>} : memref<128x128xf32, #tpu.memory_space<vmem>>, vector<1x16xf32>,
      %scan3A_54 = arith.constant 0 : i32
      scf.yield %scan3A_54 : i32
    }
    %scan3A_31 = arith.constant 128 : i32
    %scan3A_32 = arith.constant 0 : i32
    %scan3A_33 = arith.constant 0 : i32
    %scan3A_34 = arith.constant 40 : i32
    %scan3A_35 = arith.addi %scan3A_33, %scan3A_34 : i32
    %scan3A_36 = arith.constant 1 : i32
    %scan3A_37 = scf.for %scan3A_48 = %scan3A_33 to %scan3A_35 step %scan3A_36 iter_args(%scan3A_49 = %scan3A_32) -> (i32)  : i32 {
      %mul3A_50 = arith.constant 5120 : i32
      %mul3A_51 = arith.muli %add3A, %mul3A_50 : i32
      %mul3A_52 = arith.constant 128 : i32
      %mul3A_53 = arith.muli %scan3A_48, %mul3A_52 : i32
      %add3A_54 = arith.addi %mul3A_51, %mul3A_53 : i32
      "tpu.region"() ({
        %run_scoped3A = tpu.sem_alloc : memref<!tpu.dma_semaphore, #tpu.memory_space<semaphore_mem>>
        %dma_start3A = tpu.memref_slice %arg2[%add3A_54] : memref<163840xi32, #tpu.memory_space<hbm>> -> memref<128xi32, #tpu.memory_space<hbm>>
        %dma_start3A_56 = tpu.memref_slice %arg2[%add3A_54] : memref<163840xi32, #tpu.memory_space<hbm>> -> memref<128xi32, #tpu.memory_space<hbm>>
        tpu.enqueue_dma source(%dma_start3A_56 : memref<128xi32, #tpu.memory_space<hbm>>) target(%arg5 : memref<128xi32, #tpu.memory_space<vmem>>) target_semaphore(%run_scoped3A : memref<!tpu.dma_semaphore, #tpu.memory_space<semaphore_mem>>)
        %dma_wait3A = tpu.memref_slice %arg2[%add3A_54] : memref<163840xi32, #tpu.memory_space<hbm>> -> memref<128xi32, #tpu.memory_space<hbm>>
        %dma_wait3A_57 = tpu.memref_slice %arg2[%add3A_54] : memref<163840xi32, #tpu.memory_space<hbm>> -> memref<128xi32, #tpu.memory_space<hbm>>
        tpu.wait_dma2 semaphore(%run_scoped3A : memref<!tpu.dma_semaphore, #tpu.memory_space<semaphore_mem>>) src(%dma_wait3A_57 : memref<128xi32, #tpu.memory_space<hbm>>) dst(%arg5 : memref<128xi32, #tpu.memory_space<vmem>>)
        tpu.yield
      }) : () -> ()
      "tpu.region"() ({
        %run_scoped3A = tpu.sem_alloc : memref<!tpu.dma_semaphore, #tpu.memory_space<semaphore_mem>>
        %dma_start3A = arith.constant 0 : i32
        %dma_start3A_56 = arith.constant 0 : i32
        %dma_start3A_57 = tpu.memref_slice %arg7[%dma_start3A, %dma_start3A_56] : memref<10112x128xf32, #tpu.memory_space<vmem_shared>> -> memref<10112x128xf32, #tpu.memory_space<vmem_shared>>
        tpu.enqueue_indirect_dma source(%arg6 : memref<128x128xf32, #tpu.memory_space<vmem>>) target(%dma_start3A_57 : memref<10112x128xf32, #tpu.memory_space<vmem_shared>>) offsets(%arg5 : memref<128xi32, #tpu.memory_space<vmem>>) semaphore(%run_scoped3A : memref<!tpu.dma_semaphore, #tpu.memory_space<semaphore_mem>>) {add = true}
        %dma_wait3A = arith.constant 0 : i32
        %dma_wait3A_58 = arith.constant 0 : i32
        %dma_wait3A_59 = tpu.memref_slice %arg7[%dma_wait3A, %dma_wait3A_58] : memref<10112x128xf32, #tpu.memory_space<vmem_shared>> -> memref<10112x128xf32, #tpu.memory_space<vmem_shared>>
        tpu.wait_indirect_dma semaphore(%run_scoped3A : memref<!tpu.dma_semaphore, #tpu.memory_space<semaphore_mem>>) src(%arg6 : memref<128x128xf32, #tpu.memory_space<vmem>>) dst(%dma_wait3A_59 : memref<10112x128xf32, #tpu.memory_space<vmem_shared>>)
        tpu.yield
      }) : () -> ()
      %scan3A_55 = arith.constant 0 : i32
      scf.yield %scan3A_55 : i32
    }
    %scan3A_38 = arith.constant 40 : i32
    %barrier3A_39 = arith.constant 0 : index
    tpu.barrier barrier_id(%barrier3A_39)
    %eq3A_40 = arith.constant 0 : i32
    %eq3A_41 = arith.cmpi eq, %arg0, %eq3A_40 : i32
    %convert_element_type3A = arith.extui %eq3A_41 : i1 to i32
    %cond3A = arith.constant 0 : i32
    %cond3A_42 = arith.cmpi ne, %convert_element_type3A, %cond3A : i32
    scf.if %cond3A_42 {
      %lt3A = arith.constant 15 : i32
      %lt3A_48 = arith.cmpi slt, %arg1, %lt3A : i32
      %convert_element_type3A_49 = arith.extui %lt3A_48 : i1 to i32
      %cond3A_50 = arith.constant 0 : i32
      %cond3A_51 = arith.cmpi ne, %convert_element_type3A_49, %cond3A_50 : i32
      scf.if %cond3A_51 {
        %mul3A_57 = arith.constant 632 : i32
        %mul3A_58 = arith.muli %arg1, %mul3A_57 : i32
        %mul3A_59 = arith.constant 632 : i32
        %mul3A_60 = arith.muli %arg1, %mul3A_59 : i32
        "tpu.region"() ({
          %run_scoped3A = tpu.sem_alloc : memref<!tpu.dma_semaphore, #tpu.memory_space<semaphore_mem>>
          %dma_start3A = arith.constant 0 : i32
          %dma_start3A_61 = tpu.memref_slice %arg3[%mul3A_60, %dma_start3A] : memref<10000x128xf32, #tpu.memory_space<hbm>> -> memref<632x128xf32, #tpu.memory_space<hbm>>
          %dma_start3A_62 = arith.constant 0 : i32
          %dma_start3A_63 = tpu.memref_slice %arg7[%mul3A_58, %dma_start3A_62] : memref<10112x128xf32, #tpu.memory_space<vmem_shared>> -> memref<632x128xf32, #tpu.memory_space<vmem_shared>>
          tpu.enqueue_dma source(%dma_start3A_63 : memref<632x128xf32, #tpu.memory_space<vmem_shared>>) target(%dma_start3A_61 : memref<632x128xf32, #tpu.memory_space<hbm>>) target_semaphore(%run_scoped3A : memref<!tpu.dma_semaphore, #tpu.memory_space<semaphore_mem>>)
          %dma_wait3A = arith.constant 0 : i32
          %dma_wait3A_64 = tpu.memref_slice %arg3[%mul3A_60, %dma_wait3A] : memref<10000x128xf32, #tpu.memory_space<hbm>> -> memref<632x128xf32, #tpu.memory_space<hbm>>
          %dma_wait3A_65 = arith.constant 0 : i32
          %dma_wait3A_66 = tpu.memref_slice %arg7[%mul3A_58, %dma_wait3A_65] : memref<10112x128xf32, #tpu.memory_space<vmem_shared>> -> memref<632x128xf32, #tpu.memory_space<vmem_shared>>
          tpu.wait_dma2 semaphore(%run_scoped3A : memref<!tpu.dma_semaphore, #tpu.memory_space<semaphore_mem>>) src(%dma_wait3A_66 : memref<632x128xf32, #tpu.memory_space<vmem_shared>>) dst(%dma_wait3A_64 : memref<632x128xf32, #tpu.memory_space<hbm>>)
          tpu.yield
        }) : () -> ()
      } else {
      }
      %eq3A_52 = arith.constant 15 : i32
      %eq3A_53 = arith.cmpi eq, %arg1, %eq3A_52 : i32
      %convert_element_type3A_54 = arith.extui %eq3A_53 : i1 to i32
      %cond3A_55 = arith.constant 0 : i32
      %cond3A_56 = arith.cmpi ne, %convert_element_type3A_54, %cond3A_55 : i32
      scf.if %cond3A_56 {
        "tpu.region"() ({
          %run_scoped3A = tpu.sem_alloc : memref<!tpu.dma_semaphore, #tpu.memory_space<semaphore_mem>>
          %dma_start3A = arith.constant 9480 : i32
          %dma_start3A_57 = arith.constant 0 : i32
          %dma_start3A_58 = tpu.memref_slice %arg3[%dma_start3A, %dma_start3A_57] : memref<10000x128xf32, #tpu.memory_space<hbm>> -> memref<520x128xf32, #tpu.memory_space<hbm>>
          %dma_start3A_59 = arith.constant 9480 : i32
          %dma_start3A_60 = arith.constant 0 : i32
          %dma_start3A_61 = tpu.memref_slice %arg7[%dma_start3A_59, %dma_start3A_60] : memref<10112x128xf32, #tpu.memory_space<vmem_shared>> -> memref<520x128xf32, #tpu.memory_space<vmem_shared>>
          tpu.enqueue_dma source(%dma_start3A_61 : memref<520x128xf32, #tpu.memory_space<vmem_shared>>) target(%dma_start3A_58 : memref<520x128xf32, #tpu.memory_space<hbm>>) target_semaphore(%run_scoped3A : memref<!tpu.dma_semaphore, #tpu.memory_space<semaphore_mem>>)
          %dma_wait3A = arith.constant 9480 : i32
          %dma_wait3A_62 = arith.constant 0 : i32
          %dma_wait3A_63 = tpu.memref_slice %arg3[%dma_wait3A, %dma_wait3A_62] : memref<10000x128xf32, #tpu.memory_space<hbm>> -> memref<520x128xf32, #tpu.memory_space<hbm>>
          %dma_wait3A_64 = arith.constant 9480 : i32
          %dma_wait3A_65 = arith.constant 0 : i32
          %dma_wait3A_66 = tpu.memref_slice %arg7[%dma_wait3A_64, %dma_wait3A_65] : memref<10112x128xf32, #tpu.memory_space<vmem_shared>> -> memref<520x128xf32, #tpu.memory_space<vmem_shared>>
          tpu.wait_dma2 semaphore(%run_scoped3A : memref<!tpu.dma_semaphore, #tpu.memory_space<semaphore_mem>>) src(%dma_wait3A_66 : memref<520x128xf32, #tpu.memory_space<vmem_shared>>) dst(%dma_wait3A_63 : memref<520x128xf32, #tpu.memory_space<hbm>>)
          tpu.yield
        }) : () -> ()
      } else {
      }
    } else {
    }
    %eq3A_43 = arith.constant 1 : i32
    %eq3A_44 = arith.cmpi eq, %arg0, %eq3A_43 : i32
    %convert_element_type3A_45 = arith.extui %eq3A_44 : i1 to i32
    %cond3A_46 = arith.constant 0 : i32
    %cond3A_47 = arith.cmpi ne, %convert_element_type3A_45, %cond3A_46 : i32
    scf.if %cond3A_47 {
      %lt3A = arith.constant 15 : i32
      %lt3A_48 = arith.cmpi slt, %arg1, %lt3A : i32
      %convert_element_type3A_49 = arith.extui %lt3A_48 : i1 to i32
      %cond3A_50 = arith.constant 0 : i32
      %cond3A_51 = arith.cmpi ne, %convert_element_type3A_49, %cond3A_50 : i32
      scf.if %cond3A_51 {
        %mul3A_57 = arith.constant 632 : i32
        %mul3A_58 = arith.muli %arg1, %mul3A_57 : i32
        %mul3A_59 = arith.constant 632 : i32
        %mul3A_60 = arith.muli %arg1, %mul3A_59 : i32
        "tpu.region"() ({
          %run_scoped3A = tpu.sem_alloc : memref<!tpu.dma_semaphore, #tpu.memory_space<semaphore_mem>>
          %dma_start3A = arith.constant 0 : i32
          %dma_start3A_61 = tpu.memref_slice %arg4[%mul3A_60, %dma_start3A] : memref<10000x128xf32, #tpu.memory_space<hbm>> -> memref<632x128xf32, #tpu.memory_space<hbm>>
          %dma_start3A_62 = arith.constant 0 : i32
          %dma_start3A_63 = tpu.memref_slice %arg7[%mul3A_58, %dma_start3A_62] : memref<10112x128xf32, #tpu.memory_space<vmem_shared>> -> memref<632x128xf32, #tpu.memory_space<vmem_shared>>
          tpu.enqueue_dma source(%dma_start3A_63 : memref<632x128xf32, #tpu.memory_space<vmem_shared>>) target(%dma_start3A_61 : memref<632x128xf32, #tpu.memory_space<hbm>>) target_semaphore(%run_scoped3A : memref<!tpu.dma_semaphore, #tpu.memory_space<semaphore_mem>>)
          %dma_wait3A = arith.constant 0 : i32
          %dma_wait3A_64 = tpu.memref_slice %arg4[%mul3A_60, %dma_wait3A] : memref<10000x128xf32, #tpu.memory_space<hbm>> -> memref<632x128xf32, #tpu.memory_space<hbm>>
          %dma_wait3A_65 = arith.constant 0 : i32
          %dma_wait3A_66 = tpu.memref_slice %arg7[%mul3A_58, %dma_wait3A_65] : memref<10112x128xf32, #tpu.memory_space<vmem_shared>> -> memref<632x128xf32, #tpu.memory_space<vmem_shared>>
          tpu.wait_dma2 semaphore(%run_scoped3A : memref<!tpu.dma_semaphore, #tpu.memory_space<semaphore_mem>>) src(%dma_wait3A_66 : memref<632x128xf32, #tpu.memory_space<vmem_shared>>) dst(%dma_wait3A_64 : memref<632x128xf32, #tpu.memory_space<hbm>>)
          tpu.yield
        }) : () -> ()
      } else {
      }
      %eq3A_52 = arith.constant 15 : i32
      %eq3A_53 = arith.cmpi eq, %arg1, %eq3A_52 : i32
      %convert_element_type3A_54 = arith.extui %eq3A_53 : i1 to i32
      %cond3A_55 = arith.constant 0 : i32
      %cond3A_56 = arith.cmpi ne, %convert_element_type3A_54, %cond3A_55 : i32
      scf.if %cond3A_56 {
        "tpu.region"() ({
          %run_scoped3A = tpu.sem_alloc : memref<!tpu.dma_semaphore, #tpu.memory_space<semaphore_mem>>
          %dma_start3A = arith.constant 9480 : i32
          %dma_start3A_57 = arith.constant 0 : i32
          %dma_start3A_58 = tpu.memref_slice %arg4[%dma_start3A, %dma_start3A_57] : memref<10000x128xf32, #tpu.memory_space<hbm>> -> memref<520x128xf32, #tpu.memory_space<hbm>>
          %dma_start3A_59 = arith.constant 9480 : i32
          %dma_start3A_60 = arith.constant 0 : i32
          %dma_start3A_61 = tpu.memref_slice %arg7[%dma_start3A_59, %dma_start3A_60] : memref<10112x128xf32, #tpu.memory_space<vmem_shared>> -> memref<520x128xf32, #tpu.memory_space<vmem_shared>>
          tpu.enqueue_dma source(%dma_start3A_61 : memref<520x128xf32, #tpu.memory_space<vmem_shared>>) target(%dma_start3A_58 : memref<520x128xf32, #tpu.memory_space<hbm>>) target_semaphore(%run_scoped3A : memref<!tpu.dma_semaphore, #tpu.memory_space<semaphore_mem>>)
          %dma_wait3A = arith.constant 9480 : i32
          %dma_wait3A_62 = arith.constant 0 : i32
          %dma_wait3A_63 = tpu.memref_slice %arg4[%dma_wait3A, %dma_wait3A_62] : memref<10000x128xf32, #tpu.memory_space<hbm>> -> memref<520x128xf32, #tpu.memory_space<hbm>>
          %dma_wait3A_64 = arith.constant 9480 : i32
          %dma_wait3A_65 = arith.constant 0 : i32
          %dma_wait3A_66 = tpu.memref_slice %arg7[%dma_wait3A_64, %dma_wait3A_65] : memref<10112x128xf32, #tpu.memory_space<vmem_shared>> -> memref<520x128xf32, #tpu.memory_space<vmem_shared>>
          tpu.wait_dma2 semaphore(%run_scoped3A : memref<!tpu.dma_semaphore, #tpu.memory_space<semaphore_mem>>) src(%dma_wait3A_66 : memref<520x128xf32, #tpu.memory_space<vmem_shared>>) dst(%dma_wait3A_63 : memref<520x128xf32, #tpu.memory_space<hbm>>)
          tpu.yield
        }) : () -> ()
      } else {
      }
    } else {
    }
    return
  }
}

#map = affine_map<(d0, d1) -> (0, 0)>
module attributes {stable_mosaic.version = 14 : i64} {
  func.func @_seg_kernel(%arg0: i32, %arg1: i32, %arg2: memref<10000x128xf32, #tpu.memory_space<hbm>>, %arg3: memref<10000x128xf32, #tpu.memory_space<hbm>>, %arg4: memref<1280x128xi32, #tpu.memory_space<hbm>>, %arg5: memref<1280x128xi32, #tpu.memory_space<hbm>>, %arg6: memref<10000x128xf32, #tpu.memory_space<hbm>>, %arg7: memref<10000x128xf32, #tpu.memory_space<hbm>>, %arg8: memref<40x128xi32, #tpu.memory_space<vmem>>, %arg9: memref<40x128xi32, #tpu.memory_space<vmem>>, %arg10: memref<128x128xf32, #tpu.memory_space<vmem>>, %arg11: memref<128x128xf32, #tpu.memory_space<vmem>>, %arg12: memref<10112x128xf32, #tpu.memory_space<vmem_shared>>, %arg13: memref<!tpu.dma_semaphore, #tpu.memory_space<semaphore_mem>>, %arg14: memref<!tpu.dma_semaphore, #tpu.memory_space<semaphore_mem>>) attributes {dimension_semantics = [#tpu.dimension_semantics<core_parallel>, #tpu.dimension_semantics<subcore_parallel>], iteration_bounds = array<i64: 2, 16>, scalar_prefetch = 0 : i64, scratch_operands = 7 : i64, tpu.core_type = #tpu.core_type<sc_vector_subcore>, window_params = [{transform_indices = #map}, {transform_indices = #map}, {transform_indices = #map}, {transform_indices = #map}, {transform_indices = #map}, {transform_indices = #map}]} {
    %broadcast_in_dim3A = arith.constant 0.000000e+00 : f32
    %broadcast_in_dim3A_0 = vector.broadcast %broadcast_in_dim3A : f32 to vector<16xf32>
    %scan3A = arith.constant 0 : i32
    %scan3A_1 = arith.constant 0 : i32
    %scan3A_2 = arith.constant 128 : i32
    %scan3A_3 = arith.addi %scan3A_1, %scan3A_2 : i32
    %scan3A_4 = arith.constant 1 : i32
    %scan3A_5 = scf.for %scan3A_35 = %scan3A_1 to %scan3A_3 step %scan3A_4 iter_args(%scan3A_36 = %scan3A) -> (i32)  : i32 {
      %swap3A = arith.index_cast %scan3A_35 : i32 to index
      %swap3A_37 = arith.constant 0 : index
      %swap3A_38 = tpu.vector_load %arg10[%swap3A, %swap3A_37] {strides = array<i32>} : memref<128x128xf32, #tpu.memory_space<vmem>>, vector<1x16xf32>,
      %swap3A_39 = vector.shape_cast %swap3A_38 : vector<1x16xf32> to vector<16xf32>
      %swap3A_40 = vector.shape_cast %broadcast_in_dim3A_0 : vector<16xf32> to vector<1x16xf32>
      tpu.vector_store %arg10[%swap3A, %swap3A_37], %swap3A_40 {strides = array<i32>} : memref<128x128xf32, #tpu.memory_space<vmem>>, vector<1x16xf32>,
      %swap3A_41 = arith.index_cast %scan3A_35 : i32 to index
      %swap3A_42 = arith.constant 16 : index
      %swap3A_43 = tpu.vector_load %arg10[%swap3A_41, %swap3A_42] {strides = array<i32>} : memref<128x128xf32, #tpu.memory_space<vmem>>, vector<1x16xf32>,
      %swap3A_44 = vector.shape_cast %swap3A_43 : vector<1x16xf32> to vector<16xf32>
      %swap3A_45 = vector.shape_cast %broadcast_in_dim3A_0 : vector<16xf32> to vector<1x16xf32>
      tpu.vector_store %arg10[%swap3A_41, %swap3A_42], %swap3A_45 {strides = array<i32>} : memref<128x128xf32, #tpu.memory_space<vmem>>, vector<1x16xf32>,
      %swap3A_46 = arith.index_cast %scan3A_35 : i32 to index
      %swap3A_47 = arith.constant 32 : index
      %swap3A_48 = tpu.vector_load %arg10[%swap3A_46, %swap3A_47] {strides = array<i32>} : memref<128x128xf32, #tpu.memory_space<vmem>>, vector<1x16xf32>,
      %swap3A_49 = vector.shape_cast %swap3A_48 : vector<1x16xf32> to vector<16xf32>
      %swap3A_50 = vector.shape_cast %broadcast_in_dim3A_0 : vector<16xf32> to vector<1x16xf32>
      tpu.vector_store %arg10[%swap3A_46, %swap3A_47], %swap3A_50 {strides = array<i32>} : memref<128x128xf32, #tpu.memory_space<vmem>>, vector<1x16xf32>,
      %swap3A_51 = arith.index_cast %scan3A_35 : i32 to index
      %swap3A_52 = arith.constant 48 : index
      %swap3A_53 = tpu.vector_load %arg10[%swap3A_51, %swap3A_52] {strides = array<i32>} : memref<128x128xf32, #tpu.memory_space<vmem>>, vector<1x16xf32>,
      %swap3A_54 = vector.shape_cast %swap3A_53 : vector<1x16xf32> to vector<16xf32>
      %swap3A_55 = vector.shape_cast %broadcast_in_dim3A_0 : vector<16xf32> to vector<1x16xf32>
      tpu.vector_store %arg10[%swap3A_51, %swap3A_52], %swap3A_55 {strides = array<i32>} : memref<128x128xf32, #tpu.memory_space<vmem>>, vector<1x16xf32>,
      %swap3A_56 = arith.index_cast %scan3A_35 : i32 to index
      %swap3A_57 = arith.constant 64 : index
      %swap3A_58 = tpu.vector_load %arg10[%swap3A_56, %swap3A_57] {strides = array<i32>} : memref<128x128xf32, #tpu.memory_space<vmem>>, vector<1x16xf32>,
      %swap3A_59 = vector.shape_cast %swap3A_58 : vector<1x16xf32> to vector<16xf32>
      %swap3A_60 = vector.shape_cast %broadcast_in_dim3A_0 : vector<16xf32> to vector<1x16xf32>
      tpu.vector_store %arg10[%swap3A_56, %swap3A_57], %swap3A_60 {strides = array<i32>} : memref<128x128xf32, #tpu.memory_space<vmem>>, vector<1x16xf32>,
      %swap3A_61 = arith.index_cast %scan3A_35 : i32 to index
      %swap3A_62 = arith.constant 80 : index
      %swap3A_63 = tpu.vector_load %arg10[%swap3A_61, %swap3A_62] {strides = array<i32>} : memref<128x128xf32, #tpu.memory_space<vmem>>, vector<1x16xf32>,
      %swap3A_64 = vector.shape_cast %swap3A_63 : vector<1x16xf32> to vector<16xf32>
      %swap3A_65 = vector.shape_cast %broadcast_in_dim3A_0 : vector<16xf32> to vector<1x16xf32>
      tpu.vector_store %arg10[%swap3A_61, %swap3A_62], %swap3A_65 {strides = array<i32>} : memref<128x128xf32, #tpu.memory_space<vmem>>, vector<1x16xf32>,
      %swap3A_66 = arith.index_cast %scan3A_35 : i32 to index
      %swap3A_67 = arith.constant 96 : index
      %swap3A_68 = tpu.vector_load %arg10[%swap3A_66, %swap3A_67] {strides = array<i32>} : memref<128x128xf32, #tpu.memory_space<vmem>>, vector<1x16xf32>,
      %swap3A_69 = vector.shape_cast %swap3A_68 : vector<1x16xf32> to vector<16xf32>
      %swap3A_70 = vector.shape_cast %broadcast_in_dim3A_0 : vector<16xf32> to vector<1x16xf32>
      tpu.vector_store %arg10[%swap3A_66, %swap3A_67], %swap3A_70 {strides = array<i32>} : memref<128x128xf32, #tpu.memory_space<vmem>>, vector<1x16xf32>,
      %swap3A_71 = arith.index_cast %scan3A_35 : i32 to index
      %swap3A_72 = arith.constant 112 : index
      %swap3A_73 = tpu.vector_load %arg10[%swap3A_71, %swap3A_72] {strides = array<i32>} : memref<128x128xf32, #tpu.memory_space<vmem>>, vector<1x16xf32>,
      %swap3A_74 = vector.shape_cast %swap3A_73 : vector<1x16xf32> to vector<16xf32>
      %swap3A_75 = vector.shape_cast %broadcast_in_dim3A_0 : vector<16xf32> to vector<1x16xf32>
      tpu.vector_store %arg10[%swap3A_71, %swap3A_72], %swap3A_75 {strides = array<i32>} : memref<128x128xf32, #tpu.memory_space<vmem>>, vector<1x16xf32>,
      %scan3A_76 = arith.constant 0 : i32
      scf.yield %scan3A_76 : i32
    }
    %scan3A_6 = arith.constant 128 : i32
    %mul3A = arith.constant 632 : i32
    %mul3A_7 = arith.muli %arg1, %mul3A : i32
    %add3A = arith.constant 0 : i32
    %add3A_8 = arith.addi %mul3A_7, %add3A : i32
    "tpu.region"() ({
      %run_scoped3A = tpu.sem_alloc : memref<!tpu.dma_semaphore, #tpu.memory_space<semaphore_mem>>
      %dma_start3A = arith.constant 0 : i32
      %dma_start3A_35 = tpu.memref_slice %arg12[%add3A_8, %dma_start3A] : memref<10112x128xf32, #tpu.memory_space<vmem_shared>> -> memref<128x128xf32, #tpu.memory_space<vmem_shared>>
      %dma_start3A_36 = arith.constant 0 : i32
      %dma_start3A_37 = tpu.memref_slice %arg12[%add3A_8, %dma_start3A_36] : memref<10112x128xf32, #tpu.memory_space<vmem_shared>> -> memref<128x128xf32, #tpu.memory_space<vmem_shared>>
      tpu.enqueue_dma source(%arg10 : memref<128x128xf32, #tpu.memory_space<vmem>>) target(%dma_start3A_37 : memref<128x128xf32, #tpu.memory_space<vmem_shared>>) target_semaphore(%run_scoped3A : memref<!tpu.dma_semaphore, #tpu.memory_space<semaphore_mem>>)
      %dma_wait3A = arith.constant 0 : i32
      %dma_wait3A_38 = tpu.memref_slice %arg12[%add3A_8, %dma_wait3A] : memref<10112x128xf32, #tpu.memory_space<vmem_shared>> -> memref<128x128xf32, #tpu.memory_space<vmem_shared>>
      %dma_wait3A_39 = arith.constant 0 : i32
      %dma_wait3A_40 = tpu.memref_slice %arg12[%add3A_8, %dma_wait3A_39] : memref<10112x128xf32, #tpu.memory_space<vmem_shared>> -> memref<128x128xf32, #tpu.memory_space<vmem_shared>>
      tpu.wait_dma2 semaphore(%run_scoped3A : memref<!tpu.dma_semaphore, #tpu.memory_space<semaphore_mem>>) src(%arg10 : memref<128x128xf32, #tpu.memory_space<vmem>>) dst(%dma_wait3A_40 : memref<128x128xf32, #tpu.memory_space<vmem_shared>>)
      tpu.yield
    }) : () -> ()
    %add3A_9 = arith.constant 128 : i32
    %add3A_10 = arith.addi %mul3A_7, %add3A_9 : i32
    "tpu.region"() ({
      %run_scoped3A = tpu.sem_alloc : memref<!tpu.dma_semaphore, #tpu.memory_space<semaphore_mem>>
      %dma_start3A = arith.constant 0 : i32
      %dma_start3A_35 = tpu.memref_slice %arg12[%add3A_10, %dma_start3A] : memref<10112x128xf32, #tpu.memory_space<vmem_shared>> -> memref<128x128xf32, #tpu.memory_space<vmem_shared>>
      %dma_start3A_36 = arith.constant 0 : i32
      %dma_start3A_37 = tpu.memref_slice %arg12[%add3A_10, %dma_start3A_36] : memref<10112x128xf32, #tpu.memory_space<vmem_shared>> -> memref<128x128xf32, #tpu.memory_space<vmem_shared>>
      tpu.enqueue_dma source(%arg10 : memref<128x128xf32, #tpu.memory_space<vmem>>) target(%dma_start3A_37 : memref<128x128xf32, #tpu.memory_space<vmem_shared>>) target_semaphore(%run_scoped3A : memref<!tpu.dma_semaphore, #tpu.memory_space<semaphore_mem>>)
      %dma_wait3A = arith.constant 0 : i32
      %dma_wait3A_38 = tpu.memref_slice %arg12[%add3A_10, %dma_wait3A] : memref<10112x128xf32, #tpu.memory_space<vmem_shared>> -> memref<128x128xf32, #tpu.memory_space<vmem_shared>>
      %dma_wait3A_39 = arith.constant 0 : i32
      %dma_wait3A_40 = tpu.memref_slice %arg12[%add3A_10, %dma_wait3A_39] : memref<10112x128xf32, #tpu.memory_space<vmem_shared>> -> memref<128x128xf32, #tpu.memory_space<vmem_shared>>
      tpu.wait_dma2 semaphore(%run_scoped3A : memref<!tpu.dma_semaphore, #tpu.memory_space<semaphore_mem>>) src(%arg10 : memref<128x128xf32, #tpu.memory_space<vmem>>) dst(%dma_wait3A_40 : memref<128x128xf32, #tpu.memory_space<vmem_shared>>)
      tpu.yield
    }) : () -> ()
    %add3A_11 = arith.constant 256 : i32
    %add3A_12 = arith.addi %mul3A_7, %add3A_11 : i32
    "tpu.region"() ({
      %run_scoped3A = tpu.sem_alloc : memref<!tpu.dma_semaphore, #tpu.memory_space<semaphore_mem>>
      %dma_start3A = arith.constant 0 : i32
      %dma_start3A_35 = tpu.memref_slice %arg12[%add3A_12, %dma_start3A] : memref<10112x128xf32, #tpu.memory_space<vmem_shared>> -> memref<128x128xf32, #tpu.memory_space<vmem_shared>>
      %dma_start3A_36 = arith.constant 0 : i32
      %dma_start3A_37 = tpu.memref_slice %arg12[%add3A_12, %dma_start3A_36] : memref<10112x128xf32, #tpu.memory_space<vmem_shared>> -> memref<128x128xf32, #tpu.memory_space<vmem_shared>>
      tpu.enqueue_dma source(%arg10 : memref<128x128xf32, #tpu.memory_space<vmem>>) target(%dma_start3A_37 : memref<128x128xf32, #tpu.memory_space<vmem_shared>>) target_semaphore(%run_scoped3A : memref<!tpu.dma_semaphore, #tpu.memory_space<semaphore_mem>>)
      %dma_wait3A = arith.constant 0 : i32
      %dma_wait3A_38 = tpu.memref_slice %arg12[%add3A_12, %dma_wait3A] : memref<10112x128xf32, #tpu.memory_space<vmem_shared>> -> memref<128x128xf32, #tpu.memory_space<vmem_shared>>
      %dma_wait3A_39 = arith.constant 0 : i32
      %dma_wait3A_40 = tpu.memref_slice %arg12[%add3A_12, %dma_wait3A_39] : memref<10112x128xf32, #tpu.memory_space<vmem_shared>> -> memref<128x128xf32, #tpu.memory_space<vmem_shared>>
      tpu.wait_dma2 semaphore(%run_scoped3A : memref<!tpu.dma_semaphore, #tpu.memory_space<semaphore_mem>>) src(%arg10 : memref<128x128xf32, #tpu.memory_space<vmem>>) dst(%dma_wait3A_40 : memref<128x128xf32, #tpu.memory_space<vmem_shared>>)
      tpu.yield
    }) : () -> ()
    %add3A_13 = arith.constant 384 : i32
    %add3A_14 = arith.addi %mul3A_7, %add3A_13 : i32
    "tpu.region"() ({
      %run_scoped3A = tpu.sem_alloc : memref<!tpu.dma_semaphore, #tpu.memory_space<semaphore_mem>>
      %dma_start3A = arith.constant 0 : i32
      %dma_start3A_35 = tpu.memref_slice %arg12[%add3A_14, %dma_start3A] : memref<10112x128xf32, #tpu.memory_space<vmem_shared>> -> memref<128x128xf32, #tpu.memory_space<vmem_shared>>
      %dma_start3A_36 = arith.constant 0 : i32
      %dma_start3A_37 = tpu.memref_slice %arg12[%add3A_14, %dma_start3A_36] : memref<10112x128xf32, #tpu.memory_space<vmem_shared>> -> memref<128x128xf32, #tpu.memory_space<vmem_shared>>
      tpu.enqueue_dma source(%arg10 : memref<128x128xf32, #tpu.memory_space<vmem>>) target(%dma_start3A_37 : memref<128x128xf32, #tpu.memory_space<vmem_shared>>) target_semaphore(%run_scoped3A : memref<!tpu.dma_semaphore, #tpu.memory_space<semaphore_mem>>)
      %dma_wait3A = arith.constant 0 : i32
      %dma_wait3A_38 = tpu.memref_slice %arg12[%add3A_14, %dma_wait3A] : memref<10112x128xf32, #tpu.memory_space<vmem_shared>> -> memref<128x128xf32, #tpu.memory_space<vmem_shared>>
      %dma_wait3A_39 = arith.constant 0 : i32
      %dma_wait3A_40 = tpu.memref_slice %arg12[%add3A_14, %dma_wait3A_39] : memref<10112x128xf32, #tpu.memory_space<vmem_shared>> -> memref<128x128xf32, #tpu.memory_space<vmem_shared>>
      tpu.wait_dma2 semaphore(%run_scoped3A : memref<!tpu.dma_semaphore, #tpu.memory_space<semaphore_mem>>) src(%arg10 : memref<128x128xf32, #tpu.memory_space<vmem>>) dst(%dma_wait3A_40 : memref<128x128xf32, #tpu.memory_space<vmem_shared>>)
      tpu.yield
    }) : () -> ()
    %add3A_15 = arith.constant 512 : i32
    %add3A_16 = arith.addi %mul3A_7, %add3A_15 : i32
    "tpu.region"() ({
      %run_scoped3A = tpu.sem_alloc : memref<!tpu.dma_semaphore, #tpu.memory_space<semaphore_mem>>
      %dma_start3A = arith.constant 0 : i32
      %dma_start3A_35 = arith.constant 0 : i32
      %dma_start3A_36 = tpu.memref_slice %arg10[%dma_start3A, %dma_start3A_35] : memref<128x128xf32, #tpu.memory_space<vmem>> -> memref<120x128xf32, #tpu.memory_space<vmem>>
      %dma_start3A_37 = arith.constant 0 : i32
      %dma_start3A_38 = tpu.memref_slice %arg12[%add3A_16, %dma_start3A_37] : memref<10112x128xf32, #tpu.memory_space<vmem_shared>> -> memref<120x128xf32, #tpu.memory_space<vmem_shared>>
      %dma_start3A_39 = arith.constant 0 : i32
      %dma_start3A_40 = tpu.memref_slice %arg12[%add3A_16, %dma_start3A_39] : memref<10112x128xf32, #tpu.memory_space<vmem_shared>> -> memref<120x128xf32, #tpu.memory_space<vmem_shared>>
      %dma_start3A_41 = arith.constant 0 : i32
      %dma_start3A_42 = arith.constant 0 : i32
      %dma_start3A_43 = tpu.memref_slice %arg10[%dma_start3A_41, %dma_start3A_42] : memref<128x128xf32, #tpu.memory_space<vmem>> -> memref<120x128xf32, #tpu.memory_space<vmem>>
      tpu.enqueue_dma source(%dma_start3A_43 : memref<120x128xf32, #tpu.memory_space<vmem>>) target(%dma_start3A_40 : memref<120x128xf32, #tpu.memory_space<vmem_shared>>) target_semaphore(%run_scoped3A : memref<!tpu.dma_semaphore, #tpu.memory_space<semaphore_mem>>)
      %dma_wait3A = arith.constant 0 : i32
      %dma_wait3A_44 = arith.constant 0 : i32
      %dma_wait3A_45 = tpu.memref_slice %arg10[%dma_wait3A, %dma_wait3A_44] : memref<128x128xf32, #tpu.memory_space<vmem>> -> memref<120x128xf32, #tpu.memory_space<vmem>>
      %dma_wait3A_46 = arith.constant 0 : i32
      %dma_wait3A_47 = tpu.memref_slice %arg12[%add3A_16, %dma_wait3A_46] : memref<10112x128xf32, #tpu.memory_space<vmem_shared>> -> memref<120x128xf32, #tpu.memory_space<vmem_shared>>
      %dma_wait3A_48 = arith.constant 0 : i32
      %dma_wait3A_49 = tpu.memref_slice %arg12[%add3A_16, %dma_wait3A_48] : memref<10112x128xf32, #tpu.memory_space<vmem_shared>> -> memref<120x128xf32, #tpu.memory_space<vmem_shared>>
      %dma_wait3A_50 = arith.constant 0 : i32
      %dma_wait3A_51 = arith.constant 0 : i32
      %dma_wait3A_52 = tpu.memref_slice %arg10[%dma_wait3A_50, %dma_wait3A_51] : memref<128x128xf32, #tpu.memory_space<vmem>> -> memref<120x128xf32, #tpu.memory_space<vmem>>
      tpu.wait_dma2 semaphore(%run_scoped3A : memref<!tpu.dma_semaphore, #tpu.memory_space<semaphore_mem>>) src(%dma_wait3A_52 : memref<120x128xf32, #tpu.memory_space<vmem>>) dst(%dma_wait3A_49 : memref<120x128xf32, #tpu.memory_space<vmem_shared>>)
      tpu.yield
    }) : () -> ()
    %barrier3A = arith.constant 0 : index
    tpu.barrier barrier_id(%barrier3A)
    %eq3A = arith.constant 0 : i32
    %eq3A_17 = arith.cmpi eq, %arg0, %eq3A : i32
    %convert_element_type3A = arith.extui %eq3A_17 : i1 to i32
    %cond3A = arith.constant 0 : i32
    %cond3A_18 = arith.cmpi ne, %convert_element_type3A, %cond3A : i32
    scf.if %cond3A_18 {
      %mul3A_35 = arith.constant 80 : i32
      %mul3A_36 = arith.muli %arg1, %mul3A_35 : i32
      %add3A_37 = arith.constant 0 : i32
      %add3A_38 = arith.addi %mul3A_36, %add3A_37 : i32
      "tpu.region"() ({
        %run_scoped3A = tpu.sem_alloc : memref<!tpu.dma_semaphore, #tpu.memory_space<semaphore_mem>>
        %dma_start3A_92 = arith.constant 0 : i32
        %dma_start3A_93 = tpu.memref_slice %arg4[%add3A_38, %dma_start3A_92] : memref<1280x128xi32, #tpu.memory_space<hbm>> -> memref<40x128xi32, #tpu.memory_space<hbm>>
        %dma_start3A_94 = arith.constant 0 : i32
        %dma_start3A_95 = tpu.memref_slice %arg4[%add3A_38, %dma_start3A_94] : memref<1280x128xi32, #tpu.memory_space<hbm>> -> memref<40x128xi32, #tpu.memory_space<hbm>>
        tpu.enqueue_dma source(%dma_start3A_95 : memref<40x128xi32, #tpu.memory_space<hbm>>) target(%arg8 : memref<40x128xi32, #tpu.memory_space<vmem>>) target_semaphore(%run_scoped3A : memref<!tpu.dma_semaphore, #tpu.memory_space<semaphore_mem>>)
        %dma_wait3A = arith.constant 0 : i32
        %dma_wait3A_96 = tpu.memref_slice %arg4[%add3A_38, %dma_wait3A] : memref<1280x128xi32, #tpu.memory_space<hbm>> -> memref<40x128xi32, #tpu.memory_space<hbm>>
        %dma_wait3A_97 = arith.constant 0 : i32
        %dma_wait3A_98 = tpu.memref_slice %arg4[%add3A_38, %dma_wait3A_97] : memref<1280x128xi32, #tpu.memory_space<hbm>> -> memref<40x128xi32, #tpu.memory_space<hbm>>
        tpu.wait_dma2 semaphore(%run_scoped3A : memref<!tpu.dma_semaphore, #tpu.memory_space<semaphore_mem>>) src(%dma_wait3A_98 : memref<40x128xi32, #tpu.memory_space<hbm>>) dst(%arg8 : memref<40x128xi32, #tpu.memory_space<vmem>>)
        tpu.yield
      }) : () -> ()
      %mul3A_39 = arith.constant 80 : i32
      %mul3A_40 = arith.muli %arg1, %mul3A_39 : i32
      %add3A_41 = arith.constant 0 : i32
      %add3A_42 = arith.addi %mul3A_40, %add3A_41 : i32
      "tpu.region"() ({
        %run_scoped3A = tpu.sem_alloc : memref<!tpu.dma_semaphore, #tpu.memory_space<semaphore_mem>>
        %dma_start3A_92 = arith.constant 0 : i32
        %dma_start3A_93 = tpu.memref_slice %arg5[%add3A_42, %dma_start3A_92] : memref<1280x128xi32, #tpu.memory_space<hbm>> -> memref<40x128xi32, #tpu.memory_space<hbm>>
        %dma_start3A_94 = arith.constant 0 : i32
        %dma_start3A_95 = tpu.memref_slice %arg5[%add3A_42, %dma_start3A_94] : memref<1280x128xi32, #tpu.memory_space<hbm>> -> memref<40x128xi32, #tpu.memory_space<hbm>>
        tpu.enqueue_dma source(%dma_start3A_95 : memref<40x128xi32, #tpu.memory_space<hbm>>) target(%arg9 : memref<40x128xi32, #tpu.memory_space<vmem>>) target_semaphore(%run_scoped3A : memref<!tpu.dma_semaphore, #tpu.memory_space<semaphore_mem>>)
        %dma_wait3A = arith.constant 0 : i32
        %dma_wait3A_96 = tpu.memref_slice %arg5[%add3A_42, %dma_wait3A] : memref<1280x128xi32, #tpu.memory_space<hbm>> -> memref<40x128xi32, #tpu.memory_space<hbm>>
        %dma_wait3A_97 = arith.constant 0 : i32
        %dma_wait3A_98 = tpu.memref_slice %arg5[%add3A_42, %dma_wait3A_97] : memref<1280x128xi32, #tpu.memory_space<hbm>> -> memref<40x128xi32, #tpu.memory_space<hbm>>
        tpu.wait_dma2 semaphore(%run_scoped3A : memref<!tpu.dma_semaphore, #tpu.memory_space<semaphore_mem>>) src(%dma_wait3A_98 : memref<40x128xi32, #tpu.memory_space<hbm>>) dst(%arg9 : memref<40x128xi32, #tpu.memory_space<vmem>>)
        tpu.yield
      }) : () -> ()
      %dma_start3A = arith.constant 0 : i32
      %dma_start3A_43 = arith.constant 0 : i32
      %dma_start3A_44 = tpu.memref_slice %arg8[%dma_start3A, %dma_start3A_43] : memref<40x128xi32, #tpu.memory_space<vmem>> -> memref<1x128xi32, #tpu.memory_space<vmem>>
      %dma_start3A_45 = tpu.memref_squeeze %dma_start3A_44 : memref<1x128xi32, #tpu.memory_space<vmem>> -> memref<128xi32, #tpu.memory_space<vmem>>
      %dma_start3A_46 = arith.constant 0 : i32
      %dma_start3A_47 = arith.constant 0 : i32
      %dma_start3A_48 = tpu.memref_slice %arg2[%dma_start3A_46, %dma_start3A_47] : memref<10000x128xf32, #tpu.memory_space<hbm>> -> memref<10000x128xf32, #tpu.memory_space<hbm>>
      tpu.enqueue_indirect_dma source(%dma_start3A_48 : memref<10000x128xf32, #tpu.memory_space<hbm>>) target(%arg10 : memref<128x128xf32, #tpu.memory_space<vmem>>) offsets(%dma_start3A_45 : memref<128xi32, #tpu.memory_space<vmem>>) semaphore(%arg13 : memref<!tpu.dma_semaphore, #tpu.memory_space<semaphore_mem>>)
      %dma_start3A_49 = arith.constant 1 : i32
      %dma_start3A_50 = arith.constant 0 : i32
      %dma_start3A_51 = tpu.memref_slice %arg8[%dma_start3A_49, %dma_start3A_50] : memref<40x128xi32, #tpu.memory_space<vmem>> -> memref<1x128xi32, #tpu.memory_space<vmem>>
      %dma_start3A_52 = tpu.memref_squeeze %dma_start3A_51 : memref<1x128xi32, #tpu.memory_space<vmem>> -> memref<128xi32, #tpu.memory_space<vmem>>
      %dma_start3A_53 = arith.constant 0 : i32
      %dma_start3A_54 = arith.constant 0 : i32
      %dma_start3A_55 = tpu.memref_slice %arg2[%dma_start3A_53, %dma_start3A_54] : memref<10000x128xf32, #tpu.memory_space<hbm>> -> memref<10000x128xf32, #tpu.memory_space<hbm>>
      tpu.enqueue_indirect_dma source(%dma_start3A_55 : memref<10000x128xf32, #tpu.memory_space<hbm>>) target(%arg11 : memref<128x128xf32, #tpu.memory_space<vmem>>) offsets(%dma_start3A_52 : memref<128xi32, #tpu.memory_space<vmem>>) semaphore(%arg14 : memref<!tpu.dma_semaphore, #tpu.memory_space<semaphore_mem>>)
      %scan3A_56 = arith.constant 0 : i32
      %scan3A_57 = arith.constant 0 : i32
      %scan3A_58 = arith.constant 20 : i32
      %scan3A_59 = arith.addi %scan3A_57, %scan3A_58 : i32
      %scan3A_60 = arith.constant 1 : i32
      %scan3A_61 = scf.for %scan3A_92 = %scan3A_57 to %scan3A_59 step %scan3A_60 iter_args(%scan3A_93 = %scan3A_56) -> (i32)  : i32 {
        %mul3A_94 = arith.constant 2 : i32
        %mul3A_95 = arith.muli %scan3A_92, %mul3A_94 : i32
        %dma_wait3A = arith.constant 0 : i32
        %dma_wait3A_96 = arith.constant 0 : i32
        %dma_wait3A_97 = tpu.memref_slice %arg8[%dma_wait3A, %dma_wait3A_96] : memref<40x128xi32, #tpu.memory_space<vmem>> -> memref<1x128xi32, #tpu.memory_space<vmem>>
        %dma_wait3A_98 = tpu.memref_squeeze %dma_wait3A_97 : memref<1x128xi32, #tpu.memory_space<vmem>> -> memref<128xi32, #tpu.memory_space<vmem>>
        %dma_wait3A_99 = arith.constant 0 : i32
        %dma_wait3A_100 = arith.constant 0 : i32
        %dma_wait3A_101 = tpu.memref_slice %arg2[%dma_wait3A_99, %dma_wait3A_100] : memref<10000x128xf32, #tpu.memory_space<hbm>> -> memref<10000x128xf32, #tpu.memory_space<hbm>>
        tpu.wait_indirect_dma semaphore(%arg13 : memref<!tpu.dma_semaphore, #tpu.memory_space<semaphore_mem>>) src(%dma_wait3A_101 : memref<10000x128xf32, #tpu.memory_space<hbm>>) dst(%arg10 : memref<128x128xf32, #tpu.memory_space<vmem>>)
        "tpu.region"() ({
          %run_scoped3A = tpu.sem_alloc : memref<!tpu.dma_semaphore, #tpu.memory_space<semaphore_mem>>
          %dma_start3A_125 = arith.constant 0 : i32
          %dma_start3A_126 = tpu.memref_slice %arg9[%mul3A_95, %dma_start3A_125] : memref<40x128xi32, #tpu.memory_space<vmem>> -> memref<1x128xi32, #tpu.memory_space<vmem>>
          %dma_start3A_127 = tpu.memref_squeeze %dma_start3A_126 : memref<1x128xi32, #tpu.memory_space<vmem>> -> memref<128xi32, #tpu.memory_space<vmem>>
          %dma_start3A_128 = arith.constant 0 : i32
          %dma_start3A_129 = arith.constant 0 : i32
          %dma_start3A_130 = tpu.memref_slice %arg12[%dma_start3A_128, %dma_start3A_129] : memref<10112x128xf32, #tpu.memory_space<vmem_shared>> -> memref<10112x128xf32, #tpu.memory_space<vmem_shared>>
          tpu.enqueue_indirect_dma source(%arg10 : memref<128x128xf32, #tpu.memory_space<vmem>>) target(%dma_start3A_130 : memref<10112x128xf32, #tpu.memory_space<vmem_shared>>) offsets(%dma_start3A_127 : memref<128xi32, #tpu.memory_space<vmem>>) semaphore(%run_scoped3A : memref<!tpu.dma_semaphore, #tpu.memory_space<semaphore_mem>>) {add = true}
          %dma_wait3A_131 = arith.constant 0 : i32
          %dma_wait3A_132 = tpu.memref_slice %arg9[%mul3A_95, %dma_wait3A_131] : memref<40x128xi32, #tpu.memory_space<vmem>> -> memref<1x128xi32, #tpu.memory_space<vmem>>
          %dma_wait3A_133 = tpu.memref_squeeze %dma_wait3A_132 : memref<1x128xi32, #tpu.memory_space<vmem>> -> memref<128xi32, #tpu.memory_space<vmem>>
          %dma_wait3A_134 = arith.constant 0 : i32
          %dma_wait3A_135 = arith.constant 0 : i32
          %dma_wait3A_136 = tpu.memref_slice %arg12[%dma_wait3A_134, %dma_wait3A_135] : memref<10112x128xf32, #tpu.memory_space<vmem_shared>> -> memref<10112x128xf32, #tpu.memory_space<vmem_shared>>
          tpu.wait_indirect_dma semaphore(%run_scoped3A : memref<!tpu.dma_semaphore, #tpu.memory_space<semaphore_mem>>) src(%arg10 : memref<128x128xf32, #tpu.memory_space<vmem>>) dst(%dma_wait3A_136 : memref<10112x128xf32, #tpu.memory_space<vmem_shared>>)
          tpu.yield
        }) : () -> ()
        %add3A_102 = arith.constant 2 : i32
        %add3A_103 = arith.addi %mul3A_95, %add3A_102 : i32
        %lt3A = arith.constant 40 : i32
        %lt3A_104 = arith.cmpi slt, %add3A_103, %lt3A : i32
        %convert_element_type3A_105 = arith.extui %lt3A_104 : i1 to i32
        %cond3A_106 = arith.constant 0 : i32
        %cond3A_107 = arith.cmpi ne, %convert_element_type3A_105, %cond3A_106 : i32
        scf.if %cond3A_107 {
          %add3A_125 = arith.constant 2 : i32
          %add3A_126 = arith.addi %mul3A_95, %add3A_125 : i32
          %dma_start3A_127 = arith.constant 0 : i32
          %dma_start3A_128 = tpu.memref_slice %arg8[%add3A_126, %dma_start3A_127] : memref<40x128xi32, #tpu.memory_space<vmem>> -> memref<1x128xi32, #tpu.memory_space<vmem>>
          %dma_start3A_129 = tpu.memref_squeeze %dma_start3A_128 : memref<1x128xi32, #tpu.memory_space<vmem>> -> memref<128xi32, #tpu.memory_space<vmem>>
          %dma_start3A_130 = arith.constant 0 : i32
          %dma_start3A_131 = arith.constant 0 : i32
          %dma_start3A_132 = tpu.memref_slice %arg2[%dma_start3A_130, %dma_start3A_131] : memref<10000x128xf32, #tpu.memory_space<hbm>> -> memref<10000x128xf32, #tpu.memory_space<hbm>>
          tpu.enqueue_indirect_dma source(%dma_start3A_132 : memref<10000x128xf32, #tpu.memory_space<hbm>>) target(%arg10 : memref<128x128xf32, #tpu.memory_space<vmem>>) offsets(%dma_start3A_129 : memref<128xi32, #tpu.memory_space<vmem>>) semaphore(%arg13 : memref<!tpu.dma_semaphore, #tpu.memory_space<semaphore_mem>>)
        } else {
        }
        %dma_wait3A_108 = arith.constant 0 : i32
        %dma_wait3A_109 = arith.constant 0 : i32
        %dma_wait3A_110 = tpu.memref_slice %arg8[%dma_wait3A_108, %dma_wait3A_109] : memref<40x128xi32, #tpu.memory_space<vmem>> -> memref<1x128xi32, #tpu.memory_space<vmem>>
        %dma_wait3A_111 = tpu.memref_squeeze %dma_wait3A_110 : memref<1x128xi32, #tpu.memory_space<vmem>> -> memref<128xi32, #tpu.memory_space<vmem>>
        %dma_wait3A_112 = arith.constant 0 : i32
        %dma_wait3A_113 = arith.constant 0 : i32
        %dma_wait3A_114 = tpu.memref_slice %arg2[%dma_wait3A_112, %dma_wait3A_113] : memref<10000x128xf32, #tpu.memory_space<hbm>> -> memref<10000x128xf32, #tpu.memory_space<hbm>>
        tpu.wait_indirect_dma semaphore(%arg14 : memref<!tpu.dma_semaphore, #tpu.memory_space<semaphore_mem>>) src(%dma_wait3A_114 : memref<10000x128xf32, #tpu.memory_space<hbm>>) dst(%arg11 : memref<128x128xf32, #tpu.memory_space<vmem>>)
        %add3A_115 = arith.constant 1 : i32
        %add3A_116 = arith.addi %mul3A_95, %add3A_115 : i32
        "tpu.region"() ({
          %run_scoped3A = tpu.sem_alloc : memref<!tpu.dma_semaphore, #tpu.memory_space<semaphore_mem>>
          %dma_start3A_125 = arith.constant 0 : i32
          %dma_start3A_126 = tpu.memref_slice %arg9[%add3A_116, %dma_start3A_125] : memref<40x128xi32, #tpu.memory_space<vmem>> -> memref<1x128xi32, #tpu.memory_space<vmem>>
          %dma_start3A_127 = tpu.memref_squeeze %dma_start3A_126 : memref<1x128xi32, #tpu.memory_space<vmem>> -> memref<128xi32, #tpu.memory_space<vmem>>
          %dma_start3A_128 = arith.constant 0 : i32
          %dma_start3A_129 = arith.constant 0 : i32
          %dma_start3A_130 = tpu.memref_slice %arg12[%dma_start3A_128, %dma_start3A_129] : memref<10112x128xf32, #tpu.memory_space<vmem_shared>> -> memref<10112x128xf32, #tpu.memory_space<vmem_shared>>
          tpu.enqueue_indirect_dma source(%arg11 : memref<128x128xf32, #tpu.memory_space<vmem>>) target(%dma_start3A_130 : memref<10112x128xf32, #tpu.memory_space<vmem_shared>>) offsets(%dma_start3A_127 : memref<128xi32, #tpu.memory_space<vmem>>) semaphore(%run_scoped3A : memref<!tpu.dma_semaphore, #tpu.memory_space<semaphore_mem>>) {add = true}
          %dma_wait3A_131 = arith.constant 0 : i32
          %dma_wait3A_132 = tpu.memref_slice %arg9[%add3A_116, %dma_wait3A_131] : memref<40x128xi32, #tpu.memory_space<vmem>> -> memref<1x128xi32, #tpu.memory_space<vmem>>
          %dma_wait3A_133 = tpu.memref_squeeze %dma_wait3A_132 : memref<1x128xi32, #tpu.memory_space<vmem>> -> memref<128xi32, #tpu.memory_space<vmem>>
          %dma_wait3A_134 = arith.constant 0 : i32
          %dma_wait3A_135 = arith.constant 0 : i32
          %dma_wait3A_136 = tpu.memref_slice %arg12[%dma_wait3A_134, %dma_wait3A_135] : memref<10112x128xf32, #tpu.memory_space<vmem_shared>> -> memref<10112x128xf32, #tpu.memory_space<vmem_shared>>
          tpu.wait_indirect_dma semaphore(%run_scoped3A : memref<!tpu.dma_semaphore, #tpu.memory_space<semaphore_mem>>) src(%arg11 : memref<128x128xf32, #tpu.memory_space<vmem>>) dst(%dma_wait3A_136 : memref<10112x128xf32, #tpu.memory_space<vmem_shared>>)
          tpu.yield
        }) : () -> ()
        %add3A_117 = arith.constant 3 : i32
        %add3A_118 = arith.addi %mul3A_95, %add3A_117 : i32
        %lt3A_119 = arith.constant 40 : i32
        %lt3A_120 = arith.cmpi slt, %add3A_118, %lt3A_119 : i32
        %convert_element_type3A_121 = arith.extui %lt3A_120 : i1 to i32
        %cond3A_122 = arith.constant 0 : i32
        %cond3A_123 = arith.cmpi ne, %convert_element_type3A_121, %cond3A_122 : i32
        scf.if %cond3A_123 {
          %add3A_125 = arith.constant 3 : i32
          %add3A_126 = arith.addi %mul3A_95, %add3A_125 : i32
          %dma_start3A_127 = arith.constant 0 : i32
          %dma_start3A_128 = tpu.memref_slice %arg8[%add3A_126, %dma_start3A_127] : memref<40x128xi32, #tpu.memory_space<vmem>> -> memref<1x128xi32, #tpu.memory_space<vmem>>
          %dma_start3A_129 = tpu.memref_squeeze %dma_start3A_128 : memref<1x128xi32, #tpu.memory_space<vmem>> -> memref<128xi32, #tpu.memory_space<vmem>>
          %dma_start3A_130 = arith.constant 0 : i32
          %dma_start3A_131 = arith.constant 0 : i32
          %dma_start3A_132 = tpu.memref_slice %arg2[%dma_start3A_130, %dma_start3A_131] : memref<10000x128xf32, #tpu.memory_space<hbm>> -> memref<10000x128xf32, #tpu.memory_space<hbm>>
          tpu.enqueue_indirect_dma source(%dma_start3A_132 : memref<10000x128xf32, #tpu.memory_space<hbm>>) target(%arg11 : memref<128x128xf32, #tpu.memory_space<vmem>>) offsets(%dma_start3A_129 : memref<128xi32, #tpu.memory_space<vmem>>) semaphore(%arg14 : memref<!tpu.dma_semaphore, #tpu.memory_space<semaphore_mem>>)
        } else {
        }
        %scan3A_124 = arith.constant 0 : i32
        scf.yield %scan3A_124 : i32
      }
      %scan3A_62 = arith.constant 20 : i32
      %mul3A_63 = arith.constant 80 : i32
      %mul3A_64 = arith.muli %arg1, %mul3A_63 : i32
      %add3A_65 = arith.constant 40 : i32
      %add3A_66 = arith.addi %mul3A_64, %add3A_65 : i32
      "tpu.region"() ({
        %run_scoped3A = tpu.sem_alloc : memref<!tpu.dma_semaphore, #tpu.memory_space<semaphore_mem>>
        %dma_start3A_92 = arith.constant 0 : i32
        %dma_start3A_93 = tpu.memref_slice %arg4[%add3A_66, %dma_start3A_92] : memref<1280x128xi32, #tpu.memory_space<hbm>> -> memref<40x128xi32, #tpu.memory_space<hbm>>
        %dma_start3A_94 = arith.constant 0 : i32
        %dma_start3A_95 = tpu.memref_slice %arg4[%add3A_66, %dma_start3A_94] : memref<1280x128xi32, #tpu.memory_space<hbm>> -> memref<40x128xi32, #tpu.memory_space<hbm>>
        tpu.enqueue_dma source(%dma_start3A_95 : memref<40x128xi32, #tpu.memory_space<hbm>>) target(%arg8 : memref<40x128xi32, #tpu.memory_space<vmem>>) target_semaphore(%run_scoped3A : memref<!tpu.dma_semaphore, #tpu.memory_space<semaphore_mem>>)
        %dma_wait3A = arith.constant 0 : i32
        %dma_wait3A_96 = tpu.memref_slice %arg4[%add3A_66, %dma_wait3A] : memref<1280x128xi32, #tpu.memory_space<hbm>> -> memref<40x128xi32, #tpu.memory_space<hbm>>
        %dma_wait3A_97 = arith.constant 0 : i32
        %dma_wait3A_98 = tpu.memref_slice %arg4[%add3A_66, %dma_wait3A_97] : memref<1280x128xi32, #tpu.memory_space<hbm>> -> memref<40x128xi32, #tpu.memory_space<hbm>>
        tpu.wait_dma2 semaphore(%run_scoped3A : memref<!tpu.dma_semaphore, #tpu.memory_space<semaphore_mem>>) src(%dma_wait3A_98 : memref<40x128xi32, #tpu.memory_space<hbm>>) dst(%arg8 : memref<40x128xi32, #tpu.memory_space<vmem>>)
        tpu.yield
      }) : () -> ()
      %mul3A_67 = arith.constant 80 : i32
      %mul3A_68 = arith.muli %arg1, %mul3A_67 : i32
      %add3A_69 = arith.constant 40 : i32
      %add3A_70 = arith.addi %mul3A_68, %add3A_69 : i32
      "tpu.region"() ({
        %run_scoped3A = tpu.sem_alloc : memref<!tpu.dma_semaphore, #tpu.memory_space<semaphore_mem>>
        %dma_start3A_92 = arith.constant 0 : i32
        %dma_start3A_93 = tpu.memref_slice %arg5[%add3A_70, %dma_start3A_92] : memref<1280x128xi32, #tpu.memory_space<hbm>> -> memref<40x128xi32, #tpu.memory_space<hbm>>
        %dma_start3A_94 = arith.constant 0 : i32
        %dma_start3A_95 = tpu.memref_slice %arg5[%add3A_70, %dma_start3A_94] : memref<1280x128xi32, #tpu.memory_space<hbm>> -> memref<40x128xi32, #tpu.memory_space<hbm>>
        tpu.enqueue_dma source(%dma_start3A_95 : memref<40x128xi32, #tpu.memory_space<hbm>>) target(%arg9 : memref<40x128xi32, #tpu.memory_space<vmem>>) target_semaphore(%run_scoped3A : memref<!tpu.dma_semaphore, #tpu.memory_space<semaphore_mem>>)
        %dma_wait3A = arith.constant 0 : i32
        %dma_wait3A_96 = tpu.memref_slice %arg5[%add3A_70, %dma_wait3A] : memref<1280x128xi32, #tpu.memory_space<hbm>> -> memref<40x128xi32, #tpu.memory_space<hbm>>
        %dma_wait3A_97 = arith.constant 0 : i32
        %dma_wait3A_98 = tpu.memref_slice %arg5[%add3A_70, %dma_wait3A_97] : memref<1280x128xi32, #tpu.memory_space<hbm>> -> memref<40x128xi32, #tpu.memory_space<hbm>>
        tpu.wait_dma2 semaphore(%run_scoped3A : memref<!tpu.dma_semaphore, #tpu.memory_space<semaphore_mem>>) src(%dma_wait3A_98 : memref<40x128xi32, #tpu.memory_space<hbm>>) dst(%arg9 : memref<40x128xi32, #tpu.memory_space<vmem>>)
        tpu.yield
      }) : () -> ()
      %dma_start3A_71 = arith.constant 0 : i32
      %dma_start3A_72 = arith.constant 0 : i32
      %dma_start3A_73 = tpu.memref_slice %arg8[%dma_start3A_71, %dma_start3A_72] : memref<40x128xi32, #tpu.memory_space<vmem>> -> memref<1x128xi32, #tpu.memory_space<vmem>>
      %dma_start3A_74 = tpu.memref_squeeze %dma_start3A_73 : memref<1x128xi32, #tpu.memory_space<vmem>> -> memref<128xi32, #tpu.memory_space<vmem>>
      %dma_start3A_75 = arith.constant 0 : i32
      %dma_start3A_76 = arith.constant 0 : i32
      %dma_start3A_77 = tpu.memref_slice %arg2[%dma_start3A_75, %dma_start3A_76] : memref<10000x128xf32, #tpu.memory_space<hbm>> -> memref<10000x128xf32, #tpu.memory_space<hbm>>
      tpu.enqueue_indirect_dma source(%dma_start3A_77 : memref<10000x128xf32, #tpu.memory_space<hbm>>) target(%arg10 : memref<128x128xf32, #tpu.memory_space<vmem>>) offsets(%dma_start3A_74 : memref<128xi32, #tpu.memory_space<vmem>>) semaphore(%arg13 : memref<!tpu.dma_semaphore, #tpu.memory_space<semaphore_mem>>)
      %dma_start3A_78 = arith.constant 1 : i32
      %dma_start3A_79 = arith.constant 0 : i32
      %dma_start3A_80 = tpu.memref_slice %arg8[%dma_start3A_78, %dma_start3A_79] : memref<40x128xi32, #tpu.memory_space<vmem>> -> memref<1x128xi32, #tpu.memory_space<vmem>>
      %dma_start3A_81 = tpu.memref_squeeze %dma_start3A_80 : memref<1x128xi32, #tpu.memory_space<vmem>> -> memref<128xi32, #tpu.memory_space<vmem>>
      %dma_start3A_82 = arith.constant 0 : i32
      %dma_start3A_83 = arith.constant 0 : i32
      %dma_start3A_84 = tpu.memref_slice %arg2[%dma_start3A_82, %dma_start3A_83] : memref<10000x128xf32, #tpu.memory_space<hbm>> -> memref<10000x128xf32, #tpu.memory_space<hbm>>
      tpu.enqueue_indirect_dma source(%dma_start3A_84 : memref<10000x128xf32, #tpu.memory_space<hbm>>) target(%arg11 : memref<128x128xf32, #tpu.memory_space<vmem>>) offsets(%dma_start3A_81 : memref<128xi32, #tpu.memory_space<vmem>>) semaphore(%arg14 : memref<!tpu.dma_semaphore, #tpu.memory_space<semaphore_mem>>)
      %scan3A_85 = arith.constant 0 : i32
      %scan3A_86 = arith.constant 0 : i32
      %scan3A_87 = arith.constant 20 : i32
      %scan3A_88 = arith.addi %scan3A_86, %scan3A_87 : i32
      %scan3A_89 = arith.constant 1 : i32
      %scan3A_90 = scf.for %scan3A_92 = %scan3A_86 to %scan3A_88 step %scan3A_89 iter_args(%scan3A_93 = %scan3A_85) -> (i32)  : i32 {
        %mul3A_94 = arith.constant 2 : i32
        %mul3A_95 = arith.muli %scan3A_92, %mul3A_94 : i32
        %dma_wait3A = arith.constant 0 : i32
        %dma_wait3A_96 = arith.constant 0 : i32
        %dma_wait3A_97 = tpu.memref_slice %arg8[%dma_wait3A, %dma_wait3A_96] : memref<40x128xi32, #tpu.memory_space<vmem>> -> memref<1x128xi32, #tpu.memory_space<vmem>>
        %dma_wait3A_98 = tpu.memref_squeeze %dma_wait3A_97 : memref<1x128xi32, #tpu.memory_space<vmem>> -> memref<128xi32, #tpu.memory_space<vmem>>
        %dma_wait3A_99 = arith.constant 0 : i32
        %dma_wait3A_100 = arith.constant 0 : i32
        %dma_wait3A_101 = tpu.memref_slice %arg2[%dma_wait3A_99, %dma_wait3A_100] : memref<10000x128xf32, #tpu.memory_space<hbm>> -> memref<10000x128xf32, #tpu.memory_space<hbm>>
        tpu.wait_indirect_dma semaphore(%arg13 : memref<!tpu.dma_semaphore, #tpu.memory_space<semaphore_mem>>) src(%dma_wait3A_101 : memref<10000x128xf32, #tpu.memory_space<hbm>>) dst(%arg10 : memref<128x128xf32, #tpu.memory_space<vmem>>)
        "tpu.region"() ({
          %run_scoped3A = tpu.sem_alloc : memref<!tpu.dma_semaphore, #tpu.memory_space<semaphore_mem>>
          %dma_start3A_125 = arith.constant 0 : i32
          %dma_start3A_126 = tpu.memref_slice %arg9[%mul3A_95, %dma_start3A_125] : memref<40x128xi32, #tpu.memory_space<vmem>> -> memref<1x128xi32, #tpu.memory_space<vmem>>
          %dma_start3A_127 = tpu.memref_squeeze %dma_start3A_126 : memref<1x128xi32, #tpu.memory_space<vmem>> -> memref<128xi32, #tpu.memory_space<vmem>>
          %dma_start3A_128 = arith.constant 0 : i32
          %dma_start3A_129 = arith.constant 0 : i32
          %dma_start3A_130 = tpu.memref_slice %arg12[%dma_start3A_128, %dma_start3A_129] : memref<10112x128xf32, #tpu.memory_space<vmem_shared>> -> memref<10112x128xf32, #tpu.memory_space<vmem_shared>>
          tpu.enqueue_indirect_dma source(%arg10 : memref<128x128xf32, #tpu.memory_space<vmem>>) target(%dma_start3A_130 : memref<10112x128xf32, #tpu.memory_space<vmem_shared>>) offsets(%dma_start3A_127 : memref<128xi32, #tpu.memory_space<vmem>>) semaphore(%run_scoped3A : memref<!tpu.dma_semaphore, #tpu.memory_space<semaphore_mem>>) {add = true}
          %dma_wait3A_131 = arith.constant 0 : i32
          %dma_wait3A_132 = tpu.memref_slice %arg9[%mul3A_95, %dma_wait3A_131] : memref<40x128xi32, #tpu.memory_space<vmem>> -> memref<1x128xi32, #tpu.memory_space<vmem>>
          %dma_wait3A_133 = tpu.memref_squeeze %dma_wait3A_132 : memref<1x128xi32, #tpu.memory_space<vmem>> -> memref<128xi32, #tpu.memory_space<vmem>>
          %dma_wait3A_134 = arith.constant 0 : i32
          %dma_wait3A_135 = arith.constant 0 : i32
          %dma_wait3A_136 = tpu.memref_slice %arg12[%dma_wait3A_134, %dma_wait3A_135] : memref<10112x128xf32, #tpu.memory_space<vmem_shared>> -> memref<10112x128xf32, #tpu.memory_space<vmem_shared>>
          tpu.wait_indirect_dma semaphore(%run_scoped3A : memref<!tpu.dma_semaphore, #tpu.memory_space<semaphore_mem>>) src(%arg10 : memref<128x128xf32, #tpu.memory_space<vmem>>) dst(%dma_wait3A_136 : memref<10112x128xf32, #tpu.memory_space<vmem_shared>>)
          tpu.yield
        }) : () -> ()
        %add3A_102 = arith.constant 2 : i32
        %add3A_103 = arith.addi %mul3A_95, %add3A_102 : i32
        %lt3A = arith.constant 40 : i32
        %lt3A_104 = arith.cmpi slt, %add3A_103, %lt3A : i32
        %convert_element_type3A_105 = arith.extui %lt3A_104 : i1 to i32
        %cond3A_106 = arith.constant 0 : i32
        %cond3A_107 = arith.cmpi ne, %convert_element_type3A_105, %cond3A_106 : i32
        scf.if %cond3A_107 {
          %add3A_125 = arith.constant 2 : i32
          %add3A_126 = arith.addi %mul3A_95, %add3A_125 : i32
          %dma_start3A_127 = arith.constant 0 : i32
          %dma_start3A_128 = tpu.memref_slice %arg8[%add3A_126, %dma_start3A_127] : memref<40x128xi32, #tpu.memory_space<vmem>> -> memref<1x128xi32, #tpu.memory_space<vmem>>
          %dma_start3A_129 = tpu.memref_squeeze %dma_start3A_128 : memref<1x128xi32, #tpu.memory_space<vmem>> -> memref<128xi32, #tpu.memory_space<vmem>>
          %dma_start3A_130 = arith.constant 0 : i32
          %dma_start3A_131 = arith.constant 0 : i32
          %dma_start3A_132 = tpu.memref_slice %arg2[%dma_start3A_130, %dma_start3A_131] : memref<10000x128xf32, #tpu.memory_space<hbm>> -> memref<10000x128xf32, #tpu.memory_space<hbm>>
          tpu.enqueue_indirect_dma source(%dma_start3A_132 : memref<10000x128xf32, #tpu.memory_space<hbm>>) target(%arg10 : memref<128x128xf32, #tpu.memory_space<vmem>>) offsets(%dma_start3A_129 : memref<128xi32, #tpu.memory_space<vmem>>) semaphore(%arg13 : memref<!tpu.dma_semaphore, #tpu.memory_space<semaphore_mem>>)
        } else {
        }
        %dma_wait3A_108 = arith.constant 0 : i32
        %dma_wait3A_109 = arith.constant 0 : i32
        %dma_wait3A_110 = tpu.memref_slice %arg8[%dma_wait3A_108, %dma_wait3A_109] : memref<40x128xi32, #tpu.memory_space<vmem>> -> memref<1x128xi32, #tpu.memory_space<vmem>>
        %dma_wait3A_111 = tpu.memref_squeeze %dma_wait3A_110 : memref<1x128xi32, #tpu.memory_space<vmem>> -> memref<128xi32, #tpu.memory_space<vmem>>
        %dma_wait3A_112 = arith.constant 0 : i32
        %dma_wait3A_113 = arith.constant 0 : i32
        %dma_wait3A_114 = tpu.memref_slice %arg2[%dma_wait3A_112, %dma_wait3A_113] : memref<10000x128xf32, #tpu.memory_space<hbm>> -> memref<10000x128xf32, #tpu.memory_space<hbm>>
        tpu.wait_indirect_dma semaphore(%arg14 : memref<!tpu.dma_semaphore, #tpu.memory_space<semaphore_mem>>) src(%dma_wait3A_114 : memref<10000x128xf32, #tpu.memory_space<hbm>>) dst(%arg11 : memref<128x128xf32, #tpu.memory_space<vmem>>)
        %add3A_115 = arith.constant 1 : i32
        %add3A_116 = arith.addi %mul3A_95, %add3A_115 : i32
        "tpu.region"() ({
          %run_scoped3A = tpu.sem_alloc : memref<!tpu.dma_semaphore, #tpu.memory_space<semaphore_mem>>
          %dma_start3A_125 = arith.constant 0 : i32
          %dma_start3A_126 = tpu.memref_slice %arg9[%add3A_116, %dma_start3A_125] : memref<40x128xi32, #tpu.memory_space<vmem>> -> memref<1x128xi32, #tpu.memory_space<vmem>>
          %dma_start3A_127 = tpu.memref_squeeze %dma_start3A_126 : memref<1x128xi32, #tpu.memory_space<vmem>> -> memref<128xi32, #tpu.memory_space<vmem>>
          %dma_start3A_128 = arith.constant 0 : i32
          %dma_start3A_129 = arith.constant 0 : i32
          %dma_start3A_130 = tpu.memref_slice %arg12[%dma_start3A_128, %dma_start3A_129] : memref<10112x128xf32, #tpu.memory_space<vmem_shared>> -> memref<10112x128xf32, #tpu.memory_space<vmem_shared>>
          tpu.enqueue_indirect_dma source(%arg11 : memref<128x128xf32, #tpu.memory_space<vmem>>) target(%dma_start3A_130 : memref<10112x128xf32, #tpu.memory_space<vmem_shared>>) offsets(%dma_start3A_127 : memref<128xi32, #tpu.memory_space<vmem>>) semaphore(%run_scoped3A : memref<!tpu.dma_semaphore, #tpu.memory_space<semaphore_mem>>) {add = true}
          %dma_wait3A_131 = arith.constant 0 : i32
          %dma_wait3A_132 = tpu.memref_slice %arg9[%add3A_116, %dma_wait3A_131] : memref<40x128xi32, #tpu.memory_space<vmem>> -> memref<1x128xi32, #tpu.memory_space<vmem>>
          %dma_wait3A_133 = tpu.memref_squeeze %dma_wait3A_132 : memref<1x128xi32, #tpu.memory_space<vmem>> -> memref<128xi32, #tpu.memory_space<vmem>>
          %dma_wait3A_134 = arith.constant 0 : i32
          %dma_wait3A_135 = arith.constant 0 : i32
          %dma_wait3A_136 = tpu.memref_slice %arg12[%dma_wait3A_134, %dma_wait3A_135] : memref<10112x128xf32, #tpu.memory_space<vmem_shared>> -> memref<10112x128xf32, #tpu.memory_space<vmem_shared>>
          tpu.wait_indirect_dma semaphore(%run_scoped3A : memref<!tpu.dma_semaphore, #tpu.memory_space<semaphore_mem>>) src(%arg11 : memref<128x128xf32, #tpu.memory_space<vmem>>) dst(%dma_wait3A_136 : memref<10112x128xf32, #tpu.memory_space<vmem_shared>>)
          tpu.yield
        }) : () -> ()
        %add3A_117 = arith.constant 3 : i32
        %add3A_118 = arith.addi %mul3A_95, %add3A_117 : i32
        %lt3A_119 = arith.constant 40 : i32
        %lt3A_120 = arith.cmpi slt, %add3A_118, %lt3A_119 : i32
        %convert_element_type3A_121 = arith.extui %lt3A_120 : i1 to i32
        %cond3A_122 = arith.constant 0 : i32
        %cond3A_123 = arith.cmpi ne, %convert_element_type3A_121, %cond3A_122 : i32
        scf.if %cond3A_123 {
          %add3A_125 = arith.constant 3 : i32
          %add3A_126 = arith.addi %mul3A_95, %add3A_125 : i32
          %dma_start3A_127 = arith.constant 0 : i32
          %dma_start3A_128 = tpu.memref_slice %arg8[%add3A_126, %dma_start3A_127] : memref<40x128xi32, #tpu.memory_space<vmem>> -> memref<1x128xi32, #tpu.memory_space<vmem>>
          %dma_start3A_129 = tpu.memref_squeeze %dma_start3A_128 : memref<1x128xi32, #tpu.memory_space<vmem>> -> memref<128xi32, #tpu.memory_space<vmem>>
          %dma_start3A_130 = arith.constant 0 : i32
          %dma_start3A_131 = arith.constant 0 : i32
          %dma_start3A_132 = tpu.memref_slice %arg2[%dma_start3A_130, %dma_start3A_131] : memref<10000x128xf32, #tpu.memory_space<hbm>> -> memref<10000x128xf32, #tpu.memory_space<hbm>>
          tpu.enqueue_indirect_dma source(%dma_start3A_132 : memref<10000x128xf32, #tpu.memory_space<hbm>>) target(%arg11 : memref<128x128xf32, #tpu.memory_space<vmem>>) offsets(%dma_start3A_129 : memref<128xi32, #tpu.memory_space<vmem>>) semaphore(%arg14 : memref<!tpu.dma_semaphore, #tpu.memory_space<semaphore_mem>>)
        } else {
        }
        %scan3A_124 = arith.constant 0 : i32
        scf.yield %scan3A_124 : i32
      }
      %scan3A_91 = arith.constant 20 : i32
    } else {
    }
    %eq3A_19 = arith.constant 1 : i32
    %eq3A_20 = arith.cmpi eq, %arg0, %eq3A_19 : i32
    %convert_element_type3A_21 = arith.extui %eq3A_20 : i1 to i32
    %cond3A_22 = arith.constant 0 : i32
    %cond3A_23 = arith.cmpi ne, %convert_element_type3A_21, %cond3A_22 : i32
    scf.if %cond3A_23 {
      %mul3A_35 = arith.constant 80 : i32
      %mul3A_36 = arith.muli %arg1, %mul3A_35 : i32
      %add3A_37 = arith.constant 0 : i32
      %add3A_38 = arith.addi %mul3A_36, %add3A_37 : i32
      "tpu.region"() ({
        %run_scoped3A = tpu.sem_alloc : memref<!tpu.dma_semaphore, #tpu.memory_space<semaphore_mem>>
        %dma_start3A_92 = arith.constant 0 : i32
        %dma_start3A_93 = tpu.memref_slice %arg4[%add3A_38, %dma_start3A_92] : memref<1280x128xi32, #tpu.memory_space<hbm>> -> memref<40x128xi32, #tpu.memory_space<hbm>>
        %dma_start3A_94 = arith.constant 0 : i32
        %dma_start3A_95 = tpu.memref_slice %arg4[%add3A_38, %dma_start3A_94] : memref<1280x128xi32, #tpu.memory_space<hbm>> -> memref<40x128xi32, #tpu.memory_space<hbm>>
        tpu.enqueue_dma source(%dma_start3A_95 : memref<40x128xi32, #tpu.memory_space<hbm>>) target(%arg8 : memref<40x128xi32, #tpu.memory_space<vmem>>) target_semaphore(%run_scoped3A : memref<!tpu.dma_semaphore, #tpu.memory_space<semaphore_mem>>)
        %dma_wait3A = arith.constant 0 : i32
        %dma_wait3A_96 = tpu.memref_slice %arg4[%add3A_38, %dma_wait3A] : memref<1280x128xi32, #tpu.memory_space<hbm>> -> memref<40x128xi32, #tpu.memory_space<hbm>>
        %dma_wait3A_97 = arith.constant 0 : i32
        %dma_wait3A_98 = tpu.memref_slice %arg4[%add3A_38, %dma_wait3A_97] : memref<1280x128xi32, #tpu.memory_space<hbm>> -> memref<40x128xi32, #tpu.memory_space<hbm>>
        tpu.wait_dma2 semaphore(%run_scoped3A : memref<!tpu.dma_semaphore, #tpu.memory_space<semaphore_mem>>) src(%dma_wait3A_98 : memref<40x128xi32, #tpu.memory_space<hbm>>) dst(%arg8 : memref<40x128xi32, #tpu.memory_space<vmem>>)
        tpu.yield
      }) : () -> ()
      %mul3A_39 = arith.constant 80 : i32
      %mul3A_40 = arith.muli %arg1, %mul3A_39 : i32
      %add3A_41 = arith.constant 0 : i32
      %add3A_42 = arith.addi %mul3A_40, %add3A_41 : i32
      "tpu.region"() ({
        %run_scoped3A = tpu.sem_alloc : memref<!tpu.dma_semaphore, #tpu.memory_space<semaphore_mem>>
        %dma_start3A_92 = arith.constant 0 : i32
        %dma_start3A_93 = tpu.memref_slice %arg5[%add3A_42, %dma_start3A_92] : memref<1280x128xi32, #tpu.memory_space<hbm>> -> memref<40x128xi32, #tpu.memory_space<hbm>>
        %dma_start3A_94 = arith.constant 0 : i32
        %dma_start3A_95 = tpu.memref_slice %arg5[%add3A_42, %dma_start3A_94] : memref<1280x128xi32, #tpu.memory_space<hbm>> -> memref<40x128xi32, #tpu.memory_space<hbm>>
        tpu.enqueue_dma source(%dma_start3A_95 : memref<40x128xi32, #tpu.memory_space<hbm>>) target(%arg9 : memref<40x128xi32, #tpu.memory_space<vmem>>) target_semaphore(%run_scoped3A : memref<!tpu.dma_semaphore, #tpu.memory_space<semaphore_mem>>)
        %dma_wait3A = arith.constant 0 : i32
        %dma_wait3A_96 = tpu.memref_slice %arg5[%add3A_42, %dma_wait3A] : memref<1280x128xi32, #tpu.memory_space<hbm>> -> memref<40x128xi32, #tpu.memory_space<hbm>>
        %dma_wait3A_97 = arith.constant 0 : i32
        %dma_wait3A_98 = tpu.memref_slice %arg5[%add3A_42, %dma_wait3A_97] : memref<1280x128xi32, #tpu.memory_space<hbm>> -> memref<40x128xi32, #tpu.memory_space<hbm>>
        tpu.wait_dma2 semaphore(%run_scoped3A : memref<!tpu.dma_semaphore, #tpu.memory_space<semaphore_mem>>) src(%dma_wait3A_98 : memref<40x128xi32, #tpu.memory_space<hbm>>) dst(%arg9 : memref<40x128xi32, #tpu.memory_space<vmem>>)
        tpu.yield
      }) : () -> ()
      %dma_start3A = arith.constant 0 : i32
      %dma_start3A_43 = arith.constant 0 : i32
      %dma_start3A_44 = tpu.memref_slice %arg8[%dma_start3A, %dma_start3A_43] : memref<40x128xi32, #tpu.memory_space<vmem>> -> memref<1x128xi32, #tpu.memory_space<vmem>>
      %dma_start3A_45 = tpu.memref_squeeze %dma_start3A_44 : memref<1x128xi32, #tpu.memory_space<vmem>> -> memref<128xi32, #tpu.memory_space<vmem>>
      %dma_start3A_46 = arith.constant 0 : i32
      %dma_start3A_47 = arith.constant 0 : i32
      %dma_start3A_48 = tpu.memref_slice %arg3[%dma_start3A_46, %dma_start3A_47] : memref<10000x128xf32, #tpu.memory_space<hbm>> -> memref<10000x128xf32, #tpu.memory_space<hbm>>
      tpu.enqueue_indirect_dma source(%dma_start3A_48 : memref<10000x128xf32, #tpu.memory_space<hbm>>) target(%arg10 : memref<128x128xf32, #tpu.memory_space<vmem>>) offsets(%dma_start3A_45 : memref<128xi32, #tpu.memory_space<vmem>>) semaphore(%arg13 : memref<!tpu.dma_semaphore, #tpu.memory_space<semaphore_mem>>)
      %dma_start3A_49 = arith.constant 1 : i32
      %dma_start3A_50 = arith.constant 0 : i32
      %dma_start3A_51 = tpu.memref_slice %arg8[%dma_start3A_49, %dma_start3A_50] : memref<40x128xi32, #tpu.memory_space<vmem>> -> memref<1x128xi32, #tpu.memory_space<vmem>>
      %dma_start3A_52 = tpu.memref_squeeze %dma_start3A_51 : memref<1x128xi32, #tpu.memory_space<vmem>> -> memref<128xi32, #tpu.memory_space<vmem>>
      %dma_start3A_53 = arith.constant 0 : i32
      %dma_start3A_54 = arith.constant 0 : i32
      %dma_start3A_55 = tpu.memref_slice %arg3[%dma_start3A_53, %dma_start3A_54] : memref<10000x128xf32, #tpu.memory_space<hbm>> -> memref<10000x128xf32, #tpu.memory_space<hbm>>
      tpu.enqueue_indirect_dma source(%dma_start3A_55 : memref<10000x128xf32, #tpu.memory_space<hbm>>) target(%arg11 : memref<128x128xf32, #tpu.memory_space<vmem>>) offsets(%dma_start3A_52 : memref<128xi32, #tpu.memory_space<vmem>>) semaphore(%arg14 : memref<!tpu.dma_semaphore, #tpu.memory_space<semaphore_mem>>)
      %scan3A_56 = arith.constant 0 : i32
      %scan3A_57 = arith.constant 0 : i32
      %scan3A_58 = arith.constant 20 : i32
      %scan3A_59 = arith.addi %scan3A_57, %scan3A_58 : i32
      %scan3A_60 = arith.constant 1 : i32
      %scan3A_61 = scf.for %scan3A_92 = %scan3A_57 to %scan3A_59 step %scan3A_60 iter_args(%scan3A_93 = %scan3A_56) -> (i32)  : i32 {
        %mul3A_94 = arith.constant 2 : i32
        %mul3A_95 = arith.muli %scan3A_92, %mul3A_94 : i32
        %dma_wait3A = arith.constant 0 : i32
        %dma_wait3A_96 = arith.constant 0 : i32
        %dma_wait3A_97 = tpu.memref_slice %arg8[%dma_wait3A, %dma_wait3A_96] : memref<40x128xi32, #tpu.memory_space<vmem>> -> memref<1x128xi32, #tpu.memory_space<vmem>>
        %dma_wait3A_98 = tpu.memref_squeeze %dma_wait3A_97 : memref<1x128xi32, #tpu.memory_space<vmem>> -> memref<128xi32, #tpu.memory_space<vmem>>
        %dma_wait3A_99 = arith.constant 0 : i32
        %dma_wait3A_100 = arith.constant 0 : i32
        %dma_wait3A_101 = tpu.memref_slice %arg3[%dma_wait3A_99, %dma_wait3A_100] : memref<10000x128xf32, #tpu.memory_space<hbm>> -> memref<10000x128xf32, #tpu.memory_space<hbm>>
        tpu.wait_indirect_dma semaphore(%arg13 : memref<!tpu.dma_semaphore, #tpu.memory_space<semaphore_mem>>) src(%dma_wait3A_101 : memref<10000x128xf32, #tpu.memory_space<hbm>>) dst(%arg10 : memref<128x128xf32, #tpu.memory_space<vmem>>)
        "tpu.region"() ({
          %run_scoped3A = tpu.sem_alloc : memref<!tpu.dma_semaphore, #tpu.memory_space<semaphore_mem>>
          %dma_start3A_125 = arith.constant 0 : i32
          %dma_start3A_126 = tpu.memref_slice %arg9[%mul3A_95, %dma_start3A_125] : memref<40x128xi32, #tpu.memory_space<vmem>> -> memref<1x128xi32, #tpu.memory_space<vmem>>
          %dma_start3A_127 = tpu.memref_squeeze %dma_start3A_126 : memref<1x128xi32, #tpu.memory_space<vmem>> -> memref<128xi32, #tpu.memory_space<vmem>>
          %dma_start3A_128 = arith.constant 0 : i32
          %dma_start3A_129 = arith.constant 0 : i32
          %dma_start3A_130 = tpu.memref_slice %arg12[%dma_start3A_128, %dma_start3A_129] : memref<10112x128xf32, #tpu.memory_space<vmem_shared>> -> memref<10112x128xf32, #tpu.memory_space<vmem_shared>>
          tpu.enqueue_indirect_dma source(%arg10 : memref<128x128xf32, #tpu.memory_space<vmem>>) target(%dma_start3A_130 : memref<10112x128xf32, #tpu.memory_space<vmem_shared>>) offsets(%dma_start3A_127 : memref<128xi32, #tpu.memory_space<vmem>>) semaphore(%run_scoped3A : memref<!tpu.dma_semaphore, #tpu.memory_space<semaphore_mem>>) {add = true}
          %dma_wait3A_131 = arith.constant 0 : i32
          %dma_wait3A_132 = tpu.memref_slice %arg9[%mul3A_95, %dma_wait3A_131] : memref<40x128xi32, #tpu.memory_space<vmem>> -> memref<1x128xi32, #tpu.memory_space<vmem>>
          %dma_wait3A_133 = tpu.memref_squeeze %dma_wait3A_132 : memref<1x128xi32, #tpu.memory_space<vmem>> -> memref<128xi32, #tpu.memory_space<vmem>>
          %dma_wait3A_134 = arith.constant 0 : i32
          %dma_wait3A_135 = arith.constant 0 : i32
          %dma_wait3A_136 = tpu.memref_slice %arg12[%dma_wait3A_134, %dma_wait3A_135] : memref<10112x128xf32, #tpu.memory_space<vmem_shared>> -> memref<10112x128xf32, #tpu.memory_space<vmem_shared>>
          tpu.wait_indirect_dma semaphore(%run_scoped3A : memref<!tpu.dma_semaphore, #tpu.memory_space<semaphore_mem>>) src(%arg10 : memref<128x128xf32, #tpu.memory_space<vmem>>) dst(%dma_wait3A_136 : memref<10112x128xf32, #tpu.memory_space<vmem_shared>>)
          tpu.yield
        }) : () -> ()
        %add3A_102 = arith.constant 2 : i32
        %add3A_103 = arith.addi %mul3A_95, %add3A_102 : i32
        %lt3A = arith.constant 40 : i32
        %lt3A_104 = arith.cmpi slt, %add3A_103, %lt3A : i32
        %convert_element_type3A_105 = arith.extui %lt3A_104 : i1 to i32
        %cond3A_106 = arith.constant 0 : i32
        %cond3A_107 = arith.cmpi ne, %convert_element_type3A_105, %cond3A_106 : i32
        scf.if %cond3A_107 {
          %add3A_125 = arith.constant 2 : i32
          %add3A_126 = arith.addi %mul3A_95, %add3A_125 : i32
          %dma_start3A_127 = arith.constant 0 : i32
          %dma_start3A_128 = tpu.memref_slice %arg8[%add3A_126, %dma_start3A_127] : memref<40x128xi32, #tpu.memory_space<vmem>> -> memref<1x128xi32, #tpu.memory_space<vmem>>
          %dma_start3A_129 = tpu.memref_squeeze %dma_start3A_128 : memref<1x128xi32, #tpu.memory_space<vmem>> -> memref<128xi32, #tpu.memory_space<vmem>>
          %dma_start3A_130 = arith.constant 0 : i32
          %dma_start3A_131 = arith.constant 0 : i32
          %dma_start3A_132 = tpu.memref_slice %arg3[%dma_start3A_130, %dma_start3A_131] : memref<10000x128xf32, #tpu.memory_space<hbm>> -> memref<10000x128xf32, #tpu.memory_space<hbm>>
          tpu.enqueue_indirect_dma source(%dma_start3A_132 : memref<10000x128xf32, #tpu.memory_space<hbm>>) target(%arg10 : memref<128x128xf32, #tpu.memory_space<vmem>>) offsets(%dma_start3A_129 : memref<128xi32, #tpu.memory_space<vmem>>) semaphore(%arg13 : memref<!tpu.dma_semaphore, #tpu.memory_space<semaphore_mem>>)
        } else {
        }
        %dma_wait3A_108 = arith.constant 0 : i32
        %dma_wait3A_109 = arith.constant 0 : i32
        %dma_wait3A_110 = tpu.memref_slice %arg8[%dma_wait3A_108, %dma_wait3A_109] : memref<40x128xi32, #tpu.memory_space<vmem>> -> memref<1x128xi32, #tpu.memory_space<vmem>>
        %dma_wait3A_111 = tpu.memref_squeeze %dma_wait3A_110 : memref<1x128xi32, #tpu.memory_space<vmem>> -> memref<128xi32, #tpu.memory_space<vmem>>
        %dma_wait3A_112 = arith.constant 0 : i32
        %dma_wait3A_113 = arith.constant 0 : i32
        %dma_wait3A_114 = tpu.memref_slice %arg3[%dma_wait3A_112, %dma_wait3A_113] : memref<10000x128xf32, #tpu.memory_space<hbm>> -> memref<10000x128xf32, #tpu.memory_space<hbm>>
        tpu.wait_indirect_dma semaphore(%arg14 : memref<!tpu.dma_semaphore, #tpu.memory_space<semaphore_mem>>) src(%dma_wait3A_114 : memref<10000x128xf32, #tpu.memory_space<hbm>>) dst(%arg11 : memref<128x128xf32, #tpu.memory_space<vmem>>)
        %add3A_115 = arith.constant 1 : i32
        %add3A_116 = arith.addi %mul3A_95, %add3A_115 : i32
        "tpu.region"() ({
          %run_scoped3A = tpu.sem_alloc : memref<!tpu.dma_semaphore, #tpu.memory_space<semaphore_mem>>
          %dma_start3A_125 = arith.constant 0 : i32
          %dma_start3A_126 = tpu.memref_slice %arg9[%add3A_116, %dma_start3A_125] : memref<40x128xi32, #tpu.memory_space<vmem>> -> memref<1x128xi32, #tpu.memory_space<vmem>>
          %dma_start3A_127 = tpu.memref_squeeze %dma_start3A_126 : memref<1x128xi32, #tpu.memory_space<vmem>> -> memref<128xi32, #tpu.memory_space<vmem>>
          %dma_start3A_128 = arith.constant 0 : i32
          %dma_start3A_129 = arith.constant 0 : i32
          %dma_start3A_130 = tpu.memref_slice %arg12[%dma_start3A_128, %dma_start3A_129] : memref<10112x128xf32, #tpu.memory_space<vmem_shared>> -> memref<10112x128xf32, #tpu.memory_space<vmem_shared>>
          tpu.enqueue_indirect_dma source(%arg11 : memref<128x128xf32, #tpu.memory_space<vmem>>) target(%dma_start3A_130 : memref<10112x128xf32, #tpu.memory_space<vmem_shared>>) offsets(%dma_start3A_127 : memref<128xi32, #tpu.memory_space<vmem>>) semaphore(%run_scoped3A : memref<!tpu.dma_semaphore, #tpu.memory_space<semaphore_mem>>) {add = true}
          %dma_wait3A_131 = arith.constant 0 : i32
          %dma_wait3A_132 = tpu.memref_slice %arg9[%add3A_116, %dma_wait3A_131] : memref<40x128xi32, #tpu.memory_space<vmem>> -> memref<1x128xi32, #tpu.memory_space<vmem>>
          %dma_wait3A_133 = tpu.memref_squeeze %dma_wait3A_132 : memref<1x128xi32, #tpu.memory_space<vmem>> -> memref<128xi32, #tpu.memory_space<vmem>>
          %dma_wait3A_134 = arith.constant 0 : i32
          %dma_wait3A_135 = arith.constant 0 : i32
          %dma_wait3A_136 = tpu.memref_slice %arg12[%dma_wait3A_134, %dma_wait3A_135] : memref<10112x128xf32, #tpu.memory_space<vmem_shared>> -> memref<10112x128xf32, #tpu.memory_space<vmem_shared>>
          tpu.wait_indirect_dma semaphore(%run_scoped3A : memref<!tpu.dma_semaphore, #tpu.memory_space<semaphore_mem>>) src(%arg11 : memref<128x128xf32, #tpu.memory_space<vmem>>) dst(%dma_wait3A_136 : memref<10112x128xf32, #tpu.memory_space<vmem_shared>>)
          tpu.yield
        }) : () -> ()
        %add3A_117 = arith.constant 3 : i32
        %add3A_118 = arith.addi %mul3A_95, %add3A_117 : i32
        %lt3A_119 = arith.constant 40 : i32
        %lt3A_120 = arith.cmpi slt, %add3A_118, %lt3A_119 : i32
        %convert_element_type3A_121 = arith.extui %lt3A_120 : i1 to i32
        %cond3A_122 = arith.constant 0 : i32
        %cond3A_123 = arith.cmpi ne, %convert_element_type3A_121, %cond3A_122 : i32
        scf.if %cond3A_123 {
          %add3A_125 = arith.constant 3 : i32
          %add3A_126 = arith.addi %mul3A_95, %add3A_125 : i32
          %dma_start3A_127 = arith.constant 0 : i32
          %dma_start3A_128 = tpu.memref_slice %arg8[%add3A_126, %dma_start3A_127] : memref<40x128xi32, #tpu.memory_space<vmem>> -> memref<1x128xi32, #tpu.memory_space<vmem>>
          %dma_start3A_129 = tpu.memref_squeeze %dma_start3A_128 : memref<1x128xi32, #tpu.memory_space<vmem>> -> memref<128xi32, #tpu.memory_space<vmem>>
          %dma_start3A_130 = arith.constant 0 : i32
          %dma_start3A_131 = arith.constant 0 : i32
          %dma_start3A_132 = tpu.memref_slice %arg3[%dma_start3A_130, %dma_start3A_131] : memref<10000x128xf32, #tpu.memory_space<hbm>> -> memref<10000x128xf32, #tpu.memory_space<hbm>>
          tpu.enqueue_indirect_dma source(%dma_start3A_132 : memref<10000x128xf32, #tpu.memory_space<hbm>>) target(%arg11 : memref<128x128xf32, #tpu.memory_space<vmem>>) offsets(%dma_start3A_129 : memref<128xi32, #tpu.memory_space<vmem>>) semaphore(%arg14 : memref<!tpu.dma_semaphore, #tpu.memory_space<semaphore_mem>>)
        } else {
        }
        %scan3A_124 = arith.constant 0 : i32
        scf.yield %scan3A_124 : i32
      }
      %scan3A_62 = arith.constant 20 : i32
      %mul3A_63 = arith.constant 80 : i32
      %mul3A_64 = arith.muli %arg1, %mul3A_63 : i32
      %add3A_65 = arith.constant 40 : i32
      %add3A_66 = arith.addi %mul3A_64, %add3A_65 : i32
      "tpu.region"() ({
        %run_scoped3A = tpu.sem_alloc : memref<!tpu.dma_semaphore, #tpu.memory_space<semaphore_mem>>
        %dma_start3A_92 = arith.constant 0 : i32
        %dma_start3A_93 = tpu.memref_slice %arg4[%add3A_66, %dma_start3A_92] : memref<1280x128xi32, #tpu.memory_space<hbm>> -> memref<40x128xi32, #tpu.memory_space<hbm>>
        %dma_start3A_94 = arith.constant 0 : i32
        %dma_start3A_95 = tpu.memref_slice %arg4[%add3A_66, %dma_start3A_94] : memref<1280x128xi32, #tpu.memory_space<hbm>> -> memref<40x128xi32, #tpu.memory_space<hbm>>
        tpu.enqueue_dma source(%dma_start3A_95 : memref<40x128xi32, #tpu.memory_space<hbm>>) target(%arg8 : memref<40x128xi32, #tpu.memory_space<vmem>>) target_semaphore(%run_scoped3A : memref<!tpu.dma_semaphore, #tpu.memory_space<semaphore_mem>>)
        %dma_wait3A = arith.constant 0 : i32
        %dma_wait3A_96 = tpu.memref_slice %arg4[%add3A_66, %dma_wait3A] : memref<1280x128xi32, #tpu.memory_space<hbm>> -> memref<40x128xi32, #tpu.memory_space<hbm>>
        %dma_wait3A_97 = arith.constant 0 : i32
        %dma_wait3A_98 = tpu.memref_slice %arg4[%add3A_66, %dma_wait3A_97] : memref<1280x128xi32, #tpu.memory_space<hbm>> -> memref<40x128xi32, #tpu.memory_space<hbm>>
        tpu.wait_dma2 semaphore(%run_scoped3A : memref<!tpu.dma_semaphore, #tpu.memory_space<semaphore_mem>>) src(%dma_wait3A_98 : memref<40x128xi32, #tpu.memory_space<hbm>>) dst(%arg8 : memref<40x128xi32, #tpu.memory_space<vmem>>)
        tpu.yield
      }) : () -> ()
      %mul3A_67 = arith.constant 80 : i32
      %mul3A_68 = arith.muli %arg1, %mul3A_67 : i32
      %add3A_69 = arith.constant 40 : i32
      %add3A_70 = arith.addi %mul3A_68, %add3A_69 : i32
      "tpu.region"() ({
        %run_scoped3A = tpu.sem_alloc : memref<!tpu.dma_semaphore, #tpu.memory_space<semaphore_mem>>
        %dma_start3A_92 = arith.constant 0 : i32
        %dma_start3A_93 = tpu.memref_slice %arg5[%add3A_70, %dma_start3A_92] : memref<1280x128xi32, #tpu.memory_space<hbm>> -> memref<40x128xi32, #tpu.memory_space<hbm>>
        %dma_start3A_94 = arith.constant 0 : i32
        %dma_start3A_95 = tpu.memref_slice %arg5[%add3A_70, %dma_start3A_94] : memref<1280x128xi32, #tpu.memory_space<hbm>> -> memref<40x128xi32, #tpu.memory_space<hbm>>
        tpu.enqueue_dma source(%dma_start3A_95 : memref<40x128xi32, #tpu.memory_space<hbm>>) target(%arg9 : memref<40x128xi32, #tpu.memory_space<vmem>>) target_semaphore(%run_scoped3A : memref<!tpu.dma_semaphore, #tpu.memory_space<semaphore_mem>>)
        %dma_wait3A = arith.constant 0 : i32
        %dma_wait3A_96 = tpu.memref_slice %arg5[%add3A_70, %dma_wait3A] : memref<1280x128xi32, #tpu.memory_space<hbm>> -> memref<40x128xi32, #tpu.memory_space<hbm>>
        %dma_wait3A_97 = arith.constant 0 : i32
        %dma_wait3A_98 = tpu.memref_slice %arg5[%add3A_70, %dma_wait3A_97] : memref<1280x128xi32, #tpu.memory_space<hbm>> -> memref<40x128xi32, #tpu.memory_space<hbm>>
        tpu.wait_dma2 semaphore(%run_scoped3A : memref<!tpu.dma_semaphore, #tpu.memory_space<semaphore_mem>>) src(%dma_wait3A_98 : memref<40x128xi32, #tpu.memory_space<hbm>>) dst(%arg9 : memref<40x128xi32, #tpu.memory_space<vmem>>)
        tpu.yield
      }) : () -> ()
      %dma_start3A_71 = arith.constant 0 : i32
      %dma_start3A_72 = arith.constant 0 : i32
      %dma_start3A_73 = tpu.memref_slice %arg8[%dma_start3A_71, %dma_start3A_72] : memref<40x128xi32, #tpu.memory_space<vmem>> -> memref<1x128xi32, #tpu.memory_space<vmem>>
      %dma_start3A_74 = tpu.memref_squeeze %dma_start3A_73 : memref<1x128xi32, #tpu.memory_space<vmem>> -> memref<128xi32, #tpu.memory_space<vmem>>
      %dma_start3A_75 = arith.constant 0 : i32
      %dma_start3A_76 = arith.constant 0 : i32
      %dma_start3A_77 = tpu.memref_slice %arg3[%dma_start3A_75, %dma_start3A_76] : memref<10000x128xf32, #tpu.memory_space<hbm>> -> memref<10000x128xf32, #tpu.memory_space<hbm>>
      tpu.enqueue_indirect_dma source(%dma_start3A_77 : memref<10000x128xf32, #tpu.memory_space<hbm>>) target(%arg10 : memref<128x128xf32, #tpu.memory_space<vmem>>) offsets(%dma_start3A_74 : memref<128xi32, #tpu.memory_space<vmem>>) semaphore(%arg13 : memref<!tpu.dma_semaphore, #tpu.memory_space<semaphore_mem>>)
      %dma_start3A_78 = arith.constant 1 : i32
      %dma_start3A_79 = arith.constant 0 : i32
      %dma_start3A_80 = tpu.memref_slice %arg8[%dma_start3A_78, %dma_start3A_79] : memref<40x128xi32, #tpu.memory_space<vmem>> -> memref<1x128xi32, #tpu.memory_space<vmem>>
      %dma_start3A_81 = tpu.memref_squeeze %dma_start3A_80 : memref<1x128xi32, #tpu.memory_space<vmem>> -> memref<128xi32, #tpu.memory_space<vmem>>
      %dma_start3A_82 = arith.constant 0 : i32
      %dma_start3A_83 = arith.constant 0 : i32
      %dma_start3A_84 = tpu.memref_slice %arg3[%dma_start3A_82, %dma_start3A_83] : memref<10000x128xf32, #tpu.memory_space<hbm>> -> memref<10000x128xf32, #tpu.memory_space<hbm>>
      tpu.enqueue_indirect_dma source(%dma_start3A_84 : memref<10000x128xf32, #tpu.memory_space<hbm>>) target(%arg11 : memref<128x128xf32, #tpu.memory_space<vmem>>) offsets(%dma_start3A_81 : memref<128xi32, #tpu.memory_space<vmem>>) semaphore(%arg14 : memref<!tpu.dma_semaphore, #tpu.memory_space<semaphore_mem>>)
      %scan3A_85 = arith.constant 0 : i32
      %scan3A_86 = arith.constant 0 : i32
      %scan3A_87 = arith.constant 20 : i32
      %scan3A_88 = arith.addi %scan3A_86, %scan3A_87 : i32
      %scan3A_89 = arith.constant 1 : i32
      %scan3A_90 = scf.for %scan3A_92 = %scan3A_86 to %scan3A_88 step %scan3A_89 iter_args(%scan3A_93 = %scan3A_85) -> (i32)  : i32 {
        %mul3A_94 = arith.constant 2 : i32
        %mul3A_95 = arith.muli %scan3A_92, %mul3A_94 : i32
        %dma_wait3A = arith.constant 0 : i32
        %dma_wait3A_96 = arith.constant 0 : i32
        %dma_wait3A_97 = tpu.memref_slice %arg8[%dma_wait3A, %dma_wait3A_96] : memref<40x128xi32, #tpu.memory_space<vmem>> -> memref<1x128xi32, #tpu.memory_space<vmem>>
        %dma_wait3A_98 = tpu.memref_squeeze %dma_wait3A_97 : memref<1x128xi32, #tpu.memory_space<vmem>> -> memref<128xi32, #tpu.memory_space<vmem>>
        %dma_wait3A_99 = arith.constant 0 : i32
        %dma_wait3A_100 = arith.constant 0 : i32
        %dma_wait3A_101 = tpu.memref_slice %arg3[%dma_wait3A_99, %dma_wait3A_100] : memref<10000x128xf32, #tpu.memory_space<hbm>> -> memref<10000x128xf32, #tpu.memory_space<hbm>>
        tpu.wait_indirect_dma semaphore(%arg13 : memref<!tpu.dma_semaphore, #tpu.memory_space<semaphore_mem>>) src(%dma_wait3A_101 : memref<10000x128xf32, #tpu.memory_space<hbm>>) dst(%arg10 : memref<128x128xf32, #tpu.memory_space<vmem>>)
        "tpu.region"() ({
          %run_scoped3A = tpu.sem_alloc : memref<!tpu.dma_semaphore, #tpu.memory_space<semaphore_mem>>
          %dma_start3A_125 = arith.constant 0 : i32
          %dma_start3A_126 = tpu.memref_slice %arg9[%mul3A_95, %dma_start3A_125] : memref<40x128xi32, #tpu.memory_space<vmem>> -> memref<1x128xi32, #tpu.memory_space<vmem>>
          %dma_start3A_127 = tpu.memref_squeeze %dma_start3A_126 : memref<1x128xi32, #tpu.memory_space<vmem>> -> memref<128xi32, #tpu.memory_space<vmem>>
          %dma_start3A_128 = arith.constant 0 : i32
          %dma_start3A_129 = arith.constant 0 : i32
          %dma_start3A_130 = tpu.memref_slice %arg12[%dma_start3A_128, %dma_start3A_129] : memref<10112x128xf32, #tpu.memory_space<vmem_shared>> -> memref<10112x128xf32, #tpu.memory_space<vmem_shared>>
          tpu.enqueue_indirect_dma source(%arg10 : memref<128x128xf32, #tpu.memory_space<vmem>>) target(%dma_start3A_130 : memref<10112x128xf32, #tpu.memory_space<vmem_shared>>) offsets(%dma_start3A_127 : memref<128xi32, #tpu.memory_space<vmem>>) semaphore(%run_scoped3A : memref<!tpu.dma_semaphore, #tpu.memory_space<semaphore_mem>>) {add = true}
          %dma_wait3A_131 = arith.constant 0 : i32
          %dma_wait3A_132 = tpu.memref_slice %arg9[%mul3A_95, %dma_wait3A_131] : memref<40x128xi32, #tpu.memory_space<vmem>> -> memref<1x128xi32, #tpu.memory_space<vmem>>
          %dma_wait3A_133 = tpu.memref_squeeze %dma_wait3A_132 : memref<1x128xi32, #tpu.memory_space<vmem>> -> memref<128xi32, #tpu.memory_space<vmem>>
          %dma_wait3A_134 = arith.constant 0 : i32
          %dma_wait3A_135 = arith.constant 0 : i32
          %dma_wait3A_136 = tpu.memref_slice %arg12[%dma_wait3A_134, %dma_wait3A_135] : memref<10112x128xf32, #tpu.memory_space<vmem_shared>> -> memref<10112x128xf32, #tpu.memory_space<vmem_shared>>
          tpu.wait_indirect_dma semaphore(%run_scoped3A : memref<!tpu.dma_semaphore, #tpu.memory_space<semaphore_mem>>) src(%arg10 : memref<128x128xf32, #tpu.memory_space<vmem>>) dst(%dma_wait3A_136 : memref<10112x128xf32, #tpu.memory_space<vmem_shared>>)
          tpu.yield
        }) : () -> ()
        %add3A_102 = arith.constant 2 : i32
        %add3A_103 = arith.addi %mul3A_95, %add3A_102 : i32
        %lt3A = arith.constant 40 : i32
        %lt3A_104 = arith.cmpi slt, %add3A_103, %lt3A : i32
        %convert_element_type3A_105 = arith.extui %lt3A_104 : i1 to i32
        %cond3A_106 = arith.constant 0 : i32
        %cond3A_107 = arith.cmpi ne, %convert_element_type3A_105, %cond3A_106 : i32
        scf.if %cond3A_107 {
          %add3A_125 = arith.constant 2 : i32
          %add3A_126 = arith.addi %mul3A_95, %add3A_125 : i32
          %dma_start3A_127 = arith.constant 0 : i32
          %dma_start3A_128 = tpu.memref_slice %arg8[%add3A_126, %dma_start3A_127] : memref<40x128xi32, #tpu.memory_space<vmem>> -> memref<1x128xi32, #tpu.memory_space<vmem>>
          %dma_start3A_129 = tpu.memref_squeeze %dma_start3A_128 : memref<1x128xi32, #tpu.memory_space<vmem>> -> memref<128xi32, #tpu.memory_space<vmem>>
          %dma_start3A_130 = arith.constant 0 : i32
          %dma_start3A_131 = arith.constant 0 : i32
          %dma_start3A_132 = tpu.memref_slice %arg3[%dma_start3A_130, %dma_start3A_131] : memref<10000x128xf32, #tpu.memory_space<hbm>> -> memref<10000x128xf32, #tpu.memory_space<hbm>>
          tpu.enqueue_indirect_dma source(%dma_start3A_132 : memref<10000x128xf32, #tpu.memory_space<hbm>>) target(%arg10 : memref<128x128xf32, #tpu.memory_space<vmem>>) offsets(%dma_start3A_129 : memref<128xi32, #tpu.memory_space<vmem>>) semaphore(%arg13 : memref<!tpu.dma_semaphore, #tpu.memory_space<semaphore_mem>>)
        } else {
        }
        %dma_wait3A_108 = arith.constant 0 : i32
        %dma_wait3A_109 = arith.constant 0 : i32
        %dma_wait3A_110 = tpu.memref_slice %arg8[%dma_wait3A_108, %dma_wait3A_109] : memref<40x128xi32, #tpu.memory_space<vmem>> -> memref<1x128xi32, #tpu.memory_space<vmem>>
        %dma_wait3A_111 = tpu.memref_squeeze %dma_wait3A_110 : memref<1x128xi32, #tpu.memory_space<vmem>> -> memref<128xi32, #tpu.memory_space<vmem>>
        %dma_wait3A_112 = arith.constant 0 : i32
        %dma_wait3A_113 = arith.constant 0 : i32
        %dma_wait3A_114 = tpu.memref_slice %arg3[%dma_wait3A_112, %dma_wait3A_113] : memref<10000x128xf32, #tpu.memory_space<hbm>> -> memref<10000x128xf32, #tpu.memory_space<hbm>>
        tpu.wait_indirect_dma semaphore(%arg14 : memref<!tpu.dma_semaphore, #tpu.memory_space<semaphore_mem>>) src(%dma_wait3A_114 : memref<10000x128xf32, #tpu.memory_space<hbm>>) dst(%arg11 : memref<128x128xf32, #tpu.memory_space<vmem>>)
        %add3A_115 = arith.constant 1 : i32
        %add3A_116 = arith.addi %mul3A_95, %add3A_115 : i32
        "tpu.region"() ({
          %run_scoped3A = tpu.sem_alloc : memref<!tpu.dma_semaphore, #tpu.memory_space<semaphore_mem>>
          %dma_start3A_125 = arith.constant 0 : i32
          %dma_start3A_126 = tpu.memref_slice %arg9[%add3A_116, %dma_start3A_125] : memref<40x128xi32, #tpu.memory_space<vmem>> -> memref<1x128xi32, #tpu.memory_space<vmem>>
          %dma_start3A_127 = tpu.memref_squeeze %dma_start3A_126 : memref<1x128xi32, #tpu.memory_space<vmem>> -> memref<128xi32, #tpu.memory_space<vmem>>
          %dma_start3A_128 = arith.constant 0 : i32
          %dma_start3A_129 = arith.constant 0 : i32
          %dma_start3A_130 = tpu.memref_slice %arg12[%dma_start3A_128, %dma_start3A_129] : memref<10112x128xf32, #tpu.memory_space<vmem_shared>> -> memref<10112x128xf32, #tpu.memory_space<vmem_shared>>
          tpu.enqueue_indirect_dma source(%arg11 : memref<128x128xf32, #tpu.memory_space<vmem>>) target(%dma_start3A_130 : memref<10112x128xf32, #tpu.memory_space<vmem_shared>>) offsets(%dma_start3A_127 : memref<128xi32, #tpu.memory_space<vmem>>) semaphore(%run_scoped3A : memref<!tpu.dma_semaphore, #tpu.memory_space<semaphore_mem>>) {add = true}
          %dma_wait3A_131 = arith.constant 0 : i32
          %dma_wait3A_132 = tpu.memref_slice %arg9[%add3A_116, %dma_wait3A_131] : memref<40x128xi32, #tpu.memory_space<vmem>> -> memref<1x128xi32, #tpu.memory_space<vmem>>
          %dma_wait3A_133 = tpu.memref_squeeze %dma_wait3A_132 : memref<1x128xi32, #tpu.memory_space<vmem>> -> memref<128xi32, #tpu.memory_space<vmem>>
          %dma_wait3A_134 = arith.constant 0 : i32
          %dma_wait3A_135 = arith.constant 0 : i32
          %dma_wait3A_136 = tpu.memref_slice %arg12[%dma_wait3A_134, %dma_wait3A_135] : memref<10112x128xf32, #tpu.memory_space<vmem_shared>> -> memref<10112x128xf32, #tpu.memory_space<vmem_shared>>
          tpu.wait_indirect_dma semaphore(%run_scoped3A : memref<!tpu.dma_semaphore, #tpu.memory_space<semaphore_mem>>) src(%arg11 : memref<128x128xf32, #tpu.memory_space<vmem>>) dst(%dma_wait3A_136 : memref<10112x128xf32, #tpu.memory_space<vmem_shared>>)
          tpu.yield
        }) : () -> ()
        %add3A_117 = arith.constant 3 : i32
        %add3A_118 = arith.addi %mul3A_95, %add3A_117 : i32
        %lt3A_119 = arith.constant 40 : i32
        %lt3A_120 = arith.cmpi slt, %add3A_118, %lt3A_119 : i32
        %convert_element_type3A_121 = arith.extui %lt3A_120 : i1 to i32
        %cond3A_122 = arith.constant 0 : i32
        %cond3A_123 = arith.cmpi ne, %convert_element_type3A_121, %cond3A_122 : i32
        scf.if %cond3A_123 {
          %add3A_125 = arith.constant 3 : i32
          %add3A_126 = arith.addi %mul3A_95, %add3A_125 : i32
          %dma_start3A_127 = arith.constant 0 : i32
          %dma_start3A_128 = tpu.memref_slice %arg8[%add3A_126, %dma_start3A_127] : memref<40x128xi32, #tpu.memory_space<vmem>> -> memref<1x128xi32, #tpu.memory_space<vmem>>
          %dma_start3A_129 = tpu.memref_squeeze %dma_start3A_128 : memref<1x128xi32, #tpu.memory_space<vmem>> -> memref<128xi32, #tpu.memory_space<vmem>>
          %dma_start3A_130 = arith.constant 0 : i32
          %dma_start3A_131 = arith.constant 0 : i32
          %dma_start3A_132 = tpu.memref_slice %arg3[%dma_start3A_130, %dma_start3A_131] : memref<10000x128xf32, #tpu.memory_space<hbm>> -> memref<10000x128xf32, #tpu.memory_space<hbm>>
          tpu.enqueue_indirect_dma source(%dma_start3A_132 : memref<10000x128xf32, #tpu.memory_space<hbm>>) target(%arg11 : memref<128x128xf32, #tpu.memory_space<vmem>>) offsets(%dma_start3A_129 : memref<128xi32, #tpu.memory_space<vmem>>) semaphore(%arg14 : memref<!tpu.dma_semaphore, #tpu.memory_space<semaphore_mem>>)
        } else {
        }
        %scan3A_124 = arith.constant 0 : i32
        scf.yield %scan3A_124 : i32
      }
      %scan3A_91 = arith.constant 20 : i32
    } else {
    }
    %barrier3A_24 = arith.constant 0 : index
    tpu.barrier barrier_id(%barrier3A_24)
    %eq3A_25 = arith.constant 0 : i32
    %eq3A_26 = arith.cmpi eq, %arg0, %eq3A_25 : i32
    %convert_element_type3A_27 = arith.extui %eq3A_26 : i1 to i32
    %cond3A_28 = arith.constant 0 : i32
    %cond3A_29 = arith.cmpi ne, %convert_element_type3A_27, %cond3A_28 : i32
    scf.if %cond3A_29 {
      %lt3A = arith.constant 15 : i32
      %lt3A_35 = arith.cmpi slt, %arg1, %lt3A : i32
      %convert_element_type3A_36 = arith.extui %lt3A_35 : i1 to i32
      %cond3A_37 = arith.constant 0 : i32
      %cond3A_38 = arith.cmpi ne, %convert_element_type3A_36, %cond3A_37 : i32
      scf.if %cond3A_38 {
        %mul3A_44 = arith.constant 632 : i32
        %mul3A_45 = arith.muli %arg1, %mul3A_44 : i32
        %mul3A_46 = arith.constant 632 : i32
        %mul3A_47 = arith.muli %arg1, %mul3A_46 : i32
        "tpu.region"() ({
          %run_scoped3A = tpu.sem_alloc : memref<!tpu.dma_semaphore, #tpu.memory_space<semaphore_mem>>
          %dma_start3A = arith.constant 0 : i32
          %dma_start3A_48 = tpu.memref_slice %arg6[%mul3A_47, %dma_start3A] : memref<10000x128xf32, #tpu.memory_space<hbm>> -> memref<632x128xf32, #tpu.memory_space<hbm>>
          %dma_start3A_49 = arith.constant 0 : i32
          %dma_start3A_50 = tpu.memref_slice %arg12[%mul3A_45, %dma_start3A_49] : memref<10112x128xf32, #tpu.memory_space<vmem_shared>> -> memref<632x128xf32, #tpu.memory_space<vmem_shared>>
          tpu.enqueue_dma source(%dma_start3A_50 : memref<632x128xf32, #tpu.memory_space<vmem_shared>>) target(%dma_start3A_48 : memref<632x128xf32, #tpu.memory_space<hbm>>) target_semaphore(%run_scoped3A : memref<!tpu.dma_semaphore, #tpu.memory_space<semaphore_mem>>)
          %dma_wait3A = arith.constant 0 : i32
          %dma_wait3A_51 = tpu.memref_slice %arg6[%mul3A_47, %dma_wait3A] : memref<10000x128xf32, #tpu.memory_space<hbm>> -> memref<632x128xf32, #tpu.memory_space<hbm>>
          %dma_wait3A_52 = arith.constant 0 : i32
          %dma_wait3A_53 = tpu.memref_slice %arg12[%mul3A_45, %dma_wait3A_52] : memref<10112x128xf32, #tpu.memory_space<vmem_shared>> -> memref<632x128xf32, #tpu.memory_space<vmem_shared>>
          tpu.wait_dma2 semaphore(%run_scoped3A : memref<!tpu.dma_semaphore, #tpu.memory_space<semaphore_mem>>) src(%dma_wait3A_53 : memref<632x128xf32, #tpu.memory_space<vmem_shared>>) dst(%dma_wait3A_51 : memref<632x128xf32, #tpu.memory_space<hbm>>)
          tpu.yield
        }) : () -> ()
      } else {
      }
      %eq3A_39 = arith.constant 15 : i32
      %eq3A_40 = arith.cmpi eq, %arg1, %eq3A_39 : i32
      %convert_element_type3A_41 = arith.extui %eq3A_40 : i1 to i32
      %cond3A_42 = arith.constant 0 : i32
      %cond3A_43 = arith.cmpi ne, %convert_element_type3A_41, %cond3A_42 : i32
      scf.if %cond3A_43 {
        "tpu.region"() ({
          %run_scoped3A = tpu.sem_alloc : memref<!tpu.dma_semaphore, #tpu.memory_space<semaphore_mem>>
          %dma_start3A = arith.constant 9480 : i32
          %dma_start3A_44 = arith.constant 0 : i32
          %dma_start3A_45 = tpu.memref_slice %arg6[%dma_start3A, %dma_start3A_44] : memref<10000x128xf32, #tpu.memory_space<hbm>> -> memref<520x128xf32, #tpu.memory_space<hbm>>
          %dma_start3A_46 = arith.constant 9480 : i32
          %dma_start3A_47 = arith.constant 0 : i32
          %dma_start3A_48 = tpu.memref_slice %arg12[%dma_start3A_46, %dma_start3A_47] : memref<10112x128xf32, #tpu.memory_space<vmem_shared>> -> memref<520x128xf32, #tpu.memory_space<vmem_shared>>
          tpu.enqueue_dma source(%dma_start3A_48 : memref<520x128xf32, #tpu.memory_space<vmem_shared>>) target(%dma_start3A_45 : memref<520x128xf32, #tpu.memory_space<hbm>>) target_semaphore(%run_scoped3A : memref<!tpu.dma_semaphore, #tpu.memory_space<semaphore_mem>>)
          %dma_wait3A = arith.constant 9480 : i32
          %dma_wait3A_49 = arith.constant 0 : i32
          %dma_wait3A_50 = tpu.memref_slice %arg6[%dma_wait3A, %dma_wait3A_49] : memref<10000x128xf32, #tpu.memory_space<hbm>> -> memref<520x128xf32, #tpu.memory_space<hbm>>
          %dma_wait3A_51 = arith.constant 9480 : i32
          %dma_wait3A_52 = arith.constant 0 : i32
          %dma_wait3A_53 = tpu.memref_slice %arg12[%dma_wait3A_51, %dma_wait3A_52] : memref<10112x128xf32, #tpu.memory_space<vmem_shared>> -> memref<520x128xf32, #tpu.memory_space<vmem_shared>>
          tpu.wait_dma2 semaphore(%run_scoped3A : memref<!tpu.dma_semaphore, #tpu.memory_space<semaphore_mem>>) src(%dma_wait3A_53 : memref<520x128xf32, #tpu.memory_space<vmem_shared>>) dst(%dma_wait3A_50 : memref<520x128xf32, #tpu.memory_space<hbm>>)
          tpu.yield
        }) : () -> ()
      } else {
      }
    } else {
    }
    %eq3A_30 = arith.constant 1 : i32
    %eq3A_31 = arith.cmpi eq, %arg0, %eq3A_30 : i32
    %convert_element_type3A_32 = arith.extui %eq3A_31 : i1 to i32
    %cond3A_33 = arith.constant 0 : i32
    %cond3A_34 = arith.cmpi ne, %convert_element_type3A_32, %cond3A_33 : i32
    scf.if %cond3A_34 {
      %lt3A = arith.constant 15 : i32
      %lt3A_35 = arith.cmpi slt, %arg1, %lt3A : i32
      %convert_element_type3A_36 = arith.extui %lt3A_35 : i1 to i32
      %cond3A_37 = arith.constant 0 : i32
      %cond3A_38 = arith.cmpi ne, %convert_element_type3A_36, %cond3A_37 : i32
      scf.if %cond3A_38 {
        %mul3A_44 = arith.constant 632 : i32
        %mul3A_45 = arith.muli %arg1, %mul3A_44 : i32
        %mul3A_46 = arith.constant 632 : i32
        %mul3A_47 = arith.muli %arg1, %mul3A_46 : i32
        "tpu.region"() ({
          %run_scoped3A = tpu.sem_alloc : memref<!tpu.dma_semaphore, #tpu.memory_space<semaphore_mem>>
          %dma_start3A = arith.constant 0 : i32
          %dma_start3A_48 = tpu.memref_slice %arg7[%mul3A_47, %dma_start3A] : memref<10000x128xf32, #tpu.memory_space<hbm>> -> memref<632x128xf32, #tpu.memory_space<hbm>>
          %dma_start3A_49 = arith.constant 0 : i32
          %dma_start3A_50 = tpu.memref_slice %arg12[%mul3A_45, %dma_start3A_49] : memref<10112x128xf32, #tpu.memory_space<vmem_shared>> -> memref<632x128xf32, #tpu.memory_space<vmem_shared>>
          tpu.enqueue_dma source(%dma_start3A_50 : memref<632x128xf32, #tpu.memory_space<vmem_shared>>) target(%dma_start3A_48 : memref<632x128xf32, #tpu.memory_space<hbm>>) target_semaphore(%run_scoped3A : memref<!tpu.dma_semaphore, #tpu.memory_space<semaphore_mem>>)
          %dma_wait3A = arith.constant 0 : i32
          %dma_wait3A_51 = tpu.memref_slice %arg7[%mul3A_47, %dma_wait3A] : memref<10000x128xf32, #tpu.memory_space<hbm>> -> memref<632x128xf32, #tpu.memory_space<hbm>>
          %dma_wait3A_52 = arith.constant 0 : i32
          %dma_wait3A_53 = tpu.memref_slice %arg12[%mul3A_45, %dma_wait3A_52] : memref<10112x128xf32, #tpu.memory_space<vmem_shared>> -> memref<632x128xf32, #tpu.memory_space<vmem_shared>>
          tpu.wait_dma2 semaphore(%run_scoped3A : memref<!tpu.dma_semaphore, #tpu.memory_space<semaphore_mem>>) src(%dma_wait3A_53 : memref<632x128xf32, #tpu.memory_space<vmem_shared>>) dst(%dma_wait3A_51 : memref<632x128xf32, #tpu.memory_space<hbm>>)
          tpu.yield
        }) : () -> ()
      } else {
      }
      %eq3A_39 = arith.constant 15 : i32
      %eq3A_40 = arith.cmpi eq, %arg1, %eq3A_39 : i32
      %convert_element_type3A_41 = arith.extui %eq3A_40 : i1 to i32
      %cond3A_42 = arith.constant 0 : i32
      %cond3A_43 = arith.cmpi ne, %convert_element_type3A_41, %cond3A_42 : i32
      scf.if %cond3A_43 {
        "tpu.region"() ({
          %run_scoped3A = tpu.sem_alloc : memref<!tpu.dma_semaphore, #tpu.memory_space<semaphore_mem>>
          %dma_start3A = arith.constant 9480 : i32
          %dma_start3A_44 = arith.constant 0 : i32
          %dma_start3A_45 = tpu.memref_slice %arg7[%dma_start3A, %dma_start3A_44] : memref<10000x128xf32, #tpu.memory_space<hbm>> -> memref<520x128xf32, #tpu.memory_space<hbm>>
          %dma_start3A_46 = arith.constant 9480 : i32
          %dma_start3A_47 = arith.constant 0 : i32
          %dma_start3A_48 = tpu.memref_slice %arg12[%dma_start3A_46, %dma_start3A_47] : memref<10112x128xf32, #tpu.memory_space<vmem_shared>> -> memref<520x128xf32, #tpu.memory_space<vmem_shared>>
          tpu.enqueue_dma source(%dma_start3A_48 : memref<520x128xf32, #tpu.memory_space<vmem_shared>>) target(%dma_start3A_45 : memref<520x128xf32, #tpu.memory_space<hbm>>) target_semaphore(%run_scoped3A : memref<!tpu.dma_semaphore, #tpu.memory_space<semaphore_mem>>)
          %dma_wait3A = arith.constant 9480 : i32
          %dma_wait3A_49 = arith.constant 0 : i32
          %dma_wait3A_50 = tpu.memref_slice %arg7[%dma_wait3A, %dma_wait3A_49] : memref<10000x128xf32, #tpu.memory_space<hbm>> -> memref<520x128xf32, #tpu.memory_space<hbm>>
          %dma_wait3A_51 = arith.constant 9480 : i32
          %dma_wait3A_52 = arith.constant 0 : i32
          %dma_wait3A_53 = tpu.memref_slice %arg12[%dma_wait3A_51, %dma_wait3A_52] : memref<10112x128xf32, #tpu.memory_space<vmem_shared>> -> memref<520x128xf32, #tpu.memory_space<vmem_shared>>
          tpu.wait_dma2 semaphore(%run_scoped3A : memref<!tpu.dma_semaphore, #tpu.memory_space<semaphore_mem>>) src(%dma_wait3A_53 : memref<520x128xf32, #tpu.memory_space<vmem_shared>>) dst(%dma_wait3A_50 : memref<520x128xf32, #tpu.memory_space<hbm>>)
          tpu.yield
        }) : () -> ()
      } else {
      }
    } else {
    }
    return
  }
}

#map = affine_map<(d0, d1) -> (0, 0)>
module attributes {stable_mosaic.version = 14 : i64} {
  func.func @_seg_kernel(%arg0: i32, %arg1: i32, %arg2: memref<10000x128xf32, #tpu.memory_space<hbm>>, %arg3: memref<10000x128xf32, #tpu.memory_space<hbm>>, %arg4: memref<1280x128xi32, #tpu.memory_space<hbm>>, %arg5: memref<1280x128xi32, #tpu.memory_space<hbm>>, %arg6: memref<10000x128xf32, #tpu.memory_space<hbm>>, %arg7: memref<10000x128xf32, #tpu.memory_space<hbm>>, %arg8: memref<40x128xi32, #tpu.memory_space<vmem>>, %arg9: memref<40x128xi32, #tpu.memory_space<vmem>>, %arg10: memref<128x128xf32, #tpu.memory_space<vmem>>, %arg11: memref<128x128xf32, #tpu.memory_space<vmem>>, %arg12: memref<10112x128xf32, #tpu.memory_space<vmem_shared>>, %arg13: memref<!tpu.dma_semaphore, #tpu.memory_space<semaphore_mem>>, %arg14: memref<!tpu.dma_semaphore, #tpu.memory_space<semaphore_mem>>) attributes {dimension_semantics = [#tpu.dimension_semantics<core_parallel>, #tpu.dimension_semantics<subcore_parallel>], iteration_bounds = array<i64: 2, 16>, scalar_prefetch = 0 : i64, scratch_operands = 7 : i64, tpu.core_type = #tpu.core_type<sc_vector_subcore>, window_params = [{transform_indices = #map}, {transform_indices = #map}, {transform_indices = #map}, {transform_indices = #map}, {transform_indices = #map}, {transform_indices = #map}]} {
    %broadcast_in_dim3A = arith.constant 0.000000e+00 : f32
    %broadcast_in_dim3A_0 = vector.broadcast %broadcast_in_dim3A : f32 to vector<16xf32>
    %scan3A = arith.constant 0 : i32
    %scan3A_1 = arith.constant 0 : i32
    %scan3A_2 = arith.constant 128 : i32
    %scan3A_3 = arith.addi %scan3A_1, %scan3A_2 : i32
    %scan3A_4 = arith.constant 1 : i32
    %scan3A_5 = scf.for %scan3A_35 = %scan3A_1 to %scan3A_3 step %scan3A_4 iter_args(%scan3A_36 = %scan3A) -> (i32)  : i32 {
      %swap3A = arith.index_cast %scan3A_35 : i32 to index
      %swap3A_37 = arith.constant 0 : index
      %swap3A_38 = tpu.vector_load %arg10[%swap3A, %swap3A_37] {strides = array<i32>} : memref<128x128xf32, #tpu.memory_space<vmem>>, vector<1x16xf32>,
      %swap3A_39 = vector.shape_cast %swap3A_38 : vector<1x16xf32> to vector<16xf32>
      %swap3A_40 = vector.shape_cast %broadcast_in_dim3A_0 : vector<16xf32> to vector<1x16xf32>
      tpu.vector_store %arg10[%swap3A, %swap3A_37], %swap3A_40 {strides = array<i32>} : memref<128x128xf32, #tpu.memory_space<vmem>>, vector<1x16xf32>,
      %swap3A_41 = arith.index_cast %scan3A_35 : i32 to index
      %swap3A_42 = arith.constant 16 : index
      %swap3A_43 = tpu.vector_load %arg10[%swap3A_41, %swap3A_42] {strides = array<i32>} : memref<128x128xf32, #tpu.memory_space<vmem>>, vector<1x16xf32>,
      %swap3A_44 = vector.shape_cast %swap3A_43 : vector<1x16xf32> to vector<16xf32>
      %swap3A_45 = vector.shape_cast %broadcast_in_dim3A_0 : vector<16xf32> to vector<1x16xf32>
      tpu.vector_store %arg10[%swap3A_41, %swap3A_42], %swap3A_45 {strides = array<i32>} : memref<128x128xf32, #tpu.memory_space<vmem>>, vector<1x16xf32>,
      %swap3A_46 = arith.index_cast %scan3A_35 : i32 to index
      %swap3A_47 = arith.constant 32 : index
      %swap3A_48 = tpu.vector_load %arg10[%swap3A_46, %swap3A_47] {strides = array<i32>} : memref<128x128xf32, #tpu.memory_space<vmem>>, vector<1x16xf32>,
      %swap3A_49 = vector.shape_cast %swap3A_48 : vector<1x16xf32> to vector<16xf32>
      %swap3A_50 = vector.shape_cast %broadcast_in_dim3A_0 : vector<16xf32> to vector<1x16xf32>
      tpu.vector_store %arg10[%swap3A_46, %swap3A_47], %swap3A_50 {strides = array<i32>} : memref<128x128xf32, #tpu.memory_space<vmem>>, vector<1x16xf32>,
      %swap3A_51 = arith.index_cast %scan3A_35 : i32 to index
      %swap3A_52 = arith.constant 48 : index
      %swap3A_53 = tpu.vector_load %arg10[%swap3A_51, %swap3A_52] {strides = array<i32>} : memref<128x128xf32, #tpu.memory_space<vmem>>, vector<1x16xf32>,
      %swap3A_54 = vector.shape_cast %swap3A_53 : vector<1x16xf32> to vector<16xf32>
      %swap3A_55 = vector.shape_cast %broadcast_in_dim3A_0 : vector<16xf32> to vector<1x16xf32>
      tpu.vector_store %arg10[%swap3A_51, %swap3A_52], %swap3A_55 {strides = array<i32>} : memref<128x128xf32, #tpu.memory_space<vmem>>, vector<1x16xf32>,
      %swap3A_56 = arith.index_cast %scan3A_35 : i32 to index
      %swap3A_57 = arith.constant 64 : index
      %swap3A_58 = tpu.vector_load %arg10[%swap3A_56, %swap3A_57] {strides = array<i32>} : memref<128x128xf32, #tpu.memory_space<vmem>>, vector<1x16xf32>,
      %swap3A_59 = vector.shape_cast %swap3A_58 : vector<1x16xf32> to vector<16xf32>
      %swap3A_60 = vector.shape_cast %broadcast_in_dim3A_0 : vector<16xf32> to vector<1x16xf32>
      tpu.vector_store %arg10[%swap3A_56, %swap3A_57], %swap3A_60 {strides = array<i32>} : memref<128x128xf32, #tpu.memory_space<vmem>>, vector<1x16xf32>,
      %swap3A_61 = arith.index_cast %scan3A_35 : i32 to index
      %swap3A_62 = arith.constant 80 : index
      %swap3A_63 = tpu.vector_load %arg10[%swap3A_61, %swap3A_62] {strides = array<i32>} : memref<128x128xf32, #tpu.memory_space<vmem>>, vector<1x16xf32>,
      %swap3A_64 = vector.shape_cast %swap3A_63 : vector<1x16xf32> to vector<16xf32>
      %swap3A_65 = vector.shape_cast %broadcast_in_dim3A_0 : vector<16xf32> to vector<1x16xf32>
      tpu.vector_store %arg10[%swap3A_61, %swap3A_62], %swap3A_65 {strides = array<i32>} : memref<128x128xf32, #tpu.memory_space<vmem>>, vector<1x16xf32>,
      %swap3A_66 = arith.index_cast %scan3A_35 : i32 to index
      %swap3A_67 = arith.constant 96 : index
      %swap3A_68 = tpu.vector_load %arg10[%swap3A_66, %swap3A_67] {strides = array<i32>} : memref<128x128xf32, #tpu.memory_space<vmem>>, vector<1x16xf32>,
      %swap3A_69 = vector.shape_cast %swap3A_68 : vector<1x16xf32> to vector<16xf32>
      %swap3A_70 = vector.shape_cast %broadcast_in_dim3A_0 : vector<16xf32> to vector<1x16xf32>
      tpu.vector_store %arg10[%swap3A_66, %swap3A_67], %swap3A_70 {strides = array<i32>} : memref<128x128xf32, #tpu.memory_space<vmem>>, vector<1x16xf32>,
      %swap3A_71 = arith.index_cast %scan3A_35 : i32 to index
      %swap3A_72 = arith.constant 112 : index
      %swap3A_73 = tpu.vector_load %arg10[%swap3A_71, %swap3A_72] {strides = array<i32>} : memref<128x128xf32, #tpu.memory_space<vmem>>, vector<1x16xf32>,
      %swap3A_74 = vector.shape_cast %swap3A_73 : vector<1x16xf32> to vector<16xf32>
      %swap3A_75 = vector.shape_cast %broadcast_in_dim3A_0 : vector<16xf32> to vector<1x16xf32>
      tpu.vector_store %arg10[%swap3A_71, %swap3A_72], %swap3A_75 {strides = array<i32>} : memref<128x128xf32, #tpu.memory_space<vmem>>, vector<1x16xf32>,
      %scan3A_76 = arith.constant 0 : i32
      scf.yield %scan3A_76 : i32
    }
    %scan3A_6 = arith.constant 128 : i32
    %mul3A = arith.constant 632 : i32
    %mul3A_7 = arith.muli %arg1, %mul3A : i32
    %add3A = arith.constant 0 : i32
    %add3A_8 = arith.addi %mul3A_7, %add3A : i32
    "tpu.region"() ({
      %run_scoped3A = tpu.sem_alloc : memref<!tpu.dma_semaphore, #tpu.memory_space<semaphore_mem>>
      %dma_start3A = arith.constant 0 : i32
      %dma_start3A_35 = tpu.memref_slice %arg12[%add3A_8, %dma_start3A] : memref<10112x128xf32, #tpu.memory_space<vmem_shared>> -> memref<128x128xf32, #tpu.memory_space<vmem_shared>>
      %dma_start3A_36 = arith.constant 0 : i32
      %dma_start3A_37 = tpu.memref_slice %arg12[%add3A_8, %dma_start3A_36] : memref<10112x128xf32, #tpu.memory_space<vmem_shared>> -> memref<128x128xf32, #tpu.memory_space<vmem_shared>>
      tpu.enqueue_dma source(%arg10 : memref<128x128xf32, #tpu.memory_space<vmem>>) target(%dma_start3A_37 : memref<128x128xf32, #tpu.memory_space<vmem_shared>>) target_semaphore(%run_scoped3A : memref<!tpu.dma_semaphore, #tpu.memory_space<semaphore_mem>>)
      %dma_wait3A = arith.constant 0 : i32
      %dma_wait3A_38 = tpu.memref_slice %arg12[%add3A_8, %dma_wait3A] : memref<10112x128xf32, #tpu.memory_space<vmem_shared>> -> memref<128x128xf32, #tpu.memory_space<vmem_shared>>
      %dma_wait3A_39 = arith.constant 0 : i32
      %dma_wait3A_40 = tpu.memref_slice %arg12[%add3A_8, %dma_wait3A_39] : memref<10112x128xf32, #tpu.memory_space<vmem_shared>> -> memref<128x128xf32, #tpu.memory_space<vmem_shared>>
      tpu.wait_dma2 semaphore(%run_scoped3A : memref<!tpu.dma_semaphore, #tpu.memory_space<semaphore_mem>>) src(%arg10 : memref<128x128xf32, #tpu.memory_space<vmem>>) dst(%dma_wait3A_40 : memref<128x128xf32, #tpu.memory_space<vmem_shared>>)
      tpu.yield
    }) : () -> ()
    %add3A_9 = arith.constant 128 : i32
    %add3A_10 = arith.addi %mul3A_7, %add3A_9 : i32
    "tpu.region"() ({
      %run_scoped3A = tpu.sem_alloc : memref<!tpu.dma_semaphore, #tpu.memory_space<semaphore_mem>>
      %dma_start3A = arith.constant 0 : i32
      %dma_start3A_35 = tpu.memref_slice %arg12[%add3A_10, %dma_start3A] : memref<10112x128xf32, #tpu.memory_space<vmem_shared>> -> memref<128x128xf32, #tpu.memory_space<vmem_shared>>
      %dma_start3A_36 = arith.constant 0 : i32
      %dma_start3A_37 = tpu.memref_slice %arg12[%add3A_10, %dma_start3A_36] : memref<10112x128xf32, #tpu.memory_space<vmem_shared>> -> memref<128x128xf32, #tpu.memory_space<vmem_shared>>
      tpu.enqueue_dma source(%arg10 : memref<128x128xf32, #tpu.memory_space<vmem>>) target(%dma_start3A_37 : memref<128x128xf32, #tpu.memory_space<vmem_shared>>) target_semaphore(%run_scoped3A : memref<!tpu.dma_semaphore, #tpu.memory_space<semaphore_mem>>)
      %dma_wait3A = arith.constant 0 : i32
      %dma_wait3A_38 = tpu.memref_slice %arg12[%add3A_10, %dma_wait3A] : memref<10112x128xf32, #tpu.memory_space<vmem_shared>> -> memref<128x128xf32, #tpu.memory_space<vmem_shared>>
      %dma_wait3A_39 = arith.constant 0 : i32
      %dma_wait3A_40 = tpu.memref_slice %arg12[%add3A_10, %dma_wait3A_39] : memref<10112x128xf32, #tpu.memory_space<vmem_shared>> -> memref<128x128xf32, #tpu.memory_space<vmem_shared>>
      tpu.wait_dma2 semaphore(%run_scoped3A : memref<!tpu.dma_semaphore, #tpu.memory_space<semaphore_mem>>) src(%arg10 : memref<128x128xf32, #tpu.memory_space<vmem>>) dst(%dma_wait3A_40 : memref<128x128xf32, #tpu.memory_space<vmem_shared>>)
      tpu.yield
    }) : () -> ()
    %add3A_11 = arith.constant 256 : i32
    %add3A_12 = arith.addi %mul3A_7, %add3A_11 : i32
    "tpu.region"() ({
      %run_scoped3A = tpu.sem_alloc : memref<!tpu.dma_semaphore, #tpu.memory_space<semaphore_mem>>
      %dma_start3A = arith.constant 0 : i32
      %dma_start3A_35 = tpu.memref_slice %arg12[%add3A_12, %dma_start3A] : memref<10112x128xf32, #tpu.memory_space<vmem_shared>> -> memref<128x128xf32, #tpu.memory_space<vmem_shared>>
      %dma_start3A_36 = arith.constant 0 : i32
      %dma_start3A_37 = tpu.memref_slice %arg12[%add3A_12, %dma_start3A_36] : memref<10112x128xf32, #tpu.memory_space<vmem_shared>> -> memref<128x128xf32, #tpu.memory_space<vmem_shared>>
      tpu.enqueue_dma source(%arg10 : memref<128x128xf32, #tpu.memory_space<vmem>>) target(%dma_start3A_37 : memref<128x128xf32, #tpu.memory_space<vmem_shared>>) target_semaphore(%run_scoped3A : memref<!tpu.dma_semaphore, #tpu.memory_space<semaphore_mem>>)
      %dma_wait3A = arith.constant 0 : i32
      %dma_wait3A_38 = tpu.memref_slice %arg12[%add3A_12, %dma_wait3A] : memref<10112x128xf32, #tpu.memory_space<vmem_shared>> -> memref<128x128xf32, #tpu.memory_space<vmem_shared>>
      %dma_wait3A_39 = arith.constant 0 : i32
      %dma_wait3A_40 = tpu.memref_slice %arg12[%add3A_12, %dma_wait3A_39] : memref<10112x128xf32, #tpu.memory_space<vmem_shared>> -> memref<128x128xf32, #tpu.memory_space<vmem_shared>>
      tpu.wait_dma2 semaphore(%run_scoped3A : memref<!tpu.dma_semaphore, #tpu.memory_space<semaphore_mem>>) src(%arg10 : memref<128x128xf32, #tpu.memory_space<vmem>>) dst(%dma_wait3A_40 : memref<128x128xf32, #tpu.memory_space<vmem_shared>>)
      tpu.yield
    }) : () -> ()
    %add3A_13 = arith.constant 384 : i32
    %add3A_14 = arith.addi %mul3A_7, %add3A_13 : i32
    "tpu.region"() ({
      %run_scoped3A = tpu.sem_alloc : memref<!tpu.dma_semaphore, #tpu.memory_space<semaphore_mem>>
      %dma_start3A = arith.constant 0 : i32
      %dma_start3A_35 = tpu.memref_slice %arg12[%add3A_14, %dma_start3A] : memref<10112x128xf32, #tpu.memory_space<vmem_shared>> -> memref<128x128xf32, #tpu.memory_space<vmem_shared>>
      %dma_start3A_36 = arith.constant 0 : i32
      %dma_start3A_37 = tpu.memref_slice %arg12[%add3A_14, %dma_start3A_36] : memref<10112x128xf32, #tpu.memory_space<vmem_shared>> -> memref<128x128xf32, #tpu.memory_space<vmem_shared>>
      tpu.enqueue_dma source(%arg10 : memref<128x128xf32, #tpu.memory_space<vmem>>) target(%dma_start3A_37 : memref<128x128xf32, #tpu.memory_space<vmem_shared>>) target_semaphore(%run_scoped3A : memref<!tpu.dma_semaphore, #tpu.memory_space<semaphore_mem>>)
      %dma_wait3A = arith.constant 0 : i32
      %dma_wait3A_38 = tpu.memref_slice %arg12[%add3A_14, %dma_wait3A] : memref<10112x128xf32, #tpu.memory_space<vmem_shared>> -> memref<128x128xf32, #tpu.memory_space<vmem_shared>>
      %dma_wait3A_39 = arith.constant 0 : i32
      %dma_wait3A_40 = tpu.memref_slice %arg12[%add3A_14, %dma_wait3A_39] : memref<10112x128xf32, #tpu.memory_space<vmem_shared>> -> memref<128x128xf32, #tpu.memory_space<vmem_shared>>
      tpu.wait_dma2 semaphore(%run_scoped3A : memref<!tpu.dma_semaphore, #tpu.memory_space<semaphore_mem>>) src(%arg10 : memref<128x128xf32, #tpu.memory_space<vmem>>) dst(%dma_wait3A_40 : memref<128x128xf32, #tpu.memory_space<vmem_shared>>)
      tpu.yield
    }) : () -> ()
    %add3A_15 = arith.constant 512 : i32
    %add3A_16 = arith.addi %mul3A_7, %add3A_15 : i32
    "tpu.region"() ({
      %run_scoped3A = tpu.sem_alloc : memref<!tpu.dma_semaphore, #tpu.memory_space<semaphore_mem>>
      %dma_start3A = arith.constant 0 : i32
      %dma_start3A_35 = arith.constant 0 : i32
      %dma_start3A_36 = tpu.memref_slice %arg10[%dma_start3A, %dma_start3A_35] : memref<128x128xf32, #tpu.memory_space<vmem>> -> memref<120x128xf32, #tpu.memory_space<vmem>>
      %dma_start3A_37 = arith.constant 0 : i32
      %dma_start3A_38 = tpu.memref_slice %arg12[%add3A_16, %dma_start3A_37] : memref<10112x128xf32, #tpu.memory_space<vmem_shared>> -> memref<120x128xf32, #tpu.memory_space<vmem_shared>>
      %dma_start3A_39 = arith.constant 0 : i32
      %dma_start3A_40 = tpu.memref_slice %arg12[%add3A_16, %dma_start3A_39] : memref<10112x128xf32, #tpu.memory_space<vmem_shared>> -> memref<120x128xf32, #tpu.memory_space<vmem_shared>>
      %dma_start3A_41 = arith.constant 0 : i32
      %dma_start3A_42 = arith.constant 0 : i32
      %dma_start3A_43 = tpu.memref_slice %arg10[%dma_start3A_41, %dma_start3A_42] : memref<128x128xf32, #tpu.memory_space<vmem>> -> memref<120x128xf32, #tpu.memory_space<vmem>>
      tpu.enqueue_dma source(%dma_start3A_43 : memref<120x128xf32, #tpu.memory_space<vmem>>) target(%dma_start3A_40 : memref<120x128xf32, #tpu.memory_space<vmem_shared>>) target_semaphore(%run_scoped3A : memref<!tpu.dma_semaphore, #tpu.memory_space<semaphore_mem>>)
      %dma_wait3A = arith.constant 0 : i32
      %dma_wait3A_44 = arith.constant 0 : i32
      %dma_wait3A_45 = tpu.memref_slice %arg10[%dma_wait3A, %dma_wait3A_44] : memref<128x128xf32, #tpu.memory_space<vmem>> -> memref<120x128xf32, #tpu.memory_space<vmem>>
      %dma_wait3A_46 = arith.constant 0 : i32
      %dma_wait3A_47 = tpu.memref_slice %arg12[%add3A_16, %dma_wait3A_46] : memref<10112x128xf32, #tpu.memory_space<vmem_shared>> -> memref<120x128xf32, #tpu.memory_space<vmem_shared>>
      %dma_wait3A_48 = arith.constant 0 : i32
      %dma_wait3A_49 = tpu.memref_slice %arg12[%add3A_16, %dma_wait3A_48] : memref<10112x128xf32, #tpu.memory_space<vmem_shared>> -> memref<120x128xf32, #tpu.memory_space<vmem_shared>>
      %dma_wait3A_50 = arith.constant 0 : i32
      %dma_wait3A_51 = arith.constant 0 : i32
      %dma_wait3A_52 = tpu.memref_slice %arg10[%dma_wait3A_50, %dma_wait3A_51] : memref<128x128xf32, #tpu.memory_space<vmem>> -> memref<120x128xf32, #tpu.memory_space<vmem>>
      tpu.wait_dma2 semaphore(%run_scoped3A : memref<!tpu.dma_semaphore, #tpu.memory_space<semaphore_mem>>) src(%dma_wait3A_52 : memref<120x128xf32, #tpu.memory_space<vmem>>) dst(%dma_wait3A_49 : memref<120x128xf32, #tpu.memory_space<vmem_shared>>)
      tpu.yield
    }) : () -> ()
    %barrier3A = arith.constant 0 : index
    tpu.barrier barrier_id(%barrier3A)
    %eq3A = arith.constant 0 : i32
    %eq3A_17 = arith.cmpi eq, %arg0, %eq3A : i32
    %convert_element_type3A = arith.extui %eq3A_17 : i1 to i32
    %cond3A = arith.constant 0 : i32
    %cond3A_18 = arith.cmpi ne, %convert_element_type3A, %cond3A : i32
    scf.if %cond3A_18 {
      %mul3A_35 = arith.constant 80 : i32
      %mul3A_36 = arith.muli %arg1, %mul3A_35 : i32
      %add3A_37 = arith.constant 0 : i32
      %add3A_38 = arith.addi %mul3A_36, %add3A_37 : i32
      "tpu.region"() ({
        %run_scoped3A = tpu.sem_alloc : memref<!tpu.dma_semaphore, #tpu.memory_space<semaphore_mem>>
        %dma_start3A_92 = arith.constant 0 : i32
        %dma_start3A_93 = tpu.memref_slice %arg4[%add3A_38, %dma_start3A_92] : memref<1280x128xi32, #tpu.memory_space<hbm>> -> memref<40x128xi32, #tpu.memory_space<hbm>>
        %dma_start3A_94 = arith.constant 0 : i32
        %dma_start3A_95 = tpu.memref_slice %arg4[%add3A_38, %dma_start3A_94] : memref<1280x128xi32, #tpu.memory_space<hbm>> -> memref<40x128xi32, #tpu.memory_space<hbm>>
        tpu.enqueue_dma source(%dma_start3A_95 : memref<40x128xi32, #tpu.memory_space<hbm>>) target(%arg8 : memref<40x128xi32, #tpu.memory_space<vmem>>) target_semaphore(%run_scoped3A : memref<!tpu.dma_semaphore, #tpu.memory_space<semaphore_mem>>)
        %dma_wait3A = arith.constant 0 : i32
        %dma_wait3A_96 = tpu.memref_slice %arg4[%add3A_38, %dma_wait3A] : memref<1280x128xi32, #tpu.memory_space<hbm>> -> memref<40x128xi32, #tpu.memory_space<hbm>>
        %dma_wait3A_97 = arith.constant 0 : i32
        %dma_wait3A_98 = tpu.memref_slice %arg4[%add3A_38, %dma_wait3A_97] : memref<1280x128xi32, #tpu.memory_space<hbm>> -> memref<40x128xi32, #tpu.memory_space<hbm>>
        tpu.wait_dma2 semaphore(%run_scoped3A : memref<!tpu.dma_semaphore, #tpu.memory_space<semaphore_mem>>) src(%dma_wait3A_98 : memref<40x128xi32, #tpu.memory_space<hbm>>) dst(%arg8 : memref<40x128xi32, #tpu.memory_space<vmem>>)
        tpu.yield
      }) : () -> ()
      %mul3A_39 = arith.constant 80 : i32
      %mul3A_40 = arith.muli %arg1, %mul3A_39 : i32
      %add3A_41 = arith.constant 0 : i32
      %add3A_42 = arith.addi %mul3A_40, %add3A_41 : i32
      "tpu.region"() ({
        %run_scoped3A = tpu.sem_alloc : memref<!tpu.dma_semaphore, #tpu.memory_space<semaphore_mem>>
        %dma_start3A_92 = arith.constant 0 : i32
        %dma_start3A_93 = tpu.memref_slice %arg5[%add3A_42, %dma_start3A_92] : memref<1280x128xi32, #tpu.memory_space<hbm>> -> memref<40x128xi32, #tpu.memory_space<hbm>>
        %dma_start3A_94 = arith.constant 0 : i32
        %dma_start3A_95 = tpu.memref_slice %arg5[%add3A_42, %dma_start3A_94] : memref<1280x128xi32, #tpu.memory_space<hbm>> -> memref<40x128xi32, #tpu.memory_space<hbm>>
        tpu.enqueue_dma source(%dma_start3A_95 : memref<40x128xi32, #tpu.memory_space<hbm>>) target(%arg9 : memref<40x128xi32, #tpu.memory_space<vmem>>) target_semaphore(%run_scoped3A : memref<!tpu.dma_semaphore, #tpu.memory_space<semaphore_mem>>)
        %dma_wait3A = arith.constant 0 : i32
        %dma_wait3A_96 = tpu.memref_slice %arg5[%add3A_42, %dma_wait3A] : memref<1280x128xi32, #tpu.memory_space<hbm>> -> memref<40x128xi32, #tpu.memory_space<hbm>>
        %dma_wait3A_97 = arith.constant 0 : i32
        %dma_wait3A_98 = tpu.memref_slice %arg5[%add3A_42, %dma_wait3A_97] : memref<1280x128xi32, #tpu.memory_space<hbm>> -> memref<40x128xi32, #tpu.memory_space<hbm>>
        tpu.wait_dma2 semaphore(%run_scoped3A : memref<!tpu.dma_semaphore, #tpu.memory_space<semaphore_mem>>) src(%dma_wait3A_98 : memref<40x128xi32, #tpu.memory_space<hbm>>) dst(%arg9 : memref<40x128xi32, #tpu.memory_space<vmem>>)
        tpu.yield
      }) : () -> ()
      %dma_start3A = arith.constant 0 : i32
      %dma_start3A_43 = arith.constant 0 : i32
      %dma_start3A_44 = tpu.memref_slice %arg8[%dma_start3A, %dma_start3A_43] : memref<40x128xi32, #tpu.memory_space<vmem>> -> memref<1x128xi32, #tpu.memory_space<vmem>>
      %dma_start3A_45 = tpu.memref_squeeze %dma_start3A_44 : memref<1x128xi32, #tpu.memory_space<vmem>> -> memref<128xi32, #tpu.memory_space<vmem>>
      %dma_start3A_46 = arith.constant 0 : i32
      %dma_start3A_47 = arith.constant 0 : i32
      %dma_start3A_48 = tpu.memref_slice %arg2[%dma_start3A_46, %dma_start3A_47] : memref<10000x128xf32, #tpu.memory_space<hbm>> -> memref<10000x128xf32, #tpu.memory_space<hbm>>
      tpu.enqueue_indirect_dma source(%dma_start3A_48 : memref<10000x128xf32, #tpu.memory_space<hbm>>) target(%arg10 : memref<128x128xf32, #tpu.memory_space<vmem>>) offsets(%dma_start3A_45 : memref<128xi32, #tpu.memory_space<vmem>>) semaphore(%arg13 : memref<!tpu.dma_semaphore, #tpu.memory_space<semaphore_mem>>)
      %dma_start3A_49 = arith.constant 1 : i32
      %dma_start3A_50 = arith.constant 0 : i32
      %dma_start3A_51 = tpu.memref_slice %arg8[%dma_start3A_49, %dma_start3A_50] : memref<40x128xi32, #tpu.memory_space<vmem>> -> memref<1x128xi32, #tpu.memory_space<vmem>>
      %dma_start3A_52 = tpu.memref_squeeze %dma_start3A_51 : memref<1x128xi32, #tpu.memory_space<vmem>> -> memref<128xi32, #tpu.memory_space<vmem>>
      %dma_start3A_53 = arith.constant 0 : i32
      %dma_start3A_54 = arith.constant 0 : i32
      %dma_start3A_55 = tpu.memref_slice %arg2[%dma_start3A_53, %dma_start3A_54] : memref<10000x128xf32, #tpu.memory_space<hbm>> -> memref<10000x128xf32, #tpu.memory_space<hbm>>
      tpu.enqueue_indirect_dma source(%dma_start3A_55 : memref<10000x128xf32, #tpu.memory_space<hbm>>) target(%arg11 : memref<128x128xf32, #tpu.memory_space<vmem>>) offsets(%dma_start3A_52 : memref<128xi32, #tpu.memory_space<vmem>>) semaphore(%arg14 : memref<!tpu.dma_semaphore, #tpu.memory_space<semaphore_mem>>)
      %scan3A_56 = arith.constant 0 : i32
      %scan3A_57 = arith.constant 0 : i32
      %scan3A_58 = arith.constant 20 : i32
      %scan3A_59 = arith.addi %scan3A_57, %scan3A_58 : i32
      %scan3A_60 = arith.constant 1 : i32
      %scan3A_61 = scf.for %scan3A_92 = %scan3A_57 to %scan3A_59 step %scan3A_60 iter_args(%scan3A_93 = %scan3A_56) -> (i32)  : i32 {
        %mul3A_94 = arith.constant 2 : i32
        %mul3A_95 = arith.muli %scan3A_92, %mul3A_94 : i32
        %dma_wait3A = arith.constant 0 : i32
        %dma_wait3A_96 = arith.constant 0 : i32
        %dma_wait3A_97 = tpu.memref_slice %arg8[%dma_wait3A, %dma_wait3A_96] : memref<40x128xi32, #tpu.memory_space<vmem>> -> memref<1x128xi32, #tpu.memory_space<vmem>>
        %dma_wait3A_98 = tpu.memref_squeeze %dma_wait3A_97 : memref<1x128xi32, #tpu.memory_space<vmem>> -> memref<128xi32, #tpu.memory_space<vmem>>
        %dma_wait3A_99 = arith.constant 0 : i32
        %dma_wait3A_100 = arith.constant 0 : i32
        %dma_wait3A_101 = tpu.memref_slice %arg2[%dma_wait3A_99, %dma_wait3A_100] : memref<10000x128xf32, #tpu.memory_space<hbm>> -> memref<10000x128xf32, #tpu.memory_space<hbm>>
        tpu.wait_indirect_dma semaphore(%arg13 : memref<!tpu.dma_semaphore, #tpu.memory_space<semaphore_mem>>) src(%dma_wait3A_101 : memref<10000x128xf32, #tpu.memory_space<hbm>>) dst(%arg10 : memref<128x128xf32, #tpu.memory_space<vmem>>)
        "tpu.region"() ({
          %run_scoped3A = tpu.sem_alloc : memref<!tpu.dma_semaphore, #tpu.memory_space<semaphore_mem>>
          %dma_start3A_125 = arith.constant 0 : i32
          %dma_start3A_126 = tpu.memref_slice %arg9[%mul3A_95, %dma_start3A_125] : memref<40x128xi32, #tpu.memory_space<vmem>> -> memref<1x128xi32, #tpu.memory_space<vmem>>
          %dma_start3A_127 = tpu.memref_squeeze %dma_start3A_126 : memref<1x128xi32, #tpu.memory_space<vmem>> -> memref<128xi32, #tpu.memory_space<vmem>>
          %dma_start3A_128 = arith.constant 0 : i32
          %dma_start3A_129 = arith.constant 0 : i32
          %dma_start3A_130 = tpu.memref_slice %arg12[%dma_start3A_128, %dma_start3A_129] : memref<10112x128xf32, #tpu.memory_space<vmem_shared>> -> memref<10112x128xf32, #tpu.memory_space<vmem_shared>>
          tpu.enqueue_indirect_dma source(%arg10 : memref<128x128xf32, #tpu.memory_space<vmem>>) target(%dma_start3A_130 : memref<10112x128xf32, #tpu.memory_space<vmem_shared>>) offsets(%dma_start3A_127 : memref<128xi32, #tpu.memory_space<vmem>>) semaphore(%run_scoped3A : memref<!tpu.dma_semaphore, #tpu.memory_space<semaphore_mem>>) {add = true}
          %dma_wait3A_131 = arith.constant 0 : i32
          %dma_wait3A_132 = tpu.memref_slice %arg9[%mul3A_95, %dma_wait3A_131] : memref<40x128xi32, #tpu.memory_space<vmem>> -> memref<1x128xi32, #tpu.memory_space<vmem>>
          %dma_wait3A_133 = tpu.memref_squeeze %dma_wait3A_132 : memref<1x128xi32, #tpu.memory_space<vmem>> -> memref<128xi32, #tpu.memory_space<vmem>>
          %dma_wait3A_134 = arith.constant 0 : i32
          %dma_wait3A_135 = arith.constant 0 : i32
          %dma_wait3A_136 = tpu.memref_slice %arg12[%dma_wait3A_134, %dma_wait3A_135] : memref<10112x128xf32, #tpu.memory_space<vmem_shared>> -> memref<10112x128xf32, #tpu.memory_space<vmem_shared>>
          tpu.wait_indirect_dma semaphore(%run_scoped3A : memref<!tpu.dma_semaphore, #tpu.memory_space<semaphore_mem>>) src(%arg10 : memref<128x128xf32, #tpu.memory_space<vmem>>) dst(%dma_wait3A_136 : memref<10112x128xf32, #tpu.memory_space<vmem_shared>>)
          tpu.yield
        }) : () -> ()
        %add3A_102 = arith.constant 2 : i32
        %add3A_103 = arith.addi %mul3A_95, %add3A_102 : i32
        %lt3A = arith.constant 40 : i32
        %lt3A_104 = arith.cmpi slt, %add3A_103, %lt3A : i32
        %convert_element_type3A_105 = arith.extui %lt3A_104 : i1 to i32
        %cond3A_106 = arith.constant 0 : i32
        %cond3A_107 = arith.cmpi ne, %convert_element_type3A_105, %cond3A_106 : i32
        scf.if %cond3A_107 {
          %add3A_125 = arith.constant 2 : i32
          %add3A_126 = arith.addi %mul3A_95, %add3A_125 : i32
          %dma_start3A_127 = arith.constant 0 : i32
          %dma_start3A_128 = tpu.memref_slice %arg8[%add3A_126, %dma_start3A_127] : memref<40x128xi32, #tpu.memory_space<vmem>> -> memref<1x128xi32, #tpu.memory_space<vmem>>
          %dma_start3A_129 = tpu.memref_squeeze %dma_start3A_128 : memref<1x128xi32, #tpu.memory_space<vmem>> -> memref<128xi32, #tpu.memory_space<vmem>>
          %dma_start3A_130 = arith.constant 0 : i32
          %dma_start3A_131 = arith.constant 0 : i32
          %dma_start3A_132 = tpu.memref_slice %arg2[%dma_start3A_130, %dma_start3A_131] : memref<10000x128xf32, #tpu.memory_space<hbm>> -> memref<10000x128xf32, #tpu.memory_space<hbm>>
          tpu.enqueue_indirect_dma source(%dma_start3A_132 : memref<10000x128xf32, #tpu.memory_space<hbm>>) target(%arg10 : memref<128x128xf32, #tpu.memory_space<vmem>>) offsets(%dma_start3A_129 : memref<128xi32, #tpu.memory_space<vmem>>) semaphore(%arg13 : memref<!tpu.dma_semaphore, #tpu.memory_space<semaphore_mem>>)
        } else {
        }
        %dma_wait3A_108 = arith.constant 0 : i32
        %dma_wait3A_109 = arith.constant 0 : i32
        %dma_wait3A_110 = tpu.memref_slice %arg8[%dma_wait3A_108, %dma_wait3A_109] : memref<40x128xi32, #tpu.memory_space<vmem>> -> memref<1x128xi32, #tpu.memory_space<vmem>>
        %dma_wait3A_111 = tpu.memref_squeeze %dma_wait3A_110 : memref<1x128xi32, #tpu.memory_space<vmem>> -> memref<128xi32, #tpu.memory_space<vmem>>
        %dma_wait3A_112 = arith.constant 0 : i32
        %dma_wait3A_113 = arith.constant 0 : i32
        %dma_wait3A_114 = tpu.memref_slice %arg2[%dma_wait3A_112, %dma_wait3A_113] : memref<10000x128xf32, #tpu.memory_space<hbm>> -> memref<10000x128xf32, #tpu.memory_space<hbm>>
        tpu.wait_indirect_dma semaphore(%arg14 : memref<!tpu.dma_semaphore, #tpu.memory_space<semaphore_mem>>) src(%dma_wait3A_114 : memref<10000x128xf32, #tpu.memory_space<hbm>>) dst(%arg11 : memref<128x128xf32, #tpu.memory_space<vmem>>)
        %add3A_115 = arith.constant 1 : i32
        %add3A_116 = arith.addi %mul3A_95, %add3A_115 : i32
        "tpu.region"() ({
          %run_scoped3A = tpu.sem_alloc : memref<!tpu.dma_semaphore, #tpu.memory_space<semaphore_mem>>
          %dma_start3A_125 = arith.constant 0 : i32
          %dma_start3A_126 = tpu.memref_slice %arg9[%add3A_116, %dma_start3A_125] : memref<40x128xi32, #tpu.memory_space<vmem>> -> memref<1x128xi32, #tpu.memory_space<vmem>>
          %dma_start3A_127 = tpu.memref_squeeze %dma_start3A_126 : memref<1x128xi32, #tpu.memory_space<vmem>> -> memref<128xi32, #tpu.memory_space<vmem>>
          %dma_start3A_128 = arith.constant 0 : i32
          %dma_start3A_129 = arith.constant 0 : i32
          %dma_start3A_130 = tpu.memref_slice %arg12[%dma_start3A_128, %dma_start3A_129] : memref<10112x128xf32, #tpu.memory_space<vmem_shared>> -> memref<10112x128xf32, #tpu.memory_space<vmem_shared>>
          tpu.enqueue_indirect_dma source(%arg11 : memref<128x128xf32, #tpu.memory_space<vmem>>) target(%dma_start3A_130 : memref<10112x128xf32, #tpu.memory_space<vmem_shared>>) offsets(%dma_start3A_127 : memref<128xi32, #tpu.memory_space<vmem>>) semaphore(%run_scoped3A : memref<!tpu.dma_semaphore, #tpu.memory_space<semaphore_mem>>) {add = true}
          %dma_wait3A_131 = arith.constant 0 : i32
          %dma_wait3A_132 = tpu.memref_slice %arg9[%add3A_116, %dma_wait3A_131] : memref<40x128xi32, #tpu.memory_space<vmem>> -> memref<1x128xi32, #tpu.memory_space<vmem>>
          %dma_wait3A_133 = tpu.memref_squeeze %dma_wait3A_132 : memref<1x128xi32, #tpu.memory_space<vmem>> -> memref<128xi32, #tpu.memory_space<vmem>>
          %dma_wait3A_134 = arith.constant 0 : i32
          %dma_wait3A_135 = arith.constant 0 : i32
          %dma_wait3A_136 = tpu.memref_slice %arg12[%dma_wait3A_134, %dma_wait3A_135] : memref<10112x128xf32, #tpu.memory_space<vmem_shared>> -> memref<10112x128xf32, #tpu.memory_space<vmem_shared>>
          tpu.wait_indirect_dma semaphore(%run_scoped3A : memref<!tpu.dma_semaphore, #tpu.memory_space<semaphore_mem>>) src(%arg11 : memref<128x128xf32, #tpu.memory_space<vmem>>) dst(%dma_wait3A_136 : memref<10112x128xf32, #tpu.memory_space<vmem_shared>>)
          tpu.yield
        }) : () -> ()
        %add3A_117 = arith.constant 3 : i32
        %add3A_118 = arith.addi %mul3A_95, %add3A_117 : i32
        %lt3A_119 = arith.constant 40 : i32
        %lt3A_120 = arith.cmpi slt, %add3A_118, %lt3A_119 : i32
        %convert_element_type3A_121 = arith.extui %lt3A_120 : i1 to i32
        %cond3A_122 = arith.constant 0 : i32
        %cond3A_123 = arith.cmpi ne, %convert_element_type3A_121, %cond3A_122 : i32
        scf.if %cond3A_123 {
          %add3A_125 = arith.constant 3 : i32
          %add3A_126 = arith.addi %mul3A_95, %add3A_125 : i32
          %dma_start3A_127 = arith.constant 0 : i32
          %dma_start3A_128 = tpu.memref_slice %arg8[%add3A_126, %dma_start3A_127] : memref<40x128xi32, #tpu.memory_space<vmem>> -> memref<1x128xi32, #tpu.memory_space<vmem>>
          %dma_start3A_129 = tpu.memref_squeeze %dma_start3A_128 : memref<1x128xi32, #tpu.memory_space<vmem>> -> memref<128xi32, #tpu.memory_space<vmem>>
          %dma_start3A_130 = arith.constant 0 : i32
          %dma_start3A_131 = arith.constant 0 : i32
          %dma_start3A_132 = tpu.memref_slice %arg2[%dma_start3A_130, %dma_start3A_131] : memref<10000x128xf32, #tpu.memory_space<hbm>> -> memref<10000x128xf32, #tpu.memory_space<hbm>>
          tpu.enqueue_indirect_dma source(%dma_start3A_132 : memref<10000x128xf32, #tpu.memory_space<hbm>>) target(%arg11 : memref<128x128xf32, #tpu.memory_space<vmem>>) offsets(%dma_start3A_129 : memref<128xi32, #tpu.memory_space<vmem>>) semaphore(%arg14 : memref<!tpu.dma_semaphore, #tpu.memory_space<semaphore_mem>>)
        } else {
        }
        %scan3A_124 = arith.constant 0 : i32
        scf.yield %scan3A_124 : i32
      }
      %scan3A_62 = arith.constant 20 : i32
      %mul3A_63 = arith.constant 80 : i32
      %mul3A_64 = arith.muli %arg1, %mul3A_63 : i32
      %add3A_65 = arith.constant 40 : i32
      %add3A_66 = arith.addi %mul3A_64, %add3A_65 : i32
      "tpu.region"() ({
        %run_scoped3A = tpu.sem_alloc : memref<!tpu.dma_semaphore, #tpu.memory_space<semaphore_mem>>
        %dma_start3A_92 = arith.constant 0 : i32
        %dma_start3A_93 = tpu.memref_slice %arg4[%add3A_66, %dma_start3A_92] : memref<1280x128xi32, #tpu.memory_space<hbm>> -> memref<40x128xi32, #tpu.memory_space<hbm>>
        %dma_start3A_94 = arith.constant 0 : i32
        %dma_start3A_95 = tpu.memref_slice %arg4[%add3A_66, %dma_start3A_94] : memref<1280x128xi32, #tpu.memory_space<hbm>> -> memref<40x128xi32, #tpu.memory_space<hbm>>
        tpu.enqueue_dma source(%dma_start3A_95 : memref<40x128xi32, #tpu.memory_space<hbm>>) target(%arg8 : memref<40x128xi32, #tpu.memory_space<vmem>>) target_semaphore(%run_scoped3A : memref<!tpu.dma_semaphore, #tpu.memory_space<semaphore_mem>>)
        %dma_wait3A = arith.constant 0 : i32
        %dma_wait3A_96 = tpu.memref_slice %arg4[%add3A_66, %dma_wait3A] : memref<1280x128xi32, #tpu.memory_space<hbm>> -> memref<40x128xi32, #tpu.memory_space<hbm>>
        %dma_wait3A_97 = arith.constant 0 : i32
        %dma_wait3A_98 = tpu.memref_slice %arg4[%add3A_66, %dma_wait3A_97] : memref<1280x128xi32, #tpu.memory_space<hbm>> -> memref<40x128xi32, #tpu.memory_space<hbm>>
        tpu.wait_dma2 semaphore(%run_scoped3A : memref<!tpu.dma_semaphore, #tpu.memory_space<semaphore_mem>>) src(%dma_wait3A_98 : memref<40x128xi32, #tpu.memory_space<hbm>>) dst(%arg8 : memref<40x128xi32, #tpu.memory_space<vmem>>)
        tpu.yield
      }) : () -> ()
      %mul3A_67 = arith.constant 80 : i32
      %mul3A_68 = arith.muli %arg1, %mul3A_67 : i32
      %add3A_69 = arith.constant 40 : i32
      %add3A_70 = arith.addi %mul3A_68, %add3A_69 : i32
      "tpu.region"() ({
        %run_scoped3A = tpu.sem_alloc : memref<!tpu.dma_semaphore, #tpu.memory_space<semaphore_mem>>
        %dma_start3A_92 = arith.constant 0 : i32
        %dma_start3A_93 = tpu.memref_slice %arg5[%add3A_70, %dma_start3A_92] : memref<1280x128xi32, #tpu.memory_space<hbm>> -> memref<40x128xi32, #tpu.memory_space<hbm>>
        %dma_start3A_94 = arith.constant 0 : i32
        %dma_start3A_95 = tpu.memref_slice %arg5[%add3A_70, %dma_start3A_94] : memref<1280x128xi32, #tpu.memory_space<hbm>> -> memref<40x128xi32, #tpu.memory_space<hbm>>
        tpu.enqueue_dma source(%dma_start3A_95 : memref<40x128xi32, #tpu.memory_space<hbm>>) target(%arg9 : memref<40x128xi32, #tpu.memory_space<vmem>>) target_semaphore(%run_scoped3A : memref<!tpu.dma_semaphore, #tpu.memory_space<semaphore_mem>>)
        %dma_wait3A = arith.constant 0 : i32
        %dma_wait3A_96 = tpu.memref_slice %arg5[%add3A_70, %dma_wait3A] : memref<1280x128xi32, #tpu.memory_space<hbm>> -> memref<40x128xi32, #tpu.memory_space<hbm>>
        %dma_wait3A_97 = arith.constant 0 : i32
        %dma_wait3A_98 = tpu.memref_slice %arg5[%add3A_70, %dma_wait3A_97] : memref<1280x128xi32, #tpu.memory_space<hbm>> -> memref<40x128xi32, #tpu.memory_space<hbm>>
        tpu.wait_dma2 semaphore(%run_scoped3A : memref<!tpu.dma_semaphore, #tpu.memory_space<semaphore_mem>>) src(%dma_wait3A_98 : memref<40x128xi32, #tpu.memory_space<hbm>>) dst(%arg9 : memref<40x128xi32, #tpu.memory_space<vmem>>)
        tpu.yield
      }) : () -> ()
      %dma_start3A_71 = arith.constant 0 : i32
      %dma_start3A_72 = arith.constant 0 : i32
      %dma_start3A_73 = tpu.memref_slice %arg8[%dma_start3A_71, %dma_start3A_72] : memref<40x128xi32, #tpu.memory_space<vmem>> -> memref<1x128xi32, #tpu.memory_space<vmem>>
      %dma_start3A_74 = tpu.memref_squeeze %dma_start3A_73 : memref<1x128xi32, #tpu.memory_space<vmem>> -> memref<128xi32, #tpu.memory_space<vmem>>
      %dma_start3A_75 = arith.constant 0 : i32
      %dma_start3A_76 = arith.constant 0 : i32
      %dma_start3A_77 = tpu.memref_slice %arg2[%dma_start3A_75, %dma_start3A_76] : memref<10000x128xf32, #tpu.memory_space<hbm>> -> memref<10000x128xf32, #tpu.memory_space<hbm>>
      tpu.enqueue_indirect_dma source(%dma_start3A_77 : memref<10000x128xf32, #tpu.memory_space<hbm>>) target(%arg10 : memref<128x128xf32, #tpu.memory_space<vmem>>) offsets(%dma_start3A_74 : memref<128xi32, #tpu.memory_space<vmem>>) semaphore(%arg13 : memref<!tpu.dma_semaphore, #tpu.memory_space<semaphore_mem>>)
      %dma_start3A_78 = arith.constant 1 : i32
      %dma_start3A_79 = arith.constant 0 : i32
      %dma_start3A_80 = tpu.memref_slice %arg8[%dma_start3A_78, %dma_start3A_79] : memref<40x128xi32, #tpu.memory_space<vmem>> -> memref<1x128xi32, #tpu.memory_space<vmem>>
      %dma_start3A_81 = tpu.memref_squeeze %dma_start3A_80 : memref<1x128xi32, #tpu.memory_space<vmem>> -> memref<128xi32, #tpu.memory_space<vmem>>
      %dma_start3A_82 = arith.constant 0 : i32
      %dma_start3A_83 = arith.constant 0 : i32
      %dma_start3A_84 = tpu.memref_slice %arg2[%dma_start3A_82, %dma_start3A_83] : memref<10000x128xf32, #tpu.memory_space<hbm>> -> memref<10000x128xf32, #tpu.memory_space<hbm>>
      tpu.enqueue_indirect_dma source(%dma_start3A_84 : memref<10000x128xf32, #tpu.memory_space<hbm>>) target(%arg11 : memref<128x128xf32, #tpu.memory_space<vmem>>) offsets(%dma_start3A_81 : memref<128xi32, #tpu.memory_space<vmem>>) semaphore(%arg14 : memref<!tpu.dma_semaphore, #tpu.memory_space<semaphore_mem>>)
      %scan3A_85 = arith.constant 0 : i32
      %scan3A_86 = arith.constant 0 : i32
      %scan3A_87 = arith.constant 20 : i32
      %scan3A_88 = arith.addi %scan3A_86, %scan3A_87 : i32
      %scan3A_89 = arith.constant 1 : i32
      %scan3A_90 = scf.for %scan3A_92 = %scan3A_86 to %scan3A_88 step %scan3A_89 iter_args(%scan3A_93 = %scan3A_85) -> (i32)  : i32 {
        %mul3A_94 = arith.constant 2 : i32
        %mul3A_95 = arith.muli %scan3A_92, %mul3A_94 : i32
        %dma_wait3A = arith.constant 0 : i32
        %dma_wait3A_96 = arith.constant 0 : i32
        %dma_wait3A_97 = tpu.memref_slice %arg8[%dma_wait3A, %dma_wait3A_96] : memref<40x128xi32, #tpu.memory_space<vmem>> -> memref<1x128xi32, #tpu.memory_space<vmem>>
        %dma_wait3A_98 = tpu.memref_squeeze %dma_wait3A_97 : memref<1x128xi32, #tpu.memory_space<vmem>> -> memref<128xi32, #tpu.memory_space<vmem>>
        %dma_wait3A_99 = arith.constant 0 : i32
        %dma_wait3A_100 = arith.constant 0 : i32
        %dma_wait3A_101 = tpu.memref_slice %arg2[%dma_wait3A_99, %dma_wait3A_100] : memref<10000x128xf32, #tpu.memory_space<hbm>> -> memref<10000x128xf32, #tpu.memory_space<hbm>>
        tpu.wait_indirect_dma semaphore(%arg13 : memref<!tpu.dma_semaphore, #tpu.memory_space<semaphore_mem>>) src(%dma_wait3A_101 : memref<10000x128xf32, #tpu.memory_space<hbm>>) dst(%arg10 : memref<128x128xf32, #tpu.memory_space<vmem>>)
        "tpu.region"() ({
          %run_scoped3A = tpu.sem_alloc : memref<!tpu.dma_semaphore, #tpu.memory_space<semaphore_mem>>
          %dma_start3A_125 = arith.constant 0 : i32
          %dma_start3A_126 = tpu.memref_slice %arg9[%mul3A_95, %dma_start3A_125] : memref<40x128xi32, #tpu.memory_space<vmem>> -> memref<1x128xi32, #tpu.memory_space<vmem>>
          %dma_start3A_127 = tpu.memref_squeeze %dma_start3A_126 : memref<1x128xi32, #tpu.memory_space<vmem>> -> memref<128xi32, #tpu.memory_space<vmem>>
          %dma_start3A_128 = arith.constant 0 : i32
          %dma_start3A_129 = arith.constant 0 : i32
          %dma_start3A_130 = tpu.memref_slice %arg12[%dma_start3A_128, %dma_start3A_129] : memref<10112x128xf32, #tpu.memory_space<vmem_shared>> -> memref<10112x128xf32, #tpu.memory_space<vmem_shared>>
          tpu.enqueue_indirect_dma source(%arg10 : memref<128x128xf32, #tpu.memory_space<vmem>>) target(%dma_start3A_130 : memref<10112x128xf32, #tpu.memory_space<vmem_shared>>) offsets(%dma_start3A_127 : memref<128xi32, #tpu.memory_space<vmem>>) semaphore(%run_scoped3A : memref<!tpu.dma_semaphore, #tpu.memory_space<semaphore_mem>>) {add = true}
          %dma_wait3A_131 = arith.constant 0 : i32
          %dma_wait3A_132 = tpu.memref_slice %arg9[%mul3A_95, %dma_wait3A_131] : memref<40x128xi32, #tpu.memory_space<vmem>> -> memref<1x128xi32, #tpu.memory_space<vmem>>
          %dma_wait3A_133 = tpu.memref_squeeze %dma_wait3A_132 : memref<1x128xi32, #tpu.memory_space<vmem>> -> memref<128xi32, #tpu.memory_space<vmem>>
          %dma_wait3A_134 = arith.constant 0 : i32
          %dma_wait3A_135 = arith.constant 0 : i32
          %dma_wait3A_136 = tpu.memref_slice %arg12[%dma_wait3A_134, %dma_wait3A_135] : memref<10112x128xf32, #tpu.memory_space<vmem_shared>> -> memref<10112x128xf32, #tpu.memory_space<vmem_shared>>
          tpu.wait_indirect_dma semaphore(%run_scoped3A : memref<!tpu.dma_semaphore, #tpu.memory_space<semaphore_mem>>) src(%arg10 : memref<128x128xf32, #tpu.memory_space<vmem>>) dst(%dma_wait3A_136 : memref<10112x128xf32, #tpu.memory_space<vmem_shared>>)
          tpu.yield
        }) : () -> ()
        %add3A_102 = arith.constant 2 : i32
        %add3A_103 = arith.addi %mul3A_95, %add3A_102 : i32
        %lt3A = arith.constant 40 : i32
        %lt3A_104 = arith.cmpi slt, %add3A_103, %lt3A : i32
        %convert_element_type3A_105 = arith.extui %lt3A_104 : i1 to i32
        %cond3A_106 = arith.constant 0 : i32
        %cond3A_107 = arith.cmpi ne, %convert_element_type3A_105, %cond3A_106 : i32
        scf.if %cond3A_107 {
          %add3A_125 = arith.constant 2 : i32
          %add3A_126 = arith.addi %mul3A_95, %add3A_125 : i32
          %dma_start3A_127 = arith.constant 0 : i32
          %dma_start3A_128 = tpu.memref_slice %arg8[%add3A_126, %dma_start3A_127] : memref<40x128xi32, #tpu.memory_space<vmem>> -> memref<1x128xi32, #tpu.memory_space<vmem>>
          %dma_start3A_129 = tpu.memref_squeeze %dma_start3A_128 : memref<1x128xi32, #tpu.memory_space<vmem>> -> memref<128xi32, #tpu.memory_space<vmem>>
          %dma_start3A_130 = arith.constant 0 : i32
          %dma_start3A_131 = arith.constant 0 : i32
          %dma_start3A_132 = tpu.memref_slice %arg2[%dma_start3A_130, %dma_start3A_131] : memref<10000x128xf32, #tpu.memory_space<hbm>> -> memref<10000x128xf32, #tpu.memory_space<hbm>>
          tpu.enqueue_indirect_dma source(%dma_start3A_132 : memref<10000x128xf32, #tpu.memory_space<hbm>>) target(%arg10 : memref<128x128xf32, #tpu.memory_space<vmem>>) offsets(%dma_start3A_129 : memref<128xi32, #tpu.memory_space<vmem>>) semaphore(%arg13 : memref<!tpu.dma_semaphore, #tpu.memory_space<semaphore_mem>>)
        } else {
        }
        %dma_wait3A_108 = arith.constant 0 : i32
        %dma_wait3A_109 = arith.constant 0 : i32
        %dma_wait3A_110 = tpu.memref_slice %arg8[%dma_wait3A_108, %dma_wait3A_109] : memref<40x128xi32, #tpu.memory_space<vmem>> -> memref<1x128xi32, #tpu.memory_space<vmem>>
        %dma_wait3A_111 = tpu.memref_squeeze %dma_wait3A_110 : memref<1x128xi32, #tpu.memory_space<vmem>> -> memref<128xi32, #tpu.memory_space<vmem>>
        %dma_wait3A_112 = arith.constant 0 : i32
        %dma_wait3A_113 = arith.constant 0 : i32
        %dma_wait3A_114 = tpu.memref_slice %arg2[%dma_wait3A_112, %dma_wait3A_113] : memref<10000x128xf32, #tpu.memory_space<hbm>> -> memref<10000x128xf32, #tpu.memory_space<hbm>>
        tpu.wait_indirect_dma semaphore(%arg14 : memref<!tpu.dma_semaphore, #tpu.memory_space<semaphore_mem>>) src(%dma_wait3A_114 : memref<10000x128xf32, #tpu.memory_space<hbm>>) dst(%arg11 : memref<128x128xf32, #tpu.memory_space<vmem>>)
        %add3A_115 = arith.constant 1 : i32
        %add3A_116 = arith.addi %mul3A_95, %add3A_115 : i32
        "tpu.region"() ({
          %run_scoped3A = tpu.sem_alloc : memref<!tpu.dma_semaphore, #tpu.memory_space<semaphore_mem>>
          %dma_start3A_125 = arith.constant 0 : i32
          %dma_start3A_126 = tpu.memref_slice %arg9[%add3A_116, %dma_start3A_125] : memref<40x128xi32, #tpu.memory_space<vmem>> -> memref<1x128xi32, #tpu.memory_space<vmem>>
          %dma_start3A_127 = tpu.memref_squeeze %dma_start3A_126 : memref<1x128xi32, #tpu.memory_space<vmem>> -> memref<128xi32, #tpu.memory_space<vmem>>
          %dma_start3A_128 = arith.constant 0 : i32
          %dma_start3A_129 = arith.constant 0 : i32
          %dma_start3A_130 = tpu.memref_slice %arg12[%dma_start3A_128, %dma_start3A_129] : memref<10112x128xf32, #tpu.memory_space<vmem_shared>> -> memref<10112x128xf32, #tpu.memory_space<vmem_shared>>
          tpu.enqueue_indirect_dma source(%arg11 : memref<128x128xf32, #tpu.memory_space<vmem>>) target(%dma_start3A_130 : memref<10112x128xf32, #tpu.memory_space<vmem_shared>>) offsets(%dma_start3A_127 : memref<128xi32, #tpu.memory_space<vmem>>) semaphore(%run_scoped3A : memref<!tpu.dma_semaphore, #tpu.memory_space<semaphore_mem>>) {add = true}
          %dma_wait3A_131 = arith.constant 0 : i32
          %dma_wait3A_132 = tpu.memref_slice %arg9[%add3A_116, %dma_wait3A_131] : memref<40x128xi32, #tpu.memory_space<vmem>> -> memref<1x128xi32, #tpu.memory_space<vmem>>
          %dma_wait3A_133 = tpu.memref_squeeze %dma_wait3A_132 : memref<1x128xi32, #tpu.memory_space<vmem>> -> memref<128xi32, #tpu.memory_space<vmem>>
          %dma_wait3A_134 = arith.constant 0 : i32
          %dma_wait3A_135 = arith.constant 0 : i32
          %dma_wait3A_136 = tpu.memref_slice %arg12[%dma_wait3A_134, %dma_wait3A_135] : memref<10112x128xf32, #tpu.memory_space<vmem_shared>> -> memref<10112x128xf32, #tpu.memory_space<vmem_shared>>
          tpu.wait_indirect_dma semaphore(%run_scoped3A : memref<!tpu.dma_semaphore, #tpu.memory_space<semaphore_mem>>) src(%arg11 : memref<128x128xf32, #tpu.memory_space<vmem>>) dst(%dma_wait3A_136 : memref<10112x128xf32, #tpu.memory_space<vmem_shared>>)
          tpu.yield
        }) : () -> ()
        %add3A_117 = arith.constant 3 : i32
        %add3A_118 = arith.addi %mul3A_95, %add3A_117 : i32
        %lt3A_119 = arith.constant 40 : i32
        %lt3A_120 = arith.cmpi slt, %add3A_118, %lt3A_119 : i32
        %convert_element_type3A_121 = arith.extui %lt3A_120 : i1 to i32
        %cond3A_122 = arith.constant 0 : i32
        %cond3A_123 = arith.cmpi ne, %convert_element_type3A_121, %cond3A_122 : i32
        scf.if %cond3A_123 {
          %add3A_125 = arith.constant 3 : i32
          %add3A_126 = arith.addi %mul3A_95, %add3A_125 : i32
          %dma_start3A_127 = arith.constant 0 : i32
          %dma_start3A_128 = tpu.memref_slice %arg8[%add3A_126, %dma_start3A_127] : memref<40x128xi32, #tpu.memory_space<vmem>> -> memref<1x128xi32, #tpu.memory_space<vmem>>
          %dma_start3A_129 = tpu.memref_squeeze %dma_start3A_128 : memref<1x128xi32, #tpu.memory_space<vmem>> -> memref<128xi32, #tpu.memory_space<vmem>>
          %dma_start3A_130 = arith.constant 0 : i32
          %dma_start3A_131 = arith.constant 0 : i32
          %dma_start3A_132 = tpu.memref_slice %arg2[%dma_start3A_130, %dma_start3A_131] : memref<10000x128xf32, #tpu.memory_space<hbm>> -> memref<10000x128xf32, #tpu.memory_space<hbm>>
          tpu.enqueue_indirect_dma source(%dma_start3A_132 : memref<10000x128xf32, #tpu.memory_space<hbm>>) target(%arg11 : memref<128x128xf32, #tpu.memory_space<vmem>>) offsets(%dma_start3A_129 : memref<128xi32, #tpu.memory_space<vmem>>) semaphore(%arg14 : memref<!tpu.dma_semaphore, #tpu.memory_space<semaphore_mem>>)
        } else {
        }
        %scan3A_124 = arith.constant 0 : i32
        scf.yield %scan3A_124 : i32
      }
      %scan3A_91 = arith.constant 20 : i32
    } else {
    }
    %eq3A_19 = arith.constant 1 : i32
    %eq3A_20 = arith.cmpi eq, %arg0, %eq3A_19 : i32
    %convert_element_type3A_21 = arith.extui %eq3A_20 : i1 to i32
    %cond3A_22 = arith.constant 0 : i32
    %cond3A_23 = arith.cmpi ne, %convert_element_type3A_21, %cond3A_22 : i32
    scf.if %cond3A_23 {
      %mul3A_35 = arith.constant 80 : i32
      %mul3A_36 = arith.muli %arg1, %mul3A_35 : i32
      %add3A_37 = arith.constant 0 : i32
      %add3A_38 = arith.addi %mul3A_36, %add3A_37 : i32
      "tpu.region"() ({
        %run_scoped3A = tpu.sem_alloc : memref<!tpu.dma_semaphore, #tpu.memory_space<semaphore_mem>>
        %dma_start3A_92 = arith.constant 0 : i32
        %dma_start3A_93 = tpu.memref_slice %arg4[%add3A_38, %dma_start3A_92] : memref<1280x128xi32, #tpu.memory_space<hbm>> -> memref<40x128xi32, #tpu.memory_space<hbm>>
        %dma_start3A_94 = arith.constant 0 : i32
        %dma_start3A_95 = tpu.memref_slice %arg4[%add3A_38, %dma_start3A_94] : memref<1280x128xi32, #tpu.memory_space<hbm>> -> memref<40x128xi32, #tpu.memory_space<hbm>>
        tpu.enqueue_dma source(%dma_start3A_95 : memref<40x128xi32, #tpu.memory_space<hbm>>) target(%arg8 : memref<40x128xi32, #tpu.memory_space<vmem>>) target_semaphore(%run_scoped3A : memref<!tpu.dma_semaphore, #tpu.memory_space<semaphore_mem>>)
        %dma_wait3A = arith.constant 0 : i32
        %dma_wait3A_96 = tpu.memref_slice %arg4[%add3A_38, %dma_wait3A] : memref<1280x128xi32, #tpu.memory_space<hbm>> -> memref<40x128xi32, #tpu.memory_space<hbm>>
        %dma_wait3A_97 = arith.constant 0 : i32
        %dma_wait3A_98 = tpu.memref_slice %arg4[%add3A_38, %dma_wait3A_97] : memref<1280x128xi32, #tpu.memory_space<hbm>> -> memref<40x128xi32, #tpu.memory_space<hbm>>
        tpu.wait_dma2 semaphore(%run_scoped3A : memref<!tpu.dma_semaphore, #tpu.memory_space<semaphore_mem>>) src(%dma_wait3A_98 : memref<40x128xi32, #tpu.memory_space<hbm>>) dst(%arg8 : memref<40x128xi32, #tpu.memory_space<vmem>>)
        tpu.yield
      }) : () -> ()
      %mul3A_39 = arith.constant 80 : i32
      %mul3A_40 = arith.muli %arg1, %mul3A_39 : i32
      %add3A_41 = arith.constant 0 : i32
      %add3A_42 = arith.addi %mul3A_40, %add3A_41 : i32
      "tpu.region"() ({
        %run_scoped3A = tpu.sem_alloc : memref<!tpu.dma_semaphore, #tpu.memory_space<semaphore_mem>>
        %dma_start3A_92 = arith.constant 0 : i32
        %dma_start3A_93 = tpu.memref_slice %arg5[%add3A_42, %dma_start3A_92] : memref<1280x128xi32, #tpu.memory_space<hbm>> -> memref<40x128xi32, #tpu.memory_space<hbm>>
        %dma_start3A_94 = arith.constant 0 : i32
        %dma_start3A_95 = tpu.memref_slice %arg5[%add3A_42, %dma_start3A_94] : memref<1280x128xi32, #tpu.memory_space<hbm>> -> memref<40x128xi32, #tpu.memory_space<hbm>>
        tpu.enqueue_dma source(%dma_start3A_95 : memref<40x128xi32, #tpu.memory_space<hbm>>) target(%arg9 : memref<40x128xi32, #tpu.memory_space<vmem>>) target_semaphore(%run_scoped3A : memref<!tpu.dma_semaphore, #tpu.memory_space<semaphore_mem>>)
        %dma_wait3A = arith.constant 0 : i32
        %dma_wait3A_96 = tpu.memref_slice %arg5[%add3A_42, %dma_wait3A] : memref<1280x128xi32, #tpu.memory_space<hbm>> -> memref<40x128xi32, #tpu.memory_space<hbm>>
        %dma_wait3A_97 = arith.constant 0 : i32
        %dma_wait3A_98 = tpu.memref_slice %arg5[%add3A_42, %dma_wait3A_97] : memref<1280x128xi32, #tpu.memory_space<hbm>> -> memref<40x128xi32, #tpu.memory_space<hbm>>
        tpu.wait_dma2 semaphore(%run_scoped3A : memref<!tpu.dma_semaphore, #tpu.memory_space<semaphore_mem>>) src(%dma_wait3A_98 : memref<40x128xi32, #tpu.memory_space<hbm>>) dst(%arg9 : memref<40x128xi32, #tpu.memory_space<vmem>>)
        tpu.yield
      }) : () -> ()
      %dma_start3A = arith.constant 0 : i32
      %dma_start3A_43 = arith.constant 0 : i32
      %dma_start3A_44 = tpu.memref_slice %arg8[%dma_start3A, %dma_start3A_43] : memref<40x128xi32, #tpu.memory_space<vmem>> -> memref<1x128xi32, #tpu.memory_space<vmem>>
      %dma_start3A_45 = tpu.memref_squeeze %dma_start3A_44 : memref<1x128xi32, #tpu.memory_space<vmem>> -> memref<128xi32, #tpu.memory_space<vmem>>
      %dma_start3A_46 = arith.constant 0 : i32
      %dma_start3A_47 = arith.constant 0 : i32
      %dma_start3A_48 = tpu.memref_slice %arg3[%dma_start3A_46, %dma_start3A_47] : memref<10000x128xf32, #tpu.memory_space<hbm>> -> memref<10000x128xf32, #tpu.memory_space<hbm>>
      tpu.enqueue_indirect_dma source(%dma_start3A_48 : memref<10000x128xf32, #tpu.memory_space<hbm>>) target(%arg10 : memref<128x128xf32, #tpu.memory_space<vmem>>) offsets(%dma_start3A_45 : memref<128xi32, #tpu.memory_space<vmem>>) semaphore(%arg13 : memref<!tpu.dma_semaphore, #tpu.memory_space<semaphore_mem>>)
      %dma_start3A_49 = arith.constant 1 : i32
      %dma_start3A_50 = arith.constant 0 : i32
      %dma_start3A_51 = tpu.memref_slice %arg8[%dma_start3A_49, %dma_start3A_50] : memref<40x128xi32, #tpu.memory_space<vmem>> -> memref<1x128xi32, #tpu.memory_space<vmem>>
      %dma_start3A_52 = tpu.memref_squeeze %dma_start3A_51 : memref<1x128xi32, #tpu.memory_space<vmem>> -> memref<128xi32, #tpu.memory_space<vmem>>
      %dma_start3A_53 = arith.constant 0 : i32
      %dma_start3A_54 = arith.constant 0 : i32
      %dma_start3A_55 = tpu.memref_slice %arg3[%dma_start3A_53, %dma_start3A_54] : memref<10000x128xf32, #tpu.memory_space<hbm>> -> memref<10000x128xf32, #tpu.memory_space<hbm>>
      tpu.enqueue_indirect_dma source(%dma_start3A_55 : memref<10000x128xf32, #tpu.memory_space<hbm>>) target(%arg11 : memref<128x128xf32, #tpu.memory_space<vmem>>) offsets(%dma_start3A_52 : memref<128xi32, #tpu.memory_space<vmem>>) semaphore(%arg14 : memref<!tpu.dma_semaphore, #tpu.memory_space<semaphore_mem>>)
      %scan3A_56 = arith.constant 0 : i32
      %scan3A_57 = arith.constant 0 : i32
      %scan3A_58 = arith.constant 20 : i32
      %scan3A_59 = arith.addi %scan3A_57, %scan3A_58 : i32
      %scan3A_60 = arith.constant 1 : i32
      %scan3A_61 = scf.for %scan3A_92 = %scan3A_57 to %scan3A_59 step %scan3A_60 iter_args(%scan3A_93 = %scan3A_56) -> (i32)  : i32 {
        %mul3A_94 = arith.constant 2 : i32
        %mul3A_95 = arith.muli %scan3A_92, %mul3A_94 : i32
        %dma_wait3A = arith.constant 0 : i32
        %dma_wait3A_96 = arith.constant 0 : i32
        %dma_wait3A_97 = tpu.memref_slice %arg8[%dma_wait3A, %dma_wait3A_96] : memref<40x128xi32, #tpu.memory_space<vmem>> -> memref<1x128xi32, #tpu.memory_space<vmem>>
        %dma_wait3A_98 = tpu.memref_squeeze %dma_wait3A_97 : memref<1x128xi32, #tpu.memory_space<vmem>> -> memref<128xi32, #tpu.memory_space<vmem>>
        %dma_wait3A_99 = arith.constant 0 : i32
        %dma_wait3A_100 = arith.constant 0 : i32
        %dma_wait3A_101 = tpu.memref_slice %arg3[%dma_wait3A_99, %dma_wait3A_100] : memref<10000x128xf32, #tpu.memory_space<hbm>> -> memref<10000x128xf32, #tpu.memory_space<hbm>>
        tpu.wait_indirect_dma semaphore(%arg13 : memref<!tpu.dma_semaphore, #tpu.memory_space<semaphore_mem>>) src(%dma_wait3A_101 : memref<10000x128xf32, #tpu.memory_space<hbm>>) dst(%arg10 : memref<128x128xf32, #tpu.memory_space<vmem>>)
        "tpu.region"() ({
          %run_scoped3A = tpu.sem_alloc : memref<!tpu.dma_semaphore, #tpu.memory_space<semaphore_mem>>
          %dma_start3A_125 = arith.constant 0 : i32
          %dma_start3A_126 = tpu.memref_slice %arg9[%mul3A_95, %dma_start3A_125] : memref<40x128xi32, #tpu.memory_space<vmem>> -> memref<1x128xi32, #tpu.memory_space<vmem>>
          %dma_start3A_127 = tpu.memref_squeeze %dma_start3A_126 : memref<1x128xi32, #tpu.memory_space<vmem>> -> memref<128xi32, #tpu.memory_space<vmem>>
          %dma_start3A_128 = arith.constant 0 : i32
          %dma_start3A_129 = arith.constant 0 : i32
          %dma_start3A_130 = tpu.memref_slice %arg12[%dma_start3A_128, %dma_start3A_129] : memref<10112x128xf32, #tpu.memory_space<vmem_shared>> -> memref<10112x128xf32, #tpu.memory_space<vmem_shared>>
          tpu.enqueue_indirect_dma source(%arg10 : memref<128x128xf32, #tpu.memory_space<vmem>>) target(%dma_start3A_130 : memref<10112x128xf32, #tpu.memory_space<vmem_shared>>) offsets(%dma_start3A_127 : memref<128xi32, #tpu.memory_space<vmem>>) semaphore(%run_scoped3A : memref<!tpu.dma_semaphore, #tpu.memory_space<semaphore_mem>>) {add = true}
          %dma_wait3A_131 = arith.constant 0 : i32
          %dma_wait3A_132 = tpu.memref_slice %arg9[%mul3A_95, %dma_wait3A_131] : memref<40x128xi32, #tpu.memory_space<vmem>> -> memref<1x128xi32, #tpu.memory_space<vmem>>
          %dma_wait3A_133 = tpu.memref_squeeze %dma_wait3A_132 : memref<1x128xi32, #tpu.memory_space<vmem>> -> memref<128xi32, #tpu.memory_space<vmem>>
          %dma_wait3A_134 = arith.constant 0 : i32
          %dma_wait3A_135 = arith.constant 0 : i32
          %dma_wait3A_136 = tpu.memref_slice %arg12[%dma_wait3A_134, %dma_wait3A_135] : memref<10112x128xf32, #tpu.memory_space<vmem_shared>> -> memref<10112x128xf32, #tpu.memory_space<vmem_shared>>
          tpu.wait_indirect_dma semaphore(%run_scoped3A : memref<!tpu.dma_semaphore, #tpu.memory_space<semaphore_mem>>) src(%arg10 : memref<128x128xf32, #tpu.memory_space<vmem>>) dst(%dma_wait3A_136 : memref<10112x128xf32, #tpu.memory_space<vmem_shared>>)
          tpu.yield
        }) : () -> ()
        %add3A_102 = arith.constant 2 : i32
        %add3A_103 = arith.addi %mul3A_95, %add3A_102 : i32
        %lt3A = arith.constant 40 : i32
        %lt3A_104 = arith.cmpi slt, %add3A_103, %lt3A : i32
        %convert_element_type3A_105 = arith.extui %lt3A_104 : i1 to i32
        %cond3A_106 = arith.constant 0 : i32
        %cond3A_107 = arith.cmpi ne, %convert_element_type3A_105, %cond3A_106 : i32
        scf.if %cond3A_107 {
          %add3A_125 = arith.constant 2 : i32
          %add3A_126 = arith.addi %mul3A_95, %add3A_125 : i32
          %dma_start3A_127 = arith.constant 0 : i32
          %dma_start3A_128 = tpu.memref_slice %arg8[%add3A_126, %dma_start3A_127] : memref<40x128xi32, #tpu.memory_space<vmem>> -> memref<1x128xi32, #tpu.memory_space<vmem>>
          %dma_start3A_129 = tpu.memref_squeeze %dma_start3A_128 : memref<1x128xi32, #tpu.memory_space<vmem>> -> memref<128xi32, #tpu.memory_space<vmem>>
          %dma_start3A_130 = arith.constant 0 : i32
          %dma_start3A_131 = arith.constant 0 : i32
          %dma_start3A_132 = tpu.memref_slice %arg3[%dma_start3A_130, %dma_start3A_131] : memref<10000x128xf32, #tpu.memory_space<hbm>> -> memref<10000x128xf32, #tpu.memory_space<hbm>>
          tpu.enqueue_indirect_dma source(%dma_start3A_132 : memref<10000x128xf32, #tpu.memory_space<hbm>>) target(%arg10 : memref<128x128xf32, #tpu.memory_space<vmem>>) offsets(%dma_start3A_129 : memref<128xi32, #tpu.memory_space<vmem>>) semaphore(%arg13 : memref<!tpu.dma_semaphore, #tpu.memory_space<semaphore_mem>>)
        } else {
        }
        %dma_wait3A_108 = arith.constant 0 : i32
        %dma_wait3A_109 = arith.constant 0 : i32
        %dma_wait3A_110 = tpu.memref_slice %arg8[%dma_wait3A_108, %dma_wait3A_109] : memref<40x128xi32, #tpu.memory_space<vmem>> -> memref<1x128xi32, #tpu.memory_space<vmem>>
        %dma_wait3A_111 = tpu.memref_squeeze %dma_wait3A_110 : memref<1x128xi32, #tpu.memory_space<vmem>> -> memref<128xi32, #tpu.memory_space<vmem>>
        %dma_wait3A_112 = arith.constant 0 : i32
        %dma_wait3A_113 = arith.constant 0 : i32
        %dma_wait3A_114 = tpu.memref_slice %arg3[%dma_wait3A_112, %dma_wait3A_113] : memref<10000x128xf32, #tpu.memory_space<hbm>> -> memref<10000x128xf32, #tpu.memory_space<hbm>>
        tpu.wait_indirect_dma semaphore(%arg14 : memref<!tpu.dma_semaphore, #tpu.memory_space<semaphore_mem>>) src(%dma_wait3A_114 : memref<10000x128xf32, #tpu.memory_space<hbm>>) dst(%arg11 : memref<128x128xf32, #tpu.memory_space<vmem>>)
        %add3A_115 = arith.constant 1 : i32
        %add3A_116 = arith.addi %mul3A_95, %add3A_115 : i32
        "tpu.region"() ({
          %run_scoped3A = tpu.sem_alloc : memref<!tpu.dma_semaphore, #tpu.memory_space<semaphore_mem>>
          %dma_start3A_125 = arith.constant 0 : i32
          %dma_start3A_126 = tpu.memref_slice %arg9[%add3A_116, %dma_start3A_125] : memref<40x128xi32, #tpu.memory_space<vmem>> -> memref<1x128xi32, #tpu.memory_space<vmem>>
          %dma_start3A_127 = tpu.memref_squeeze %dma_start3A_126 : memref<1x128xi32, #tpu.memory_space<vmem>> -> memref<128xi32, #tpu.memory_space<vmem>>
          %dma_start3A_128 = arith.constant 0 : i32
          %dma_start3A_129 = arith.constant 0 : i32
          %dma_start3A_130 = tpu.memref_slice %arg12[%dma_start3A_128, %dma_start3A_129] : memref<10112x128xf32, #tpu.memory_space<vmem_shared>> -> memref<10112x128xf32, #tpu.memory_space<vmem_shared>>
          tpu.enqueue_indirect_dma source(%arg11 : memref<128x128xf32, #tpu.memory_space<vmem>>) target(%dma_start3A_130 : memref<10112x128xf32, #tpu.memory_space<vmem_shared>>) offsets(%dma_start3A_127 : memref<128xi32, #tpu.memory_space<vmem>>) semaphore(%run_scoped3A : memref<!tpu.dma_semaphore, #tpu.memory_space<semaphore_mem>>) {add = true}
          %dma_wait3A_131 = arith.constant 0 : i32
          %dma_wait3A_132 = tpu.memref_slice %arg9[%add3A_116, %dma_wait3A_131] : memref<40x128xi32, #tpu.memory_space<vmem>> -> memref<1x128xi32, #tpu.memory_space<vmem>>
          %dma_wait3A_133 = tpu.memref_squeeze %dma_wait3A_132 : memref<1x128xi32, #tpu.memory_space<vmem>> -> memref<128xi32, #tpu.memory_space<vmem>>
          %dma_wait3A_134 = arith.constant 0 : i32
          %dma_wait3A_135 = arith.constant 0 : i32
          %dma_wait3A_136 = tpu.memref_slice %arg12[%dma_wait3A_134, %dma_wait3A_135] : memref<10112x128xf32, #tpu.memory_space<vmem_shared>> -> memref<10112x128xf32, #tpu.memory_space<vmem_shared>>
          tpu.wait_indirect_dma semaphore(%run_scoped3A : memref<!tpu.dma_semaphore, #tpu.memory_space<semaphore_mem>>) src(%arg11 : memref<128x128xf32, #tpu.memory_space<vmem>>) dst(%dma_wait3A_136 : memref<10112x128xf32, #tpu.memory_space<vmem_shared>>)
          tpu.yield
        }) : () -> ()
        %add3A_117 = arith.constant 3 : i32
        %add3A_118 = arith.addi %mul3A_95, %add3A_117 : i32
        %lt3A_119 = arith.constant 40 : i32
        %lt3A_120 = arith.cmpi slt, %add3A_118, %lt3A_119 : i32
        %convert_element_type3A_121 = arith.extui %lt3A_120 : i1 to i32
        %cond3A_122 = arith.constant 0 : i32
        %cond3A_123 = arith.cmpi ne, %convert_element_type3A_121, %cond3A_122 : i32
        scf.if %cond3A_123 {
          %add3A_125 = arith.constant 3 : i32
          %add3A_126 = arith.addi %mul3A_95, %add3A_125 : i32
          %dma_start3A_127 = arith.constant 0 : i32
          %dma_start3A_128 = tpu.memref_slice %arg8[%add3A_126, %dma_start3A_127] : memref<40x128xi32, #tpu.memory_space<vmem>> -> memref<1x128xi32, #tpu.memory_space<vmem>>
          %dma_start3A_129 = tpu.memref_squeeze %dma_start3A_128 : memref<1x128xi32, #tpu.memory_space<vmem>> -> memref<128xi32, #tpu.memory_space<vmem>>
          %dma_start3A_130 = arith.constant 0 : i32
          %dma_start3A_131 = arith.constant 0 : i32
          %dma_start3A_132 = tpu.memref_slice %arg3[%dma_start3A_130, %dma_start3A_131] : memref<10000x128xf32, #tpu.memory_space<hbm>> -> memref<10000x128xf32, #tpu.memory_space<hbm>>
          tpu.enqueue_indirect_dma source(%dma_start3A_132 : memref<10000x128xf32, #tpu.memory_space<hbm>>) target(%arg11 : memref<128x128xf32, #tpu.memory_space<vmem>>) offsets(%dma_start3A_129 : memref<128xi32, #tpu.memory_space<vmem>>) semaphore(%arg14 : memref<!tpu.dma_semaphore, #tpu.memory_space<semaphore_mem>>)
        } else {
        }
        %scan3A_124 = arith.constant 0 : i32
        scf.yield %scan3A_124 : i32
      }
      %scan3A_62 = arith.constant 20 : i32
      %mul3A_63 = arith.constant 80 : i32
      %mul3A_64 = arith.muli %arg1, %mul3A_63 : i32
      %add3A_65 = arith.constant 40 : i32
      %add3A_66 = arith.addi %mul3A_64, %add3A_65 : i32
      "tpu.region"() ({
        %run_scoped3A = tpu.sem_alloc : memref<!tpu.dma_semaphore, #tpu.memory_space<semaphore_mem>>
        %dma_start3A_92 = arith.constant 0 : i32
        %dma_start3A_93 = tpu.memref_slice %arg4[%add3A_66, %dma_start3A_92] : memref<1280x128xi32, #tpu.memory_space<hbm>> -> memref<40x128xi32, #tpu.memory_space<hbm>>
        %dma_start3A_94 = arith.constant 0 : i32
        %dma_start3A_95 = tpu.memref_slice %arg4[%add3A_66, %dma_start3A_94] : memref<1280x128xi32, #tpu.memory_space<hbm>> -> memref<40x128xi32, #tpu.memory_space<hbm>>
        tpu.enqueue_dma source(%dma_start3A_95 : memref<40x128xi32, #tpu.memory_space<hbm>>) target(%arg8 : memref<40x128xi32, #tpu.memory_space<vmem>>) target_semaphore(%run_scoped3A : memref<!tpu.dma_semaphore, #tpu.memory_space<semaphore_mem>>)
        %dma_wait3A = arith.constant 0 : i32
        %dma_wait3A_96 = tpu.memref_slice %arg4[%add3A_66, %dma_wait3A] : memref<1280x128xi32, #tpu.memory_space<hbm>> -> memref<40x128xi32, #tpu.memory_space<hbm>>
        %dma_wait3A_97 = arith.constant 0 : i32
        %dma_wait3A_98 = tpu.memref_slice %arg4[%add3A_66, %dma_wait3A_97] : memref<1280x128xi32, #tpu.memory_space<hbm>> -> memref<40x128xi32, #tpu.memory_space<hbm>>
        tpu.wait_dma2 semaphore(%run_scoped3A : memref<!tpu.dma_semaphore, #tpu.memory_space<semaphore_mem>>) src(%dma_wait3A_98 : memref<40x128xi32, #tpu.memory_space<hbm>>) dst(%arg8 : memref<40x128xi32, #tpu.memory_space<vmem>>)
        tpu.yield
      }) : () -> ()
      %mul3A_67 = arith.constant 80 : i32
      %mul3A_68 = arith.muli %arg1, %mul3A_67 : i32
      %add3A_69 = arith.constant 40 : i32
      %add3A_70 = arith.addi %mul3A_68, %add3A_69 : i32
      "tpu.region"() ({
        %run_scoped3A = tpu.sem_alloc : memref<!tpu.dma_semaphore, #tpu.memory_space<semaphore_mem>>
        %dma_start3A_92 = arith.constant 0 : i32
        %dma_start3A_93 = tpu.memref_slice %arg5[%add3A_70, %dma_start3A_92] : memref<1280x128xi32, #tpu.memory_space<hbm>> -> memref<40x128xi32, #tpu.memory_space<hbm>>
        %dma_start3A_94 = arith.constant 0 : i32
        %dma_start3A_95 = tpu.memref_slice %arg5[%add3A_70, %dma_start3A_94] : memref<1280x128xi32, #tpu.memory_space<hbm>> -> memref<40x128xi32, #tpu.memory_space<hbm>>
        tpu.enqueue_dma source(%dma_start3A_95 : memref<40x128xi32, #tpu.memory_space<hbm>>) target(%arg9 : memref<40x128xi32, #tpu.memory_space<vmem>>) target_semaphore(%run_scoped3A : memref<!tpu.dma_semaphore, #tpu.memory_space<semaphore_mem>>)
        %dma_wait3A = arith.constant 0 : i32
        %dma_wait3A_96 = tpu.memref_slice %arg5[%add3A_70, %dma_wait3A] : memref<1280x128xi32, #tpu.memory_space<hbm>> -> memref<40x128xi32, #tpu.memory_space<hbm>>
        %dma_wait3A_97 = arith.constant 0 : i32
        %dma_wait3A_98 = tpu.memref_slice %arg5[%add3A_70, %dma_wait3A_97] : memref<1280x128xi32, #tpu.memory_space<hbm>> -> memref<40x128xi32, #tpu.memory_space<hbm>>
        tpu.wait_dma2 semaphore(%run_scoped3A : memref<!tpu.dma_semaphore, #tpu.memory_space<semaphore_mem>>) src(%dma_wait3A_98 : memref<40x128xi32, #tpu.memory_space<hbm>>) dst(%arg9 : memref<40x128xi32, #tpu.memory_space<vmem>>)
        tpu.yield
      }) : () -> ()
      %dma_start3A_71 = arith.constant 0 : i32
      %dma_start3A_72 = arith.constant 0 : i32
      %dma_start3A_73 = tpu.memref_slice %arg8[%dma_start3A_71, %dma_start3A_72] : memref<40x128xi32, #tpu.memory_space<vmem>> -> memref<1x128xi32, #tpu.memory_space<vmem>>
      %dma_start3A_74 = tpu.memref_squeeze %dma_start3A_73 : memref<1x128xi32, #tpu.memory_space<vmem>> -> memref<128xi32, #tpu.memory_space<vmem>>
      %dma_start3A_75 = arith.constant 0 : i32
      %dma_start3A_76 = arith.constant 0 : i32
      %dma_start3A_77 = tpu.memref_slice %arg3[%dma_start3A_75, %dma_start3A_76] : memref<10000x128xf32, #tpu.memory_space<hbm>> -> memref<10000x128xf32, #tpu.memory_space<hbm>>
      tpu.enqueue_indirect_dma source(%dma_start3A_77 : memref<10000x128xf32, #tpu.memory_space<hbm>>) target(%arg10 : memref<128x128xf32, #tpu.memory_space<vmem>>) offsets(%dma_start3A_74 : memref<128xi32, #tpu.memory_space<vmem>>) semaphore(%arg13 : memref<!tpu.dma_semaphore, #tpu.memory_space<semaphore_mem>>)
      %dma_start3A_78 = arith.constant 1 : i32
      %dma_start3A_79 = arith.constant 0 : i32
      %dma_start3A_80 = tpu.memref_slice %arg8[%dma_start3A_78, %dma_start3A_79] : memref<40x128xi32, #tpu.memory_space<vmem>> -> memref<1x128xi32, #tpu.memory_space<vmem>>
      %dma_start3A_81 = tpu.memref_squeeze %dma_start3A_80 : memref<1x128xi32, #tpu.memory_space<vmem>> -> memref<128xi32, #tpu.memory_space<vmem>>
      %dma_start3A_82 = arith.constant 0 : i32
      %dma_start3A_83 = arith.constant 0 : i32
      %dma_start3A_84 = tpu.memref_slice %arg3[%dma_start3A_82, %dma_start3A_83] : memref<10000x128xf32, #tpu.memory_space<hbm>> -> memref<10000x128xf32, #tpu.memory_space<hbm>>
      tpu.enqueue_indirect_dma source(%dma_start3A_84 : memref<10000x128xf32, #tpu.memory_space<hbm>>) target(%arg11 : memref<128x128xf32, #tpu.memory_space<vmem>>) offsets(%dma_start3A_81 : memref<128xi32, #tpu.memory_space<vmem>>) semaphore(%arg14 : memref<!tpu.dma_semaphore, #tpu.memory_space<semaphore_mem>>)
      %scan3A_85 = arith.constant 0 : i32
      %scan3A_86 = arith.constant 0 : i32
      %scan3A_87 = arith.constant 20 : i32
      %scan3A_88 = arith.addi %scan3A_86, %scan3A_87 : i32
      %scan3A_89 = arith.constant 1 : i32
      %scan3A_90 = scf.for %scan3A_92 = %scan3A_86 to %scan3A_88 step %scan3A_89 iter_args(%scan3A_93 = %scan3A_85) -> (i32)  : i32 {
        %mul3A_94 = arith.constant 2 : i32
        %mul3A_95 = arith.muli %scan3A_92, %mul3A_94 : i32
        %dma_wait3A = arith.constant 0 : i32
        %dma_wait3A_96 = arith.constant 0 : i32
        %dma_wait3A_97 = tpu.memref_slice %arg8[%dma_wait3A, %dma_wait3A_96] : memref<40x128xi32, #tpu.memory_space<vmem>> -> memref<1x128xi32, #tpu.memory_space<vmem>>
        %dma_wait3A_98 = tpu.memref_squeeze %dma_wait3A_97 : memref<1x128xi32, #tpu.memory_space<vmem>> -> memref<128xi32, #tpu.memory_space<vmem>>
        %dma_wait3A_99 = arith.constant 0 : i32
        %dma_wait3A_100 = arith.constant 0 : i32
        %dma_wait3A_101 = tpu.memref_slice %arg3[%dma_wait3A_99, %dma_wait3A_100] : memref<10000x128xf32, #tpu.memory_space<hbm>> -> memref<10000x128xf32, #tpu.memory_space<hbm>>
        tpu.wait_indirect_dma semaphore(%arg13 : memref<!tpu.dma_semaphore, #tpu.memory_space<semaphore_mem>>) src(%dma_wait3A_101 : memref<10000x128xf32, #tpu.memory_space<hbm>>) dst(%arg10 : memref<128x128xf32, #tpu.memory_space<vmem>>)
        "tpu.region"() ({
          %run_scoped3A = tpu.sem_alloc : memref<!tpu.dma_semaphore, #tpu.memory_space<semaphore_mem>>
          %dma_start3A_125 = arith.constant 0 : i32
          %dma_start3A_126 = tpu.memref_slice %arg9[%mul3A_95, %dma_start3A_125] : memref<40x128xi32, #tpu.memory_space<vmem>> -> memref<1x128xi32, #tpu.memory_space<vmem>>
          %dma_start3A_127 = tpu.memref_squeeze %dma_start3A_126 : memref<1x128xi32, #tpu.memory_space<vmem>> -> memref<128xi32, #tpu.memory_space<vmem>>
          %dma_start3A_128 = arith.constant 0 : i32
          %dma_start3A_129 = arith.constant 0 : i32
          %dma_start3A_130 = tpu.memref_slice %arg12[%dma_start3A_128, %dma_start3A_129] : memref<10112x128xf32, #tpu.memory_space<vmem_shared>> -> memref<10112x128xf32, #tpu.memory_space<vmem_shared>>
          tpu.enqueue_indirect_dma source(%arg10 : memref<128x128xf32, #tpu.memory_space<vmem>>) target(%dma_start3A_130 : memref<10112x128xf32, #tpu.memory_space<vmem_shared>>) offsets(%dma_start3A_127 : memref<128xi32, #tpu.memory_space<vmem>>) semaphore(%run_scoped3A : memref<!tpu.dma_semaphore, #tpu.memory_space<semaphore_mem>>) {add = true}
          %dma_wait3A_131 = arith.constant 0 : i32
          %dma_wait3A_132 = tpu.memref_slice %arg9[%mul3A_95, %dma_wait3A_131] : memref<40x128xi32, #tpu.memory_space<vmem>> -> memref<1x128xi32, #tpu.memory_space<vmem>>
          %dma_wait3A_133 = tpu.memref_squeeze %dma_wait3A_132 : memref<1x128xi32, #tpu.memory_space<vmem>> -> memref<128xi32, #tpu.memory_space<vmem>>
          %dma_wait3A_134 = arith.constant 0 : i32
          %dma_wait3A_135 = arith.constant 0 : i32
          %dma_wait3A_136 = tpu.memref_slice %arg12[%dma_wait3A_134, %dma_wait3A_135] : memref<10112x128xf32, #tpu.memory_space<vmem_shared>> -> memref<10112x128xf32, #tpu.memory_space<vmem_shared>>
          tpu.wait_indirect_dma semaphore(%run_scoped3A : memref<!tpu.dma_semaphore, #tpu.memory_space<semaphore_mem>>) src(%arg10 : memref<128x128xf32, #tpu.memory_space<vmem>>) dst(%dma_wait3A_136 : memref<10112x128xf32, #tpu.memory_space<vmem_shared>>)
          tpu.yield
        }) : () -> ()
        %add3A_102 = arith.constant 2 : i32
        %add3A_103 = arith.addi %mul3A_95, %add3A_102 : i32
        %lt3A = arith.constant 40 : i32
        %lt3A_104 = arith.cmpi slt, %add3A_103, %lt3A : i32
        %convert_element_type3A_105 = arith.extui %lt3A_104 : i1 to i32
        %cond3A_106 = arith.constant 0 : i32
        %cond3A_107 = arith.cmpi ne, %convert_element_type3A_105, %cond3A_106 : i32
        scf.if %cond3A_107 {
          %add3A_125 = arith.constant 2 : i32
          %add3A_126 = arith.addi %mul3A_95, %add3A_125 : i32
          %dma_start3A_127 = arith.constant 0 : i32
          %dma_start3A_128 = tpu.memref_slice %arg8[%add3A_126, %dma_start3A_127] : memref<40x128xi32, #tpu.memory_space<vmem>> -> memref<1x128xi32, #tpu.memory_space<vmem>>
          %dma_start3A_129 = tpu.memref_squeeze %dma_start3A_128 : memref<1x128xi32, #tpu.memory_space<vmem>> -> memref<128xi32, #tpu.memory_space<vmem>>
          %dma_start3A_130 = arith.constant 0 : i32
          %dma_start3A_131 = arith.constant 0 : i32
          %dma_start3A_132 = tpu.memref_slice %arg3[%dma_start3A_130, %dma_start3A_131] : memref<10000x128xf32, #tpu.memory_space<hbm>> -> memref<10000x128xf32, #tpu.memory_space<hbm>>
          tpu.enqueue_indirect_dma source(%dma_start3A_132 : memref<10000x128xf32, #tpu.memory_space<hbm>>) target(%arg10 : memref<128x128xf32, #tpu.memory_space<vmem>>) offsets(%dma_start3A_129 : memref<128xi32, #tpu.memory_space<vmem>>) semaphore(%arg13 : memref<!tpu.dma_semaphore, #tpu.memory_space<semaphore_mem>>)
        } else {
        }
        %dma_wait3A_108 = arith.constant 0 : i32
        %dma_wait3A_109 = arith.constant 0 : i32
        %dma_wait3A_110 = tpu.memref_slice %arg8[%dma_wait3A_108, %dma_wait3A_109] : memref<40x128xi32, #tpu.memory_space<vmem>> -> memref<1x128xi32, #tpu.memory_space<vmem>>
        %dma_wait3A_111 = tpu.memref_squeeze %dma_wait3A_110 : memref<1x128xi32, #tpu.memory_space<vmem>> -> memref<128xi32, #tpu.memory_space<vmem>>
        %dma_wait3A_112 = arith.constant 0 : i32
        %dma_wait3A_113 = arith.constant 0 : i32
        %dma_wait3A_114 = tpu.memref_slice %arg3[%dma_wait3A_112, %dma_wait3A_113] : memref<10000x128xf32, #tpu.memory_space<hbm>> -> memref<10000x128xf32, #tpu.memory_space<hbm>>
        tpu.wait_indirect_dma semaphore(%arg14 : memref<!tpu.dma_semaphore, #tpu.memory_space<semaphore_mem>>) src(%dma_wait3A_114 : memref<10000x128xf32, #tpu.memory_space<hbm>>) dst(%arg11 : memref<128x128xf32, #tpu.memory_space<vmem>>)
        %add3A_115 = arith.constant 1 : i32
        %add3A_116 = arith.addi %mul3A_95, %add3A_115 : i32
        "tpu.region"() ({
          %run_scoped3A = tpu.sem_alloc : memref<!tpu.dma_semaphore, #tpu.memory_space<semaphore_mem>>
          %dma_start3A_125 = arith.constant 0 : i32
          %dma_start3A_126 = tpu.memref_slice %arg9[%add3A_116, %dma_start3A_125] : memref<40x128xi32, #tpu.memory_space<vmem>> -> memref<1x128xi32, #tpu.memory_space<vmem>>
          %dma_start3A_127 = tpu.memref_squeeze %dma_start3A_126 : memref<1x128xi32, #tpu.memory_space<vmem>> -> memref<128xi32, #tpu.memory_space<vmem>>
          %dma_start3A_128 = arith.constant 0 : i32
          %dma_start3A_129 = arith.constant 0 : i32
          %dma_start3A_130 = tpu.memref_slice %arg12[%dma_start3A_128, %dma_start3A_129] : memref<10112x128xf32, #tpu.memory_space<vmem_shared>> -> memref<10112x128xf32, #tpu.memory_space<vmem_shared>>
          tpu.enqueue_indirect_dma source(%arg11 : memref<128x128xf32, #tpu.memory_space<vmem>>) target(%dma_start3A_130 : memref<10112x128xf32, #tpu.memory_space<vmem_shared>>) offsets(%dma_start3A_127 : memref<128xi32, #tpu.memory_space<vmem>>) semaphore(%run_scoped3A : memref<!tpu.dma_semaphore, #tpu.memory_space<semaphore_mem>>) {add = true}
          %dma_wait3A_131 = arith.constant 0 : i32
          %dma_wait3A_132 = tpu.memref_slice %arg9[%add3A_116, %dma_wait3A_131] : memref<40x128xi32, #tpu.memory_space<vmem>> -> memref<1x128xi32, #tpu.memory_space<vmem>>
          %dma_wait3A_133 = tpu.memref_squeeze %dma_wait3A_132 : memref<1x128xi32, #tpu.memory_space<vmem>> -> memref<128xi32, #tpu.memory_space<vmem>>
          %dma_wait3A_134 = arith.constant 0 : i32
          %dma_wait3A_135 = arith.constant 0 : i32
          %dma_wait3A_136 = tpu.memref_slice %arg12[%dma_wait3A_134, %dma_wait3A_135] : memref<10112x128xf32, #tpu.memory_space<vmem_shared>> -> memref<10112x128xf32, #tpu.memory_space<vmem_shared>>
          tpu.wait_indirect_dma semaphore(%run_scoped3A : memref<!tpu.dma_semaphore, #tpu.memory_space<semaphore_mem>>) src(%arg11 : memref<128x128xf32, #tpu.memory_space<vmem>>) dst(%dma_wait3A_136 : memref<10112x128xf32, #tpu.memory_space<vmem_shared>>)
          tpu.yield
        }) : () -> ()
        %add3A_117 = arith.constant 3 : i32
        %add3A_118 = arith.addi %mul3A_95, %add3A_117 : i32
        %lt3A_119 = arith.constant 40 : i32
        %lt3A_120 = arith.cmpi slt, %add3A_118, %lt3A_119 : i32
        %convert_element_type3A_121 = arith.extui %lt3A_120 : i1 to i32
        %cond3A_122 = arith.constant 0 : i32
        %cond3A_123 = arith.cmpi ne, %convert_element_type3A_121, %cond3A_122 : i32
        scf.if %cond3A_123 {
          %add3A_125 = arith.constant 3 : i32
          %add3A_126 = arith.addi %mul3A_95, %add3A_125 : i32
          %dma_start3A_127 = arith.constant 0 : i32
          %dma_start3A_128 = tpu.memref_slice %arg8[%add3A_126, %dma_start3A_127] : memref<40x128xi32, #tpu.memory_space<vmem>> -> memref<1x128xi32, #tpu.memory_space<vmem>>
          %dma_start3A_129 = tpu.memref_squeeze %dma_start3A_128 : memref<1x128xi32, #tpu.memory_space<vmem>> -> memref<128xi32, #tpu.memory_space<vmem>>
          %dma_start3A_130 = arith.constant 0 : i32
          %dma_start3A_131 = arith.constant 0 : i32
          %dma_start3A_132 = tpu.memref_slice %arg3[%dma_start3A_130, %dma_start3A_131] : memref<10000x128xf32, #tpu.memory_space<hbm>> -> memref<10000x128xf32, #tpu.memory_space<hbm>>
          tpu.enqueue_indirect_dma source(%dma_start3A_132 : memref<10000x128xf32, #tpu.memory_space<hbm>>) target(%arg11 : memref<128x128xf32, #tpu.memory_space<vmem>>) offsets(%dma_start3A_129 : memref<128xi32, #tpu.memory_space<vmem>>) semaphore(%arg14 : memref<!tpu.dma_semaphore, #tpu.memory_space<semaphore_mem>>)
        } else {
        }
        %scan3A_124 = arith.constant 0 : i32
        scf.yield %scan3A_124 : i32
      }
      %scan3A_91 = arith.constant 20 : i32
    } else {
    }
    %barrier3A_24 = arith.constant 0 : index
    tpu.barrier barrier_id(%barrier3A_24)
    %eq3A_25 = arith.constant 0 : i32
    %eq3A_26 = arith.cmpi eq, %arg0, %eq3A_25 : i32
    %convert_element_type3A_27 = arith.extui %eq3A_26 : i1 to i32
    %cond3A_28 = arith.constant 0 : i32
    %cond3A_29 = arith.cmpi ne, %convert_element_type3A_27, %cond3A_28 : i32
    scf.if %cond3A_29 {
      %lt3A = arith.constant 15 : i32
      %lt3A_35 = arith.cmpi slt, %arg1, %lt3A : i32
      %convert_element_type3A_36 = arith.extui %lt3A_35 : i1 to i32
      %cond3A_37 = arith.constant 0 : i32
      %cond3A_38 = arith.cmpi ne, %convert_element_type3A_36, %cond3A_37 : i32
      scf.if %cond3A_38 {
        %mul3A_44 = arith.constant 632 : i32
        %mul3A_45 = arith.muli %arg1, %mul3A_44 : i32
        %mul3A_46 = arith.constant 632 : i32
        %mul3A_47 = arith.muli %arg1, %mul3A_46 : i32
        "tpu.region"() ({
          %run_scoped3A = tpu.sem_alloc : memref<!tpu.dma_semaphore, #tpu.memory_space<semaphore_mem>>
          %dma_start3A = arith.constant 0 : i32
          %dma_start3A_48 = tpu.memref_slice %arg6[%mul3A_47, %dma_start3A] : memref<10000x128xf32, #tpu.memory_space<hbm>> -> memref<632x128xf32, #tpu.memory_space<hbm>>
          %dma_start3A_49 = arith.constant 0 : i32
          %dma_start3A_50 = tpu.memref_slice %arg12[%mul3A_45, %dma_start3A_49] : memref<10112x128xf32, #tpu.memory_space<vmem_shared>> -> memref<632x128xf32, #tpu.memory_space<vmem_shared>>
          tpu.enqueue_dma source(%dma_start3A_50 : memref<632x128xf32, #tpu.memory_space<vmem_shared>>) target(%dma_start3A_48 : memref<632x128xf32, #tpu.memory_space<hbm>>) target_semaphore(%run_scoped3A : memref<!tpu.dma_semaphore, #tpu.memory_space<semaphore_mem>>)
          %dma_wait3A = arith.constant 0 : i32
          %dma_wait3A_51 = tpu.memref_slice %arg6[%mul3A_47, %dma_wait3A] : memref<10000x128xf32, #tpu.memory_space<hbm>> -> memref<632x128xf32, #tpu.memory_space<hbm>>
          %dma_wait3A_52 = arith.constant 0 : i32
          %dma_wait3A_53 = tpu.memref_slice %arg12[%mul3A_45, %dma_wait3A_52] : memref<10112x128xf32, #tpu.memory_space<vmem_shared>> -> memref<632x128xf32, #tpu.memory_space<vmem_shared>>
          tpu.wait_dma2 semaphore(%run_scoped3A : memref<!tpu.dma_semaphore, #tpu.memory_space<semaphore_mem>>) src(%dma_wait3A_53 : memref<632x128xf32, #tpu.memory_space<vmem_shared>>) dst(%dma_wait3A_51 : memref<632x128xf32, #tpu.memory_space<hbm>>)
          tpu.yield
        }) : () -> ()
      } else {
      }
      %eq3A_39 = arith.constant 15 : i32
      %eq3A_40 = arith.cmpi eq, %arg1, %eq3A_39 : i32
      %convert_element_type3A_41 = arith.extui %eq3A_40 : i1 to i32
      %cond3A_42 = arith.constant 0 : i32
      %cond3A_43 = arith.cmpi ne, %convert_element_type3A_41, %cond3A_42 : i32
      scf.if %cond3A_43 {
        "tpu.region"() ({
          %run_scoped3A = tpu.sem_alloc : memref<!tpu.dma_semaphore, #tpu.memory_space<semaphore_mem>>
          %dma_start3A = arith.constant 9480 : i32
          %dma_start3A_44 = arith.constant 0 : i32
          %dma_start3A_45 = tpu.memref_slice %arg6[%dma_start3A, %dma_start3A_44] : memref<10000x128xf32, #tpu.memory_space<hbm>> -> memref<520x128xf32, #tpu.memory_space<hbm>>
          %dma_start3A_46 = arith.constant 9480 : i32
          %dma_start3A_47 = arith.constant 0 : i32
          %dma_start3A_48 = tpu.memref_slice %arg12[%dma_start3A_46, %dma_start3A_47] : memref<10112x128xf32, #tpu.memory_space<vmem_shared>> -> memref<520x128xf32, #tpu.memory_space<vmem_shared>>
          tpu.enqueue_dma source(%dma_start3A_48 : memref<520x128xf32, #tpu.memory_space<vmem_shared>>) target(%dma_start3A_45 : memref<520x128xf32, #tpu.memory_space<hbm>>) target_semaphore(%run_scoped3A : memref<!tpu.dma_semaphore, #tpu.memory_space<semaphore_mem>>)
          %dma_wait3A = arith.constant 9480 : i32
          %dma_wait3A_49 = arith.constant 0 : i32
          %dma_wait3A_50 = tpu.memref_slice %arg6[%dma_wait3A, %dma_wait3A_49] : memref<10000x128xf32, #tpu.memory_space<hbm>> -> memref<520x128xf32, #tpu.memory_space<hbm>>
          %dma_wait3A_51 = arith.constant 9480 : i32
          %dma_wait3A_52 = arith.constant 0 : i32
          %dma_wait3A_53 = tpu.memref_slice %arg12[%dma_wait3A_51, %dma_wait3A_52] : memref<10112x128xf32, #tpu.memory_space<vmem_shared>> -> memref<520x128xf32, #tpu.memory_space<vmem_shared>>
          tpu.wait_dma2 semaphore(%run_scoped3A : memref<!tpu.dma_semaphore, #tpu.memory_space<semaphore_mem>>) src(%dma_wait3A_53 : memref<520x128xf32, #tpu.memory_space<vmem_shared>>) dst(%dma_wait3A_50 : memref<520x128xf32, #tpu.memory_space<hbm>>)
          tpu.yield
        }) : () -> ()
      } else {
      }
    } else {
    }
    %eq3A_30 = arith.constant 1 : i32
    %eq3A_31 = arith.cmpi eq, %arg0, %eq3A_30 : i32
    %convert_element_type3A_32 = arith.extui %eq3A_31 : i1 to i32
    %cond3A_33 = arith.constant 0 : i32
    %cond3A_34 = arith.cmpi ne, %convert_element_type3A_32, %cond3A_33 : i32
    scf.if %cond3A_34 {
      %lt3A = arith.constant 15 : i32
      %lt3A_35 = arith.cmpi slt, %arg1, %lt3A : i32
      %convert_element_type3A_36 = arith.extui %lt3A_35 : i1 to i32
      %cond3A_37 = arith.constant 0 : i32
      %cond3A_38 = arith.cmpi ne, %convert_element_type3A_36, %cond3A_37 : i32
      scf.if %cond3A_38 {
        %mul3A_44 = arith.constant 632 : i32
        %mul3A_45 = arith.muli %arg1, %mul3A_44 : i32
        %mul3A_46 = arith.constant 632 : i32
        %mul3A_47 = arith.muli %arg1, %mul3A_46 : i32
        "tpu.region"() ({
          %run_scoped3A = tpu.sem_alloc : memref<!tpu.dma_semaphore, #tpu.memory_space<semaphore_mem>>
          %dma_start3A = arith.constant 0 : i32
          %dma_start3A_48 = tpu.memref_slice %arg7[%mul3A_47, %dma_start3A] : memref<10000x128xf32, #tpu.memory_space<hbm>> -> memref<632x128xf32, #tpu.memory_space<hbm>>
          %dma_start3A_49 = arith.constant 0 : i32
          %dma_start3A_50 = tpu.memref_slice %arg12[%mul3A_45, %dma_start3A_49] : memref<10112x128xf32, #tpu.memory_space<vmem_shared>> -> memref<632x128xf32, #tpu.memory_space<vmem_shared>>
          tpu.enqueue_dma source(%dma_start3A_50 : memref<632x128xf32, #tpu.memory_space<vmem_shared>>) target(%dma_start3A_48 : memref<632x128xf32, #tpu.memory_space<hbm>>) target_semaphore(%run_scoped3A : memref<!tpu.dma_semaphore, #tpu.memory_space<semaphore_mem>>)
          %dma_wait3A = arith.constant 0 : i32
          %dma_wait3A_51 = tpu.memref_slice %arg7[%mul3A_47, %dma_wait3A] : memref<10000x128xf32, #tpu.memory_space<hbm>> -> memref<632x128xf32, #tpu.memory_space<hbm>>
          %dma_wait3A_52 = arith.constant 0 : i32
          %dma_wait3A_53 = tpu.memref_slice %arg12[%mul3A_45, %dma_wait3A_52] : memref<10112x128xf32, #tpu.memory_space<vmem_shared>> -> memref<632x128xf32, #tpu.memory_space<vmem_shared>>
          tpu.wait_dma2 semaphore(%run_scoped3A : memref<!tpu.dma_semaphore, #tpu.memory_space<semaphore_mem>>) src(%dma_wait3A_53 : memref<632x128xf32, #tpu.memory_space<vmem_shared>>) dst(%dma_wait3A_51 : memref<632x128xf32, #tpu.memory_space<hbm>>)
          tpu.yield
        }) : () -> ()
      } else {
      }
      %eq3A_39 = arith.constant 15 : i32
      %eq3A_40 = arith.cmpi eq, %arg1, %eq3A_39 : i32
      %convert_element_type3A_41 = arith.extui %eq3A_40 : i1 to i32
      %cond3A_42 = arith.constant 0 : i32
      %cond3A_43 = arith.cmpi ne, %convert_element_type3A_41, %cond3A_42 : i32
      scf.if %cond3A_43 {
        "tpu.region"() ({
          %run_scoped3A = tpu.sem_alloc : memref<!tpu.dma_semaphore, #tpu.memory_space<semaphore_mem>>
          %dma_start3A = arith.constant 9480 : i32
          %dma_start3A_44 = arith.constant 0 : i32
          %dma_start3A_45 = tpu.memref_slice %arg7[%dma_start3A, %dma_start3A_44] : memref<10000x128xf32, #tpu.memory_space<hbm>> -> memref<520x128xf32, #tpu.memory_space<hbm>>
          %dma_start3A_46 = arith.constant 9480 : i32
          %dma_start3A_47 = arith.constant 0 : i32
          %dma_start3A_48 = tpu.memref_slice %arg12[%dma_start3A_46, %dma_start3A_47] : memref<10112x128xf32, #tpu.memory_space<vmem_shared>> -> memref<520x128xf32, #tpu.memory_space<vmem_shared>>
          tpu.enqueue_dma source(%dma_start3A_48 : memref<520x128xf32, #tpu.memory_space<vmem_shared>>) target(%dma_start3A_45 : memref<520x128xf32, #tpu.memory_space<hbm>>) target_semaphore(%run_scoped3A : memref<!tpu.dma_semaphore, #tpu.memory_space<semaphore_mem>>)
          %dma_wait3A = arith.constant 9480 : i32
          %dma_wait3A_49 = arith.constant 0 : i32
          %dma_wait3A_50 = tpu.memref_slice %arg7[%dma_wait3A, %dma_wait3A_49] : memref<10000x128xf32, #tpu.memory_space<hbm>> -> memref<520x128xf32, #tpu.memory_space<hbm>>
          %dma_wait3A_51 = arith.constant 9480 : i32
          %dma_wait3A_52 = arith.constant 0 : i32
          %dma_wait3A_53 = tpu.memref_slice %arg12[%dma_wait3A_51, %dma_wait3A_52] : memref<10112x128xf32, #tpu.memory_space<vmem_shared>> -> memref<520x128xf32, #tpu.memory_space<vmem_shared>>
          tpu.wait_dma2 semaphore(%run_scoped3A : memref<!tpu.dma_semaphore, #tpu.memory_space<semaphore_mem>>) src(%dma_wait3A_53 : memref<520x128xf32, #tpu.memory_space<vmem_shared>>) dst(%dma_wait3A_50 : memref<520x128xf32, #tpu.memory_space<hbm>>)
          tpu.yield
        }) : () -> ()
      } else {
      }
    } else {
    }
    return
  }
}

module attributes {stable_mosaic.version = 14 : i64} {
  func.func @_p1_body(%arg0: i32, %arg1: memref<1000x256xf32, #tpu.memory_space<vmem>>, %arg2: memref<256x256xf32, #tpu.memory_space<vmem>>, %arg3: memref<1x256xf32, #tpu.memory_space<vmem>>, %arg4: memref<1000x128xf32, #tpu.memory_space<vmem>>, %arg5: memref<1000x128xf32, #tpu.memory_space<vmem>>, %arg6: memref<1000x128xf32, #tpu.memory_space<vmem>>, %arg7: memref<1000x128xf32, #tpu.memory_space<vmem>>, %arg8: memref<1000x256xf32, #tpu.memory_space<vmem>>) attributes {dimension_semantics = [#tpu.dimension_semantics<arbitrary>], iteration_bounds = array<i64: 10>, scalar_prefetch = 0 : i64, scratch_operands = 0 : i64, tpu.core_type = #tpu.core_type<tc>, window_params = [{transform_indices = @transform_0, window_bounds = array<i64: 1000, 256>}, {pipeline_mode = #tpu.pipeline_mode<synchronous>, transform_indices = @transform_1, window_bounds = array<i64: 256, 256>}, {pipeline_mode = #tpu.pipeline_mode<synchronous>, transform_indices = @transform_2, window_bounds = array<i64: 1, 256>}, {transform_indices = @transform_3, window_bounds = array<i64: 1000, 128>}, {transform_indices = @transform_4, window_bounds = array<i64: 1000, 128>}, {transform_indices = @transform_5, window_bounds = array<i64: 1000, 128>}, {transform_indices = @transform_6, window_bounds = array<i64: 1000, 128>}, {transform_indices = @transform_7, window_bounds = array<i64: 1000, 256>}]} {
    %get3A = arith.constant 0 : index
    %get3A_0 = arith.constant 0 : index
    %get3A_1 = vector.load %arg4[%get3A, %get3A_0] : memref<1000x128xf32, #tpu.memory_space<vmem>>, vector<1000x128xf32>
    %get3A_2 = arith.constant 0 : index
    %get3A_3 = arith.constant 0 : index
    %get3A_4 = vector.load %arg5[%get3A_2, %get3A_3] : memref<1000x128xf32, #tpu.memory_space<vmem>>, vector<1000x128xf32>
    %reduce_sum3A = arith.constant dense<0.000000e+00> : vector<1000xf32>
    %reduce_sum3A_5 = vector.multi_reduction <add>, %get3A_1, %reduce_sum3A [1] : vector<1000x128xf32> to vector<1000xf32>
    %reduce_sum3A_6 = arith.constant dense<0.000000e+00> : vector<1000xf32>
    %reduce_sum3A_7 = vector.multi_reduction <add>, %get3A_4, %reduce_sum3A_6 [1] : vector<1000x128xf32> to vector<1000xf32>
    %add3A = arith.addf %reduce_sum3A_5, %reduce_sum3A_7 : vector<1000xf32>
    %add3A_8 = arith.constant 1.000000e+00 : f32
    %add3A_9 = vector.broadcast %add3A_8 : f32 to vector<1000xf32>
    %add3A_10 = arith.addf %add3A, %add3A_9 : vector<1000xf32>
    %rsqrt3A = math.rsqrt %add3A_10 : vector<1000xf32>
    %broadcast_in_dim3A = vector.shape_cast %rsqrt3A : vector<1000xf32> to vector<1000x1xf32>
    %get3A_11 = arith.constant 0 : index
    %get3A_12 = arith.constant 0 : index
    %get3A_13 = vector.load %arg1[%get3A_11, %get3A_12] : memref<1000x256xf32, #tpu.memory_space<vmem>>, vector<1000x256xf32>
    %get3A_14 = arith.constant 0 : index
    %get3A_15 = arith.constant 0 : index
    %get3A_16 = vector.load %arg2[%get3A_14, %get3A_15] : memref<256x256xf32, #tpu.memory_space<vmem>>, vector<256x256xf32>
    %dot_general3A = arith.constant dense<0.000000e+00> : vector<1000x256xf32>
    %dot_general3A_17 = tpu.matmul %get3A_13, %get3A_16, %dot_general3A {dimension_numbers = #tpu.dot_dimension_numbers<[1], [0], [0], [1], [0, 0, 1, 1], [], []>, transpose_lhs_hint = false} : vector<1000x256xf32>, vector<256x256xf32>, vector<1000x256xf32> -> vector<1000x256xf32>
    %mul3A = vector.broadcast %broadcast_in_dim3A : vector<1000x1xf32> to vector<1000x256xf32>
    %mul3A_18 = arith.mulf %dot_general3A_17, %mul3A : vector<1000x256xf32>
    %slice3A = vector.extract_strided_slice %mul3A_18 {offsets = [0, 0], sizes = [1000, 128], strides = [1, 1]} : vector<1000x256xf32> to vector<1000x128xf32>
    %swap3A = arith.constant 0 : index
    %swap3A_19 = arith.constant 0 : index
    %swap3A_20 = vector.load %arg6[%swap3A, %swap3A_19] : memref<1000x128xf32, #tpu.memory_space<vmem>>, vector<1000x128xf32>
    tpu.vector_store %arg6[%swap3A, %swap3A_19], %slice3A {strides = array<i32>} : memref<1000x128xf32, #tpu.memory_space<vmem>>, vector<1000x128xf32>,
    %slice3A_21 = vector.extract_strided_slice %mul3A_18 {offsets = [0, 128], sizes = [1000, 128], strides = [1, 1]} : vector<1000x256xf32> to vector<1000x128xf32>
    %swap3A_22 = arith.constant 0 : index
    %swap3A_23 = arith.constant 0 : index
    %swap3A_24 = vector.load %arg7[%swap3A_22, %swap3A_23] : memref<1000x128xf32, #tpu.memory_space<vmem>>, vector<1000x128xf32>
    tpu.vector_store %arg7[%swap3A_22, %swap3A_23], %slice3A_21 {strides = array<i32>} : memref<1000x128xf32, #tpu.memory_space<vmem>>, vector<1000x128xf32>,
    %mul3A_25 = arith.mulf %broadcast_in_dim3A, %broadcast_in_dim3A : vector<1000x1xf32>
    %mul3A_26 = vector.broadcast %mul3A_25 : vector<1000x1xf32> to vector<1000x256xf32>
    %mul3A_27 = arith.mulf %dot_general3A_17, %mul3A_26 : vector<1000x256xf32>
    %get3A_28 = arith.constant 0 : index
    %get3A_29 = arith.constant 0 : index
    %get3A_30 = vector.load %arg3[%get3A_28, %get3A_29] : memref<1x256xf32, #tpu.memory_space<vmem>>, vector<1x256xf32>
    %add3A_31 = vector.broadcast %get3A_30 : vector<1x256xf32> to vector<1000x256xf32>
    %add3A_32 = arith.addf %mul3A_27, %add3A_31 : vector<1000x256xf32>
    %add3A_33 = arith.addf %add3A_32, %get3A_13 : vector<1000x256xf32>
    %swap3A_34 = arith.constant 0 : index
    %swap3A_35 = arith.constant 0 : index
    %swap3A_36 = vector.load %arg8[%swap3A_34, %swap3A_35] : memref<1000x256xf32, #tpu.memory_space<vmem>>, vector<1000x256xf32>
    tpu.vector_store %arg8[%swap3A_34, %swap3A_35], %add3A_33 {strides = array<i32>} : memref<1000x256xf32, #tpu.memory_space<vmem>>, vector<1000x256xf32>,
    return
  }
  func.func @transform_0(%arg0: i32) -> (i32, i32) {
    %c0_i32 = arith.constant 0 : i32
    %c0_i32_0 = arith.constant 0 : i32
    return %arg0, %c0_i32 : i32, i32
  }
  func.func @transform_1(%arg0: i32) -> (i32, i32) {
    %c0_i32 = arith.constant 0 : i32
    %c0_i32_0 = arith.constant 0 : i32
    %c0_i32_1 = arith.constant 0 : i32
    return %c0_i32, %c0_i32_0 : i32, i32
  }
  func.func @transform_2(%arg0: i32) -> (i32, i32) {
    %c0_i32 = arith.constant 0 : i32
    %c0_i32_0 = arith.constant 0 : i32
    %c0_i32_1 = arith.constant 0 : i32
    return %c0_i32, %c0_i32_0 : i32, i32
  }
  func.func @transform_3(%arg0: i32) -> (i32, i32) {
    %c0_i32 = arith.constant 0 : i32
    %c0_i32_0 = arith.constant 0 : i32
    return %arg0, %c0_i32 : i32, i32
  }
  func.func @transform_4(%arg0: i32) -> (i32, i32) {
    %c0_i32 = arith.constant 0 : i32
    %c0_i32_0 = arith.constant 0 : i32
    return %arg0, %c0_i32 : i32, i32
  }
  func.func @transform_5(%arg0: i32) -> (i32, i32) {
    %c0_i32 = arith.constant 0 : i32
    %c0_i32_0 = arith.constant 0 : i32
    return %arg0, %c0_i32 : i32, i32
  }
  func.func @transform_6(%arg0: i32) -> (i32, i32) {
    %c0_i32 = arith.constant 0 : i32
    %c0_i32_0 = arith.constant 0 : i32
    return %arg0, %c0_i32 : i32, i32
  }
  func.func @transform_7(%arg0: i32) -> (i32, i32) {
    %c0_i32 = arith.constant 0 : i32
    %c0_i32_0 = arith.constant 0 : i32
    return %arg0, %c0_i32 : i32, i32
  }
}

module attributes {stable_mosaic.version = 14 : i64} {
  func.func @_p2_body(%arg0: i32, %arg1: memref<1000x128xf32, #tpu.memory_space<vmem>>, %arg2: memref<1000x128xf32, #tpu.memory_space<vmem>>, %arg3: memref<1000x256xf32, #tpu.memory_space<vmem>>, %arg4: memref<1000x256xf32, #tpu.memory_space<vmem>>, %arg5: memref<256x256xf32, #tpu.memory_space<vmem>>, %arg6: memref<1x256xf32, #tpu.memory_space<vmem>>, %arg7: memref<1000x128xf32, #tpu.memory_space<vmem>>, %arg8: memref<1000x128xf32, #tpu.memory_space<vmem>>, %arg9: memref<1000x128xf32, #tpu.memory_space<vmem>>, %arg10: memref<1000x128xf32, #tpu.memory_space<vmem>>, %arg11: memref<1000x256xf32, #tpu.memory_space<vmem>>) attributes {dimension_semantics = [#tpu.dimension_semantics<arbitrary>], iteration_bounds = array<i64: 10>, scalar_prefetch = 0 : i64, scratch_operands = 0 : i64, tpu.core_type = #tpu.core_type<tc>, window_params = [{transform_indices = @transform_0, window_bounds = array<i64: 1000, 128>}, {transform_indices = @transform_1, window_bounds = array<i64: 1000, 128>}, {transform_indices = @transform_2, window_bounds = array<i64: 1000, 256>}, {transform_indices = @transform_3, window_bounds = array<i64: 1000, 256>}, {pipeline_mode = #tpu.pipeline_mode<synchronous>, transform_indices = @transform_4, window_bounds = array<i64: 256, 256>}, {pipeline_mode = #tpu.pipeline_mode<synchronous>, transform_indices = @transform_5, window_bounds = array<i64: 1, 256>}, {transform_indices = @transform_6, window_bounds = array<i64: 1000, 128>}, {transform_indices = @transform_7, window_bounds = array<i64: 1000, 128>}, {transform_indices = @transform_8, window_bounds = array<i64: 1000, 128>}, {transform_indices = @transform_9, window_bounds = array<i64: 1000, 128>}, {transform_indices = @transform_10, window_bounds = array<i64: 1000, 256>}]} {
    %get3A = arith.constant 0 : index
    %get3A_0 = arith.constant 0 : index
    %get3A_1 = vector.load %arg7[%get3A, %get3A_0] : memref<1000x128xf32, #tpu.memory_space<vmem>>, vector<1000x128xf32>
    %get3A_2 = arith.constant 0 : index
    %get3A_3 = arith.constant 0 : index
    %get3A_4 = vector.load %arg8[%get3A_2, %get3A_3] : memref<1000x128xf32, #tpu.memory_space<vmem>>, vector<1000x128xf32>
    %reduce_sum3A = arith.constant dense<0.000000e+00> : vector<1000xf32>
    %reduce_sum3A_5 = vector.multi_reduction <add>, %get3A_1, %reduce_sum3A [1] : vector<1000x128xf32> to vector<1000xf32>
    %reduce_sum3A_6 = arith.constant dense<0.000000e+00> : vector<1000xf32>
    %reduce_sum3A_7 = vector.multi_reduction <add>, %get3A_4, %reduce_sum3A_6 [1] : vector<1000x128xf32> to vector<1000xf32>
    %add3A = arith.addf %reduce_sum3A_5, %reduce_sum3A_7 : vector<1000xf32>
    %add3A_8 = arith.constant 1.000000e+00 : f32
    %add3A_9 = vector.broadcast %add3A_8 : f32 to vector<1000xf32>
    %add3A_10 = arith.addf %add3A, %add3A_9 : vector<1000xf32>
    %rsqrt3A = math.rsqrt %add3A_10 : vector<1000xf32>
    %broadcast_in_dim3A = vector.shape_cast %rsqrt3A : vector<1000xf32> to vector<1000x1xf32>
    %get3A_11 = arith.constant 0 : index
    %get3A_12 = arith.constant 0 : index
    %get3A_13 = vector.load %arg1[%get3A_11, %get3A_12] : memref<1000x128xf32, #tpu.memory_space<vmem>>, vector<1000x128xf32>
    %mul3A = vector.broadcast %broadcast_in_dim3A : vector<1000x1xf32> to vector<1000x128xf32>
    %mul3A_14 = arith.mulf %get3A_13, %mul3A : vector<1000x128xf32>
    %get3A_15 = arith.constant 0 : index
    %get3A_16 = arith.constant 0 : index
    %get3A_17 = vector.load %arg2[%get3A_15, %get3A_16] : memref<1000x128xf32, #tpu.memory_space<vmem>>, vector<1000x128xf32>
    %mul3A_18 = vector.broadcast %broadcast_in_dim3A : vector<1000x1xf32> to vector<1000x128xf32>
    %mul3A_19 = arith.mulf %get3A_17, %mul3A_18 : vector<1000x128xf32>
    %concatenate3A = tpu.concatenate %mul3A_14, %mul3A_19 in 1 : vector<1000x128xf32>, vector<1000x128xf32> -> vector<1000x256xf32>
    %get3A_20 = arith.constant 0 : index
    %get3A_21 = arith.constant 0 : index
    %get3A_22 = vector.load %arg3[%get3A_20, %get3A_21] : memref<1000x256xf32, #tpu.memory_space<vmem>>, vector<1000x256xf32>
    %add3A_23 = arith.addf %concatenate3A, %get3A_22 : vector<1000x256xf32>
    %get3A_24 = arith.constant 0 : index
    %get3A_25 = arith.constant 0 : index
    %get3A_26 = vector.load %arg5[%get3A_24, %get3A_25] : memref<256x256xf32, #tpu.memory_space<vmem>>, vector<256x256xf32>
    %dot_general3A = arith.constant dense<0.000000e+00> : vector<1000x256xf32>
    %dot_general3A_27 = tpu.matmul %add3A_23, %get3A_26, %dot_general3A {dimension_numbers = #tpu.dot_dimension_numbers<[1], [0], [0], [1], [0, 0, 1, 1], [], []>, transpose_lhs_hint = false} : vector<1000x256xf32>, vector<256x256xf32>, vector<1000x256xf32> -> vector<1000x256xf32>
    %mul3A_28 = vector.broadcast %broadcast_in_dim3A : vector<1000x1xf32> to vector<1000x256xf32>
    %mul3A_29 = arith.mulf %dot_general3A_27, %mul3A_28 : vector<1000x256xf32>
    %slice3A = vector.extract_strided_slice %mul3A_29 {offsets = [0, 0], sizes = [1000, 128], strides = [1, 1]} : vector<1000x256xf32> to vector<1000x128xf32>
    %swap3A = arith.constant 0 : index
    %swap3A_30 = arith.constant 0 : index
    %swap3A_31 = vector.load %arg9[%swap3A, %swap3A_30] : memref<1000x128xf32, #tpu.memory_space<vmem>>, vector<1000x128xf32>
    tpu.vector_store %arg9[%swap3A, %swap3A_30], %slice3A {strides = array<i32>} : memref<1000x128xf32, #tpu.memory_space<vmem>>, vector<1000x128xf32>,
    %slice3A_32 = vector.extract_strided_slice %mul3A_29 {offsets = [0, 128], sizes = [1000, 128], strides = [1, 1]} : vector<1000x256xf32> to vector<1000x128xf32>
    %swap3A_33 = arith.constant 0 : index
    %swap3A_34 = arith.constant 0 : index
    %swap3A_35 = vector.load %arg10[%swap3A_33, %swap3A_34] : memref<1000x128xf32, #tpu.memory_space<vmem>>, vector<1000x128xf32>
    tpu.vector_store %arg10[%swap3A_33, %swap3A_34], %slice3A_32 {strides = array<i32>} : memref<1000x128xf32, #tpu.memory_space<vmem>>, vector<1000x128xf32>,
    %mul3A_36 = arith.mulf %broadcast_in_dim3A, %broadcast_in_dim3A : vector<1000x1xf32>
    %mul3A_37 = vector.broadcast %mul3A_36 : vector<1000x1xf32> to vector<1000x256xf32>
    %mul3A_38 = arith.mulf %dot_general3A_27, %mul3A_37 : vector<1000x256xf32>
    %get3A_39 = arith.constant 0 : index
    %get3A_40 = arith.constant 0 : index
    %get3A_41 = vector.load %arg6[%get3A_39, %get3A_40] : memref<1x256xf32, #tpu.memory_space<vmem>>, vector<1x256xf32>
    %add3A_42 = vector.broadcast %get3A_41 : vector<1x256xf32> to vector<1000x256xf32>
    %add3A_43 = arith.addf %mul3A_38, %add3A_42 : vector<1000x256xf32>
    %get3A_44 = arith.constant 0 : index
    %get3A_45 = arith.constant 0 : index
    %get3A_46 = vector.load %arg4[%get3A_44, %get3A_45] : memref<1000x256xf32, #tpu.memory_space<vmem>>, vector<1000x256xf32>
    %add3A_47 = arith.addf %add3A_43, %get3A_46 : vector<1000x256xf32>
    %swap3A_48 = arith.constant 0 : index
    %swap3A_49 = arith.constant 0 : index
    %swap3A_50 = vector.load %arg11[%swap3A_48, %swap3A_49] : memref<1000x256xf32, #tpu.memory_space<vmem>>, vector<1000x256xf32>
    tpu.vector_store %arg11[%swap3A_48, %swap3A_49], %add3A_47 {strides = array<i32>} : memref<1000x256xf32, #tpu.memory_space<vmem>>, vector<1000x256xf32>,
    return
  }
  func.func @transform_0(%arg0: i32) -> (i32, i32) {
    %c0_i32 = arith.constant 0 : i32
    %c0_i32_0 = arith.constant 0 : i32
    return %arg0, %c0_i32 : i32, i32
  }
  func.func @transform_1(%arg0: i32) -> (i32, i32) {
    %c0_i32 = arith.constant 0 : i32
    %c0_i32_0 = arith.constant 0 : i32
    return %arg0, %c0_i32 : i32, i32
  }
  func.func @transform_2(%arg0: i32) -> (i32, i32) {
    %c0_i32 = arith.constant 0 : i32
    %c0_i32_0 = arith.constant 0 : i32
    return %arg0, %c0_i32 : i32, i32
  }
  func.func @transform_3(%arg0: i32) -> (i32, i32) {
    %c0_i32 = arith.constant 0 : i32
    %c0_i32_0 = arith.constant 0 : i32
    return %arg0, %c0_i32 : i32, i32
  }
  func.func @transform_4(%arg0: i32) -> (i32, i32) {
    %c0_i32 = arith.constant 0 : i32
    %c0_i32_0 = arith.constant 0 : i32
    %c0_i32_1 = arith.constant 0 : i32
    return %c0_i32, %c0_i32_0 : i32, i32
  }
  func.func @transform_5(%arg0: i32) -> (i32, i32) {
    %c0_i32 = arith.constant 0 : i32
    %c0_i32_0 = arith.constant 0 : i32
    %c0_i32_1 = arith.constant 0 : i32
    return %c0_i32, %c0_i32_0 : i32, i32
  }
  func.func @transform_6(%arg0: i32) -> (i32, i32) {
    %c0_i32 = arith.constant 0 : i32
    %c0_i32_0 = arith.constant 0 : i32
    return %arg0, %c0_i32 : i32, i32
  }
  func.func @transform_7(%arg0: i32) -> (i32, i32) {
    %c0_i32 = arith.constant 0 : i32
    %c0_i32_0 = arith.constant 0 : i32
    return %arg0, %c0_i32 : i32, i32
  }
  func.func @transform_8(%arg0: i32) -> (i32, i32) {
    %c0_i32 = arith.constant 0 : i32
    %c0_i32_0 = arith.constant 0 : i32
    return %arg0, %c0_i32 : i32, i32
  }
  func.func @transform_9(%arg0: i32) -> (i32, i32) {
    %c0_i32 = arith.constant 0 : i32
    %c0_i32_0 = arith.constant 0 : i32
    return %arg0, %c0_i32 : i32, i32
  }
  func.func @transform_10(%arg0: i32) -> (i32, i32) {
    %c0_i32 = arith.constant 0 : i32
    %c0_i32_0 = arith.constant 0 : i32
    return %arg0, %c0_i32 : i32, i32
  }
}

module attributes {stable_mosaic.version = 14 : i64} {
  func.func @_p3_body(%arg0: i32, %arg1: memref<1000x128xf32, #tpu.memory_space<vmem>>, %arg2: memref<1000x128xf32, #tpu.memory_space<vmem>>, %arg3: memref<1000x256xf32, #tpu.memory_space<vmem>>, %arg4: memref<1000x128xf32, #tpu.memory_space<vmem>>, %arg5: memref<1000x128xf32, #tpu.memory_space<vmem>>, %arg6: memref<1000x256xf32, #tpu.memory_space<vmem>>) attributes {dimension_semantics = [#tpu.dimension_semantics<arbitrary>], iteration_bounds = array<i64: 10>, scalar_prefetch = 0 : i64, scratch_operands = 0 : i64, tpu.core_type = #tpu.core_type<tc>, window_params = [{transform_indices = @transform_0, window_bounds = array<i64: 1000, 128>}, {transform_indices = @transform_1, window_bounds = array<i64: 1000, 128>}, {transform_indices = @transform_2, window_bounds = array<i64: 1000, 256>}, {transform_indices = @transform_3, window_bounds = array<i64: 1000, 128>}, {transform_indices = @transform_4, window_bounds = array<i64: 1000, 128>}, {transform_indices = @transform_5, window_bounds = array<i64: 1000, 256>}]} {
    %get3A = arith.constant 0 : index
    %get3A_0 = arith.constant 0 : index
    %get3A_1 = vector.load %arg4[%get3A, %get3A_0] : memref<1000x128xf32, #tpu.memory_space<vmem>>, vector<1000x128xf32>
    %get3A_2 = arith.constant 0 : index
    %get3A_3 = arith.constant 0 : index
    %get3A_4 = vector.load %arg5[%get3A_2, %get3A_3] : memref<1000x128xf32, #tpu.memory_space<vmem>>, vector<1000x128xf32>
    %reduce_sum3A = arith.constant dense<0.000000e+00> : vector<1000xf32>
    %reduce_sum3A_5 = vector.multi_reduction <add>, %get3A_1, %reduce_sum3A [1] : vector<1000x128xf32> to vector<1000xf32>
    %reduce_sum3A_6 = arith.constant dense<0.000000e+00> : vector<1000xf32>
    %reduce_sum3A_7 = vector.multi_reduction <add>, %get3A_4, %reduce_sum3A_6 [1] : vector<1000x128xf32> to vector<1000xf32>
    %add3A = arith.addf %reduce_sum3A_5, %reduce_sum3A_7 : vector<1000xf32>
    %add3A_8 = arith.constant 1.000000e+00 : f32
    %add3A_9 = vector.broadcast %add3A_8 : f32 to vector<1000xf32>
    %add3A_10 = arith.addf %add3A, %add3A_9 : vector<1000xf32>
    %rsqrt3A = math.rsqrt %add3A_10 : vector<1000xf32>
    %broadcast_in_dim3A = vector.shape_cast %rsqrt3A : vector<1000xf32> to vector<1000x1xf32>
    %get3A_11 = arith.constant 0 : index
    %get3A_12 = arith.constant 0 : index
    %get3A_13 = vector.load %arg1[%get3A_11, %get3A_12] : memref<1000x128xf32, #tpu.memory_space<vmem>>, vector<1000x128xf32>
    %mul3A = vector.broadcast %broadcast_in_dim3A : vector<1000x1xf32> to vector<1000x128xf32>
    %mul3A_14 = arith.mulf %get3A_13, %mul3A : vector<1000x128xf32>
    %get3A_15 = arith.constant 0 : index
    %get3A_16 = arith.constant 0 : index
    %get3A_17 = vector.load %arg2[%get3A_15, %get3A_16] : memref<1000x128xf32, #tpu.memory_space<vmem>>, vector<1000x128xf32>
    %mul3A_18 = vector.broadcast %broadcast_in_dim3A : vector<1000x1xf32> to vector<1000x128xf32>
    %mul3A_19 = arith.mulf %get3A_17, %mul3A_18 : vector<1000x128xf32>
    %concatenate3A = tpu.concatenate %mul3A_14, %mul3A_19 in 1 : vector<1000x128xf32>, vector<1000x128xf32> -> vector<1000x256xf32>
    %get3A_20 = arith.constant 0 : index
    %get3A_21 = arith.constant 0 : index
    %get3A_22 = vector.load %arg3[%get3A_20, %get3A_21] : memref<1000x256xf32, #tpu.memory_space<vmem>>, vector<1000x256xf32>
    %add3A_23 = arith.addf %concatenate3A, %get3A_22 : vector<1000x256xf32>
    %swap3A = arith.constant 0 : index
    %swap3A_24 = arith.constant 0 : index
    %swap3A_25 = vector.load %arg6[%swap3A, %swap3A_24] : memref<1000x256xf32, #tpu.memory_space<vmem>>, vector<1000x256xf32>
    tpu.vector_store %arg6[%swap3A, %swap3A_24], %add3A_23 {strides = array<i32>} : memref<1000x256xf32, #tpu.memory_space<vmem>>, vector<1000x256xf32>,
    return
  }
  func.func @transform_0(%arg0: i32) -> (i32, i32) {
    %c0_i32 = arith.constant 0 : i32
    %c0_i32_0 = arith.constant 0 : i32
    return %arg0, %c0_i32 : i32, i32
  }
  func.func @transform_1(%arg0: i32) -> (i32, i32) {
    %c0_i32 = arith.constant 0 : i32
    %c0_i32_0 = arith.constant 0 : i32
    return %arg0, %c0_i32 : i32, i32
  }
  func.func @transform_2(%arg0: i32) -> (i32, i32) {
    %c0_i32 = arith.constant 0 : i32
    %c0_i32_0 = arith.constant 0 : i32
    return %arg0, %c0_i32 : i32, i32
  }
  func.func @transform_3(%arg0: i32) -> (i32, i32) {
    %c0_i32 = arith.constant 0 : i32
    %c0_i32_0 = arith.constant 0 : i32
    return %arg0, %c0_i32 : i32, i32
  }
  func.func @transform_4(%arg0: i32) -> (i32, i32) {
    %c0_i32 = arith.constant 0 : i32
    %c0_i32_0 = arith.constant 0 : i32
    return %arg0, %c0_i32 : i32, i32
  }
  func.func @transform_5(%arg0: i32) -> (i32, i32) {
    %c0_i32 = arith.constant 0 : i32
    %c0_i32_0 = arith.constant 0 : i32
    return %arg0, %c0_i32 : i32, i32
  }
}

</mosaic_0001>

<sc_bundles>
// kernel: kernel.11.cloned.1.call-start
scs
__scs_entry_jumppad:
0x0: {  	(pc) =	sbr.rel $0x88, $3  }
0x1: {  	(tag) =	ssettag $0x0;
	lr =	simm.s32 $0x1  }
0x2: {  	[smem:$0x3F9B] =	sst lr;
	_ =	strace $0xD0000000  }
0x3: {  	_ = 	snop  }
0x4: {  	_ = 	snop  }
0x5: {  	_ = 	snop  }
0x6: {  	_ = 	snop  }
0x7: {  	_ = 	snop  }
__scs_overlays_trampoline_lowered:
0x8: {  	[smem:$0x3FAA] =	sst s0  }
0x9: {  	[smem:$0x3FAB] =	sst s1  }
0xa: {  	[smem:$0x3FAC] =	sst s2  }
0xb: {  	[smem:$0x3FAD] =	sst s3  }
0xc: {  	[smem:$0x3FAE] =	sst s4  }
0xd: {  	[smem:$0x3FAF] =	sst s5  }
0xe: {  	[smem:$0x3FB0] =	sst s6  }
0xf: {  	[smem:$0x3FB1] =	sst s7  }
0x10: {  	[smem:$0x3FB2] =	sst s8  }
0x11: {  	[smem:$0x3FB3] =	sst s9;
	s0 =	simm.s32 @!p0 $0x0  }
0x12: {  	s1 =	sld [smem:$0x3F99];
	s0 =	simm.s32 @p0 $0x1  }
0x13: {  	[smem:$0x3FB4] =	sst s0;
	s0 =	simm.s32 @!p1 $0x0  }
0x14: {  	s2 =	sld [smem:$0x3F98];
	s0 =	simm.s32 @p1 $0x1  }
0x15: {  	[smem:$0x3FB5] =	sst s0;
	s0 =	simm.s32 @!p2 $0x0  }
0x16: {  	s3 =	sld [smem:$0x3FDB];
	s0 =	simm.s32 @p2 $0x1  }
0x17: {  	s4 =	simm.s32 $0x1BF5;
	[smem:$0x3FB7] =	sst s0  }
0x18: {  	s0 =	sld [smem:$0x3F9A];
	_ =	swait.ge [sflag:s4], $0x0  }
0x19: {  	s7 =	sld [smem:$0x3F9B]  }
0x1a: {  	s8 =	sadd.s32 $0xFFFFE003, lr  }
0x1b: {  	s9 =	sadd.s32 $0xFFFFFEF7, lr;
	s5 =	simm.s32 $0xFFFFFFFF;
	p2 =	slt.u32 s8, $0xFFFFF086  }
0x1c: {  	p1 =	slt.u32 s9, $0xF7A;
	s5 =	simm.s32 @!p2 $0x0  }
0x1d: {  	s5 =	simm.s32 @p1 $0x1;
	p0 =	seq.s32 s7, s2  }
0x1e: {  	s7 =	smul.u32 @!p0 $0xF7A, s2;
	p2 =	seq.s32 @!p0 s5, $0x0  }
0x1f: {  	s9 =	smul.u32 $0xF7A, s1;
	s8 =	simm.s32 @!p0 $0x1BF5;
	p2 =	por !p2, p0  }
0x20: {  	[sflag:s8] =	ssyncset.s32 @!p0 $0xFFFFF086;
	s6 =	sadd.s32 @!p0 s3, s7;
	s7 =	simm.s32 @!p0 $0x108  }
0x21: {  	s3 =	sadd.s32 s3, s9;
	s6 =	sadd.s32 @!p0 $0x88, s6;
	s7 =	simm.s32 @p2 $0x1082  }
0x22: {  	[simem:s7], [sflag:s8] =	dma.local @!p0 [hbm:s6], $0xF7A  }
0x23: {  	s9 =	sor.u32 $0xD0000000, s2;
	s6 =	simm.s32 $0x108;
	_ =	swait.ge @!p0 [sflag:s8], $0x0  }
0x24: {  	s3 =	sadd.s32 $0x88, s3;
	s6 =	simm.s32 @!p1 $0x1082;
	[sflag:s4] =	ssyncset.s32 $0xFFFFF086  }
0x25: {  	[simem:s6], [sflag:s4] =	dma.local [hbm:s3], $0xF7A  }
0x26: {  	[smem:$0x3F9B] =	sst s1;
	(tag) =	ssettag s2;
	_ =	strace s9  }
0x27: {  	s1 =	sld [smem:$0x3FAB]  }
0x28: {  	s2 =	sld [smem:$0x3FAC]  }
0x29: {  	s4 =	sld [smem:$0x3FAE]  }
0x2a: {  	p0 =	seq.s32 s5, $0x0;
	s5 =	sld [smem:$0x3FAF]  }
0x2b: {  	s6 =	sld [smem:$0x3FB0]  }
0x2c: {  	s7 =	sld [smem:$0x3FB1]  }
0x2d: {  	s3 =	simm.s32 $0x108;
	s8 =	sld [smem:$0x3FB2]  }
0x2e: {  	s3 =	simm.s32 @!p0 $0x1082;
	s9 =	sld [smem:$0x3FB3]  }
0x2f: {  	lr =	sadd.s32 s0, s3;
	s0 =	sld [smem:$0x3FAA]  }
0x30: {  	s3 =	sld [smem:$0x3FAD]  }
0x31: {  	[smem:$0x3FB6] =	sst s10  }
0x32: {  	s10 =	sld [smem:$0x3FB4];
	_ =	sdelay $0x3  }
0x33: {  	p0 =	seq.s32 s10, $0x1;
	s10 =	sld [smem:$0x3FB6];
	_ =	sdelay $0x3  }
0x34: {  	[smem:$0x3FB6] =	sst s10  }
0x35: {  	s10 =	sld [smem:$0x3FB5];
	_ =	sdelay $0x3  }
0x36: {  	p1 =	seq.s32 s10, $0x1;
	s10 =	sld [smem:$0x3FB6];
	_ =	sdelay $0x3  }
0x37: {  	[smem:$0x3FB6] =	sst s10  }
0x38: {  	s10 =	sld [smem:$0x3FB7]  }
0x39: {  	_ = 	snop;
	(pc) =	sbr.ind lr, $3  }
0x3a: {  	_ = 	snop  }
0x3b: {  	_ = 	snop  }
0x3c: {  	p2 =	seq.s32 s10, $0x1;
	s10 =	sld [smem:$0x3FB6]  }
0x3d: {  	_ =	shalt  }
0x3e: {  	_ =	shalt  }
0x3f: {  	_ =	shalt  }
0x40: {  	_ =	shalt  }
0x41: {  	_ =	shalt  }
0x42: {  	_ =	shalt  }
0x43: {  	_ =	shalt  }
0x44: {  	_ =	shalt  }
0x45: {  	_ =	shalt  }
0x46: {  	_ =	shalt  }
0x47: {  	_ =	shalt  }
0x48: {  	_ =	shalt  }
0x49: {  	_ =	shalt  }
0x4a: {  	_ =	shalt  }
0x4b: {  	_ =	shalt  }
0x4c: {  	_ =	shalt  }
0x4d: {  	_ =	shalt  }
0x4e: {  	_ =	shalt  }
0x4f: {  	_ =	shalt  }
0x50: {  	_ =	shalt  }
0x51: {  	_ =	shalt  }
0x52: {  	_ =	shalt  }
0x53: {  	_ =	shalt  }
0x54: {  	_ =	shalt  }
0x55: {  	_ =	shalt  }
0x56: {  	_ =	shalt  }
0x57: {  	_ =	shalt  }
0x58: {  	_ =	shalt  }
0x59: {  	_ =	shalt  }
0x5a: {  	_ =	shalt  }
0x5b: {  	_ =	shalt  }
0x5c: {  	_ =	shalt  }
0x5d: {  	_ =	shalt  }
0x5e: {  	_ =	shalt  }
0x5f: {  	_ =	shalt  }
0x60: {  	_ =	shalt  }
0x61: {  	_ =	shalt  }
0x62: {  	_ =	shalt  }
0x63: {  	_ =	shalt  }
0x64: {  	_ =	shalt  }
0x65: {  	_ =	shalt  }
0x66: {  	_ =	shalt  }
0x67: {  	_ =	shalt  }
0x68: {  	_ =	shalt  }
0x69: {  	_ =	shalt  }
0x6a: {  	_ =	shalt  }
0x6b: {  	_ =	shalt  }
0x6c: {  	_ =	shalt  }
0x6d: {  	_ =	shalt  }
0x6e: {  	_ =	shalt  }
0x6f: {  	_ =	shalt  }
0x70: {  	_ =	shalt  }
0x71: {  	_ =	shalt  }
0x72: {  	_ =	shalt  }
0x73: {  	_ =	shalt  }
0x74: {  	_ =	shalt  }
0x75: {  	_ =	shalt  }
0x76: {  	_ =	shalt  }
0x77: {  	_ =	shalt  }
0x78: {  	_ =	shalt  }
0x79: {  	_ =	shalt  }
0x7a: {  	_ =	shalt  }
0x7b: {  	_ =	shalt  }
0x7c: {  	_ =	shalt  }
0x7d: {  	_ =	shalt  }
0x7e: {  	_ =	shalt  }
0x7f: {  	_ =	shalt  }
0x80: {  	_ =	shalt  }
0x81: {  	_ =	shalt  }
0x82: {  	_ =	shalt  }
0x83: {  	_ =	shalt  }
0x84: {  	_ =	shalt  }
0x85: {  	_ =	shalt  }
0x86: {  	_ =	shalt  }
0x87: {  	_ =	shalt  }
.Lfunc_end0:
.L_simem_size_0:
called_computation.1_lowered:
.L_overlay_start_0:
0x88: {  	s2 =	sld [smem:$0x3FD9]  }
0x89: {  	s3 =	sld [smem:$0x3FFE];
	_ =	sdelay $0x1  }
0x8a: {  	s1 =	srdreg.scid  }
0x8b: {  	s0 =	sand.u32 $0x1, s1  }
0x8c: {  	s16 =	sshll.u32 s0, $0xA;
	s2 =	sadd.s32 s3, s2  }
0x8d: {  	s2 =	sadd.s32 s2, s16  }
0x8e: {  	[smem:$0x3FC2] =	sst s2  }
0x8f: {  	_ = 	snop  }
0x90: {  	(tm) =	ssettm $0x1  }
0x91: {  	s17 =	sld [smem:$0x3FFB];
	_ =	sdelay $0x3  }
0x92: {  	_ =	strace s17  }
0x93: {  	s2 =	sld [smem:$0x3FFC];
	_ =	sdelay $0x3  }
0x94: {  	_ =	strace s2  }
0x95: {  	s2 =	sld [smem:$0x3FFD];
	_ =	sdelay $0x3  }
0x96: {  	_ =	strace s2  }
0x97: {  	_ =	strace $0x8FFFFFFF  }
0x98: {  	s18 =	sld [smem:$0x3FDB];
	_ =	sdelay $0x1  }
0x99: {  	s19 =	simm.s32 $_scs_section_size  }
0x9a: {  	s4 =	simm.s32 $_size__tile_overlayer_lowered;
	s5 =	simm.s32 $_tile_overlayer_lowered  }
0x9b: {  	s22 =	simm.s32 $0x1BFF;
	s21 =	sshll.u32 s5, $0x1;
	s2 =	sadd.s32 s19, s18  }
0x9c: {  	s6 =	simm.s32 $0x0;
	s20 =	sshll.u32 s4, $0x1;
	s4 =	sadd.s32 s21, s2  }
0x9d: {  	[timem:s6], [sflag:s22] =	dma.local [hbm:s4], s20  }
0x9e: {  	_ =	swait.ge [sflag:s22], s20  }
0x9f: {  	s3 =	ssub.s32 $0x0, s20;
	[sflag:s22] =	ssyncset.done $0x0  }
0xa0: {  	[sflag:s22] =	ssyncadd.s32 s3;
	_ =	sdelay $0x1  }
0xa1: {  	s23 =	simm.s32 $0x1B8B  }
0xa2: {  	_ =	swait.ge [sflag:s23], $0x1  }
0xa3: {  	[sflag:s23] =	ssyncset.done $0x0  }
0xa4: {  	s25 =	simm.s32 $0x1B8E;
	s24 =	sld [smem:$0x3FFE];
	[sflag:s23] =	ssyncadd.s32 $0xFFFFFFFF  }
0xa5: {  	s26 =	simm.s32 $execute0_lowered;
	[smem:$0x3FD2] =	sst s25  }
0xa6: {  	s4 =	sshll.u32 s26, $0x1;
	_ =	strace $0x80000049;
	[dreg:$0x1] =	wrdreg $0xFFFFFFFF  }
0xa7: {  	s28 =	simm.s32 $_size_execute0_lowered;
	s2 =	sadd.s32 s2, s4;
	[dreg:$0x0] =	wrdreg $0x0  }
0xa8: {  	s4 =	sshll.u32 s28, $0x1;
	[dreg:$0x2] =	wrdreg s2  }
0xa9: {  	[dreg:$0x3] =	wrdreg s4  }
0xaa: {  	[dreg:$0x4] =	wrdreg $0xC0  }
0xab: {  	_ =	task [dreg:s6], $0x5FFFF  }
0xac: {  	[dreg:$0x1] =	wrdreg $0xFFFFFFFF  }
0xad: {  	[dreg:$0x0] =	wrdreg $0x60  }
0xae: {  	[dreg:$0x2] =	wrdreg s24  }
0xaf: {  	[dreg:$0x3] =	wrdreg $0xA8000  }
0xb0: {  	[dreg:$0x4] =	wrdreg $0x9  }
0xb1: {  	_ =	task.clear_ibuf [dreg:s6], $0x5FFFF;
	_ =	strace $0x90000049  }
0xb2: {  	s29 =	simm.s32 $0x9;
	_ =	strace $0x8000004B  }
0xb3: {  	_ =	swait.ge [sflag:s29], $0x1  }
0xb4: {  	[sflag:s29] =	ssyncadd.s32 $0xFFFFFFFF  }
0xb5: {  	_ =	strace $0x9000004B  }
0xb6: {  	_ =	sfence  }
0xb7: {  	s30 =	sld [smem:$0x0];
	_ =	sdelay $0x2  }
0xb8: {  	s31 =	sshll.u32 s1, $0xD;
	s1 =	sshrl.u32 s1, $0x2  }
0xb9: {  	s3 =	sand.u32 $0x4000, s31;
	s1 =	sadd.s32 s1, s30  }
0xba: {  	s0 =	sor.u32 s3, s0;
	s1 =	sshll.u32 s1, $0x11  }
0xbb: {  	s0 =	sor.u32 s1, s0  }
0xbc: {  	s0 =	sadd.s32 $0x8F2B, s0  }
0xbd: {  	[sflag:s0] =	ssyncadd.remote.s32 $0x1  }
0xbe: {  	_ =	sfence.sel $0xFFFF  }
0xbf: {  	[dreg:$0x0] =	wrdreg $0xFFFFFFFF;
	(pc) =	sbr.abs _section_cstart, $3  }
0xc0: {  	[dreg:$0x1] =	wrdreg $0xFFFFFFFF  }
0xc1: {  	_ =	task.clear_ibuf [dreg:s6], $0x2FFFF;
	_ =	strace $0x9FFFFFFF  }
0xc2: {  	(tm) =	ssettm $0x7FFFFFFF  }
0xc3: {  	_ =	shalt  }
tec
execute0_lowered:
.L_overlay_start_1:
0x0: {  	(tag) =	ssettag $0x1  }
0x1: {  	s0 =	rddreg [dreg:$0x0]  }
0x2: {  	s2 =	rddreg [dreg:$0x1];
	s3 =	simm.s32 $0x0;
	s1 =	stileid.u32  }
0x3: {  	s7 =	srdreg.scid;
	s21 =	simm.s32 $0x2800;
	s22 =	simm.s32 $0x3  }
0x4: {  	s23 =	simm.s32 $0x1400;
	s28 =	simm.s32 $0x2;
	s29 =	simm.s32 $0x2700  }
0x5: {  	s30 =	simm.s32 $0x2780;
	s31 =	simm.s32 $0x0;
	s6 =	smul.u32 $0x2780, s1  }
0x6: {  	[smem:$0x7FF] =	sst s3;
	s4 =	sadd.s32 $0x5C600, s0;
	s8 =	smul.u32 $0x4F000, s1  }
0x7: {  	s5 =	sadd.s32 $0x83800, s0;
	s13 =	sadd.s32 $0x57600, s0;
	s10 =	smul.u32 $0x2800, s1  }
0x8: {  	s14 =	sadd.s32 $0x4200, s0;
	s15 =	sand.u32 $0x1, s7;
	s12 =	smul.u32 $0x500, s1  }
0x9: {  	s19 =	sadd.s32 $0xF6C80, s0;
	p1 =	seq.s32 s1, $0xF;
	_ =	strace $0x8000004A  }
0xa: {  	s7 =	ssub.s32 $0x2, s15;
	[dreg:$0x4] =	wrdreg s19;
	p0 =	sne.s32 s15, $0x0  }
0xb: {  	s17 =	sadd.s32 s6, s0;
	s24 =	sshrl.u32 s8, $0x2;
	s25 =	sshrl.u32 s7, $0x1  }
0xc: {  	s16 =	sshrl.u32 s10, $0x3;
	s11 =	sadd.s32 s13, s12;
	s12 =	sadd.s32 s14, s12  }
0xd: {  	s0 =	sadd.s32 $0xCFA80, s0;
	s6 =	sadd.s32 s24, s2;
	s18 =	ssub.s32 s7, s25  }
0xe: {  	s16 =	sadd.s32 $0x280, s16;
	s26 =	sadd.s32 $0xD1C00, s17;
	s17 =	sadd.s32 $0xAAA00, s17  }
.Ltmp0:
0xf: {  	[dreg:$0x6] =	wrdreg s0;
	s24 =	simm.s32 $0x80;
	(pc) =	sbr.rel .LBB2_1-.Ltmp0, $4  }
0x10: {  	s25 =	simm.s32 $0x6800;
	s7 =	sadd.s32 $0x4000, s6;
	s8 =	sadd.s32 $0x8000, s6  }
0x11: {  	s9 =	sadd.s32 $0xC000, s6;
	s10 =	sadd.s32 $0x10000, s6;
	s13 =	sadd.s32 s13, s16  }
0x12: {  	s14 =	sadd.s32 s14, s16;
	[dreg:$0x3] =	wrdreg s26;
	s16 =	sadd.s32 $0x128400, s2  }
0x13: {  	v0 =	vimm.f32 $0.0e+00;
	[dreg:$0x5] =	wrdreg s17;
	s20 =	smax.u32 s18, $0x1;
	s26 =	simm.s32 $0x1  }
.LBB2_13:
0x14: {  	[tilespmem:s25], [sflag:$0x2] =	stream.indirect.gather [hbm4b:s5+s24], $0x80, s19, s24, $0xb8;
	[tilespmem:$0x1E400] =	vst v63  }
0x15: {  	_ =	swait.ge [sflag:s26], $0x4000  }
0x16: {  	[sflag:s26] =	ssyncset.done $0x0  }
0x17: {  	[sflag:s26] =	ssyncadd.s32 $0xFFFFC000  }
0x18: {  	[spmem:s2] =	stream.indirect.scatter.add.f32 [tilespmem:s21], [sflag:$0x3], $0x80, s29, s24, $0xb8;
	[tilespmem:$0x1E400] =	vst v63  }
0x19: {  	_ =	swait.ge [sflag:s22], $0x4000  }
0x1a: {  	[sflag:s22] =	ssyncset.done $0x0  }
0x1b: {  	[sflag:s22] =	ssyncadd.s32 $0xFFFFC000  }
0x1c: {  	_ =	swait.ge [sflag:s28], $0x4000  }
0x1d: {  	[sflag:s28] =	ssyncset.done $0x0  }
0x1e: {  	[sflag:s28] =	ssyncadd.s32 $0xFFFFC000  }
0x1f: {  	[spmem:s2] =	stream.indirect.scatter.add.f32 [tilespmem:s25], [sflag:$0x3], $0x80, s30, s24, $0xb8;
	[tilespmem:$0x1E400] =	vst v63  }
0x20: {  	_ =	swait.ge [sflag:s22], $0x4000  }
0x21: {  	[sflag:s22] =	ssyncset.done $0x0  }
0x22: {  	[sflag:s22] =	ssyncadd.s32 $0xFFFFC000  }
0x23: {  	[bflag:$0x0] =	sbarrier.arrive $0xFFFF  }
0x24: {  	s1 =	simm.s32 @p1 $0x1FC3;
	s18 =	rddreg [dreg:$0x4]  }
0x25: {  	[hbm:s18], [sflag:s1] =	dma.local @p1 [spmem:s17], $0x2080  }
0x26: {  	s1 =	simm.s32 @p1 $0x3  }
0x27: {  	_ =	swait.ge @p1 [sflag:s1], $0x2080  }
0x28: {  	[sflag:s1] =	ssyncset.done @p1 $0x0  }
0x29: {  	[sflag:s1] =	ssyncadd.s32 @p1 $0xFFFFDF80;
	s1 =	rddreg [dreg:$0x3]  }
0x2a: {  	[hbm:s1], [sflag:s15] =	dma.local @!p1 [spmem:s0], $0x2780  }
0x2b: {  	s0 =	simm.s32 @!p1 $0x3  }
0x2c: {  	_ =	swait.ge @!p1 [sflag:s0], $0x2780  }
0x2d: {  	[sflag:s0] =	ssyncset.done @!p1 $0x0  }
0x2e: {  	[sflag:s0] =	ssyncadd.s32 @!p1 $0xFFFFD880  }
.LBB2_14:
0x2f: {  	s31 =	sadd.s32 $0x1, s31  }
0x30: {  	p2 =	sne.s32 s31, s20  }
.Ltmp1:
0x31: {  	_ = 	snop;
	(pc) =	sbr.rel @!p2 .LBB2_15-.Ltmp1, $1  }
0x32: {  	_ =	sdelay $0x3  }
.LBB2_1:
0x33: {  	s0 =	simm.s32 $0x0;
	s15 =	simm.s32 $0x200  }
.LBB2_2:
0x34: {  	p2 =	sne.s32 s15, $0xFE00;
	[tilespmem:s0+$0x2870] =	vst v0  }
0x35: {  	[tilespmem:s0+$0x2800] =	vst v0  }
0x36: {  	[tilespmem:s0+$0x2810] =	vst v0  }
.Ltmp2:
0x37: {  	[tilespmem:s0+$0x2820] =	vst v0;
	(pc) =	sbr.rel @p2 .LBB2_2-.Ltmp2, $4  }
0x38: {  	[tilespmem:s0+$0x2830] =	vst v0  }
0x39: {  	[tilespmem:s0+$0x2840] =	vst v0  }
0x3a: {  	[tilespmem:s0+$0x2850] =	vst v0  }
0x3b: {  	[tilespmem:s0+$0x2860] =	vst v0;
	s0 =	sshra.s32 s15, $0x2;
	s15 =	sadd.s32 $0x200, s15  }
0x3c: {  	[tilespmem:s0+$0x2870] =	vst v0  }
0x3d: {  	[tilespmem:s0+$0x2800] =	vst v0  }
0x3e: {  	[tilespmem:s0+$0x2810] =	vst v0  }
0x3f: {  	[tilespmem:s0+$0x2820] =	vst v0  }
0x40: {  	[tilespmem:s0+$0x2830] =	vst v0  }
0x41: {  	[tilespmem:s0+$0x2840] =	vst v0  }
0x42: {  	[tilespmem:s0+$0x2850] =	vst v0  }
0x43: {  	[tilespmem:s0+$0x2860] =	vst v0  }
0x44: {  	[spmem:s6] =	stream.linear.scatter [tilespmem:s21], [sflag:$0x3], $0x4000, $0x38;
	[tilespmem:$0x1E400] =	vst v63  }
0x45: {  	_ =	swait.ge [sflag:s22], $0x4000  }
0x46: {  	[sflag:s22] =	ssyncset.done $0x0  }
0x47: {  	[sflag:s22] =	ssyncadd.s32 $0xFFFFC000  }
0x48: {  	[spmem:s7] =	stream.linear.scatter [tilespmem:s21], [sflag:$0x3], $0x4000, $0x38;
	[tilespmem:$0x1E400] =	vst v63  }
0x49: {  	_ =	swait.ge [sflag:s22], $0x4000  }
0x4a: {  	[sflag:s22] =	ssyncset.done $0x0  }
0x4b: {  	[sflag:s22] =	ssyncadd.s32 $0xFFFFC000  }
0x4c: {  	[spmem:s8] =	stream.linear.scatter [tilespmem:s21], [sflag:$0x3], $0x4000, $0x38;
	[tilespmem:$0x1E400] =	vst v63  }
0x4d: {  	_ =	swait.ge [sflag:s22], $0x4000  }
0x4e: {  	[sflag:s22] =	ssyncset.done $0x0  }
0x4f: {  	[sflag:s22] =	ssyncadd.s32 $0xFFFFC000  }
0x50: {  	[spmem:s9] =	stream.linear.scatter [tilespmem:s21], [sflag:$0x3], $0x4000, $0x38;
	[tilespmem:$0x1E400] =	vst v63  }
0x51: {  	_ =	swait.ge [sflag:s22], $0x4000  }
0x52: {  	[sflag:s22] =	ssyncset.done $0x0  }
0x53: {  	[sflag:s22] =	ssyncadd.s32 $0xFFFFC000  }
0x54: {  	[spmem:s10] =	stream.linear.scatter [tilespmem:s21], [sflag:$0x3], $0x3C00, $0x38;
	[tilespmem:$0x1E400] =	vst v63  }
0x55: {  	_ =	swait.ge [sflag:s22], $0x3C00  }
0x56: {  	[sflag:s22] =	ssyncset.done $0x0  }
0x57: {  	[sflag:s22] =	ssyncadd.s32 $0xFFFFC400  }
0x58: {  	[bflag:$0x0] =	sbarrier.arrive $0xFFFF  }
0x59: {  	[tilespmem:s3], [sflag:$0x3] =	stream.linear.gather [hbm4b:s11+s3], $0x1400, $0x38;
	[tilespmem:$0x1E400] =	vst v63  }
0x5a: {  	_ =	swait.ge [sflag:s22], $0x1400  }
0x5b: {  	[sflag:s22] =	ssyncset.done $0x0  }
.Ltmp3:
0x5c: {  	[sflag:s22] =	ssyncadd.s32 $0xFFFFEC00;
	(pc) =	sbr.rel @p0 .LBB2_9-.Ltmp3, $4  }
0x5d: {  	[tilespmem:s23], [sflag:$0x3] =	stream.linear.gather [hbm4b:s12+s3], $0x1400, $0x38;
	[tilespmem:$0x1E400] =	vst v63  }
0x5e: {  	s0 =	stileid.u32;
	_ =	swait.ge [sflag:s22], $0x1400  }
0x5f: {  	s17 =	sshrl.u32 @p1 s16, $0x3;
	s15 =	sshll.u32 @!p1 s0, $0x6;
	[sflag:s22] =	ssyncset.done $0x0  }
0x60: {  	s0 =	sshrl.u32 @!p1 s6, $0x3;
	s15 =	sor.u32 @!p1 $0x1C03, s15;
	[sflag:s22] =	ssyncadd.s32 $0xFFFFEC00  }
0x61: {  	s18 =	simm.s32 $0x0  }
0x62: {  	[tilespmem:s21], [sflag:$0x1] =	stream.indirect.gather [hbm4b:s4+s24], $0x80, s18, s24, $0xb8;
	[tilespmem:$0x1E400] =	vst v63  }
0x63: {  	_ = 	snop  }
0x64: {  	[tilespmem:s25], [sflag:$0x2] =	stream.indirect.gather [hbm4b:s4+s24], $0x80, s24, s24, $0xb8;
	[tilespmem:$0x1E400] =	vst v63  }
0x65: {  	_ =	swait.ge [sflag:s26], $0x4000  }
0x66: {  	[sflag:s26] =	ssyncset.done $0x0  }
0x67: {  	s19 =	simm.s32 $0x1400;
	[sflag:s26] =	ssyncadd.s32 $0xFFFFC000  }
0x68: {  	[spmem:s2] =	stream.indirect.scatter.add.f32 [tilespmem:s21], [sflag:$0x3], $0x80, s19, s24, $0xb8;
	[tilespmem:$0x1E400] =	vst v63  }
0x69: {  	_ =	swait.ge [sflag:s22], $0x4000  }
0x6a: {  	[sflag:s22] =	ssyncset.done $0x0  }
0x6b: {  	s1 =	simm.s32 $0x100;
	[sflag:s22] =	ssyncadd.s32 $0xFFFFC000  }
0x6c: {  	[tilespmem:s21], [sflag:$0x1] =	stream.indirect.gather [hbm4b:s4+s24], $0x80, s1, s24, $0xb8;
	[tilespmem:$0x1E400] =	vst v63  }
0x6d: {  	_ =	swait.ge [sflag:s28], $0x4000  }
0x6e: {  	[sflag:s28] =	ssyncset.done $0x0  }
0x6f: {  	s19 =	simm.s32 $0x1480;
	[sflag:s28] =	ssyncadd.s32 $0xFFFFC000  }
0x70: {  	[spmem:s2] =	stream.indirect.scatter.add.f32 [tilespmem:s25], [sflag:$0x3], $0x80, s19, s24, $0xb8;
	[tilespmem:$0x1E400] =	vst v63  }
0x71: {  	_ =	swait.ge [sflag:s22], $0x4000  }
0x72: {  	[sflag:s22] =	ssyncset.done $0x0  }
0x73: {  	s18 =	simm.s32 $0x400;
	s19 =	simm.s32 $0x180;
	[sflag:s22] =	ssyncadd.s32 $0xFFFFC000  }
.LBB2_5:
0x74: {  	[tilespmem:s25], [sflag:$0x2] =	stream.indirect.gather [hbm4b:s4+s24], $0x80, s19, s24, $0xb8;
	[tilespmem:$0x1E400] =	vst v63  }
0x75: {  	s19 =	smov.u32 s18  }
0x76: {  	p2 =	sne.s32 s18, $0x4800;
	s18 =	sadd.s32 $0x400, s18;
	_ =	swait.ge [sflag:s26], $0x4000  }
0x77: {  	s19 =	sshra.s32 s19, $0x2;
	[sflag:s26] =	ssyncset.done $0x0  }
0x78: {  	s1 =	sadd.s32 $0x1400, s19;
	[sflag:s26] =	ssyncadd.s32 $0xFFFFC000  }
0x79: {  	[spmem:s2] =	stream.indirect.scatter.add.f32 [tilespmem:s21], [sflag:$0x3], $0x80, s1, s24, $0xb8;
	[tilespmem:$0x1E400] =	vst v63  }
0x7a: {  	_ =	swait.ge [sflag:s22], $0x4000  }
0x7b: {  	[sflag:s22] =	ssyncset.done $0x0  }
0x7c: {  	s1 =	sadd.s32 $0x100, s19;
	[sflag:s22] =	ssyncadd.s32 $0xFFFFC000  }
0x7d: {  	[tilespmem:s21], [sflag:$0x1] =	stream.indirect.gather [hbm4b:s4+s24], $0x80, s1, s24, $0xb8;
	[tilespmem:$0x1E400] =	vst v63  }
0x7e: {  	_ =	swait.ge [sflag:s28], $0x4000  }
0x7f: {  	[sflag:s28] =	ssyncset.done $0x0  }
.Ltmp4:
0x80: {  	s1 =	sadd.s32 $0x1480, s19;
	[sflag:s28] =	ssyncadd.s32 $0xFFFFC000;
	(pc) =	sbr.rel @p2 .LBB2_5-.Ltmp4, $4  }
0x81: {  	[spmem:s2] =	stream.indirect.scatter.add.f32 [tilespmem:s25], [sflag:$0x3], $0x80, s1, s24, $0xb8;
	[tilespmem:$0x1E400] =	vst v63  }
0x82: {  	_ =	swait.ge [sflag:s22], $0x4000  }
0x83: {  	[sflag:s22] =	ssyncset.done $0x0  }
0x84: {  	s19 =	sadd.s32 $0x180, s19;
	[sflag:s22] =	ssyncadd.s32 $0xFFFFC000  }
0x85: {  	[tilespmem:s25], [sflag:$0x2] =	stream.indirect.gather [hbm4b:s4+s24], $0x80, s19, s24, $0xb8;
	[tilespmem:$0x1E400] =	vst v63  }
0x86: {  	_ =	swait.ge [sflag:s26], $0x4000  }
0x87: {  	[sflag:s26] =	ssyncset.done $0x0  }
0x88: {  	[sflag:s26] =	ssyncadd.s32 $0xFFFFC000  }
0x89: {  	[spmem:s2] =	stream.indirect.scatter.add.f32 [tilespmem:s21], [sflag:$0x3], $0x80, s29, s24, $0xb8;
	[tilespmem:$0x1E400] =	vst v63  }
0x8a: {  	_ =	swait.ge [sflag:s22], $0x4000  }
0x8b: {  	[sflag:s22] =	ssyncset.done $0x0  }
0x8c: {  	[sflag:s22] =	ssyncadd.s32 $0xFFFFC000  }
0x8d: {  	_ =	swait.ge [sflag:s28], $0x4000  }
0x8e: {  	[sflag:s28] =	ssyncset.done $0x0  }
0x8f: {  	[sflag:s28] =	ssyncadd.s32 $0xFFFFC000  }
0x90: {  	[spmem:s2] =	stream.indirect.scatter.add.f32 [tilespmem:s25], [sflag:$0x3], $0x80, s30, s24, $0xb8;
	[tilespmem:$0x1E400] =	vst v63  }
0x91: {  	_ =	swait.ge [sflag:s22], $0x4000  }
0x92: {  	[sflag:s22] =	ssyncset.done $0x0  }
0x93: {  	s1 =	simm.s32 $0x0;
	[sflag:s22] =	ssyncadd.s32 $0xFFFFC000  }
0x94: {  	[tilespmem:s1], [sflag:$0x3] =	stream.linear.gather [hbm4b:s13+s1], $0x1400, $0x38;
	[tilespmem:$0x1E400] =	vst v63  }
0x95: {  	_ =	swait.ge [sflag:s22], $0x1400  }
0x96: {  	[sflag:s22] =	ssyncset.done $0x0  }
0x97: {  	[sflag:s22] =	ssyncadd.s32 $0xFFFFEC00  }
0x98: {  	[tilespmem:s23], [sflag:$0x3] =	stream.linear.gather [hbm4b:s14+s1], $0x1400, $0x38;
	[tilespmem:$0x1E400] =	vst v63  }
0x99: {  	_ =	swait.ge [sflag:s22], $0x1400  }
0x9a: {  	[sflag:s22] =	ssyncset.done $0x0  }
0x9b: {  	[sflag:s22] =	ssyncadd.s32 $0xFFFFEC00  }
0x9c: {  	[tilespmem:s21], [sflag:$0x1] =	stream.indirect.gather [hbm4b:s4+s24], $0x80, s1, s24, $0xb8;
	[tilespmem:$0x1E400] =	vst v63  }
0x9d: {  	_ = 	snop  }
0x9e: {  	[tilespmem:s25], [sflag:$0x2] =	stream.indirect.gather [hbm4b:s4+s24], $0x80, s24, s24, $0xb8;
	[tilespmem:$0x1E400] =	vst v63  }
0x9f: {  	_ =	swait.ge [sflag:s26], $0x4000  }
0xa0: {  	[sflag:s26] =	ssyncset.done $0x0  }
0xa1: {  	s19 =	simm.s32 $0x1400;
	[sflag:s26] =	ssyncadd.s32 $0xFFFFC000  }
0xa2: {  	[spmem:s2] =	stream.indirect.scatter.add.f32 [tilespmem:s21], [sflag:$0x3], $0x80, s19, s24, $0xb8;
	[tilespmem:$0x1E400] =	vst v63  }
0xa3: {  	_ =	swait.ge [sflag:s22], $0x4000  }
0xa4: {  	[sflag:s22] =	ssyncset.done $0x0  }
0xa5: {  	s18 =	simm.s32 $0x100;
	[sflag:s22] =	ssyncadd.s32 $0xFFFFC000  }
0xa6: {  	[tilespmem:s21], [sflag:$0x1] =	stream.indirect.gather [hbm4b:s4+s24], $0x80, s18, s24, $0xb8;
	[tilespmem:$0x1E400] =	vst v63  }
0xa7: {  	_ =	swait.ge [sflag:s28], $0x4000  }
0xa8: {  	[sflag:s28] =	ssyncset.done $0x0  }
0xa9: {  	s19 =	simm.s32 $0x1480;
	[sflag:s28] =	ssyncadd.s32 $0xFFFFC000  }
0xaa: {  	[spmem:s2] =	stream.indirect.scatter.add.f32 [tilespmem:s25], [sflag:$0x3], $0x80, s19, s24, $0xb8;
	[tilespmem:$0x1E400] =	vst v63  }
0xab: {  	_ =	swait.ge [sflag:s22], $0x4000  }
0xac: {  	[sflag:s22] =	ssyncset.done $0x0  }
0xad: {  	s18 =	simm.s32 $0x400;
	s19 =	simm.s32 $0x180;
	[sflag:s22] =	ssyncadd.s32 $0xFFFFC000  }
.LBB2_7:
0xae: {  	[tilespmem:s25], [sflag:$0x2] =	stream.indirect.gather [hbm4b:s4+s24], $0x80, s19, s24, $0xb8;
	[tilespmem:$0x1E400] =	vst v63  }
0xaf: {  	s1 =	smov.u32 s18  }
0xb0: {  	p2 =	sne.s32 s18, $0x4800;
	s18 =	sadd.s32 $0x400, s18;
	_ =	swait.ge [sflag:s26], $0x4000  }
0xb1: {  	s1 =	sshra.s32 s1, $0x2;
	[sflag:s26] =	ssyncset.done $0x0  }
0xb2: {  	s19 =	sadd.s32 $0x1400, s1;
	[sflag:s26] =	ssyncadd.s32 $0xFFFFC000  }
0xb3: {  	[spmem:s2] =	stream.indirect.scatter.add.f32 [tilespmem:s21], [sflag:$0x3], $0x80, s19, s24, $0xb8;
	[tilespmem:$0x1E400] =	vst v63  }
0xb4: {  	_ =	swait.ge [sflag:s22], $0x4000  }
0xb5: {  	[sflag:s22] =	ssyncset.done $0x0  }
0xb6: {  	s19 =	sadd.s32 $0x100, s1;
	[sflag:s22] =	ssyncadd.s32 $0xFFFFC000  }
0xb7: {  	[tilespmem:s21], [sflag:$0x1] =	stream.indirect.gather [hbm4b:s4+s24], $0x80, s19, s24, $0xb8;
	[tilespmem:$0x1E400] =	vst v63  }
0xb8: {  	_ =	swait.ge [sflag:s28], $0x4000  }
0xb9: {  	[sflag:s28] =	ssyncset.done $0x0  }
.Ltmp5:
0xba: {  	s19 =	sadd.s32 $0x1480, s1;
	[sflag:s28] =	ssyncadd.s32 $0xFFFFC000;
	(pc) =	sbr.rel @p2 .LBB2_7-.Ltmp5, $4  }
0xbb: {  	[spmem:s2] =	stream.indirect.scatter.add.f32 [tilespmem:s25], [sflag:$0x3], $0x80, s19, s24, $0xb8;
	[tilespmem:$0x1E400] =	vst v63  }
0xbc: {  	_ =	swait.ge [sflag:s22], $0x4000  }
0xbd: {  	[sflag:s22] =	ssyncset.done $0x0  }
0xbe: {  	s19 =	sadd.s32 $0x180, s1;
	[sflag:s22] =	ssyncadd.s32 $0xFFFFC000  }
0xbf: {  	[tilespmem:s25], [sflag:$0x2] =	stream.indirect.gather [hbm4b:s4+s24], $0x80, s19, s24, $0xb8;
	[tilespmem:$0x1E400] =	vst v63  }
0xc0: {  	_ =	swait.ge [sflag:s26], $0x4000  }
0xc1: {  	[sflag:s26] =	ssyncset.done $0x0  }
0xc2: {  	[sflag:s26] =	ssyncadd.s32 $0xFFFFC000  }
0xc3: {  	[spmem:s2] =	stream.indirect.scatter.add.f32 [tilespmem:s21], [sflag:$0x3], $0x80, s29, s24, $0xb8;
	[tilespmem:$0x1E400] =	vst v63  }
0xc4: {  	_ =	swait.ge [sflag:s22], $0x4000  }
0xc5: {  	[sflag:s22] =	ssyncset.done $0x0  }
0xc6: {  	[sflag:s22] =	ssyncadd.s32 $0xFFFFC000  }
0xc7: {  	_ =	swait.ge [sflag:s28], $0x4000  }
0xc8: {  	[sflag:s28] =	ssyncset.done $0x0  }
0xc9: {  	[sflag:s28] =	ssyncadd.s32 $0xFFFFC000  }
0xca: {  	[spmem:s2] =	stream.indirect.scatter.add.f32 [tilespmem:s25], [sflag:$0x3], $0x80, s30, s24, $0xb8;
	[tilespmem:$0x1E400] =	vst v63  }
0xcb: {  	_ =	swait.ge [sflag:s22], $0x4000  }
0xcc: {  	[sflag:s22] =	ssyncset.done $0x0  }
0xcd: {  	[sflag:s22] =	ssyncadd.s32 $0xFFFFC000  }
0xce: {  	[bflag:$0x0] =	sbarrier.arrive $0xFFFF  }
0xcf: {  	s1 =	simm.s32 @p1 $0x1FC3;
	s18 =	rddreg [dreg:$0x6]  }
0xd0: {  	[hbm:s18], [sflag:s1] =	dma.local @p1 [spmem:s17], $0x2080  }
0xd1: {  	s1 =	simm.s32 @p1 $0x3  }
0xd2: {  	_ =	swait.ge @p1 [sflag:s1], $0x2080  }
0xd3: {  	[sflag:s1] =	ssyncset.done @p1 $0x0  }
0xd4: {  	[sflag:s1] =	ssyncadd.s32 @p1 $0xFFFFDF80;
	s1 =	rddreg [dreg:$0x5]  }
0xd5: {  	[hbm:s1], [sflag:s15] =	dma.local @!p1 [spmem:s0], $0x2780  }
.Ltmp6:
0xd6: {  	_ = 	snop;
	(pc) =	sbr.rel .LBB2_14-.Ltmp6, $4  }
0xd7: {  	s0 =	simm.s32 @!p1 $0x3  }
0xd8: {  	_ =	swait.ge @!p1 [sflag:s0], $0x2780  }
0xd9: {  	[sflag:s0] =	ssyncset.done @!p1 $0x0  }
0xda: {  	[sflag:s0] =	ssyncadd.s32 @!p1 $0xFFFFD880  }
.LBB2_9:
0xdb: {  	s1 =	simm.s32 $0x0  }
0xdc: {  	[tilespmem:s21], [sflag:$0x1] =	stream.indirect.gather [hbm4b:s5+s24], $0x80, s1, s24, $0xb8;
	[tilespmem:$0x1E400] =	vst v63  }
0xdd: {  	_ = 	snop  }
0xde: {  	[tilespmem:s25], [sflag:$0x2] =	stream.indirect.gather [hbm4b:s5+s24], $0x80, s24, s24, $0xb8;
	[tilespmem:$0x1E400] =	vst v63  }
0xdf: {  	_ =	swait.ge [sflag:s26], $0x4000  }
0xe0: {  	[sflag:s26] =	ssyncset.done $0x0  }
0xe1: {  	s19 =	simm.s32 $0x1400;
	[sflag:s26] =	ssyncadd.s32 $0xFFFFC000  }
0xe2: {  	[spmem:s2] =	stream.indirect.scatter.add.f32 [tilespmem:s21], [sflag:$0x3], $0x80, s19, s24, $0xb8;
	[tilespmem:$0x1E400] =	vst v63  }
0xe3: {  	_ =	swait.ge [sflag:s22], $0x4000  }
0xe4: {  	[sflag:s22] =	ssyncset.done $0x0  }
0xe5: {  	s18 =	simm.s32 $0x100;
	[sflag:s22] =	ssyncadd.s32 $0xFFFFC000  }
0xe6: {  	[tilespmem:s21], [sflag:$0x1] =	stream.indirect.gather [hbm4b:s5+s24], $0x80, s18, s24, $0xb8;
	[tilespmem:$0x1E400] =	vst v63  }
0xe7: {  	_ =	swait.ge [sflag:s28], $0x4000  }
0xe8: {  	[sflag:s28] =	ssyncset.done $0x0  }
0xe9: {  	s19 =	simm.s32 $0x1480;
	[sflag:s28] =	ssyncadd.s32 $0xFFFFC000  }
0xea: {  	[spmem:s2] =	stream.indirect.scatter.add.f32 [tilespmem:s25], [sflag:$0x3], $0x80, s19, s24, $0xb8;
	[tilespmem:$0x1E400] =	vst v63  }
0xeb: {  	_ =	swait.ge [sflag:s22], $0x4000  }
0xec: {  	[sflag:s22] =	ssyncset.done $0x0  }
0xed: {  	s18 =	simm.s32 $0x400;
	s19 =	simm.s32 $0x180;
	[sflag:s22] =	ssyncadd.s32 $0xFFFFC000  }
.LBB2_10:
0xee: {  	[tilespmem:s25], [sflag:$0x2] =	stream.indirect.gather [hbm4b:s5+s24], $0x80, s19, s24, $0xb8;
	[tilespmem:$0x1E400] =	vst v63  }
0xef: {  	s1 =	smov.u32 s18  }
0xf0: {  	p2 =	sne.s32 s18, $0x4800;
	s18 =	sadd.s32 $0x400, s18;
	_ =	swait.ge [sflag:s26], $0x4000  }
0xf1: {  	s1 =	sshra.s32 s1, $0x2;
	[sflag:s26] =	ssyncset.done $0x0  }
0xf2: {  	s19 =	sadd.s32 $0x1400, s1;
	[sflag:s26] =	ssyncadd.s32 $0xFFFFC000  }
0xf3: {  	[spmem:s2] =	stream.indirect.scatter.add.f32 [tilespmem:s21], [sflag:$0x3], $0x80, s19, s24, $0xb8;
	[tilespmem:$0x1E400] =	vst v63  }
0xf4: {  	_ =	swait.ge [sflag:s22], $0x4000  }
0xf5: {  	[sflag:s22] =	ssyncset.done $0x0  }
0xf6: {  	s19 =	sadd.s32 $0x100, s1;
	[sflag:s22] =	ssyncadd.s32 $0xFFFFC000  }
0xf7: {  	[tilespmem:s21], [sflag:$0x1] =	stream.indirect.gather [hbm4b:s5+s24], $0x80, s19, s24, $0xb8;
	[tilespmem:$0x1E400] =	vst v63  }
0xf8: {  	_ =	swait.ge [sflag:s28], $0x4000  }
0xf9: {  	[sflag:s28] =	ssyncset.done $0x0  }
.Ltmp7:
0xfa: {  	s19 =	sadd.s32 $0x1480, s1;
	[sflag:s28] =	ssyncadd.s32 $0xFFFFC000;
	(pc) =	sbr.rel @p2 .LBB2_10-.Ltmp7, $4  }
0xfb: {  	[spmem:s2] =	stream.indirect.scatter.add.f32 [tilespmem:s25], [sflag:$0x3], $0x80, s19, s24, $0xb8;
	[tilespmem:$0x1E400] =	vst v63  }
0xfc: {  	_ =	swait.ge [sflag:s22], $0x4000  }
0xfd: {  	[sflag:s22] =	ssyncset.done $0x0  }
0xfe: {  	s19 =	sadd.s32 $0x180, s1;
	[sflag:s22] =	ssyncadd.s32 $0xFFFFC000  }
0xff: {  	[tilespmem:s25], [sflag:$0x2] =	stream.indirect.gather [hbm4b:s5+s24], $0x80, s19, s24, $0xb8;
	[tilespmem:$0x1E400] =	vst v63  }
0x100: {  	_ =	swait.ge [sflag:s26], $0x4000  }
0x101: {  	[sflag:s26] =	ssyncset.done $0x0  }
0x102: {  	[sflag:s26] =	ssyncadd.s32 $0xFFFFC000  }
0x103: {  	[spmem:s2] =	stream.indirect.scatter.add.f32 [tilespmem:s21], [sflag:$0x3], $0x80, s29, s24, $0xb8;
	[tilespmem:$0x1E400] =	vst v63  }
0x104: {  	_ =	swait.ge [sflag:s22], $0x4000  }
0x105: {  	[sflag:s22] =	ssyncset.done $0x0  }
0x106: {  	[sflag:s22] =	ssyncadd.s32 $0xFFFFC000  }
0x107: {  	_ =	swait.ge [sflag:s28], $0x4000  }
0x108: {  	[sflag:s28] =	ssyncset.done $0x0  }
0x109: {  	[sflag:s28] =	ssyncadd.s32 $0xFFFFC000  }
0x10a: {  	[spmem:s2] =	stream.indirect.scatter.add.f32 [tilespmem:s25], [sflag:$0x3], $0x80, s30, s24, $0xb8;
	[tilespmem:$0x1E400] =	vst v63  }
0x10b: {  	_ =	swait.ge [sflag:s22], $0x4000  }
0x10c: {  	[sflag:s22] =	ssyncset.done $0x0  }
0x10d: {  	s1 =	simm.s32 $0x0;
	[sflag:s22] =	ssyncadd.s32 $0xFFFFC000  }
0x10e: {  	[tilespmem:s1], [sflag:$0x3] =	stream.linear.gather [hbm4b:s13+s1], $0x1400, $0x38;
	[tilespmem:$0x1E400] =	vst v63  }
0x10f: {  	_ =	swait.ge [sflag:s22], $0x1400  }
0x110: {  	[sflag:s22] =	ssyncset.done $0x0  }
0x111: {  	[sflag:s22] =	ssyncadd.s32 $0xFFFFEC00  }
0x112: {  	[tilespmem:s23], [sflag:$0x3] =	stream.linear.gather [hbm4b:s14+s1], $0x1400, $0x38;
	[tilespmem:$0x1E400] =	vst v63  }
0x113: {  	_ =	swait.ge [sflag:s22], $0x1400  }
0x114: {  	[sflag:s22] =	ssyncset.done $0x0  }
0x115: {  	[sflag:s22] =	ssyncadd.s32 $0xFFFFEC00  }
0x116: {  	[tilespmem:s21], [sflag:$0x1] =	stream.indirect.gather [hbm4b:s5+s24], $0x80, s1, s24, $0xb8;
	[tilespmem:$0x1E400] =	vst v63  }
0x117: {  	_ = 	snop  }
0x118: {  	[tilespmem:s25], [sflag:$0x2] =	stream.indirect.gather [hbm4b:s5+s24], $0x80, s24, s24, $0xb8;
	[tilespmem:$0x1E400] =	vst v63  }
0x119: {  	_ =	swait.ge [sflag:s26], $0x4000  }
0x11a: {  	[sflag:s26] =	ssyncset.done $0x0  }
0x11b: {  	s19 =	simm.s32 $0x1400;
	[sflag:s26] =	ssyncadd.s32 $0xFFFFC000  }
0x11c: {  	[spmem:s2] =	stream.indirect.scatter.add.f32 [tilespmem:s21], [sflag:$0x3], $0x80, s19, s24, $0xb8;
	[tilespmem:$0x1E400] =	vst v63  }
0x11d: {  	_ =	swait.ge [sflag:s22], $0x4000  }
0x11e: {  	[sflag:s22] =	ssyncset.done $0x0  }
0x11f: {  	s18 =	simm.s32 $0x100;
	[sflag:s22] =	ssyncadd.s32 $0xFFFFC000  }
0x120: {  	[tilespmem:s21], [sflag:$0x1] =	stream.indirect.gather [hbm4b:s5+s24], $0x80, s18, s24, $0xb8;
	[tilespmem:$0x1E400] =	vst v63  }
0x121: {  	_ =	swait.ge [sflag:s28], $0x4000  }
0x122: {  	[sflag:s28] =	ssyncset.done $0x0  }
0x123: {  	s19 =	simm.s32 $0x1480;
	[sflag:s28] =	ssyncadd.s32 $0xFFFFC000  }
0x124: {  	[spmem:s2] =	stream.indirect.scatter.add.f32 [tilespmem:s25], [sflag:$0x3], $0x80, s19, s24, $0xb8;
	[tilespmem:$0x1E400] =	vst v63  }
0x125: {  	_ =	swait.ge [sflag:s22], $0x4000  }
0x126: {  	[sflag:s22] =	ssyncset.done $0x0  }
0x127: {  	s18 =	simm.s32 $0x400;
	s19 =	simm.s32 $0x180;
	[sflag:s22] =	ssyncadd.s32 $0xFFFFC000  }
.LBB2_12:
0x128: {  	[tilespmem:s25], [sflag:$0x2] =	stream.indirect.gather [hbm4b:s5+s24], $0x80, s19, s24, $0xb8;
	[tilespmem:$0x1E400] =	vst v63  }
0x129: {  	s1 =	smov.u32 s18  }
0x12a: {  	p2 =	sne.s32 s18, $0x4800;
	s18 =	sadd.s32 $0x400, s18;
	_ =	swait.ge [sflag:s26], $0x4000  }
0x12b: {  	s1 =	sshra.s32 s1, $0x2;
	[sflag:s26] =	ssyncset.done $0x0  }
0x12c: {  	s19 =	sadd.s32 $0x1400, s1;
	[sflag:s26] =	ssyncadd.s32 $0xFFFFC000  }
0x12d: {  	[spmem:s2] =	stream.indirect.scatter.add.f32 [tilespmem:s21], [sflag:$0x3], $0x80, s19, s24, $0xb8;
	[tilespmem:$0x1E400] =	vst v63  }
0x12e: {  	_ =	swait.ge [sflag:s22], $0x4000  }
0x12f: {  	[sflag:s22] =	ssyncset.done $0x0  }
0x130: {  	s19 =	sadd.s32 $0x100, s1;
	[sflag:s22] =	ssyncadd.s32 $0xFFFFC000  }
0x131: {  	[tilespmem:s21], [sflag:$0x1] =	stream.indirect.gather [hbm4b:s5+s24], $0x80, s19, s24, $0xb8;
	[tilespmem:$0x1E400] =	vst v63  }
0x132: {  	_ =	swait.ge [sflag:s28], $0x4000  }
0x133: {  	[sflag:s28] =	ssyncset.done $0x0  }
.Ltmp8:
0x134: {  	s19 =	sadd.s32 $0x1480, s1;
	[sflag:s28] =	ssyncadd.s32 $0xFFFFC000;
	(pc) =	sbr.rel @p2 .LBB2_12-.Ltmp8, $4  }
0x135: {  	[spmem:s2] =	stream.indirect.scatter.add.f32 [tilespmem:s25], [sflag:$0x3], $0x80, s19, s24, $0xb8;
	[tilespmem:$0x1E400] =	vst v63  }
0x136: {  	_ =	swait.ge [sflag:s22], $0x4000  }
0x137: {  	[sflag:s22] =	ssyncset.done $0x0  }
0x138: {  	s19 =	sadd.s32 $0x180, s1;
	[sflag:s22] =	ssyncadd.s32 $0xFFFFC000  }
.Ltmp9:
0x139: {  	_ = 	snop;
	(pc) =	sbr.rel .LBB2_13-.Ltmp9, $1  }
0x13a: {  	_ =	sdelay $0x3  }
.LBB2_15:
0x13b: {  	_ =	sfence.sel $0x180000  }
0x13c: {  	[bflag:$0x0] =	sbarrier.arrive $0xFFFF  }
0x13d: {  	_ =	strace $0x9000004A  }
0x13e: {  	s0 =	stileid.u32;
	[bflag:$0x2] =	sbarrier.arrive $0xFFFF  }
0x13f: {  	p0 =	sne.s32 s0, $0x0;
	s0 =	rddreg [dreg:$0x2]  }
0x140: {  	s0 =	sadd.s32 @!p0 $0x100000, s0  }
0x141: {  	[sflag:s0] =	ssyncadd.tile.s32 @!p0 $0x1;
	_ =	shalt  }
.Lfunc_end2:
_tile_overlayer_lowered:
.L_overlay_start_2:
0x142: {  	(tag) =	ssettag $0x2  }
0x143: {  	s0 =	rddreg [dreg:$0x0];
	s2 =	stileid.u32  }
0x144: {  	s1 =	rddreg [dreg:$0x1];
	p0 =	sne.s32 s2, $0x0  }
0x145: {  	s3 =	rddreg [dreg:$0x2];
	[bflag:$0x3] =	sbarrier.arrive $0xFFFF;
	s2 =	simm.s32 @!p0 $0x1C03  }
0x146: {  	[timem:s3], [sflag:s2] =	dma.local @!p0 [hbm:s0], s1  }
0x147: {  	s0 =	simm.s32 @!p0 $0x3  }
0x148: {  	_ =	swait.ge @!p0 [sflag:s0], s1  }
0x149: {  	s1 =	ssub.s32 @!p0 $0x0, s1;
	[sflag:s0] =	ssyncset.done @!p0 $0x0  }
0x14a: {  	[sflag:s0] =	ssyncadd.s32 @!p0 s1  }
0x14b: {  	[bflag:$0x3] =	sbarrier.arrive $0xFFFF  }
0x14c: {  	_ =	shalt  }

// kernel: kernel.14.cloned.1.call-start
scs
__scs_entry_jumppad:
0x0: {  	(pc) =	sbr.rel $0x88, $3  }
0x1: {  	(tag) =	ssettag $0x0;
	lr =	simm.s32 $0x1  }
0x2: {  	[smem:$0x3F9B] =	sst lr;
	_ =	strace $0xD0000000  }
0x3: {  	_ = 	snop  }
0x4: {  	_ = 	snop  }
0x5: {  	_ = 	snop  }
0x6: {  	_ = 	snop  }
0x7: {  	_ = 	snop  }
__scs_overlays_trampoline_lowered:
0x8: {  	[smem:$0x3FAA] =	sst s0  }
0x9: {  	[smem:$0x3FAB] =	sst s1  }
0xa: {  	[smem:$0x3FAC] =	sst s2  }
0xb: {  	[smem:$0x3FAD] =	sst s3  }
0xc: {  	[smem:$0x3FAE] =	sst s4  }
0xd: {  	[smem:$0x3FAF] =	sst s5  }
0xe: {  	[smem:$0x3FB0] =	sst s6  }
0xf: {  	[smem:$0x3FB1] =	sst s7  }
0x10: {  	[smem:$0x3FB2] =	sst s8  }
0x11: {  	[smem:$0x3FB3] =	sst s9;
	s0 =	simm.s32 @!p0 $0x0  }
0x12: {  	s1 =	sld [smem:$0x3F99];
	s0 =	simm.s32 @p0 $0x1  }
0x13: {  	[smem:$0x3FB4] =	sst s0;
	s0 =	simm.s32 @!p1 $0x0  }
0x14: {  	s2 =	sld [smem:$0x3F98];
	s0 =	simm.s32 @p1 $0x1  }
0x15: {  	[smem:$0x3FB5] =	sst s0;
	s0 =	simm.s32 @!p2 $0x0  }
0x16: {  	s3 =	sld [smem:$0x3FDB];
	s0 =	simm.s32 @p2 $0x1  }
0x17: {  	s4 =	simm.s32 $0x1BF5;
	[smem:$0x3FB7] =	sst s0  }
0x18: {  	s0 =	sld [smem:$0x3F9A];
	_ =	swait.ge [sflag:s4], $0x0  }
0x19: {  	s7 =	sld [smem:$0x3F9B]  }
0x1a: {  	s8 =	sadd.s32 $0xFFFFE003, lr  }
0x1b: {  	s9 =	sadd.s32 $0xFFFFFEF7, lr;
	s5 =	simm.s32 $0xFFFFFFFF;
	p2 =	slt.u32 s8, $0xFFFFF086  }
0x1c: {  	p1 =	slt.u32 s9, $0xF7A;
	s5 =	simm.s32 @!p2 $0x0  }
0x1d: {  	s5 =	simm.s32 @p1 $0x1;
	p0 =	seq.s32 s7, s2  }
0x1e: {  	s7 =	smul.u32 @!p0 $0xF7A, s2;
	p2 =	seq.s32 @!p0 s5, $0x0  }
0x1f: {  	s9 =	smul.u32 $0xF7A, s1;
	s8 =	simm.s32 @!p0 $0x1BF5;
	p2 =	por !p2, p0  }
0x20: {  	[sflag:s8] =	ssyncset.s32 @!p0 $0xFFFFF086;
	s6 =	sadd.s32 @!p0 s3, s7;
	s7 =	simm.s32 @!p0 $0x108  }
0x21: {  	s3 =	sadd.s32 s3, s9;
	s6 =	sadd.s32 @!p0 $0x88, s6;
	s7 =	simm.s32 @p2 $0x1082  }
0x22: {  	[simem:s7], [sflag:s8] =	dma.local @!p0 [hbm:s6], $0xF7A  }
0x23: {  	s9 =	sor.u32 $0xD0000000, s2;
	s6 =	simm.s32 $0x108;
	_ =	swait.ge @!p0 [sflag:s8], $0x0  }
0x24: {  	s3 =	sadd.s32 $0x88, s3;
	s6 =	simm.s32 @!p1 $0x1082;
	[sflag:s4] =	ssyncset.s32 $0xFFFFF086  }
0x25: {  	[simem:s6], [sflag:s4] =	dma.local [hbm:s3], $0xF7A  }
0x26: {  	[smem:$0x3F9B] =	sst s1;
	(tag) =	ssettag s2;
	_ =	strace s9  }
0x27: {  	s1 =	sld [smem:$0x3FAB]  }
0x28: {  	s2 =	sld [smem:$0x3FAC]  }
0x29: {  	s4 =	sld [smem:$0x3FAE]  }
0x2a: {  	p0 =	seq.s32 s5, $0x0;
	s5 =	sld [smem:$0x3FAF]  }
0x2b: {  	s6 =	sld [smem:$0x3FB0]  }
0x2c: {  	s7 =	sld [smem:$0x3FB1]  }
0x2d: {  	s3 =	simm.s32 $0x108;
	s8 =	sld [smem:$0x3FB2]  }
0x2e: {  	s3 =	simm.s32 @!p0 $0x1082;
	s9 =	sld [smem:$0x3FB3]  }
0x2f: {  	lr =	sadd.s32 s0, s3;
	s0 =	sld [smem:$0x3FAA]  }
0x30: {  	s3 =	sld [smem:$0x3FAD]  }
0x31: {  	[smem:$0x3FB6] =	sst s10  }
0x32: {  	s10 =	sld [smem:$0x3FB4];
	_ =	sdelay $0x3  }
0x33: {  	p0 =	seq.s32 s10, $0x1;
	s10 =	sld [smem:$0x3FB6];
	_ =	sdelay $0x3  }
0x34: {  	[smem:$0x3FB6] =	sst s10  }
0x35: {  	s10 =	sld [smem:$0x3FB5];
	_ =	sdelay $0x3  }
0x36: {  	p1 =	seq.s32 s10, $0x1;
	s10 =	sld [smem:$0x3FB6];
	_ =	sdelay $0x3  }
0x37: {  	[smem:$0x3FB6] =	sst s10  }
0x38: {  	s10 =	sld [smem:$0x3FB7]  }
0x39: {  	_ = 	snop;
	(pc) =	sbr.ind lr, $3  }
0x3a: {  	_ = 	snop  }
0x3b: {  	_ = 	snop  }
0x3c: {  	p2 =	seq.s32 s10, $0x1;
	s10 =	sld [smem:$0x3FB6]  }
0x3d: {  	_ =	shalt  }
0x3e: {  	_ =	shalt  }
0x3f: {  	_ =	shalt  }
0x40: {  	_ =	shalt  }
0x41: {  	_ =	shalt  }
0x42: {  	_ =	shalt  }
0x43: {  	_ =	shalt  }
0x44: {  	_ =	shalt  }
0x45: {  	_ =	shalt  }
0x46: {  	_ =	shalt  }
0x47: {  	_ =	shalt  }
0x48: {  	_ =	shalt  }
0x49: {  	_ =	shalt  }
0x4a: {  	_ =	shalt  }
0x4b: {  	_ =	shalt  }
0x4c: {  	_ =	shalt  }
0x4d: {  	_ =	shalt  }
0x4e: {  	_ =	shalt  }
0x4f: {  	_ =	shalt  }
0x50: {  	_ =	shalt  }
0x51: {  	_ =	shalt  }
0x52: {  	_ =	shalt  }
0x53: {  	_ =	shalt  }
0x54: {  	_ =	shalt  }
0x55: {  	_ =	shalt  }
0x56: {  	_ =	shalt  }
0x57: {  	_ =	shalt  }
0x58: {  	_ =	shalt  }
0x59: {  	_ =	shalt  }
0x5a: {  	_ =	shalt  }
0x5b: {  	_ =	shalt  }
0x5c: {  	_ =	shalt  }
0x5d: {  	_ =	shalt  }
0x5e: {  	_ =	shalt  }
0x5f: {  	_ =	shalt  }
0x60: {  	_ =	shalt  }
0x61: {  	_ =	shalt  }
0x62: {  	_ =	shalt  }
0x63: {  	_ =	shalt  }
0x64: {  	_ =	shalt  }
0x65: {  	_ =	shalt  }
0x66: {  	_ =	shalt  }
0x67: {  	_ =	shalt  }
0x68: {  	_ =	shalt  }
0x69: {  	_ =	shalt  }
0x6a: {  	_ =	shalt  }
0x6b: {  	_ =	shalt  }
0x6c: {  	_ =	shalt  }
0x6d: {  	_ =	shalt  }
0x6e: {  	_ =	shalt  }
0x6f: {  	_ =	shalt  }
0x70: {  	_ =	shalt  }
0x71: {  	_ =	shalt  }
0x72: {  	_ =	shalt  }
0x73: {  	_ =	shalt  }
0x74: {  	_ =	shalt  }
0x75: {  	_ =	shalt  }
0x76: {  	_ =	shalt  }
0x77: {  	_ =	shalt  }
0x78: {  	_ =	shalt  }
0x79: {  	_ =	shalt  }
0x7a: {  	_ =	shalt  }
0x7b: {  	_ =	shalt  }
0x7c: {  	_ =	shalt  }
0x7d: {  	_ =	shalt  }
0x7e: {  	_ =	shalt  }
0x7f: {  	_ =	shalt  }
0x80: {  	_ =	shalt  }
0x81: {  	_ =	shalt  }
0x82: {  	_ =	shalt  }
0x83: {  	_ =	shalt  }
0x84: {  	_ =	shalt  }
0x85: {  	_ =	shalt  }
0x86: {  	_ =	shalt  }
0x87: {  	_ =	shalt  }
.Lfunc_end0:
.L_simem_size_0:
called_computation.2_lowered:
.L_overlay_start_0:
0x88: {  	s2 =	sld [smem:$0x3FD9]  }
0x89: {  	s3 =	sld [smem:$0x3FFE];
	_ =	sdelay $0x1  }
0x8a: {  	s1 =	srdreg.scid  }
0x8b: {  	s0 =	sand.u32 $0x1, s1  }
0x8c: {  	s17 =	sshll.u32 s0, $0xA;
	s2 =	sadd.s32 s3, s2  }
0x8d: {  	s2 =	sadd.s32 s2, s17  }
0x8e: {  	[smem:$0x3FC2] =	sst s2  }
0x8f: {  	_ = 	snop  }
0x90: {  	s2 =	sld [smem:$0x3FD0];
	(tm) =	ssettm $0x1  }
0x91: {  	s18 =	sld [smem:$0x3FFB];
	_ =	sdelay $0x3  }
0x92: {  	_ =	strace s18  }
0x93: {  	s3 =	sld [smem:$0x3FFC];
	_ =	sdelay $0x3  }
0x94: {  	_ =	strace s3  }
0x95: {  	s3 =	sld [smem:$0x3FFD];
	_ =	sdelay $0x3  }
0x96: {  	_ =	strace s3  }
0x97: {  	_ =	strace $0x8FFFFFFF  }
0x98: {  	s19 =	sld [smem:$0x3FDB];
	_ =	sdelay $0x1  }
0x99: {  	s4 =	simm.s32 $_scs_section_size  }
0x9a: {  	s5 =	simm.s32 $_size__tile_overlayer_lowered;
	s6 =	simm.s32 $_tile_overlayer_lowered  }
0x9b: {  	s22 =	simm.s32 $0x1BFF;
	s21 =	sshll.u32 s6, $0x1;
	s3 =	sadd.s32 s4, s19  }
0x9c: {  	s7 =	simm.s32 $0x0;
	s20 =	sshll.u32 s5, $0x1;
	s5 =	sadd.s32 s21, s3  }
0x9d: {  	[timem:s7], [sflag:s22] =	dma.local [hbm:s5], s20  }
0x9e: {  	_ =	swait.ge [sflag:s22], s20  }
0x9f: {  	s4 =	ssub.s32 $0x0, s20;
	[sflag:s22] =	ssyncset.done $0x0  }
0xa0: {  	[sflag:s22] =	ssyncadd.s32 s4;
	_ =	sdelay $0x1  }
0xa1: {  	s23 =	simm.s32 $0x1B8B  }
0xa2: {  	_ =	swait.ge [sflag:s23], $0x1  }
0xa3: {  	[sflag:s23] =	ssyncset.done $0x0  }
0xa4: {  	s25 =	simm.s32 $0x1B8E;
	s24 =	sld [smem:$0x3FFE];
	[sflag:s23] =	ssyncadd.s32 $0xFFFFFFFF  }
0xa5: {  	s26 =	simm.s32 $execute0_lowered;
	[smem:$0x3FD2] =	sst s25  }
0xa6: {  	s5 =	sshll.u32 s26, $0x1;
	_ =	strace $0x8000004C;
	[dreg:$0x1] =	wrdreg $0xFFFFFFFF  }
0xa7: {  	s28 =	simm.s32 $_size_execute0_lowered;
	s3 =	sadd.s32 s3, s5;
	[dreg:$0x0] =	wrdreg $0x0  }
0xa8: {  	s5 =	sshll.u32 s28, $0x1;
	[dreg:$0x2] =	wrdreg s3  }
0xa9: {  	[dreg:$0x3] =	wrdreg s5  }
0xaa: {  	[dreg:$0x4] =	wrdreg $0xC0  }
0xab: {  	_ =	task [dreg:s7], $0x5FFFF  }
0xac: {  	[dreg:$0x1] =	wrdreg $0xFFFFFFFF  }
0xad: {  	[dreg:$0x0] =	wrdreg $0x60  }
0xae: {  	[dreg:$0x2] =	wrdreg s2  }
0xaf: {  	[dreg:$0x3] =	wrdreg s24  }
0xb0: {  	[dreg:$0x4] =	wrdreg $0xA8000  }
0xb1: {  	[dreg:$0x5] =	wrdreg $0x9  }
0xb2: {  	_ =	task.clear_ibuf [dreg:s7], $0x6FFFF;
	_ =	strace $0x9000004C  }
0xb3: {  	s29 =	simm.s32 $0x9;
	_ =	strace $0x8000004E  }
0xb4: {  	_ =	swait.ge [sflag:s29], $0x1  }
0xb5: {  	[sflag:s29] =	ssyncadd.s32 $0xFFFFFFFF  }
0xb6: {  	_ =	strace $0x9000004E  }
0xb7: {  	_ =	sfence  }
0xb8: {  	s30 =	sld [smem:$0x0];
	_ =	sdelay $0x2  }
0xb9: {  	s31 =	sshll.u32 s1, $0xD;
	s1 =	sshrl.u32 s1, $0x2  }
0xba: {  	s3 =	sand.u32 $0x4000, s31;
	s1 =	sadd.s32 s1, s30  }
0xbb: {  	s0 =	sor.u32 s3, s0;
	s1 =	sshll.u32 s1, $0x11  }
0xbc: {  	s0 =	sor.u32 s1, s0  }
0xbd: {  	s0 =	sadd.s32 $0x8F2B, s0  }
0xbe: {  	[sflag:s0] =	ssyncadd.remote.s32 $0x1  }
0xbf: {  	_ =	sfence.sel $0xFFFF  }
0xc0: {  	[dreg:$0x0] =	wrdreg $0xFFFFFFFF;
	(pc) =	sbr.abs _section_cstart, $3  }
0xc1: {  	[dreg:$0x1] =	wrdreg $0xFFFFFFFF  }
0xc2: {  	_ =	task.clear_ibuf [dreg:s7], $0x2FFFF;
	_ =	strace $0x9FFFFFFF  }
0xc3: {  	(tm) =	ssettm $0x7FFFFFFF  }
tec
execute0_lowered:
.L_overlay_start_1:
0x0: {  	(tag) =	ssettag $0x1  }
0x1: {  	s1 =	rddreg [dreg:$0x0]  }
0x2: {  	s0 =	rddreg [dreg:$0x1]  }
0x3: {  	s3 =	rddreg [dreg:$0x2];
	s4 =	simm.s32 $0x0  }
0x4: {  	s2 =	stileid.u32;
	s7 =	srdreg.scid;
	s21 =	simm.s32 $0x2800  }
0x5: {  	s22 =	simm.s32 $0x3;
	s28 =	simm.s32 $0x2;
	s29 =	simm.s32 $0x2700  }
0x6: {  	s30 =	simm.s32 $0x2780;
	s31 =	simm.s32 $0x0;
	s6 =	smul.u32 $0x2780, s2  }
0x7: {  	[smem:$0x7FF] =	sst s4;
	s5 =	sadd.s32 $0xAA800, s0;
	s8 =	smul.u32 $0x4F000, s2  }
0x8: {  	s13 =	sadd.s32 $0x57600, s0;
	s14 =	sadd.s32 $0x4200, s0;
	s10 =	smul.u32 $0x2800, s2  }
0x9: {  	s17 =	sand.u32 $0x1, s7;
	s12 =	smul.u32 $0x500, s2;
	s25 =	sadd.s32 $0x11DC80, s0  }
0xa: {  	p1 =	seq.s32 s2, $0xF;
	_ =	strace $0x8000004D;
	s7 =	ssub.s32 $0x2, s17  }
0xb: {  	[dreg:$0x5] =	wrdreg s25;
	p0 =	sne.s32 s17, $0x0;
	s25 =	simm.s32 $0x6800  }
0xc: {  	s18 =	sadd.s32 s6, s0;
	s23 =	sshrl.u32 s8, $0x2;
	s24 =	sshrl.u32 s7, $0x1  }
0xd: {  	s15 =	sshrl.u32 s10, $0x3;
	s11 =	sadd.s32 s13, s12;
	s12 =	sadd.s32 s14, s12  }
0xe: {  	s0 =	sadd.s32 $0xF6A80, s0;
	s6 =	sadd.s32 s23, s3;
	s19 =	ssub.s32 s7, s24  }
0xf: {  	s15 =	sadd.s32 $0x280, s15;
	s16 =	sadd.s32 $0xF8C00, s18;
	s26 =	sadd.s32 $0xD1A00, s18  }
.Ltmp0:
0x10: {  	[dreg:$0x7] =	wrdreg s0;
	s23 =	simm.s32 $0x1400;
	(pc) =	sbr.rel .LBB2_1-.Ltmp0, $4  }
0x11: {  	s24 =	simm.s32 $0x80;
	s7 =	sadd.s32 $0x4000, s6;
	s8 =	sadd.s32 $0x8000, s6  }
0x12: {  	s9 =	sadd.s32 $0xC000, s6;
	s10 =	sadd.s32 $0x10000, s6;
	s13 =	sadd.s32 s13, s15  }
0x13: {  	[dreg:$0x4] =	wrdreg s16;
	s15 =	sadd.s32 s14, s15;
	s16 =	sadd.s32 $0x128400, s3  }
0x14: {  	v0 =	vimm.f32 $0.0e+00;
	[dreg:$0x6] =	wrdreg s26;
	s20 =	smax.u32 s19, $0x1;
	s26 =	simm.s32 $0x1  }
.LBB2_13:
0x15: {  	[tilespmem:s25], [sflag:$0x2] =	stream.indirect.gather [hbm4b:s5+s24], $0x80, s19, s24, $0xb8;
	[tilespmem:$0x1E400] =	vst v63  }
0x16: {  	_ =	swait.ge [sflag:s26], $0x4000  }
0x17: {  	[sflag:s26] =	ssyncset.done $0x0  }
0x18: {  	[sflag:s26] =	ssyncadd.s32 $0xFFFFC000  }
0x19: {  	[spmem:s3] =	stream.indirect.scatter.add.f32 [tilespmem:s21], [sflag:$0x3], $0x80, s29, s24, $0xb8;
	[tilespmem:$0x1E400] =	vst v63  }
0x1a: {  	_ =	swait.ge [sflag:s22], $0x4000  }
0x1b: {  	[sflag:s22] =	ssyncset.done $0x0  }
0x1c: {  	[sflag:s22] =	ssyncadd.s32 $0xFFFFC000  }
0x1d: {  	_ =	swait.ge [sflag:s28], $0x4000  }
0x1e: {  	[sflag:s28] =	ssyncset.done $0x0  }
0x1f: {  	[sflag:s28] =	ssyncadd.s32 $0xFFFFC000  }
0x20: {  	[spmem:s3] =	stream.indirect.scatter.add.f32 [tilespmem:s25], [sflag:$0x3], $0x80, s30, s24, $0xb8;
	[tilespmem:$0x1E400] =	vst v63  }
0x21: {  	_ =	swait.ge [sflag:s22], $0x4000  }
0x22: {  	[sflag:s22] =	ssyncset.done $0x0  }
0x23: {  	[sflag:s22] =	ssyncadd.s32 $0xFFFFC000  }
0x24: {  	[bflag:$0x0] =	sbarrier.arrive $0xFFFF  }
0x25: {  	s2 =	simm.s32 @p1 $0x1FC3;
	s18 =	rddreg [dreg:$0x5]  }
0x26: {  	[hbm:s18], [sflag:s2] =	dma.local @p1 [spmem:s17], $0x2080  }
0x27: {  	s2 =	simm.s32 @p1 $0x3  }
0x28: {  	_ =	swait.ge @p1 [sflag:s2], $0x2080  }
0x29: {  	[sflag:s2] =	ssyncset.done @p1 $0x0  }
0x2a: {  	[sflag:s2] =	ssyncadd.s32 @p1 $0xFFFFDF80;
	s2 =	rddreg [dreg:$0x4]  }
0x2b: {  	[hbm:s2], [sflag:s14] =	dma.local @!p1 [spmem:s0], $0x2780  }
0x2c: {  	s0 =	simm.s32 @!p1 $0x3  }
0x2d: {  	_ =	swait.ge @!p1 [sflag:s0], $0x2780  }
0x2e: {  	[sflag:s0] =	ssyncset.done @!p1 $0x0  }
0x2f: {  	[sflag:s0] =	ssyncadd.s32 @!p1 $0xFFFFD880  }
.LBB2_14:
0x30: {  	s31 =	sadd.s32 $0x1, s31  }
0x31: {  	p2 =	sne.s32 s31, s20  }
.Ltmp1:
0x32: {  	_ = 	snop;
	(pc) =	sbr.rel @!p2 .LBB2_15-.Ltmp1, $1  }
0x33: {  	_ =	sdelay $0x3  }
.LBB2_1:
0x34: {  	s0 =	simm.s32 $0x0;
	s14 =	simm.s32 $0x200  }
.LBB2_2:
0x35: {  	p2 =	sne.s32 s14, $0xFE00;
	[tilespmem:s0+$0x2870] =	vst v0  }
0x36: {  	[tilespmem:s0+$0x2800] =	vst v0  }
0x37: {  	[tilespmem:s0+$0x2810] =	vst v0  }
.Ltmp2:
0x38: {  	[tilespmem:s0+$0x2820] =	vst v0;
	(pc) =	sbr.rel @p2 .LBB2_2-.Ltmp2, $4  }
0x39: {  	[tilespmem:s0+$0x2830] =	vst v0  }
0x3a: {  	[tilespmem:s0+$0x2840] =	vst v0  }
0x3b: {  	[tilespmem:s0+$0x2850] =	vst v0  }
0x3c: {  	[tilespmem:s0+$0x2860] =	vst v0;
	s0 =	sshra.s32 s14, $0x2;
	s14 =	sadd.s32 $0x200, s14  }
0x3d: {  	[tilespmem:s0+$0x2870] =	vst v0  }
0x3e: {  	[tilespmem:s0+$0x2800] =	vst v0  }
0x3f: {  	[tilespmem:s0+$0x2810] =	vst v0  }
0x40: {  	[tilespmem:s0+$0x2820] =	vst v0  }
0x41: {  	[tilespmem:s0+$0x2830] =	vst v0  }
0x42: {  	[tilespmem:s0+$0x2840] =	vst v0  }
0x43: {  	[tilespmem:s0+$0x2850] =	vst v0  }
0x44: {  	[tilespmem:s0+$0x2860] =	vst v0  }
0x45: {  	[spmem:s6] =	stream.linear.scatter [tilespmem:s21], [sflag:$0x3], $0x4000, $0x38;
	[tilespmem:$0x1E400] =	vst v63  }
0x46: {  	_ =	swait.ge [sflag:s22], $0x4000  }
0x47: {  	[sflag:s22] =	ssyncset.done $0x0  }
0x48: {  	[sflag:s22] =	ssyncadd.s32 $0xFFFFC000  }
0x49: {  	[spmem:s7] =	stream.linear.scatter [tilespmem:s21], [sflag:$0x3], $0x4000, $0x38;
	[tilespmem:$0x1E400] =	vst v63  }
0x4a: {  	_ =	swait.ge [sflag:s22], $0x4000  }
0x4b: {  	[sflag:s22] =	ssyncset.done $0x0  }
0x4c: {  	[sflag:s22] =	ssyncadd.s32 $0xFFFFC000  }
0x4d: {  	[spmem:s8] =	stream.linear.scatter [tilespmem:s21], [sflag:$0x3], $0x4000, $0x38;
	[tilespmem:$0x1E400] =	vst v63  }
0x4e: {  	_ =	swait.ge [sflag:s22], $0x4000  }
0x4f: {  	[sflag:s22] =	ssyncset.done $0x0  }
0x50: {  	[sflag:s22] =	ssyncadd.s32 $0xFFFFC000  }
0x51: {  	[spmem:s9] =	stream.linear.scatter [tilespmem:s21], [sflag:$0x3], $0x4000, $0x38;
	[tilespmem:$0x1E400] =	vst v63  }
0x52: {  	_ =	swait.ge [sflag:s22], $0x4000  }
0x53: {  	[sflag:s22] =	ssyncset.done $0x0  }
0x54: {  	[sflag:s22] =	ssyncadd.s32 $0xFFFFC000  }
0x55: {  	[spmem:s10] =	stream.linear.scatter [tilespmem:s21], [sflag:$0x3], $0x3C00, $0x38;
	[tilespmem:$0x1E400] =	vst v63  }
0x56: {  	_ =	swait.ge [sflag:s22], $0x3C00  }
0x57: {  	[sflag:s22] =	ssyncset.done $0x0  }
0x58: {  	[sflag:s22] =	ssyncadd.s32 $0xFFFFC400  }
0x59: {  	[bflag:$0x0] =	sbarrier.arrive $0xFFFF  }
0x5a: {  	[tilespmem:s4], [sflag:$0x3] =	stream.linear.gather [hbm4b:s11+s4], $0x1400, $0x38;
	[tilespmem:$0x1E400] =	vst v63  }
0x5b: {  	_ =	swait.ge [sflag:s22], $0x1400  }
0x5c: {  	[sflag:s22] =	ssyncset.done $0x0  }
.Ltmp3:
0x5d: {  	[sflag:s22] =	ssyncadd.s32 $0xFFFFEC00;
	(pc) =	sbr.rel @p0 .LBB2_9-.Ltmp3, $4  }
0x5e: {  	[tilespmem:s23], [sflag:$0x3] =	stream.linear.gather [hbm4b:s12+s4], $0x1400, $0x38;
	[tilespmem:$0x1E400] =	vst v63  }
0x5f: {  	s0 =	stileid.u32;
	_ =	swait.ge [sflag:s22], $0x1400  }
0x60: {  	s17 =	sshrl.u32 @p1 s16, $0x3;
	s14 =	sshll.u32 @!p1 s0, $0x6;
	[sflag:s22] =	ssyncset.done $0x0  }
0x61: {  	s0 =	sshrl.u32 @!p1 s6, $0x3;
	s14 =	sor.u32 @!p1 $0x1C03, s14;
	[sflag:s22] =	ssyncadd.s32 $0xFFFFEC00  }
0x62: {  	s18 =	simm.s32 $0x0  }
0x63: {  	[tilespmem:s21], [sflag:$0x1] =	stream.indirect.gather [hbm4b:s1+s24], $0x80, s18, s24, $0xb8;
	[tilespmem:$0x1E400] =	vst v63  }
0x64: {  	_ = 	snop  }
0x65: {  	[tilespmem:s25], [sflag:$0x2] =	stream.indirect.gather [hbm4b:s1+s24], $0x80, s24, s24, $0xb8;
	[tilespmem:$0x1E400] =	vst v63  }
0x66: {  	_ =	swait.ge [sflag:s26], $0x4000  }
0x67: {  	[sflag:s26] =	ssyncset.done $0x0  }
0x68: {  	s19 =	simm.s32 $0x1400;
	[sflag:s26] =	ssyncadd.s32 $0xFFFFC000  }
0x69: {  	[spmem:s3] =	stream.indirect.scatter.add.f32 [tilespmem:s21], [sflag:$0x3], $0x80, s19, s24, $0xb8;
	[tilespmem:$0x1E400] =	vst v63  }
0x6a: {  	_ =	swait.ge [sflag:s22], $0x4000  }
0x6b: {  	[sflag:s22] =	ssyncset.done $0x0  }
0x6c: {  	s2 =	simm.s32 $0x100;
	[sflag:s22] =	ssyncadd.s32 $0xFFFFC000  }
0x6d: {  	[tilespmem:s21], [sflag:$0x1] =	stream.indirect.gather [hbm4b:s1+s24], $0x80, s2, s24, $0xb8;
	[tilespmem:$0x1E400] =	vst v63  }
0x6e: {  	_ =	swait.ge [sflag:s28], $0x4000  }
0x6f: {  	[sflag:s28] =	ssyncset.done $0x0  }
0x70: {  	s19 =	simm.s32 $0x1480;
	[sflag:s28] =	ssyncadd.s32 $0xFFFFC000  }
0x71: {  	[spmem:s3] =	stream.indirect.scatter.add.f32 [tilespmem:s25], [sflag:$0x3], $0x80, s19, s24, $0xb8;
	[tilespmem:$0x1E400] =	vst v63  }
0x72: {  	_ =	swait.ge [sflag:s22], $0x4000  }
0x73: {  	[sflag:s22] =	ssyncset.done $0x0  }
0x74: {  	s18 =	simm.s32 $0x400;
	s19 =	simm.s32 $0x180;
	[sflag:s22] =	ssyncadd.s32 $0xFFFFC000  }
.LBB2_5:
0x75: {  	[tilespmem:s25], [sflag:$0x2] =	stream.indirect.gather [hbm4b:s1+s24], $0x80, s19, s24, $0xb8;
	[tilespmem:$0x1E400] =	vst v63  }
0x76: {  	s19 =	smov.u32 s18  }
0x77: {  	p2 =	sne.s32 s18, $0x4800;
	s18 =	sadd.s32 $0x400, s18;
	_ =	swait.ge [sflag:s26], $0x4000  }
0x78: {  	s19 =	sshra.s32 s19, $0x2;
	[sflag:s26] =	ssyncset.done $0x0  }
0x79: {  	s2 =	sadd.s32 $0x1400, s19;
	[sflag:s26] =	ssyncadd.s32 $0xFFFFC000  }
0x7a: {  	[spmem:s3] =	stream.indirect.scatter.add.f32 [tilespmem:s21], [sflag:$0x3], $0x80, s2, s24, $0xb8;
	[tilespmem:$0x1E400] =	vst v63  }
0x7b: {  	_ =	swait.ge [sflag:s22], $0x4000  }
0x7c: {  	[sflag:s22] =	ssyncset.done $0x0  }
0x7d: {  	s2 =	sadd.s32 $0x100, s19;
	[sflag:s22] =	ssyncadd.s32 $0xFFFFC000  }
0x7e: {  	[tilespmem:s21], [sflag:$0x1] =	stream.indirect.gather [hbm4b:s1+s24], $0x80, s2, s24, $0xb8;
	[tilespmem:$0x1E400] =	vst v63  }
0x7f: {  	_ =	swait.ge [sflag:s28], $0x4000  }
0x80: {  	[sflag:s28] =	ssyncset.done $0x0  }
.Ltmp4:
0x81: {  	s2 =	sadd.s32 $0x1480, s19;
	[sflag:s28] =	ssyncadd.s32 $0xFFFFC000;
	(pc) =	sbr.rel @p2 .LBB2_5-.Ltmp4, $4  }
0x82: {  	[spmem:s3] =	stream.indirect.scatter.add.f32 [tilespmem:s25], [sflag:$0x3], $0x80, s2, s24, $0xb8;
	[tilespmem:$0x1E400] =	vst v63  }
0x83: {  	_ =	swait.ge [sflag:s22], $0x4000  }
0x84: {  	[sflag:s22] =	ssyncset.done $0x0  }
0x85: {  	s19 =	sadd.s32 $0x180, s19;
	[sflag:s22] =	ssyncadd.s32 $0xFFFFC000  }
0x86: {  	[tilespmem:s25], [sflag:$0x2] =	stream.indirect.gather [hbm4b:s1+s24], $0x80, s19, s24, $0xb8;
	[tilespmem:$0x1E400] =	vst v63  }
0x87: {  	_ =	swait.ge [sflag:s26], $0x4000  }
0x88: {  	[sflag:s26] =	ssyncset.done $0x0  }
0x89: {  	[sflag:s26] =	ssyncadd.s32 $0xFFFFC000  }
0x8a: {  	[spmem:s3] =	stream.indirect.scatter.add.f32 [tilespmem:s21], [sflag:$0x3], $0x80, s29, s24, $0xb8;
	[tilespmem:$0x1E400] =	vst v63  }
0x8b: {  	_ =	swait.ge [sflag:s22], $0x4000  }
0x8c: {  	[sflag:s22] =	ssyncset.done $0x0  }
0x8d: {  	[sflag:s22] =	ssyncadd.s32 $0xFFFFC000  }
0x8e: {  	_ =	swait.ge [sflag:s28], $0x4000  }
0x8f: {  	[sflag:s28] =	ssyncset.done $0x0  }
0x90: {  	[sflag:s28] =	ssyncadd.s32 $0xFFFFC000  }
0x91: {  	[spmem:s3] =	stream.indirect.scatter.add.f32 [tilespmem:s25], [sflag:$0x3], $0x80, s30, s24, $0xb8;
	[tilespmem:$0x1E400] =	vst v63  }
0x92: {  	_ =	swait.ge [sflag:s22], $0x4000  }
0x93: {  	[sflag:s22] =	ssyncset.done $0x0  }
0x94: {  	s2 =	simm.s32 $0x0;
	[sflag:s22] =	ssyncadd.s32 $0xFFFFC000  }
0x95: {  	[tilespmem:s2], [sflag:$0x3] =	stream.linear.gather [hbm4b:s13+s2], $0x1400, $0x38;
	[tilespmem:$0x1E400] =	vst v63  }
0x96: {  	_ =	swait.ge [sflag:s22], $0x1400  }
0x97: {  	[sflag:s22] =	ssyncset.done $0x0  }
0x98: {  	[sflag:s22] =	ssyncadd.s32 $0xFFFFEC00  }
0x99: {  	[tilespmem:s23], [sflag:$0x3] =	stream.linear.gather [hbm4b:s15+s2], $0x1400, $0x38;
	[tilespmem:$0x1E400] =	vst v63  }
0x9a: {  	_ =	swait.ge [sflag:s22], $0x1400  }
0x9b: {  	[sflag:s22] =	ssyncset.done $0x0  }
0x9c: {  	[sflag:s22] =	ssyncadd.s32 $0xFFFFEC00  }
0x9d: {  	[tilespmem:s21], [sflag:$0x1] =	stream.indirect.gather [hbm4b:s1+s24], $0x80, s2, s24, $0xb8;
	[tilespmem:$0x1E400] =	vst v63  }
0x9e: {  	_ = 	snop  }
0x9f: {  	[tilespmem:s25], [sflag:$0x2] =	stream.indirect.gather [hbm4b:s1+s24], $0x80, s24, s24, $0xb8;
	[tilespmem:$0x1E400] =	vst v63  }
0xa0: {  	_ =	swait.ge [sflag:s26], $0x4000  }
0xa1: {  	[sflag:s26] =	ssyncset.done $0x0  }
0xa2: {  	s19 =	simm.s32 $0x1400;
	[sflag:s26] =	ssyncadd.s32 $0xFFFFC000  }
0xa3: {  	[spmem:s3] =	stream.indirect.scatter.add.f32 [tilespmem:s21], [sflag:$0x3], $0x80, s19, s24, $0xb8;
	[tilespmem:$0x1E400] =	vst v63  }
0xa4: {  	_ =	swait.ge [sflag:s22], $0x4000  }
0xa5: {  	[sflag:s22] =	ssyncset.done $0x0  }
0xa6: {  	s18 =	simm.s32 $0x100;
	[sflag:s22] =	ssyncadd.s32 $0xFFFFC000  }
0xa7: {  	[tilespmem:s21], [sflag:$0x1] =	stream.indirect.gather [hbm4b:s1+s24], $0x80, s18, s24, $0xb8;
	[tilespmem:$0x1E400] =	vst v63  }
0xa8: {  	_ =	swait.ge [sflag:s28], $0x4000  }
0xa9: {  	[sflag:s28] =	ssyncset.done $0x0  }
0xaa: {  	s19 =	simm.s32 $0x1480;
	[sflag:s28] =	ssyncadd.s32 $0xFFFFC000  }
0xab: {  	[spmem:s3] =	stream.indirect.scatter.add.f32 [tilespmem:s25], [sflag:$0x3], $0x80, s19, s24, $0xb8;
	[tilespmem:$0x1E400] =	vst v63  }
0xac: {  	_ =	swait.ge [sflag:s22], $0x4000  }
0xad: {  	[sflag:s22] =	ssyncset.done $0x0  }
0xae: {  	s18 =	simm.s32 $0x400;
	s19 =	simm.s32 $0x180;
	[sflag:s22] =	ssyncadd.s32 $0xFFFFC000  }
.LBB2_7:
0xaf: {  	[tilespmem:s25], [sflag:$0x2] =	stream.indirect.gather [hbm4b:s1+s24], $0x80, s19, s24, $0xb8;
	[tilespmem:$0x1E400] =	vst v63  }
0xb0: {  	s2 =	smov.u32 s18  }
0xb1: {  	p2 =	sne.s32 s18, $0x4800;
	s18 =	sadd.s32 $0x400, s18;
	_ =	swait.ge [sflag:s26], $0x4000  }
0xb2: {  	s2 =	sshra.s32 s2, $0x2;
	[sflag:s26] =	ssyncset.done $0x0  }
0xb3: {  	s19 =	sadd.s32 $0x1400, s2;
	[sflag:s26] =	ssyncadd.s32 $0xFFFFC000  }
0xb4: {  	[spmem:s3] =	stream.indirect.scatter.add.f32 [tilespmem:s21], [sflag:$0x3], $0x80, s19, s24, $0xb8;
	[tilespmem:$0x1E400] =	vst v63  }
0xb5: {  	_ =	swait.ge [sflag:s22], $0x4000  }
0xb6: {  	[sflag:s22] =	ssyncset.done $0x0  }
0xb7: {  	s19 =	sadd.s32 $0x100, s2;
	[sflag:s22] =	ssyncadd.s32 $0xFFFFC000  }
0xb8: {  	[tilespmem:s21], [sflag:$0x1] =	stream.indirect.gather [hbm4b:s1+s24], $0x80, s19, s24, $0xb8;
	[tilespmem:$0x1E400] =	vst v63  }
0xb9: {  	_ =	swait.ge [sflag:s28], $0x4000  }
0xba: {  	[sflag:s28] =	ssyncset.done $0x0  }
.Ltmp5:
0xbb: {  	s19 =	sadd.s32 $0x1480, s2;
	[sflag:s28] =	ssyncadd.s32 $0xFFFFC000;
	(pc) =	sbr.rel @p2 .LBB2_7-.Ltmp5, $4  }
0xbc: {  	[spmem:s3] =	stream.indirect.scatter.add.f32 [tilespmem:s25], [sflag:$0x3], $0x80, s19, s24, $0xb8;
	[tilespmem:$0x1E400] =	vst v63  }
0xbd: {  	_ =	swait.ge [sflag:s22], $0x4000  }
0xbe: {  	[sflag:s22] =	ssyncset.done $0x0  }
0xbf: {  	s19 =	sadd.s32 $0x180, s2;
	[sflag:s22] =	ssyncadd.s32 $0xFFFFC000  }
0xc0: {  	[tilespmem:s25], [sflag:$0x2] =	stream.indirect.gather [hbm4b:s1+s24], $0x80, s19, s24, $0xb8;
	[tilespmem:$0x1E400] =	vst v63  }
0xc1: {  	_ =	swait.ge [sflag:s26], $0x4000  }
0xc2: {  	[sflag:s26] =	ssyncset.done $0x0  }
0xc3: {  	[sflag:s26] =	ssyncadd.s32 $0xFFFFC000  }
0xc4: {  	[spmem:s3] =	stream.indirect.scatter.add.f32 [tilespmem:s21], [sflag:$0x3], $0x80, s29, s24, $0xb8;
	[tilespmem:$0x1E400] =	vst v63  }
0xc5: {  	_ =	swait.ge [sflag:s22], $0x4000  }
0xc6: {  	[sflag:s22] =	ssyncset.done $0x0  }
0xc7: {  	[sflag:s22] =	ssyncadd.s32 $0xFFFFC000  }
0xc8: {  	_ =	swait.ge [sflag:s28], $0x4000  }
0xc9: {  	[sflag:s28] =	ssyncset.done $0x0  }
0xca: {  	[sflag:s28] =	ssyncadd.s32 $0xFFFFC000  }
0xcb: {  	[spmem:s3] =	stream.indirect.scatter.add.f32 [tilespmem:s25], [sflag:$0x3], $0x80, s30, s24, $0xb8;
	[tilespmem:$0x1E400] =	vst v63  }
0xcc: {  	_ =	swait.ge [sflag:s22], $0x4000  }
0xcd: {  	[sflag:s22] =	ssyncset.done $0x0  }
0xce: {  	[sflag:s22] =	ssyncadd.s32 $0xFFFFC000  }
0xcf: {  	[bflag:$0x0] =	sbarrier.arrive $0xFFFF  }
0xd0: {  	s2 =	simm.s32 @p1 $0x1FC3;
	s18 =	rddreg [dreg:$0x7]  }
0xd1: {  	[hbm:s18], [sflag:s2] =	dma.local @p1 [spmem:s17], $0x2080  }
0xd2: {  	s2 =	simm.s32 @p1 $0x3  }
0xd3: {  	_ =	swait.ge @p1 [sflag:s2], $0x2080  }
0xd4: {  	[sflag:s2] =	ssyncset.done @p1 $0x0  }
0xd5: {  	[sflag:s2] =	ssyncadd.s32 @p1 $0xFFFFDF80;
	s2 =	rddreg [dreg:$0x6]  }
0xd6: {  	[hbm:s2], [sflag:s14] =	dma.local @!p1 [spmem:s0], $0x2780  }
.Ltmp6:
0xd7: {  	_ = 	snop;
	(pc) =	sbr.rel .LBB2_14-.Ltmp6, $4  }
0xd8: {  	s0 =	simm.s32 @!p1 $0x3  }
0xd9: {  	_ =	swait.ge @!p1 [sflag:s0], $0x2780  }
0xda: {  	[sflag:s0] =	ssyncset.done @!p1 $0x0  }
0xdb: {  	[sflag:s0] =	ssyncadd.s32 @!p1 $0xFFFFD880  }
.LBB2_9:
0xdc: {  	s2 =	simm.s32 $0x0  }
0xdd: {  	[tilespmem:s21], [sflag:$0x1] =	stream.indirect.gather [hbm4b:s5+s24], $0x80, s2, s24, $0xb8;
	[tilespmem:$0x1E400] =	vst v63  }
0xde: {  	_ = 	snop  }
0xdf: {  	[tilespmem:s25], [sflag:$0x2] =	stream.indirect.gather [hbm4b:s5+s24], $0x80, s24, s24, $0xb8;
	[tilespmem:$0x1E400] =	vst v63  }
0xe0: {  	_ =	swait.ge [sflag:s26], $0x4000  }
0xe1: {  	[sflag:s26] =	ssyncset.done $0x0  }
0xe2: {  	s19 =	simm.s32 $0x1400;
	[sflag:s26] =	ssyncadd.s32 $0xFFFFC000  }
0xe3: {  	[spmem:s3] =	stream.indirect.scatter.add.f32 [tilespmem:s21], [sflag:$0x3], $0x80, s19, s24, $0xb8;
	[tilespmem:$0x1E400] =	vst v63  }
0xe4: {  	_ =	swait.ge [sflag:s22], $0x4000  }
0xe5: {  	[sflag:s22] =	ssyncset.done $0x0  }
0xe6: {  	s18 =	simm.s32 $0x100;
	[sflag:s22] =	ssyncadd.s32 $0xFFFFC000  }
0xe7: {  	[tilespmem:s21], [sflag:$0x1] =	stream.indirect.gather [hbm4b:s5+s24], $0x80, s18, s24, $0xb8;
	[tilespmem:$0x1E400] =	vst v63  }
0xe8: {  	_ =	swait.ge [sflag:s28], $0x4000  }
0xe9: {  	[sflag:s28] =	ssyncset.done $0x0  }
0xea: {  	s19 =	simm.s32 $0x1480;
	[sflag:s28] =	ssyncadd.s32 $0xFFFFC000  }
0xeb: {  	[spmem:s3] =	stream.indirect.scatter.add.f32 [tilespmem:s25], [sflag:$0x3], $0x80, s19, s24, $0xb8;
	[tilespmem:$0x1E400] =	vst v63  }
0xec: {  	_ =	swait.ge [sflag:s22], $0x4000  }
0xed: {  	[sflag:s22] =	ssyncset.done $0x0  }
0xee: {  	s18 =	simm.s32 $0x400;
	s19 =	simm.s32 $0x180;
	[sflag:s22] =	ssyncadd.s32 $0xFFFFC000  }
.LBB2_10:
0xef: {  	[tilespmem:s25], [sflag:$0x2] =	stream.indirect.gather [hbm4b:s5+s24], $0x80, s19, s24, $0xb8;
	[tilespmem:$0x1E400] =	vst v63  }
0xf0: {  	s2 =	smov.u32 s18  }
0xf1: {  	p2 =	sne.s32 s18, $0x4800;
	s18 =	sadd.s32 $0x400, s18;
	_ =	swait.ge [sflag:s26], $0x4000  }
0xf2: {  	s2 =	sshra.s32 s2, $0x2;
	[sflag:s26] =	ssyncset.done $0x0  }
0xf3: {  	s19 =	sadd.s32 $0x1400, s2;
	[sflag:s26] =	ssyncadd.s32 $0xFFFFC000  }
0xf4: {  	[spmem:s3] =	stream.indirect.scatter.add.f32 [tilespmem:s21], [sflag:$0x3], $0x80, s19, s24, $0xb8;
	[tilespmem:$0x1E400] =	vst v63  }
0xf5: {  	_ =	swait.ge [sflag:s22], $0x4000  }
0xf6: {  	[sflag:s22] =	ssyncset.done $0x0  }
0xf7: {  	s19 =	sadd.s32 $0x100, s2;
	[sflag:s22] =	ssyncadd.s32 $0xFFFFC000  }
0xf8: {  	[tilespmem:s21], [sflag:$0x1] =	stream.indirect.gather [hbm4b:s5+s24], $0x80, s19, s24, $0xb8;
	[tilespmem:$0x1E400] =	vst v63  }
0xf9: {  	_ =	swait.ge [sflag:s28], $0x4000  }
0xfa: {  	[sflag:s28] =	ssyncset.done $0x0  }
.Ltmp7:
0xfb: {  	s19 =	sadd.s32 $0x1480, s2;
	[sflag:s28] =	ssyncadd.s32 $0xFFFFC000;
	(pc) =	sbr.rel @p2 .LBB2_10-.Ltmp7, $4  }
0xfc: {  	[spmem:s3] =	stream.indirect.scatter.add.f32 [tilespmem:s25], [sflag:$0x3], $0x80, s19, s24, $0xb8;
	[tilespmem:$0x1E400] =	vst v63  }
0xfd: {  	_ =	swait.ge [sflag:s22], $0x4000  }
0xfe: {  	[sflag:s22] =	ssyncset.done $0x0  }
0xff: {  	s19 =	sadd.s32 $0x180, s2;
	[sflag:s22] =	ssyncadd.s32 $0xFFFFC000  }
0x100: {  	[tilespmem:s25], [sflag:$0x2] =	stream.indirect.gather [hbm4b:s5+s24], $0x80, s19, s24, $0xb8;
	[tilespmem:$0x1E400] =	vst v63  }
0x101: {  	_ =	swait.ge [sflag:s26], $0x4000  }
0x102: {  	[sflag:s26] =	ssyncset.done $0x0  }
0x103: {  	[sflag:s26] =	ssyncadd.s32 $0xFFFFC000  }
0x104: {  	[spmem:s3] =	stream.indirect.scatter.add.f32 [tilespmem:s21], [sflag:$0x3], $0x80, s29, s24, $0xb8;
	[tilespmem:$0x1E400] =	vst v63  }
0x105: {  	_ =	swait.ge [sflag:s22], $0x4000  }
0x106: {  	[sflag:s22] =	ssyncset.done $0x0  }
0x107: {  	[sflag:s22] =	ssyncadd.s32 $0xFFFFC000  }
0x108: {  	_ =	swait.ge [sflag:s28], $0x4000  }
0x109: {  	[sflag:s28] =	ssyncset.done $0x0  }
0x10a: {  	[sflag:s28] =	ssyncadd.s32 $0xFFFFC000  }
0x10b: {  	[spmem:s3] =	stream.indirect.scatter.add.f32 [tilespmem:s25], [sflag:$0x3], $0x80, s30, s24, $0xb8;
	[tilespmem:$0x1E400] =	vst v63  }
0x10c: {  	_ =	swait.ge [sflag:s22], $0x4000  }
0x10d: {  	[sflag:s22] =	ssyncset.done $0x0  }
0x10e: {  	s2 =	simm.s32 $0x0;
	[sflag:s22] =	ssyncadd.s32 $0xFFFFC000  }
0x10f: {  	[tilespmem:s2], [sflag:$0x3] =	stream.linear.gather [hbm4b:s13+s2], $0x1400, $0x38;
	[tilespmem:$0x1E400] =	vst v63  }
0x110: {  	_ =	swait.ge [sflag:s22], $0x1400  }
0x111: {  	[sflag:s22] =	ssyncset.done $0x0  }
0x112: {  	[sflag:s22] =	ssyncadd.s32 $0xFFFFEC00  }
0x113: {  	[tilespmem:s23], [sflag:$0x3] =	stream.linear.gather [hbm4b:s15+s2], $0x1400, $0x38;
	[tilespmem:$0x1E400] =	vst v63  }
0x114: {  	_ =	swait.ge [sflag:s22], $0x1400  }
0x115: {  	[sflag:s22] =	ssyncset.done $0x0  }
0x116: {  	[sflag:s22] =	ssyncadd.s32 $0xFFFFEC00  }
0x117: {  	[tilespmem:s21], [sflag:$0x1] =	stream.indirect.gather [hbm4b:s5+s24], $0x80, s2, s24, $0xb8;
	[tilespmem:$0x1E400] =	vst v63  }
0x118: {  	_ = 	snop  }
0x119: {  	[tilespmem:s25], [sflag:$0x2] =	stream.indirect.gather [hbm4b:s5+s24], $0x80, s24, s24, $0xb8;
	[tilespmem:$0x1E400] =	vst v63  }
0x11a: {  	_ =	swait.ge [sflag:s26], $0x4000  }
0x11b: {  	[sflag:s26] =	ssyncset.done $0x0  }
0x11c: {  	s19 =	simm.s32 $0x1400;
	[sflag:s26] =	ssyncadd.s32 $0xFFFFC000  }
0x11d: {  	[spmem:s3] =	stream.indirect.scatter.add.f32 [tilespmem:s21], [sflag:$0x3], $0x80, s19, s24, $0xb8;
	[tilespmem:$0x1E400] =	vst v63  }
0x11e: {  	_ =	swait.ge [sflag:s22], $0x4000  }
0x11f: {  	[sflag:s22] =	ssyncset.done $0x0  }
0x120: {  	s18 =	simm.s32 $0x100;
	[sflag:s22] =	ssyncadd.s32 $0xFFFFC000  }
0x121: {  	[tilespmem:s21], [sflag:$0x1] =	stream.indirect.gather [hbm4b:s5+s24], $0x80, s18, s24, $0xb8;
	[tilespmem:$0x1E400] =	vst v63  }
0x122: {  	_ =	swait.ge [sflag:s28], $0x4000  }
0x123: {  	[sflag:s28] =	ssyncset.done $0x0  }
0x124: {  	s19 =	simm.s32 $0x1480;
	[sflag:s28] =	ssyncadd.s32 $0xFFFFC000  }
0x125: {  	[spmem:s3] =	stream.indirect.scatter.add.f32 [tilespmem:s25], [sflag:$0x3], $0x80, s19, s24, $0xb8;
	[tilespmem:$0x1E400] =	vst v63  }
0x126: {  	_ =	swait.ge [sflag:s22], $0x4000  }
0x127: {  	[sflag:s22] =	ssyncset.done $0x0  }
0x128: {  	s18 =	simm.s32 $0x400;
	s19 =	simm.s32 $0x180;
	[sflag:s22] =	ssyncadd.s32 $0xFFFFC000  }
.LBB2_12:
0x129: {  	[tilespmem:s25], [sflag:$0x2] =	stream.indirect.gather [hbm4b:s5+s24], $0x80, s19, s24, $0xb8;
	[tilespmem:$0x1E400] =	vst v63  }
0x12a: {  	s2 =	smov.u32 s18  }
0x12b: {  	p2 =	sne.s32 s18, $0x4800;
	s18 =	sadd.s32 $0x400, s18;
	_ =	swait.ge [sflag:s26], $0x4000  }
0x12c: {  	s2 =	sshra.s32 s2, $0x2;
	[sflag:s26] =	ssyncset.done $0x0  }
0x12d: {  	s19 =	sadd.s32 $0x1400, s2;
	[sflag:s26] =	ssyncadd.s32 $0xFFFFC000  }
0x12e: {  	[spmem:s3] =	stream.indirect.scatter.add.f32 [tilespmem:s21], [sflag:$0x3], $0x80, s19, s24, $0xb8;
	[tilespmem:$0x1E400] =	vst v63  }
0x12f: {  	_ =	swait.ge [sflag:s22], $0x4000  }
0x130: {  	[sflag:s22] =	ssyncset.done $0x0  }
0x131: {  	s19 =	sadd.s32 $0x100, s2;
	[sflag:s22] =	ssyncadd.s32 $0xFFFFC000  }
0x132: {  	[tilespmem:s21], [sflag:$0x1] =	stream.indirect.gather [hbm4b:s5+s24], $0x80, s19, s24, $0xb8;
	[tilespmem:$0x1E400] =	vst v63  }
0x133: {  	_ =	swait.ge [sflag:s28], $0x4000  }
0x134: {  	[sflag:s28] =	ssyncset.done $0x0  }
.Ltmp8:
0x135: {  	s19 =	sadd.s32 $0x1480, s2;
	[sflag:s28] =	ssyncadd.s32 $0xFFFFC000;
	(pc) =	sbr.rel @p2 .LBB2_12-.Ltmp8, $4  }
0x136: {  	[spmem:s3] =	stream.indirect.scatter.add.f32 [tilespmem:s25], [sflag:$0x3], $0x80, s19, s24, $0xb8;
	[tilespmem:$0x1E400] =	vst v63  }
0x137: {  	_ =	swait.ge [sflag:s22], $0x4000  }
0x138: {  	[sflag:s22] =	ssyncset.done $0x0  }
0x139: {  	s19 =	sadd.s32 $0x180, s2;
	[sflag:s22] =	ssyncadd.s32 $0xFFFFC000  }
.Ltmp9:
0x13a: {  	_ = 	snop;
	(pc) =	sbr.rel .LBB2_13-.Ltmp9, $1  }
0x13b: {  	_ =	sdelay $0x3  }
.LBB2_15:
0x13c: {  	_ =	sfence.sel $0x180000  }
0x13d: {  	[bflag:$0x0] =	sbarrier.arrive $0xFFFF  }
0x13e: {  	_ =	strace $0x9000004D  }
0x13f: {  	s0 =	stileid.u32;
	[bflag:$0x2] =	sbarrier.arrive $0xFFFF  }
0x140: {  	p0 =	sne.s32 s0, $0x0;
	s0 =	rddreg [dreg:$0x3]  }
0x141: {  	s0 =	sadd.s32 @!p0 $0x100000, s0  }
0x142: {  	[sflag:s0] =	ssyncadd.tile.s32 @!p0 $0x1;
	_ =	shalt  }
.Lfunc_end2:
_tile_overlayer_lowered:
.L_overlay_start_2:
0x143: {  	(tag) =	ssettag $0x2  }
0x144: {  	s0 =	rddreg [dreg:$0x0];
	s2 =	stileid.u32  }
0x145: {  	s1 =	rddreg [dreg:$0x1];
	p0 =	sne.s32 s2, $0x0  }
0x146: {  	s3 =	rddreg [dreg:$0x2];
	[bflag:$0x3] =	sbarrier.arrive $0xFFFF;
	s2 =	simm.s32 @!p0 $0x1C03  }
0x147: {  	[timem:s3], [sflag:s2] =	dma.local @!p0 [hbm:s0], s1  }
0x148: {  	s0 =	simm.s32 @!p0 $0x3  }
0x149: {  	_ =	swait.ge @!p0 [sflag:s0], s1  }
0x14a: {  	s1 =	ssub.s32 @!p0 $0x0, s1;
	[sflag:s0] =	ssyncset.done @!p0 $0x0  }
0x14b: {  	[sflag:s0] =	ssyncadd.s32 @!p0 s1  }
0x14c: {  	[bflag:$0x3] =	sbarrier.arrive $0xFFFF  }
0x14d: {  	_ =	shalt  }

// kernel: kernel.8.cloned.1.call-start
scs
__scs_entry_jumppad:
0x0: {  	(pc) =	sbr.rel $0x88, $3  }
0x1: {  	(tag) =	ssettag $0x0;
	lr =	simm.s32 $0x1  }
0x2: {  	[smem:$0x3F9B] =	sst lr;
	_ =	strace $0xD0000000  }
0x3: {  	_ = 	snop  }
0x4: {  	_ = 	snop  }
0x5: {  	_ = 	snop  }
0x6: {  	_ = 	snop  }
0x7: {  	_ = 	snop  }
__scs_overlays_trampoline_lowered:
0x8: {  	[smem:$0x3FAA] =	sst s0  }
0x9: {  	[smem:$0x3FAB] =	sst s1  }
0xa: {  	[smem:$0x3FAC] =	sst s2  }
0xb: {  	[smem:$0x3FAD] =	sst s3  }
0xc: {  	[smem:$0x3FAE] =	sst s4  }
0xd: {  	[smem:$0x3FAF] =	sst s5  }
0xe: {  	[smem:$0x3FB0] =	sst s6  }
0xf: {  	[smem:$0x3FB1] =	sst s7  }
0x10: {  	[smem:$0x3FB2] =	sst s8  }
0x11: {  	[smem:$0x3FB3] =	sst s9;
	s0 =	simm.s32 @!p0 $0x0  }
0x12: {  	s1 =	sld [smem:$0x3F99];
	s0 =	simm.s32 @p0 $0x1  }
0x13: {  	[smem:$0x3FB4] =	sst s0;
	s0 =	simm.s32 @!p1 $0x0  }
0x14: {  	s2 =	sld [smem:$0x3F98];
	s0 =	simm.s32 @p1 $0x1  }
0x15: {  	[smem:$0x3FB5] =	sst s0;
	s0 =	simm.s32 @!p2 $0x0  }
0x16: {  	s3 =	sld [smem:$0x3FDB];
	s0 =	simm.s32 @p2 $0x1  }
0x17: {  	s4 =	simm.s32 $0x1BF5;
	[smem:$0x3FB7] =	sst s0  }
0x18: {  	s0 =	sld [smem:$0x3F9A];
	_ =	swait.ge [sflag:s4], $0x0  }
0x19: {  	s7 =	sld [smem:$0x3F9B]  }
0x1a: {  	s8 =	sadd.s32 $0xFFFFE003, lr  }
0x1b: {  	s9 =	sadd.s32 $0xFFFFFEF7, lr;
	s5 =	simm.s32 $0xFFFFFFFF;
	p2 =	slt.u32 s8, $0xFFFFF086  }
0x1c: {  	p1 =	slt.u32 s9, $0xF7A;
	s5 =	simm.s32 @!p2 $0x0  }
0x1d: {  	s5 =	simm.s32 @p1 $0x1;
	p0 =	seq.s32 s7, s2  }
0x1e: {  	s7 =	smul.u32 @!p0 $0xF7A, s2;
	p2 =	seq.s32 @!p0 s5, $0x0  }
0x1f: {  	s9 =	smul.u32 $0xF7A, s1;
	s8 =	simm.s32 @!p0 $0x1BF5;
	p2 =	por !p2, p0  }
0x20: {  	[sflag:s8] =	ssyncset.s32 @!p0 $0xFFFFF086;
	s6 =	sadd.s32 @!p0 s3, s7;
	s7 =	simm.s32 @!p0 $0x108  }
0x21: {  	s3 =	sadd.s32 s3, s9;
	s6 =	sadd.s32 @!p0 $0x88, s6;
	s7 =	simm.s32 @p2 $0x1082  }
0x22: {  	[simem:s7], [sflag:s8] =	dma.local @!p0 [hbm:s6], $0xF7A  }
0x23: {  	s9 =	sor.u32 $0xD0000000, s2;
	s6 =	simm.s32 $0x108;
	_ =	swait.ge @!p0 [sflag:s8], $0x0  }
0x24: {  	s3 =	sadd.s32 $0x88, s3;
	s6 =	simm.s32 @!p1 $0x1082;
	[sflag:s4] =	ssyncset.s32 $0xFFFFF086  }
0x25: {  	[simem:s6], [sflag:s4] =	dma.local [hbm:s3], $0xF7A  }
0x26: {  	[smem:$0x3F9B] =	sst s1;
	(tag) =	ssettag s2;
	_ =	strace s9  }
0x27: {  	s1 =	sld [smem:$0x3FAB]  }
0x28: {  	s2 =	sld [smem:$0x3FAC]  }
0x29: {  	s4 =	sld [smem:$0x3FAE]  }
0x2a: {  	p0 =	seq.s32 s5, $0x0;
	s5 =	sld [smem:$0x3FAF]  }
0x2b: {  	s6 =	sld [smem:$0x3FB0]  }
0x2c: {  	s7 =	sld [smem:$0x3FB1]  }
0x2d: {  	s3 =	simm.s32 $0x108;
	s8 =	sld [smem:$0x3FB2]  }
0x2e: {  	s3 =	simm.s32 @!p0 $0x1082;
	s9 =	sld [smem:$0x3FB3]  }
0x2f: {  	lr =	sadd.s32 s0, s3;
	s0 =	sld [smem:$0x3FAA]  }
0x30: {  	s3 =	sld [smem:$0x3FAD]  }
0x31: {  	[smem:$0x3FB6] =	sst s10  }
0x32: {  	s10 =	sld [smem:$0x3FB4];
	_ =	sdelay $0x3  }
0x33: {  	p0 =	seq.s32 s10, $0x1;
	s10 =	sld [smem:$0x3FB6];
	_ =	sdelay $0x3  }
0x34: {  	[smem:$0x3FB6] =	sst s10  }
0x35: {  	s10 =	sld [smem:$0x3FB5];
	_ =	sdelay $0x3  }
0x36: {  	p1 =	seq.s32 s10, $0x1;
	s10 =	sld [smem:$0x3FB6];
	_ =	sdelay $0x3  }
0x37: {  	[smem:$0x3FB6] =	sst s10  }
0x38: {  	s10 =	sld [smem:$0x3FB7]  }
0x39: {  	_ = 	snop;
	(pc) =	sbr.ind lr, $3  }
0x3a: {  	_ = 	snop  }
0x3b: {  	_ = 	snop  }
0x3c: {  	p2 =	seq.s32 s10, $0x1;
	s10 =	sld [smem:$0x3FB6]  }
0x3d: {  	_ =	shalt  }
0x3e: {  	_ =	shalt  }
0x3f: {  	_ =	shalt  }
0x40: {  	_ =	shalt  }
0x41: {  	_ =	shalt  }
0x42: {  	_ =	shalt  }
0x43: {  	_ =	shalt  }
0x44: {  	_ =	shalt  }
0x45: {  	_ =	shalt  }
0x46: {  	_ =	shalt  }
0x47: {  	_ =	shalt  }
0x48: {  	_ =	shalt  }
0x49: {  	_ =	shalt  }
0x4a: {  	_ =	shalt  }
0x4b: {  	_ =	shalt  }
0x4c: {  	_ =	shalt  }
0x4d: {  	_ =	shalt  }
0x4e: {  	_ =	shalt  }
0x4f: {  	_ =	shalt  }
0x50: {  	_ =	shalt  }
0x51: {  	_ =	shalt  }
0x52: {  	_ =	shalt  }
0x53: {  	_ =	shalt  }
0x54: {  	_ =	shalt  }
0x55: {  	_ =	shalt  }
0x56: {  	_ =	shalt  }
0x57: {  	_ =	shalt  }
0x58: {  	_ =	shalt  }
0x59: {  	_ =	shalt  }
0x5a: {  	_ =	shalt  }
0x5b: {  	_ =	shalt  }
0x5c: {  	_ =	shalt  }
0x5d: {  	_ =	shalt  }
0x5e: {  	_ =	shalt  }
0x5f: {  	_ =	shalt  }
0x60: {  	_ =	shalt  }
0x61: {  	_ =	shalt  }
0x62: {  	_ =	shalt  }
0x63: {  	_ =	shalt  }
0x64: {  	_ =	shalt  }
0x65: {  	_ =	shalt  }
0x66: {  	_ =	shalt  }
0x67: {  	_ =	shalt  }
0x68: {  	_ =	shalt  }
0x69: {  	_ =	shalt  }
0x6a: {  	_ =	shalt  }
0x6b: {  	_ =	shalt  }
0x6c: {  	_ =	shalt  }
0x6d: {  	_ =	shalt  }
0x6e: {  	_ =	shalt  }
0x6f: {  	_ =	shalt  }
0x70: {  	_ =	shalt  }
0x71: {  	_ =	shalt  }
0x72: {  	_ =	shalt  }
0x73: {  	_ =	shalt  }
0x74: {  	_ =	shalt  }
0x75: {  	_ =	shalt  }
0x76: {  	_ =	shalt  }
0x77: {  	_ =	shalt  }
0x78: {  	_ =	shalt  }
0x79: {  	_ =	shalt  }
0x7a: {  	_ =	shalt  }
0x7b: {  	_ =	shalt  }
0x7c: {  	_ =	shalt  }
0x7d: {  	_ =	shalt  }
0x7e: {  	_ =	shalt  }
0x7f: {  	_ =	shalt  }
0x80: {  	_ =	shalt  }
0x81: {  	_ =	shalt  }
0x82: {  	_ =	shalt  }
0x83: {  	_ =	shalt  }
0x84: {  	_ =	shalt  }
0x85: {  	_ =	shalt  }
0x86: {  	_ =	shalt  }
0x87: {  	_ =	shalt  }
.Lfunc_end0:
.L_simem_size_0:
called_computation_lowered:
.L_overlay_start_0:
0x88: {  	s2 =	sld [smem:$0x3FD9]  }
0x89: {  	s3 =	sld [smem:$0x3FFE];
	_ =	sdelay $0x1  }
0x8a: {  	s1 =	srdreg.scid  }
0x8b: {  	s0 =	sand.u32 $0x1, s1  }
0x8c: {  	s17 =	sshll.u32 s0, $0xA;
	s2 =	sadd.s32 s3, s2  }
0x8d: {  	s2 =	sadd.s32 s2, s17  }
0x8e: {  	[smem:$0x3FC2] =	sst s2  }
0x8f: {  	_ = 	snop  }
0x90: {  	s2 =	sld [smem:$0x3FD0];
	(tm) =	ssettm $0x1  }
0x91: {  	s18 =	sld [smem:$0x3FFB];
	_ =	sdelay $0x3  }
0x92: {  	_ =	strace s18  }
0x93: {  	s3 =	sld [smem:$0x3FFC];
	_ =	sdelay $0x3  }
0x94: {  	_ =	strace s3  }
0x95: {  	s3 =	sld [smem:$0x3FFD];
	_ =	sdelay $0x3  }
0x96: {  	_ =	strace s3  }
0x97: {  	_ =	strace $0x8FFFFFFF  }
0x98: {  	s19 =	sld [smem:$0x3FDB];
	_ =	sdelay $0x1  }
0x99: {  	s4 =	simm.s32 $_scs_section_size  }
0x9a: {  	s5 =	simm.s32 $_size__tile_overlayer_lowered;
	s6 =	simm.s32 $_tile_overlayer_lowered  }
0x9b: {  	s22 =	simm.s32 $0x1BFF;
	s21 =	sshll.u32 s6, $0x1;
	s3 =	sadd.s32 s4, s19  }
0x9c: {  	s7 =	simm.s32 $0x0;
	s20 =	sshll.u32 s5, $0x1;
	s5 =	sadd.s32 s21, s3  }
0x9d: {  	[timem:s7], [sflag:s22] =	dma.local [hbm:s5], s20  }
0x9e: {  	_ =	swait.ge [sflag:s22], s20  }
0x9f: {  	s4 =	ssub.s32 $0x0, s20;
	[sflag:s22] =	ssyncset.done $0x0  }
0xa0: {  	[sflag:s22] =	ssyncadd.s32 s4;
	_ =	sdelay $0x1  }
0xa1: {  	s23 =	simm.s32 $0x1B8B  }
0xa2: {  	_ =	swait.ge [sflag:s23], $0x1  }
0xa3: {  	[sflag:s23] =	ssyncset.done $0x0  }
0xa4: {  	s25 =	simm.s32 $0x1B8E;
	s24 =	sld [smem:$0x3FFE];
	[sflag:s23] =	ssyncadd.s32 $0xFFFFFFFF  }
0xa5: {  	s26 =	simm.s32 $execute0_lowered;
	[smem:$0x3FD2] =	sst s25  }
0xa6: {  	s5 =	sshll.u32 s26, $0x1;
	_ =	strace $0x80000046;
	[dreg:$0x1] =	wrdreg $0xFFFFFFFF  }
0xa7: {  	s28 =	simm.s32 $_size_execute0_lowered;
	s3 =	sadd.s32 s3, s5;
	[dreg:$0x0] =	wrdreg $0x0  }
0xa8: {  	s5 =	sshll.u32 s28, $0x1;
	[dreg:$0x2] =	wrdreg s3  }
0xa9: {  	[dreg:$0x3] =	wrdreg s5  }
0xaa: {  	[dreg:$0x4] =	wrdreg $0xC0  }
0xab: {  	_ =	task [dreg:s7], $0x5FFFF  }
0xac: {  	[dreg:$0x1] =	wrdreg $0xFFFFFFFF  }
0xad: {  	[dreg:$0x0] =	wrdreg $0x60  }
0xae: {  	[dreg:$0x2] =	wrdreg s2  }
0xaf: {  	[dreg:$0x3] =	wrdreg s24  }
0xb0: {  	[dreg:$0x4] =	wrdreg $0x40800  }
0xb1: {  	[dreg:$0x5] =	wrdreg $0x9  }
0xb2: {  	_ =	task.clear_ibuf [dreg:s7], $0x6FFFF;
	_ =	strace $0x90000046  }
0xb3: {  	s29 =	simm.s32 $0x9;
	_ =	strace $0x80000048  }
0xb4: {  	_ =	swait.ge [sflag:s29], $0x1  }
0xb5: {  	[sflag:s29] =	ssyncadd.s32 $0xFFFFFFFF  }
0xb6: {  	_ =	strace $0x90000048  }
0xb7: {  	_ =	sfence  }
0xb8: {  	s30 =	sld [smem:$0x0];
	_ =	sdelay $0x2  }
0xb9: {  	s31 =	sshll.u32 s1, $0xD;
	s1 =	sshrl.u32 s1, $0x2  }
0xba: {  	s3 =	sand.u32 $0x4000, s31;
	s1 =	sadd.s32 s1, s30  }
0xbb: {  	s0 =	sor.u32 s3, s0;
	s1 =	sshll.u32 s1, $0x11  }
0xbc: {  	s0 =	sor.u32 s1, s0  }
0xbd: {  	s0 =	sadd.s32 $0x8F2B, s0  }
0xbe: {  	[sflag:s0] =	ssyncadd.remote.s32 $0x1  }
0xbf: {  	_ =	sfence.sel $0xFFFF  }
0xc0: {  	[dreg:$0x0] =	wrdreg $0xFFFFFFFF;
	(pc) =	sbr.abs _section_cstart, $3  }
0xc1: {  	[dreg:$0x1] =	wrdreg $0xFFFFFFFF  }
0xc2: {  	_ =	task.clear_ibuf [dreg:s7], $0x2FFFF;
	_ =	strace $0x9FFFFFFF  }
0xc3: {  	(tm) =	ssettm $0x7FFFFFFF  }
tec
execute0_lowered:
.L_overlay_start_1:
0x0: {  	(tag) =	ssettag $0x1  }
0x1: {  	s15 =	rddreg [dreg:$0x0]  }
0x2: {  	s13 =	rddreg [dreg:$0x1]  }
0x3: {  	s2 =	rddreg [dreg:$0x2]  }
0x4: {  	s0 =	rddreg [dreg:$0x3]  }
0x5: {  	s1 =	stileid.u32;
	s4 =	srdreg.scid  }
0x6: {  	s3 =	simm.s32 $0x0;
	s20 =	simm.s32 $0x0;
	s31 =	smul.u32 $0x4F000, s1  }
0x7: {  	s14 =	sand.u32 $0x1, s4;
	[smem:$0x7FF] =	sst s3;
	s5 =	smul.u32 $0x2780, s1  }
0x8: {  	s10 =	sadd.s32 $0x128400, s2;
	s11 =	sadd.s32 $0x2E280, s13;
	s17 =	smul.u32 $0x500, s1  }
0x9: {  	s6 =	ssub.s32 $0x2, s14;
	_ =	strace $0x80000047;
	p3 =	seq.s32 s14, $0x1  }
0xa: {  	s18 =	smul.u32 $0x280, s14;
	s7 =	sshrl.u32 s6, $0x1;
	s4 =	sshrl.u32 s31, $0x2  }
0xb: {  	s12 =	sadd.s32 s5, s13;
	s13 =	sadd.s32 $0x55480, s13;
	s15 =	sadd.s32 s17, s15  }
0xc: {  	p1 =	seq.s32 @p3 s1, $0xF;
	s17 =	simm.s32 $0x1;
	p4 =	seq.s32 @!p3 s1, $0xF  }
0xd: {  	s16 =	ssub.s32 s6, s7;
	s4 =	sadd.s32 s4, s2;
	s9 =	sadd.s32 $0x9200, s12  }
0xe: {  	s12 =	sadd.s32 $0x30400, s12;
	s15 =	sadd.s32 s18, s15;
	p0 =	por p1, !p3  }
0xf: {  	p1 =	por !p1, !p3;
	p2 =	por !p4, p3;
	p3 =	por p4, p3  }
0x10: {  	s5 =	sadd.s32 $0x4000, s4;
	s6 =	sadd.s32 $0x8000, s4;
	s7 =	sadd.s32 $0xC000, s4  }
0x11: {  	v0 =	vimm.f32 $0.0e+00;
	vm0 =	vcmask $0x300;
	s8 =	sadd.s32 $0x10000, s4;
	s14 =	smax.u32 s16, $0x1;
	s19 =	sshll.u32 @!p0 s1, $0x6  }
0x12: {  	v1 =	vsel vm0, $0x3F800000, v0;
	s16 =	simm.s32 $0x80;
	s18 =	sshrl.u32 @!p1 s10, $0x3;
	s19 =	sor.u32 @!p0 $0x1C01, s19  }
.LBB2_1:
0x13: {  	s21 =	simm.s32 $0x0;
	s22 =	simm.s32 $0x200  }
.LBB2_2:
0x14: {  	p4 =	sne.s32 s22, $0xFE00;
	[tilespmem:s21+$0xF0] =	vst v0  }
0x15: {  	[tilespmem:s21+$0x80] =	vst v0  }
0x16: {  	[tilespmem:s21+$0x90] =	vst v0  }
.Ltmp0:
0x17: {  	[tilespmem:s21+$0xA0] =	vst v0;
	(pc) =	sbr.rel @p4 .LBB2_2-.Ltmp0, $4  }
0x18: {  	[tilespmem:s21+$0xB0] =	vst v0  }
0x19: {  	[tilespmem:s21+$0xC0] =	vst v0  }
0x1a: {  	[tilespmem:s21+$0xD0] =	vst v0  }
0x1b: {  	[tilespmem:s21+$0xE0] =	vst v0;
	s21 =	sshra.s32 s22, $0x2;
	s22 =	sadd.s32 $0x200, s22  }
0x1c: {  	[tilespmem:s21+$0xF0] =	vst v0  }
0x1d: {  	[tilespmem:s21+$0x80] =	vst v0  }
0x1e: {  	[tilespmem:s21+$0x90] =	vst v0  }
0x1f: {  	[tilespmem:s21+$0xA0] =	vst v0  }
0x20: {  	[tilespmem:s21+$0xB0] =	vst v0  }
0x21: {  	[tilespmem:s21+$0xC0] =	vst v0  }
0x22: {  	[tilespmem:s21+$0xD0] =	vst v0  }
0x23: {  	[tilespmem:s21+$0xE0] =	vst v0  }
0x24: {  	[spmem:s4] =	stream.linear.scatter [tilespmem:s16], [sflag:$0x1], $0x4000, $0x38;
	[tilespmem:$0x17C80] =	vst v63  }
0x25: {  	_ =	swait.ge [sflag:s17], $0x4000  }
0x26: {  	[sflag:s17] =	ssyncset.done $0x0  }
0x27: {  	[sflag:s17] =	ssyncadd.s32 $0xFFFFC000  }
0x28: {  	[spmem:s5] =	stream.linear.scatter [tilespmem:s16], [sflag:$0x1], $0x4000, $0x38;
	[tilespmem:$0x17C80] =	vst v63  }
0x29: {  	_ =	swait.ge [sflag:s17], $0x4000  }
0x2a: {  	[sflag:s17] =	ssyncset.done $0x0  }
0x2b: {  	[sflag:s17] =	ssyncadd.s32 $0xFFFFC000  }
0x2c: {  	[spmem:s6] =	stream.linear.scatter [tilespmem:s16], [sflag:$0x1], $0x4000, $0x38;
	[tilespmem:$0x17C80] =	vst v63  }
0x2d: {  	_ =	swait.ge [sflag:s17], $0x4000  }
0x2e: {  	[sflag:s17] =	ssyncset.done $0x0  }
0x2f: {  	[sflag:s17] =	ssyncadd.s32 $0xFFFFC000  }
0x30: {  	[spmem:s7] =	stream.linear.scatter [tilespmem:s16], [sflag:$0x1], $0x4000, $0x38;
	[tilespmem:$0x17C80] =	vst v63  }
0x31: {  	_ =	swait.ge [sflag:s17], $0x4000  }
0x32: {  	[sflag:s17] =	ssyncset.done $0x0  }
0x33: {  	[sflag:s17] =	ssyncadd.s32 $0xFFFFC000  }
0x34: {  	[spmem:s8] =	stream.linear.scatter [tilespmem:s16], [sflag:$0x1], $0x3C00, $0x38;
	[tilespmem:$0x17C80] =	vst v63  }
0x35: {  	_ =	swait.ge [sflag:s17], $0x3C00  }
0x36: {  	[sflag:s17] =	ssyncset.done $0x0  }
0x37: {  	[sflag:s17] =	ssyncadd.s32 $0xFFFFC400  }
0x38: {  	s21 =	simm.s32 $0x200;
	s22 =	simm.s32 $0x0;
	[bflag:$0x0] =	sbarrier.arrive $0xFFFF  }
.LBB2_4:
0x39: {  	p4 =	sne.s32 s21, $0xFE00;
	[tilespmem:s22+$0x80] =	vst v1;
	s22 =	smov.u32 s21;
	s21 =	sadd.s32 $0x200, s21  }
.Ltmp1:
0x3a: {  	(pc) =	sbr.rel @p4 .LBB2_4-.Ltmp1, $2  }
0x3b: {  	_ =	sdelay $0x2  }
0x3c: {  	s22 =	sshra.s32 s22, $0x2  }
0x3d: {  	[tilespmem:s22+$0x80] =	vst v1;
	s21 =	sadd.s32 $0x0, s15  }
0x3e: {  	[tilespmem:s3], [sflag:$0x1] =	stream.linear.gather [hbm4b:s21+s3], $0x80, $0x38;
	[tilespmem:$0x17C80] =	vst v63  }
0x3f: {  	_ =	swait.ge [sflag:s17], $0x80  }
0x40: {  	[sflag:s17] =	ssyncset.done $0x0  }
0x41: {  	[sflag:s17] =	ssyncadd.s32 $0xFFFFFF80  }
0x42: {  	[spmem:s2] =	stream.indirect.scatter.add.f32 [tilespmem:s16], [sflag:$0x1], $0x80, s3, s16, $0xb8;
	[tilespmem:$0x17C80] =	vst v63  }
0x43: {  	_ =	swait.ge [sflag:s17], $0x4000  }
0x44: {  	s22 =	simm.s32 $0x20;
	s21 =	simm.s32 $0x10;
	[sflag:s17] =	ssyncset.done $0x0  }
.LBB2_6:
0x45: {  	s23 =	sadd.s32 s21, s15  }
0x46: {  	[sflag:s17] =	ssyncadd.s32 $0xFFFFC000;
	s21 =	smov.u32 s22;
	s24 =	sadd.s32 $0x10, s22  }
0x47: {  	[tilespmem:s3], [sflag:$0x1] =	stream.linear.gather [hbm4b:s23+s3], $0x80, $0x38;
	[tilespmem:$0x17C80] =	vst v63  }
0x48: {  	p4 =	sne.s32 s22, $0x270;
	_ =	swait.ge [sflag:s17], $0x80  }
.Ltmp2:
0x49: {  	[sflag:s17] =	ssyncset.done $0x0;
	(pc) =	sbr.rel @p4 .LBB2_6-.Ltmp2, $4  }
0x4a: {  	[sflag:s17] =	ssyncadd.s32 $0xFFFFFF80  }
0x4b: {  	[spmem:s2] =	stream.indirect.scatter.add.f32 [tilespmem:s16], [sflag:$0x1], $0x80, s3, s16, $0xb8;
	[tilespmem:$0x17C80] =	vst v63  }
0x4c: {  	_ =	swait.ge [sflag:s17], $0x4000  }
0x4d: {  	s22 =	smov.u32 s24;
	[sflag:s17] =	ssyncset.done $0x0  }
0x4e: {  	s21 =	sadd.s32 s21, s15;
	[sflag:s17] =	ssyncadd.s32 $0xFFFFC000  }
0x4f: {  	[tilespmem:s3], [sflag:$0x1] =	stream.linear.gather [hbm4b:s21+s3], $0x80, $0x38;
	[tilespmem:$0x17C80] =	vst v63  }
0x50: {  	_ =	swait.ge [sflag:s17], $0x80  }
0x51: {  	[sflag:s17] =	ssyncset.done $0x0  }
0x52: {  	[sflag:s17] =	ssyncadd.s32 $0xFFFFFF80  }
0x53: {  	[spmem:s2] =	stream.indirect.scatter.add.f32 [tilespmem:s16], [sflag:$0x1], $0x80, s3, s16, $0xb8;
	[tilespmem:$0x17C80] =	vst v63  }
0x54: {  	_ =	swait.ge [sflag:s17], $0x4000  }
0x55: {  	[sflag:s17] =	ssyncset.done $0x0  }
0x56: {  	[sflag:s17] =	ssyncadd.s32 $0xFFFFC000  }
0x57: {  	s21 =	simm.s32 @!p1 $0x1FC1;
	[bflag:$0x0] =	sbarrier.arrive $0xFFFF  }
0x58: {  	[hbm:s13], [sflag:s21] =	dma.local @!p1 [spmem:s18], $0x2080  }
0x59: {  	s21 =	simm.s32 @!p1 $0x1  }
0x5a: {  	_ =	swait.ge @!p1 [sflag:s21], $0x2080  }
0x5b: {  	[sflag:s21] =	ssyncset.done @!p1 $0x0  }
0x5c: {  	[sflag:s21] =	ssyncadd.s32 @!p1 $0xFFFFDF80;
	s21 =	sshrl.u32 @!p0 s4, $0x3  }
0x5d: {  	[hbm:s12], [sflag:s19] =	dma.local @!p0 [spmem:s21], $0x2780  }
0x5e: {  	s21 =	simm.s32 @!p0 $0x1  }
0x5f: {  	_ =	swait.ge @!p0 [sflag:s21], $0x2780  }
0x60: {  	[sflag:s21] =	ssyncset.done @!p0 $0x0  }
0x61: {  	s22 =	simm.s32 @!p2 $0x1FC1;
	[sflag:s21] =	ssyncadd.s32 @!p0 $0xFFFFD880;
	s21 =	sshrl.u32 @!p2 s10, $0x3  }
0x62: {  	[hbm:s11], [sflag:s22] =	dma.local @!p2 [spmem:s21], $0x2080  }
0x63: {  	s21 =	simm.s32 @!p2 $0x1  }
0x64: {  	s20 =	sadd.s32 $0x1, s20;
	_ =	swait.ge @!p2 [sflag:s21], $0x2080  }
0x65: {  	p4 =	sne.s32 s20, s14;
	s22 =	sshll.u32 @!p3 s1, $0x6;
	[sflag:s21] =	ssyncset.done @!p2 $0x0  }
0x66: {  	[sflag:s21] =	ssyncadd.s32 @!p2 $0xFFFFDF80;
	s21 =	sor.u32 @!p3 $0x1C01, s22;
	s22 =	sshrl.u32 @!p3 s4, $0x3  }
0x67: {  	[hbm:s9], [sflag:s21] =	dma.local @!p3 [spmem:s22], $0x2780  }
.Ltmp3:
0x68: {  	_ = 	snop;
	(pc) =	sbr.rel @p4 .LBB2_1-.Ltmp3, $4  }
0x69: {  	s21 =	simm.s32 @!p3 $0x1  }
0x6a: {  	_ =	swait.ge @!p3 [sflag:s21], $0x2780  }
0x6b: {  	[sflag:s21] =	ssyncset.done @!p3 $0x0  }
0x6c: {  	[sflag:s21] =	ssyncadd.s32 @!p3 $0xFFFFD880  }
0x6d: {  	_ =	sfence.sel $0x180000  }
0x6e: {  	[bflag:$0x0] =	sbarrier.arrive $0xFFFF  }
0x6f: {  	p0 =	sne.s32 s1, $0x0;
	_ =	strace $0x90000047  }
0x70: {  	s0 =	sadd.s32 @!p0 $0x100000, s0;
	[bflag:$0x2] =	sbarrier.arrive $0xFFFF  }
0x71: {  	[sflag:s0] =	ssyncadd.tile.s32 @!p0 $0x1;
	_ =	shalt  }
.Lfunc_end2:
_tile_overlayer_lowered:
.L_overlay_start_2:
0x72: {  	(tag) =	ssettag $0x2  }
0x73: {  	s0 =	rddreg [dreg:$0x0];
	s2 =	stileid.u32  }
0x74: {  	s1 =	rddreg [dreg:$0x1];
	p0 =	sne.s32 s2, $0x0  }
0x75: {  	s3 =	rddreg [dreg:$0x2];
	[bflag:$0x3] =	sbarrier.arrive $0xFFFF;
	s2 =	simm.s32 @!p0 $0x1C01  }
0x76: {  	[timem:s3], [sflag:s2] =	dma.local @!p0 [hbm:s0], s1  }
0x77: {  	s0 =	simm.s32 @!p0 $0x1  }
0x78: {  	_ =	swait.ge @!p0 [sflag:s0], s1  }
0x79: {  	s1 =	ssub.s32 @!p0 $0x0, s1;
	[sflag:s0] =	ssyncset.done @!p0 $0x0  }
0x7a: {  	[sflag:s0] =	ssyncadd.s32 @!p0 s1  }
0x7b: {  	[bflag:$0x3] =	sbarrier.arrive $0xFFFF  }
0x7c: {  	_ =	shalt  }

</sc_bundles>
